<compile_context>
chip_gen: v7x
topology: tpu7x:2x2x1
jax: 0.10.2.dev20260603
libtpu: 0.0.44.dev20260713+nightly
codegen_flags: <defaults>
</compile_context>

<pallas_src>
import functools

import jax
import jax.numpy as jnp
from jax import lax
from jax.experimental import pallas as pl
from jax.experimental.pallas import tpu as pltpu
from jax.experimental.pallas import tpu_sc as plsc

_LANES = 16
_SUB = 8
_DEPTH = 16


@functools.cache
def _build(batch: int, feat: int, num_classes: int):
    info = plsc.get_sparse_core_info()
    nc, ns = info.num_cores, info.num_subcores
    nw = nc * ns
    assert batch % (nw * _SUB * _LANES) == 0 and feat % _LANES == 0
    b_per_w = batch // nw
    n_groups = b_per_w // _LANES
    n_tiles = b_per_w // _SUB
    feat_vecs = feat // _LANES
    rows_per_line = 128 // feat
    scale = 1.0 / (batch * feat)

    mesh = plsc.VectorSubcoreMesh(core_axis_name="c", subcore_axis_name="s")

    @functools.partial(
        pl.kernel,
        mesh=mesh,
        out_type=jax.ShapeDtypeStruct((nw, _LANES), jnp.float32),
        scratch_types=[
            pltpu.VMEM((b_per_w,), jnp.int32),
            pltpu.VMEM((n_tiles, _SUB, feat), jnp.float32),
            pltpu.VMEM((n_groups, _SUB, 128), jnp.float32),
            pltpu.VMEM((_LANES,), jnp.float32),
            pltpu.SemaphoreType.DMA((_DEPTH,)),
            pltpu.SemaphoreType.DMA,
        ],
    )
    def k(x_hbm, labels_hbm, centers_hbm, out_hbm,
          idx_v, xs_v, rows_v, acc_v, sems, xsem):
        wid = lax.axis_index("s") * nc + lax.axis_index("c")
        base = wid * b_per_w
        pltpu.sync_copy(labels_hbm.at[pl.ds(base, b_per_w)], idx_v)

        def issue(g):
            v16 = idx_v[pl.ds(g * _LANES, _LANES)]
            sem = sems.at[lax.rem(g, _DEPTH)]
            for i in range(_LANES):
                lab = v16[i]
                pltpu.make_async_copy(
                    centers_hbm.at[lab >> 3, lab & 7],
                    rows_v.at[g, i // rows_per_line,
                              pl.ds((i % rows_per_line) * feat, feat)],
                    sem,
                ).start()

        def drain(g):
            sem = sems.at[lax.rem(g, _DEPTH)]
            for _ in range(_LANES * feat // b_per_w):
                pltpu.make_async_copy(
                    labels_hbm.at[pl.ds(0, b_per_w)], idx_v, sem
                ).wait()

        def accum(g, acc):
            for i in range(_LANES):
                xt = 2 * g + i // _SUB
                xb = i % _SUB
                rs = i // rows_per_line
                rc = (i % rows_per_line) * feat
                for f in range(feat_vecs):
                    dx = (xs_v[xt, xb, pl.ds(f * _LANES, _LANES)]
                          - rows_v[g, rs, pl.ds(rc + f * _LANES, _LANES)])
                    acc = acc + dx * dx
            return acc

        xcopy = pltpu.make_async_copy(
            x_hbm.at[pl.ds(base // _SUB, n_tiles)], xs_v, xsem)
        xcopy.start()

        def prime(g, carry):
            issue(g)
            return carry

        lax.fori_loop(0, _DEPTH, prime, 0)
        xcopy.wait()

        def steady(g, acc):
            drain(g - _DEPTH)
            issue(g)
            return accum(g - _DEPTH, acc)

        acc = lax.fori_loop(_DEPTH, n_groups, steady,
                            jnp.zeros((_LANES,), jnp.float32))

        def tail(g, acc):
            drain(g)
            return accum(g, acc)

        acc = lax.fori_loop(n_groups - _DEPTH, n_groups, tail, acc)
        acc_v[...] = acc * scale
        pltpu.sync_copy(acc_v, out_hbm.at[wid])

    return k


def kernel(x, labels, centers):
    batch, feat = x.shape
    num_classes = centers.shape[0]
    k = _build(batch, feat, num_classes)
    x3 = x.reshape(batch // _SUB, _SUB, feat)
    c3 = centers.reshape(num_classes // _SUB, _SUB, feat)
    partials = k(x3, labels.astype(jnp.int32), c3)
    return jnp.sum(partials)

# --- scband reference (transcript-rebuilt; emitter-appended) ---
"""Pipeline reference for scband-center-loss-2448131358720 (READ-ONLY COPY).

The authoritative reference and input builder live on the scoring server;
editing this copy changes nothing except your own understanding.
"""

import jax, jax.numpy as jnp
import numpy as np

NUM_CLASSES = 100000
FEAT_DIM = 64
BATCH = 16384


def setup_inputs(seed: int = 0) -> dict:
    key = jax.random.key(seed)
    k1, k2 = jax.random.split(key)
    x = jax.random.normal(k1, (BATCH, FEAT_DIM), dtype=jnp.float32)
    labels = jax.random.randint(k2, (BATCH,), 0, NUM_CLASSES, dtype=jnp.int64 if jax.config.jax_enable_x64 else jnp.int32)
    # Parameter: centers initialized to zeros per the torch module
    centers = jnp.zeros((NUM_CLASSES, FEAT_DIM), dtype=jnp.float32)
    return {"x": x, "labels": labels, "centers": centers}


def reference(x, labels, centers):
    # gather center rows for each label (embedding lookup)
    gathered = jnp.take(centers, labels, axis=0)
    # MSELoss with default reduction='mean'
    loss = jnp.mean((x - gathered) ** 2)
    # Note: in the torch code, `self.centers[labels].add_(...)` operates on a
    # temporary produced by advanced indexing and thus has no effect on the
    # parameter; the forward output is just the MSE loss.
    return loss

if __name__ == "__main__":
    import jax
    _d = setup_inputs()
    print(jax.jit(kernel)(*tuple(_d.values())))

</pallas_src>

<mosaic_0001>
#map = affine_map<(d0, d1) -> (0, 0, 0)>
#map1 = affine_map<(d0, d1) -> (0)>
#map2 = affine_map<(d0, d1) -> (0, 0)>
module attributes {stable_mosaic.version = 14 : i64} {
  func.func @k(%arg0: i32, %arg1: i32, %arg2: memref<2048x8x64xf32, #tpu.memory_space<hbm>>, %arg3: memref<16384xi32, #tpu.memory_space<hbm>>, %arg4: memref<12500x8x64xf32, #tpu.memory_space<hbm>>, %arg5: memref<32x16xf32, #tpu.memory_space<hbm>>, %arg6: memref<512xi32, #tpu.memory_space<vmem>>, %arg7: memref<64x8x64xf32, #tpu.memory_space<vmem>>, %arg8: memref<32x8x128xf32, #tpu.memory_space<vmem>>, %arg9: memref<16xf32, #tpu.memory_space<vmem>>, %arg10: memref<16x!tpu.dma_semaphore, #tpu.memory_space<semaphore_mem>>, %arg11: memref<!tpu.dma_semaphore, #tpu.memory_space<semaphore_mem>>) attributes {dimension_semantics = [#tpu.dimension_semantics<core_parallel>, #tpu.dimension_semantics<subcore_parallel>], iteration_bounds = array<i64: 2, 16>, scalar_prefetch = 0 : i64, scratch_operands = 6 : i64, tpu.core_type = #tpu.core_type<sc_vector_subcore>, window_params = [{transform_indices = #map}, {transform_indices = #map1}, {transform_indices = #map}, {transform_indices = #map2}]} {
    %mul3A = arith.constant 2 : i32
    %mul3A_0 = arith.muli %arg1, %mul3A : i32
    %add3A = arith.addi %mul3A_0, %arg0 : i32
    %mul3A_1 = arith.constant 512 : i32
    %mul3A_2 = arith.muli %add3A, %mul3A_1 : i32
    "tpu.region"() ({
      %run_scoped3A = tpu.sem_alloc : memref<!tpu.dma_semaphore, #tpu.memory_space<semaphore_mem>>
      %dma_start3A_53 = tpu.memref_slice %arg3[%mul3A_2] : memref<16384xi32, #tpu.memory_space<hbm>> -> memref<512xi32, #tpu.memory_space<hbm>>
      %dma_start3A_54 = tpu.memref_slice %arg3[%mul3A_2] : memref<16384xi32, #tpu.memory_space<hbm>> -> memref<512xi32, #tpu.memory_space<hbm>>
      tpu.enqueue_dma source(%dma_start3A_54 : memref<512xi32, #tpu.memory_space<hbm>>) target(%arg6 : memref<512xi32, #tpu.memory_space<vmem>>) target_semaphore(%run_scoped3A : memref<!tpu.dma_semaphore, #tpu.memory_space<semaphore_mem>>)
      %dma_wait3A_55 = tpu.memref_slice %arg3[%mul3A_2] : memref<16384xi32, #tpu.memory_space<hbm>> -> memref<512xi32, #tpu.memory_space<hbm>>
      %dma_wait3A_56 = tpu.memref_slice %arg3[%mul3A_2] : memref<16384xi32, #tpu.memory_space<hbm>> -> memref<512xi32, #tpu.memory_space<hbm>>
      tpu.wait_dma2 semaphore(%run_scoped3A : memref<!tpu.dma_semaphore, #tpu.memory_space<semaphore_mem>>) src(%dma_wait3A_56 : memref<512xi32, #tpu.memory_space<hbm>>) dst(%arg6 : memref<512xi32, #tpu.memory_space<vmem>>)
      tpu.yield
    }) : () -> ()
    %jit3A = arith.constant 8 : i32
    %div3A = arith.divsi %mul3A_2, %jit3A : i32
    %sign3A = arith.constant 0 : i32
    %sign3A_3 = arith.cmpi sgt, %mul3A_2, %sign3A : i32
    %sign3A_4 = arith.extui %sign3A_3 : i1 to i32
    %sign3A_5 = arith.constant 0 : i32
    %sign3A_6 = arith.cmpi slt, %mul3A_2, %sign3A_5 : i32
    %sign3A_7 = arith.extui %sign3A_6 : i1 to i32
    %sign3A_8 = arith.subi %sign3A_4, %sign3A_7 : i32
    %sign3A_9 = arith.constant 0 : i32
    %sign3A_10 = arith.cmpi sgt, %jit3A, %sign3A_9 : i32
    %sign3A_11 = arith.extui %sign3A_10 : i1 to i32
    %sign3A_12 = arith.constant 0 : i32
    %sign3A_13 = arith.cmpi slt, %jit3A, %sign3A_12 : i32
    %sign3A_14 = arith.extui %sign3A_13 : i1 to i32
    %sign3A_15 = arith.subi %sign3A_11, %sign3A_14 : i32
    %ne3A = arith.cmpi ne, %sign3A_8, %sign3A_15 : i32
    %rem3A = arith.remsi %mul3A_2, %jit3A : i32
    %ne3A_16 = arith.constant 0 : i32
    %ne3A_17 = arith.cmpi ne, %rem3A, %ne3A_16 : i32
    %and3A = arith.andi %ne3A, %ne3A_17 : i1
    %sub3A = arith.constant 1 : i32
    %sub3A_18 = arith.subi %div3A, %sub3A : i32
    %select_n3A = arith.select %and3A, %sub3A_18, %div3A : i32
    %dma_start3A = arith.constant 0 : i32
    %dma_start3A_19 = arith.constant 0 : i32
    %dma_start3A_20 = tpu.memref_slice %arg2[%select_n3A, %dma_start3A, %dma_start3A_19] : memref<2048x8x64xf32, #tpu.memory_space<hbm>> -> memref<64x8x64xf32, #tpu.memory_space<hbm>>
    %dma_start3A_21 = arith.constant 0 : i32
    %dma_start3A_22 = arith.constant 0 : i32
    %dma_start3A_23 = tpu.memref_slice %arg2[%select_n3A, %dma_start3A_21, %dma_start3A_22] : memref<2048x8x64xf32, #tpu.memory_space<hbm>> -> memref<64x8x64xf32, #tpu.memory_space<hbm>>
    tpu.enqueue_dma source(%dma_start3A_23 : memref<64x8x64xf32, #tpu.memory_space<hbm>>) target(%arg7 : memref<64x8x64xf32, #tpu.memory_space<vmem>>) target_semaphore(%arg11 : memref<!tpu.dma_semaphore, #tpu.memory_space<semaphore_mem>>)
    %scan3A = arith.constant 0 : i32
    %scan3A_24 = arith.constant 0 : i32
    %scan3A_25 = arith.constant 16 : i32
    %scan3A_26 = arith.addi %scan3A_24, %scan3A_25 : i32
    %scan3A_27 = arith.constant 1 : i32
    scf.for %scan3A_53 = %scan3A_24 to %scan3A_26 step %scan3A_27  : i32 {
      %mul3A_54 = arith.constant 16 : i32
      %mul3A_55 = arith.muli %scan3A_53, %mul3A_54 : i32
      %get3A = arith.index_cast %mul3A_55 : i32 to index
      %get3A_56 = tpu.vector_load %arg6[%get3A] {strides = array<i32>} : memref<512xi32, #tpu.memory_space<vmem>>, vector<16xi32>,
      %get3A_57 = vector.shape_cast %get3A_56 : vector<16xi32> to vector<16xi32>
      %rem3A_58 = arith.constant 16 : i32
      %rem3A_59 = arith.remsi %scan3A_53, %rem3A_58 : i32
      %slice3A = vector.extract_strided_slice %get3A_57 {offsets = [0], sizes = [1], strides = [1]} : vector<16xi32> to vector<1xi32>
      %squeeze3A = vector.extract %slice3A[0] : i32 from vector<1xi32>
      %shift_right_arithmetic3A = arith.constant 3 : i32
      %shift_right_arithmetic3A_60 = arith.shrsi %squeeze3A, %shift_right_arithmetic3A : i32
      %and3A_61 = arith.constant 7 : i32
      %and3A_62 = arith.andi %squeeze3A, %and3A_61 : i32
      %dma_start3A_63 = arith.constant 0 : i32
      %dma_start3A_64 = arith.constant 0 : i32
      %dma_start3A_65 = tpu.memref_slice %arg8[%scan3A_53, %dma_start3A_63, %dma_start3A_64] : memref<32x8x128xf32, #tpu.memory_space<vmem>> -> memref<1x1x64xf32, #tpu.memory_space<vmem>>
      %dma_start3A_66 = tpu.memref_squeeze %dma_start3A_65 : memref<1x1x64xf32, #tpu.memory_space<vmem>> -> memref<64xf32, #tpu.memory_space<vmem>>
      %dma_start3A_67 = arith.constant 0 : i32
      %dma_start3A_68 = tpu.memref_slice %arg4[%shift_right_arithmetic3A_60, %and3A_62, %dma_start3A_67] : memref<12500x8x64xf32, #tpu.memory_space<hbm>> -> memref<1x1x64xf32, #tpu.memory_space<hbm>>
      %dma_start3A_69 = tpu.memref_squeeze %dma_start3A_68 : memref<1x1x64xf32, #tpu.memory_space<hbm>> -> memref<64xf32, #tpu.memory_space<hbm>>
      %dma_start3A_70 = tpu.memref_slice %arg10[%rem3A_59] : memref<16x!tpu.dma_semaphore, #tpu.memory_space<semaphore_mem>> -> memref<1x!tpu.dma_semaphore, #tpu.memory_space<semaphore_mem>>
      %dma_start3A_71 = tpu.memref_squeeze %dma_start3A_70 : memref<1x!tpu.dma_semaphore, #tpu.memory_space<semaphore_mem>> -> memref<!tpu.dma_semaphore, #tpu.memory_space<semaphore_mem>>
      %dma_start3A_72 = arith.constant 0 : i32
      %dma_start3A_73 = tpu.memref_slice %arg8[%scan3A_53, %dma_start3A_63, %dma_start3A_72] : memref<32x8x128xf32, #tpu.memory_space<vmem>> -> memref<1x1x64xf32, #tpu.memory_space<vmem>>
      %dma_start3A_74 = tpu.memref_squeeze %dma_start3A_73 : memref<1x1x64xf32, #tpu.memory_space<vmem>> -> memref<64xf32, #tpu.memory_space<vmem>>
      %dma_start3A_75 = arith.constant 0 : i32
      %dma_start3A_76 = tpu.memref_slice %arg4[%shift_right_arithmetic3A_60, %and3A_62, %dma_start3A_75] : memref<12500x8x64xf32, #tpu.memory_space<hbm>> -> memref<1x1x64xf32, #tpu.memory_space<hbm>>
      %dma_start3A_77 = tpu.memref_squeeze %dma_start3A_76 : memref<1x1x64xf32, #tpu.memory_space<hbm>> -> memref<64xf32, #tpu.memory_space<hbm>>
      tpu.enqueue_dma source(%dma_start3A_77 : memref<64xf32, #tpu.memory_space<hbm>>) target(%dma_start3A_74 : memref<64xf32, #tpu.memory_space<vmem>>) target_semaphore(%dma_start3A_71 : memref<!tpu.dma_semaphore, #tpu.memory_space<semaphore_mem>>)
      %slice3A_78 = vector.extract_strided_slice %get3A_57 {offsets = [1], sizes = [1], strides = [1]} : vector<16xi32> to vector<1xi32>
      %squeeze3A_79 = vector.extract %slice3A_78[0] : i32 from vector<1xi32>
      %shift_right_arithmetic3A_80 = arith.constant 3 : i32
      %shift_right_arithmetic3A_81 = arith.shrsi %squeeze3A_79, %shift_right_arithmetic3A_80 : i32
      %and3A_82 = arith.constant 7 : i32
      %and3A_83 = arith.andi %squeeze3A_79, %and3A_82 : i32
      %dma_start3A_84 = arith.constant 0 : i32
      %dma_start3A_85 = arith.constant 64 : i32
      %dma_start3A_86 = tpu.memref_slice %arg8[%scan3A_53, %dma_start3A_84, %dma_start3A_85] : memref<32x8x128xf32, #tpu.memory_space<vmem>> -> memref<1x1x64xf32, #tpu.memory_space<vmem>>
      %dma_start3A_87 = tpu.memref_squeeze %dma_start3A_86 : memref<1x1x64xf32, #tpu.memory_space<vmem>> -> memref<64xf32, #tpu.memory_space<vmem>>
      %dma_start3A_88 = arith.constant 0 : i32
      %dma_start3A_89 = tpu.memref_slice %arg4[%shift_right_arithmetic3A_81, %and3A_83, %dma_start3A_88] : memref<12500x8x64xf32, #tpu.memory_space<hbm>> -> memref<1x1x64xf32, #tpu.memory_space<hbm>>
      %dma_start3A_90 = tpu.memref_squeeze %dma_start3A_89 : memref<1x1x64xf32, #tpu.memory_space<hbm>> -> memref<64xf32, #tpu.memory_space<hbm>>
      %dma_start3A_91 = tpu.memref_slice %arg10[%rem3A_59] : memref<16x!tpu.dma_semaphore, #tpu.memory_space<semaphore_mem>> -> memref<1x!tpu.dma_semaphore, #tpu.memory_space<semaphore_mem>>
      %dma_start3A_92 = tpu.memref_squeeze %dma_start3A_91 : memref<1x!tpu.dma_semaphore, #tpu.memory_space<semaphore_mem>> -> memref<!tpu.dma_semaphore, #tpu.memory_space<semaphore_mem>>
      %dma_start3A_93 = arith.constant 64 : i32
      %dma_start3A_94 = tpu.memref_slice %arg8[%scan3A_53, %dma_start3A_84, %dma_start3A_93] : memref<32x8x128xf32, #tpu.memory_space<vmem>> -> memref<1x1x64xf32, #tpu.memory_space<vmem>>
      %dma_start3A_95 = tpu.memref_squeeze %dma_start3A_94 : memref<1x1x64xf32, #tpu.memory_space<vmem>> -> memref<64xf32, #tpu.memory_space<vmem>>
      %dma_start3A_96 = arith.constant 0 : i32
      %dma_start3A_97 = tpu.memref_slice %arg4[%shift_right_arithmetic3A_81, %and3A_83, %dma_start3A_96] : memref<12500x8x64xf32, #tpu.memory_space<hbm>> -> memref<1x1x64xf32, #tpu.memory_space<hbm>>
      %dma_start3A_98 = tpu.memref_squeeze %dma_start3A_97 : memref<1x1x64xf32, #tpu.memory_space<hbm>> -> memref<64xf32, #tpu.memory_space<hbm>>
      tpu.enqueue_dma source(%dma_start3A_98 : memref<64xf32, #tpu.memory_space<hbm>>) target(%dma_start3A_95 : memref<64xf32, #tpu.memory_space<vmem>>) target_semaphore(%dma_start3A_92 : memref<!tpu.dma_semaphore, #tpu.memory_space<semaphore_mem>>)
      %slice3A_99 = vector.extract_strided_slice %get3A_57 {offsets = [2], sizes = [1], strides = [1]} : vector<16xi32> to vector<1xi32>
      %squeeze3A_100 = vector.extract %slice3A_99[0] : i32 from vector<1xi32>
      %shift_right_arithmetic3A_101 = arith.constant 3 : i32
      %shift_right_arithmetic3A_102 = arith.shrsi %squeeze3A_100, %shift_right_arithmetic3A_101 : i32
      %and3A_103 = arith.constant 7 : i32
      %and3A_104 = arith.andi %squeeze3A_100, %and3A_103 : i32
      %dma_start3A_105 = arith.constant 1 : i32
      %dma_start3A_106 = arith.constant 0 : i32
      %dma_start3A_107 = tpu.memref_slice %arg8[%scan3A_53, %dma_start3A_105, %dma_start3A_106] : memref<32x8x128xf32, #tpu.memory_space<vmem>> -> memref<1x1x64xf32, #tpu.memory_space<vmem>>
      %dma_start3A_108 = tpu.memref_squeeze %dma_start3A_107 : memref<1x1x64xf32, #tpu.memory_space<vmem>> -> memref<64xf32, #tpu.memory_space<vmem>>
      %dma_start3A_109 = arith.constant 0 : i32
      %dma_start3A_110 = tpu.memref_slice %arg4[%shift_right_arithmetic3A_102, %and3A_104, %dma_start3A_109] : memref<12500x8x64xf32, #tpu.memory_space<hbm>> -> memref<1x1x64xf32, #tpu.memory_space<hbm>>
      %dma_start3A_111 = tpu.memref_squeeze %dma_start3A_110 : memref<1x1x64xf32, #tpu.memory_space<hbm>> -> memref<64xf32, #tpu.memory_space<hbm>>
      %dma_start3A_112 = tpu.memref_slice %arg10[%rem3A_59] : memref<16x!tpu.dma_semaphore, #tpu.memory_space<semaphore_mem>> -> memref<1x!tpu.dma_semaphore, #tpu.memory_space<semaphore_mem>>
      %dma_start3A_113 = tpu.memref_squeeze %dma_start3A_112 : memref<1x!tpu.dma_semaphore, #tpu.memory_space<semaphore_mem>> -> memref<!tpu.dma_semaphore, #tpu.memory_space<semaphore_mem>>
      %dma_start3A_114 = arith.constant 0 : i32
      %dma_start3A_115 = tpu.memref_slice %arg8[%scan3A_53, %dma_start3A_105, %dma_start3A_114] : memref<32x8x128xf32, #tpu.memory_space<vmem>> -> memref<1x1x64xf32, #tpu.memory_space<vmem>>
      %dma_start3A_116 = tpu.memref_squeeze %dma_start3A_115 : memref<1x1x64xf32, #tpu.memory_space<vmem>> -> memref<64xf32, #tpu.memory_space<vmem>>
      %dma_start3A_117 = arith.constant 0 : i32
      %dma_start3A_118 = tpu.memref_slice %arg4[%shift_right_arithmetic3A_102, %and3A_104, %dma_start3A_117] : memref<12500x8x64xf32, #tpu.memory_space<hbm>> -> memref<1x1x64xf32, #tpu.memory_space<hbm>>
      %dma_start3A_119 = tpu.memref_squeeze %dma_start3A_118 : memref<1x1x64xf32, #tpu.memory_space<hbm>> -> memref<64xf32, #tpu.memory_space<hbm>>
      tpu.enqueue_dma source(%dma_start3A_119 : memref<64xf32, #tpu.memory_space<hbm>>) target(%dma_start3A_116 : memref<64xf32, #tpu.memory_space<vmem>>) target_semaphore(%dma_start3A_113 : memref<!tpu.dma_semaphore, #tpu.memory_space<semaphore_mem>>)
      %slice3A_120 = vector.extract_strided_slice %get3A_57 {offsets = [3], sizes = [1], strides = [1]} : vector<16xi32> to vector<1xi32>
      %squeeze3A_121 = vector.extract %slice3A_120[0] : i32 from vector<1xi32>
      %shift_right_arithmetic3A_122 = arith.constant 3 : i32
      %shift_right_arithmetic3A_123 = arith.shrsi %squeeze3A_121, %shift_right_arithmetic3A_122 : i32
      %and3A_124 = arith.constant 7 : i32
      %and3A_125 = arith.andi %squeeze3A_121, %and3A_124 : i32
      %dma_start3A_126 = arith.constant 1 : i32
      %dma_start3A_127 = arith.constant 64 : i32
      %dma_start3A_128 = tpu.memref_slice %arg8[%scan3A_53, %dma_start3A_126, %dma_start3A_127] : memref<32x8x128xf32, #tpu.memory_space<vmem>> -> memref<1x1x64xf32, #tpu.memory_space<vmem>>
      %dma_start3A_129 = tpu.memref_squeeze %dma_start3A_128 : memref<1x1x64xf32, #tpu.memory_space<vmem>> -> memref<64xf32, #tpu.memory_space<vmem>>
      %dma_start3A_130 = arith.constant 0 : i32
      %dma_start3A_131 = tpu.memref_slice %arg4[%shift_right_arithmetic3A_123, %and3A_125, %dma_start3A_130] : memref<12500x8x64xf32, #tpu.memory_space<hbm>> -> memref<1x1x64xf32, #tpu.memory_space<hbm>>
      %dma_start3A_132 = tpu.memref_squeeze %dma_start3A_131 : memref<1x1x64xf32, #tpu.memory_space<hbm>> -> memref<64xf32, #tpu.memory_space<hbm>>
      %dma_start3A_133 = tpu.memref_slice %arg10[%rem3A_59] : memref<16x!tpu.dma_semaphore, #tpu.memory_space<semaphore_mem>> -> memref<1x!tpu.dma_semaphore, #tpu.memory_space<semaphore_mem>>
      %dma_start3A_134 = tpu.memref_squeeze %dma_start3A_133 : memref<1x!tpu.dma_semaphore, #tpu.memory_space<semaphore_mem>> -> memref<!tpu.dma_semaphore, #tpu.memory_space<semaphore_mem>>
      %dma_start3A_135 = arith.constant 64 : i32
      %dma_start3A_136 = tpu.memref_slice %arg8[%scan3A_53, %dma_start3A_126, %dma_start3A_135] : memref<32x8x128xf32, #tpu.memory_space<vmem>> -> memref<1x1x64xf32, #tpu.memory_space<vmem>>
      %dma_start3A_137 = tpu.memref_squeeze %dma_start3A_136 : memref<1x1x64xf32, #tpu.memory_space<vmem>> -> memref<64xf32, #tpu.memory_space<vmem>>
      %dma_start3A_138 = arith.constant 0 : i32
      %dma_start3A_139 = tpu.memref_slice %arg4[%shift_right_arithmetic3A_123, %and3A_125, %dma_start3A_138] : memref<12500x8x64xf32, #tpu.memory_space<hbm>> -> memref<1x1x64xf32, #tpu.memory_space<hbm>>
      %dma_start3A_140 = tpu.memref_squeeze %dma_start3A_139 : memref<1x1x64xf32, #tpu.memory_space<hbm>> -> memref<64xf32, #tpu.memory_space<hbm>>
      tpu.enqueue_dma source(%dma_start3A_140 : memref<64xf32, #tpu.memory_space<hbm>>) target(%dma_start3A_137 : memref<64xf32, #tpu.memory_space<vmem>>) target_semaphore(%dma_start3A_134 : memref<!tpu.dma_semaphore, #tpu.memory_space<semaphore_mem>>)
      %slice3A_141 = vector.extract_strided_slice %get3A_57 {offsets = [4], sizes = [1], strides = [1]} : vector<16xi32> to vector<1xi32>
      %squeeze3A_142 = vector.extract %slice3A_141[0] : i32 from vector<1xi32>
      %shift_right_arithmetic3A_143 = arith.constant 3 : i32
      %shift_right_arithmetic3A_144 = arith.shrsi %squeeze3A_142, %shift_right_arithmetic3A_143 : i32
      %and3A_145 = arith.constant 7 : i32
      %and3A_146 = arith.andi %squeeze3A_142, %and3A_145 : i32
      %dma_start3A_147 = arith.constant 2 : i32
      %dma_start3A_148 = arith.constant 0 : i32
      %dma_start3A_149 = tpu.memref_slice %arg8[%scan3A_53, %dma_start3A_147, %dma_start3A_148] : memref<32x8x128xf32, #tpu.memory_space<vmem>> -> memref<1x1x64xf32, #tpu.memory_space<vmem>>
      %dma_start3A_150 = tpu.memref_squeeze %dma_start3A_149 : memref<1x1x64xf32, #tpu.memory_space<vmem>> -> memref<64xf32, #tpu.memory_space<vmem>>
      %dma_start3A_151 = arith.constant 0 : i32
      %dma_start3A_152 = tpu.memref_slice %arg4[%shift_right_arithmetic3A_144, %and3A_146, %dma_start3A_151] : memref<12500x8x64xf32, #tpu.memory_space<hbm>> -> memref<1x1x64xf32, #tpu.memory_space<hbm>>
      %dma_start3A_153 = tpu.memref_squeeze %dma_start3A_152 : memref<1x1x64xf32, #tpu.memory_space<hbm>> -> memref<64xf32, #tpu.memory_space<hbm>>
      %dma_start3A_154 = tpu.memref_slice %arg10[%rem3A_59] : memref<16x!tpu.dma_semaphore, #tpu.memory_space<semaphore_mem>> -> memref<1x!tpu.dma_semaphore, #tpu.memory_space<semaphore_mem>>
      %dma_start3A_155 = tpu.memref_squeeze %dma_start3A_154 : memref<1x!tpu.dma_semaphore, #tpu.memory_space<semaphore_mem>> -> memref<!tpu.dma_semaphore, #tpu.memory_space<semaphore_mem>>
      %dma_start3A_156 = arith.constant 0 : i32
      %dma_start3A_157 = tpu.memref_slice %arg8[%scan3A_53, %dma_start3A_147, %dma_start3A_156] : memref<32x8x128xf32, #tpu.memory_space<vmem>> -> memref<1x1x64xf32, #tpu.memory_space<vmem>>
      %dma_start3A_158 = tpu.memref_squeeze %dma_start3A_157 : memref<1x1x64xf32, #tpu.memory_space<vmem>> -> memref<64xf32, #tpu.memory_space<vmem>>
      %dma_start3A_159 = arith.constant 0 : i32
      %dma_start3A_160 = tpu.memref_slice %arg4[%shift_right_arithmetic3A_144, %and3A_146, %dma_start3A_159] : memref<12500x8x64xf32, #tpu.memory_space<hbm>> -> memref<1x1x64xf32, #tpu.memory_space<hbm>>
      %dma_start3A_161 = tpu.memref_squeeze %dma_start3A_160 : memref<1x1x64xf32, #tpu.memory_space<hbm>> -> memref<64xf32, #tpu.memory_space<hbm>>
      tpu.enqueue_dma source(%dma_start3A_161 : memref<64xf32, #tpu.memory_space<hbm>>) target(%dma_start3A_158 : memref<64xf32, #tpu.memory_space<vmem>>) target_semaphore(%dma_start3A_155 : memref<!tpu.dma_semaphore, #tpu.memory_space<semaphore_mem>>)
      %slice3A_162 = vector.extract_strided_slice %get3A_57 {offsets = [5], sizes = [1], strides = [1]} : vector<16xi32> to vector<1xi32>
      %squeeze3A_163 = vector.extract %slice3A_162[0] : i32 from vector<1xi32>
      %shift_right_arithmetic3A_164 = arith.constant 3 : i32
      %shift_right_arithmetic3A_165 = arith.shrsi %squeeze3A_163, %shift_right_arithmetic3A_164 : i32
      %and3A_166 = arith.constant 7 : i32
      %and3A_167 = arith.andi %squeeze3A_163, %and3A_166 : i32
      %dma_start3A_168 = arith.constant 2 : i32
      %dma_start3A_169 = arith.constant 64 : i32
      %dma_start3A_170 = tpu.memref_slice %arg8[%scan3A_53, %dma_start3A_168, %dma_start3A_169] : memref<32x8x128xf32, #tpu.memory_space<vmem>> -> memref<1x1x64xf32, #tpu.memory_space<vmem>>
      %dma_start3A_171 = tpu.memref_squeeze %dma_start3A_170 : memref<1x1x64xf32, #tpu.memory_space<vmem>> -> memref<64xf32, #tpu.memory_space<vmem>>
      %dma_start3A_172 = arith.constant 0 : i32
      %dma_start3A_173 = tpu.memref_slice %arg4[%shift_right_arithmetic3A_165, %and3A_167, %dma_start3A_172] : memref<12500x8x64xf32, #tpu.memory_space<hbm>> -> memref<1x1x64xf32, #tpu.memory_space<hbm>>
      %dma_start3A_174 = tpu.memref_squeeze %dma_start3A_173 : memref<1x1x64xf32, #tpu.memory_space<hbm>> -> memref<64xf32, #tpu.memory_space<hbm>>
      %dma_start3A_175 = tpu.memref_slice %arg10[%rem3A_59] : memref<16x!tpu.dma_semaphore, #tpu.memory_space<semaphore_mem>> -> memref<1x!tpu.dma_semaphore, #tpu.memory_space<semaphore_mem>>
      %dma_start3A_176 = tpu.memref_squeeze %dma_start3A_175 : memref<1x!tpu.dma_semaphore, #tpu.memory_space<semaphore_mem>> -> memref<!tpu.dma_semaphore, #tpu.memory_space<semaphore_mem>>
      %dma_start3A_177 = arith.constant 64 : i32
      %dma_start3A_178 = tpu.memref_slice %arg8[%scan3A_53, %dma_start3A_168, %dma_start3A_177] : memref<32x8x128xf32, #tpu.memory_space<vmem>> -> memref<1x1x64xf32, #tpu.memory_space<vmem>>
      %dma_start3A_179 = tpu.memref_squeeze %dma_start3A_178 : memref<1x1x64xf32, #tpu.memory_space<vmem>> -> memref<64xf32, #tpu.memory_space<vmem>>
      %dma_start3A_180 = arith.constant 0 : i32
      %dma_start3A_181 = tpu.memref_slice %arg4[%shift_right_arithmetic3A_165, %and3A_167, %dma_start3A_180] : memref<12500x8x64xf32, #tpu.memory_space<hbm>> -> memref<1x1x64xf32, #tpu.memory_space<hbm>>
      %dma_start3A_182 = tpu.memref_squeeze %dma_start3A_181 : memref<1x1x64xf32, #tpu.memory_space<hbm>> -> memref<64xf32, #tpu.memory_space<hbm>>
      tpu.enqueue_dma source(%dma_start3A_182 : memref<64xf32, #tpu.memory_space<hbm>>) target(%dma_start3A_179 : memref<64xf32, #tpu.memory_space<vmem>>) target_semaphore(%dma_start3A_176 : memref<!tpu.dma_semaphore, #tpu.memory_space<semaphore_mem>>)
      %slice3A_183 = vector.extract_strided_slice %get3A_57 {offsets = [6], sizes = [1], strides = [1]} : vector<16xi32> to vector<1xi32>
      %squeeze3A_184 = vector.extract %slice3A_183[0] : i32 from vector<1xi32>
      %shift_right_arithmetic3A_185 = arith.constant 3 : i32
      %shift_right_arithmetic3A_186 = arith.shrsi %squeeze3A_184, %shift_right_arithmetic3A_185 : i32
      %and3A_187 = arith.constant 7 : i32
      %and3A_188 = arith.andi %squeeze3A_184, %and3A_187 : i32
      %dma_start3A_189 = arith.constant 3 : i32
      %dma_start3A_190 = arith.constant 0 : i32
      %dma_start3A_191 = tpu.memref_slice %arg8[%scan3A_53, %dma_start3A_189, %dma_start3A_190] : memref<32x8x128xf32, #tpu.memory_space<vmem>> -> memref<1x1x64xf32, #tpu.memory_space<vmem>>
      %dma_start3A_192 = tpu.memref_squeeze %dma_start3A_191 : memref<1x1x64xf32, #tpu.memory_space<vmem>> -> memref<64xf32, #tpu.memory_space<vmem>>
      %dma_start3A_193 = arith.constant 0 : i32
      %dma_start3A_194 = tpu.memref_slice %arg4[%shift_right_arithmetic3A_186, %and3A_188, %dma_start3A_193] : memref<12500x8x64xf32, #tpu.memory_space<hbm>> -> memref<1x1x64xf32, #tpu.memory_space<hbm>>
      %dma_start3A_195 = tpu.memref_squeeze %dma_start3A_194 : memref<1x1x64xf32, #tpu.memory_space<hbm>> -> memref<64xf32, #tpu.memory_space<hbm>>
      %dma_start3A_196 = tpu.memref_slice %arg10[%rem3A_59] : memref<16x!tpu.dma_semaphore, #tpu.memory_space<semaphore_mem>> -> memref<1x!tpu.dma_semaphore, #tpu.memory_space<semaphore_mem>>
      %dma_start3A_197 = tpu.memref_squeeze %dma_start3A_196 : memref<1x!tpu.dma_semaphore, #tpu.memory_space<semaphore_mem>> -> memref<!tpu.dma_semaphore, #tpu.memory_space<semaphore_mem>>
      %dma_start3A_198 = arith.constant 0 : i32
      %dma_start3A_199 = tpu.memref_slice %arg8[%scan3A_53, %dma_start3A_189, %dma_start3A_198] : memref<32x8x128xf32, #tpu.memory_space<vmem>> -> memref<1x1x64xf32, #tpu.memory_space<vmem>>
      %dma_start3A_200 = tpu.memref_squeeze %dma_start3A_199 : memref<1x1x64xf32, #tpu.memory_space<vmem>> -> memref<64xf32, #tpu.memory_space<vmem>>
      %dma_start3A_201 = arith.constant 0 : i32
      %dma_start3A_202 = tpu.memref_slice %arg4[%shift_right_arithmetic3A_186, %and3A_188, %dma_start3A_201] : memref<12500x8x64xf32, #tpu.memory_space<hbm>> -> memref<1x1x64xf32, #tpu.memory_space<hbm>>
      %dma_start3A_203 = tpu.memref_squeeze %dma_start3A_202 : memref<1x1x64xf32, #tpu.memory_space<hbm>> -> memref<64xf32, #tpu.memory_space<hbm>>
      tpu.enqueue_dma source(%dma_start3A_203 : memref<64xf32, #tpu.memory_space<hbm>>) target(%dma_start3A_200 : memref<64xf32, #tpu.memory_space<vmem>>) target_semaphore(%dma_start3A_197 : memref<!tpu.dma_semaphore, #tpu.memory_space<semaphore_mem>>)
      %slice3A_204 = vector.extract_strided_slice %get3A_57 {offsets = [7], sizes = [1], strides = [1]} : vector<16xi32> to vector<1xi32>
      %squeeze3A_205 = vector.extract %slice3A_204[0] : i32 from vector<1xi32>
      %shift_right_arithmetic3A_206 = arith.constant 3 : i32
      %shift_right_arithmetic3A_207 = arith.shrsi %squeeze3A_205, %shift_right_arithmetic3A_206 : i32
      %and3A_208 = arith.constant 7 : i32
      %and3A_209 = arith.andi %squeeze3A_205, %and3A_208 : i32
      %dma_start3A_210 = arith.constant 3 : i32
      %dma_start3A_211 = arith.constant 64 : i32
      %dma_start3A_212 = tpu.memref_slice %arg8[%scan3A_53, %dma_start3A_210, %dma_start3A_211] : memref<32x8x128xf32, #tpu.memory_space<vmem>> -> memref<1x1x64xf32, #tpu.memory_space<vmem>>
      %dma_start3A_213 = tpu.memref_squeeze %dma_start3A_212 : memref<1x1x64xf32, #tpu.memory_space<vmem>> -> memref<64xf32, #tpu.memory_space<vmem>>
      %dma_start3A_214 = arith.constant 0 : i32
      %dma_start3A_215 = tpu.memref_slice %arg4[%shift_right_arithmetic3A_207, %and3A_209, %dma_start3A_214] : memref<12500x8x64xf32, #tpu.memory_space<hbm>> -> memref<1x1x64xf32, #tpu.memory_space<hbm>>
      %dma_start3A_216 = tpu.memref_squeeze %dma_start3A_215 : memref<1x1x64xf32, #tpu.memory_space<hbm>> -> memref<64xf32, #tpu.memory_space<hbm>>
      %dma_start3A_217 = tpu.memref_slice %arg10[%rem3A_59] : memref<16x!tpu.dma_semaphore, #tpu.memory_space<semaphore_mem>> -> memref<1x!tpu.dma_semaphore, #tpu.memory_space<semaphore_mem>>
      %dma_start3A_218 = tpu.memref_squeeze %dma_start3A_217 : memref<1x!tpu.dma_semaphore, #tpu.memory_space<semaphore_mem>> -> memref<!tpu.dma_semaphore, #tpu.memory_space<semaphore_mem>>
      %dma_start3A_219 = arith.constant 64 : i32
      %dma_start3A_220 = tpu.memref_slice %arg8[%scan3A_53, %dma_start3A_210, %dma_start3A_219] : memref<32x8x128xf32, #tpu.memory_space<vmem>> -> memref<1x1x64xf32, #tpu.memory_space<vmem>>
      %dma_start3A_221 = tpu.memref_squeeze %dma_start3A_220 : memref<1x1x64xf32, #tpu.memory_space<vmem>> -> memref<64xf32, #tpu.memory_space<vmem>>
      %dma_start3A_222 = arith.constant 0 : i32
      %dma_start3A_223 = tpu.memref_slice %arg4[%shift_right_arithmetic3A_207, %and3A_209, %dma_start3A_222] : memref<12500x8x64xf32, #tpu.memory_space<hbm>> -> memref<1x1x64xf32, #tpu.memory_space<hbm>>
      %dma_start3A_224 = tpu.memref_squeeze %dma_start3A_223 : memref<1x1x64xf32, #tpu.memory_space<hbm>> -> memref<64xf32, #tpu.memory_space<hbm>>
      tpu.enqueue_dma source(%dma_start3A_224 : memref<64xf32, #tpu.memory_space<hbm>>) target(%dma_start3A_221 : memref<64xf32, #tpu.memory_space<vmem>>) target_semaphore(%dma_start3A_218 : memref<!tpu.dma_semaphore, #tpu.memory_space<semaphore_mem>>)
      %slice3A_225 = vector.extract_strided_slice %get3A_57 {offsets = [8], sizes = [1], strides = [1]} : vector<16xi32> to vector<1xi32>
      %squeeze3A_226 = vector.extract %slice3A_225[0] : i32 from vector<1xi32>
      %shift_right_arithmetic3A_227 = arith.constant 3 : i32
      %shift_right_arithmetic3A_228 = arith.shrsi %squeeze3A_226, %shift_right_arithmetic3A_227 : i32
      %and3A_229 = arith.constant 7 : i32
      %and3A_230 = arith.andi %squeeze3A_226, %and3A_229 : i32
      %dma_start3A_231 = arith.constant 4 : i32
      %dma_start3A_232 = arith.constant 0 : i32
      %dma_start3A_233 = tpu.memref_slice %arg8[%scan3A_53, %dma_start3A_231, %dma_start3A_232] : memref<32x8x128xf32, #tpu.memory_space<vmem>> -> memref<1x1x64xf32, #tpu.memory_space<vmem>>
      %dma_start3A_234 = tpu.memref_squeeze %dma_start3A_233 : memref<1x1x64xf32, #tpu.memory_space<vmem>> -> memref<64xf32, #tpu.memory_space<vmem>>
      %dma_start3A_235 = arith.constant 0 : i32
      %dma_start3A_236 = tpu.memref_slice %arg4[%shift_right_arithmetic3A_228, %and3A_230, %dma_start3A_235] : memref<12500x8x64xf32, #tpu.memory_space<hbm>> -> memref<1x1x64xf32, #tpu.memory_space<hbm>>
      %dma_start3A_237 = tpu.memref_squeeze %dma_start3A_236 : memref<1x1x64xf32, #tpu.memory_space<hbm>> -> memref<64xf32, #tpu.memory_space<hbm>>
      %dma_start3A_238 = tpu.memref_slice %arg10[%rem3A_59] : memref<16x!tpu.dma_semaphore, #tpu.memory_space<semaphore_mem>> -> memref<1x!tpu.dma_semaphore, #tpu.memory_space<semaphore_mem>>
      %dma_start3A_239 = tpu.memref_squeeze %dma_start3A_238 : memref<1x!tpu.dma_semaphore, #tpu.memory_space<semaphore_mem>> -> memref<!tpu.dma_semaphore, #tpu.memory_space<semaphore_mem>>
      %dma_start3A_240 = arith.constant 0 : i32
      %dma_start3A_241 = tpu.memref_slice %arg8[%scan3A_53, %dma_start3A_231, %dma_start3A_240] : memref<32x8x128xf32, #tpu.memory_space<vmem>> -> memref<1x1x64xf32, #tpu.memory_space<vmem>>
      %dma_start3A_242 = tpu.memref_squeeze %dma_start3A_241 : memref<1x1x64xf32, #tpu.memory_space<vmem>> -> memref<64xf32, #tpu.memory_space<vmem>>
      %dma_start3A_243 = arith.constant 0 : i32
      %dma_start3A_244 = tpu.memref_slice %arg4[%shift_right_arithmetic3A_228, %and3A_230, %dma_start3A_243] : memref<12500x8x64xf32, #tpu.memory_space<hbm>> -> memref<1x1x64xf32, #tpu.memory_space<hbm>>
      %dma_start3A_245 = tpu.memref_squeeze %dma_start3A_244 : memref<1x1x64xf32, #tpu.memory_space<hbm>> -> memref<64xf32, #tpu.memory_space<hbm>>
      tpu.enqueue_dma source(%dma_start3A_245 : memref<64xf32, #tpu.memory_space<hbm>>) target(%dma_start3A_242 : memref<64xf32, #tpu.memory_space<vmem>>) target_semaphore(%dma_start3A_239 : memref<!tpu.dma_semaphore, #tpu.memory_space<semaphore_mem>>)
      %slice3A_246 = vector.extract_strided_slice %get3A_57 {offsets = [9], sizes = [1], strides = [1]} : vector<16xi32> to vector<1xi32>
      %squeeze3A_247 = vector.extract %slice3A_246[0] : i32 from vector<1xi32>
      %shift_right_arithmetic3A_248 = arith.constant 3 : i32
      %shift_right_arithmetic3A_249 = arith.shrsi %squeeze3A_247, %shift_right_arithmetic3A_248 : i32
      %and3A_250 = arith.constant 7 : i32
      %and3A_251 = arith.andi %squeeze3A_247, %and3A_250 : i32
      %dma_start3A_252 = arith.constant 4 : i32
      %dma_start3A_253 = arith.constant 64 : i32
      %dma_start3A_254 = tpu.memref_slice %arg8[%scan3A_53, %dma_start3A_252, %dma_start3A_253] : memref<32x8x128xf32, #tpu.memory_space<vmem>> -> memref<1x1x64xf32, #tpu.memory_space<vmem>>
      %dma_start3A_255 = tpu.memref_squeeze %dma_start3A_254 : memref<1x1x64xf32, #tpu.memory_space<vmem>> -> memref<64xf32, #tpu.memory_space<vmem>>
      %dma_start3A_256 = arith.constant 0 : i32
      %dma_start3A_257 = tpu.memref_slice %arg4[%shift_right_arithmetic3A_249, %and3A_251, %dma_start3A_256] : memref<12500x8x64xf32, #tpu.memory_space<hbm>> -> memref<1x1x64xf32, #tpu.memory_space<hbm>>
      %dma_start3A_258 = tpu.memref_squeeze %dma_start3A_257 : memref<1x1x64xf32, #tpu.memory_space<hbm>> -> memref<64xf32, #tpu.memory_space<hbm>>
      %dma_start3A_259 = tpu.memref_slice %arg10[%rem3A_59] : memref<16x!tpu.dma_semaphore, #tpu.memory_space<semaphore_mem>> -> memref<1x!tpu.dma_semaphore, #tpu.memory_space<semaphore_mem>>
      %dma_start3A_260 = tpu.memref_squeeze %dma_start3A_259 : memref<1x!tpu.dma_semaphore, #tpu.memory_space<semaphore_mem>> -> memref<!tpu.dma_semaphore, #tpu.memory_space<semaphore_mem>>
      %dma_start3A_261 = arith.constant 64 : i32
      %dma_start3A_262 = tpu.memref_slice %arg8[%scan3A_53, %dma_start3A_252, %dma_start3A_261] : memref<32x8x128xf32, #tpu.memory_space<vmem>> -> memref<1x1x64xf32, #tpu.memory_space<vmem>>
      %dma_start3A_263 = tpu.memref_squeeze %dma_start3A_262 : memref<1x1x64xf32, #tpu.memory_space<vmem>> -> memref<64xf32, #tpu.memory_space<vmem>>
      %dma_start3A_264 = arith.constant 0 : i32
      %dma_start3A_265 = tpu.memref_slice %arg4[%shift_right_arithmetic3A_249, %and3A_251, %dma_start3A_264] : memref<12500x8x64xf32, #tpu.memory_space<hbm>> -> memref<1x1x64xf32, #tpu.memory_space<hbm>>
      %dma_start3A_266 = tpu.memref_squeeze %dma_start3A_265 : memref<1x1x64xf32, #tpu.memory_space<hbm>> -> memref<64xf32, #tpu.memory_space<hbm>>
      tpu.enqueue_dma source(%dma_start3A_266 : memref<64xf32, #tpu.memory_space<hbm>>) target(%dma_start3A_263 : memref<64xf32, #tpu.memory_space<vmem>>) target_semaphore(%dma_start3A_260 : memref<!tpu.dma_semaphore, #tpu.memory_space<semaphore_mem>>)
      %slice3A_267 = vector.extract_strided_slice %get3A_57 {offsets = [10], sizes = [1], strides = [1]} : vector<16xi32> to vector<1xi32>
      %squeeze3A_268 = vector.extract %slice3A_267[0] : i32 from vector<1xi32>
      %shift_right_arithmetic3A_269 = arith.constant 3 : i32
      %shift_right_arithmetic3A_270 = arith.shrsi %squeeze3A_268, %shift_right_arithmetic3A_269 : i32
      %and3A_271 = arith.constant 7 : i32
      %and3A_272 = arith.andi %squeeze3A_268, %and3A_271 : i32
      %dma_start3A_273 = arith.constant 5 : i32
      %dma_start3A_274 = arith.constant 0 : i32
      %dma_start3A_275 = tpu.memref_slice %arg8[%scan3A_53, %dma_start3A_273, %dma_start3A_274] : memref<32x8x128xf32, #tpu.memory_space<vmem>> -> memref<1x1x64xf32, #tpu.memory_space<vmem>>
      %dma_start3A_276 = tpu.memref_squeeze %dma_start3A_275 : memref<1x1x64xf32, #tpu.memory_space<vmem>> -> memref<64xf32, #tpu.memory_space<vmem>>
      %dma_start3A_277 = arith.constant 0 : i32
      %dma_start3A_278 = tpu.memref_slice %arg4[%shift_right_arithmetic3A_270, %and3A_272, %dma_start3A_277] : memref<12500x8x64xf32, #tpu.memory_space<hbm>> -> memref<1x1x64xf32, #tpu.memory_space<hbm>>
      %dma_start3A_279 = tpu.memref_squeeze %dma_start3A_278 : memref<1x1x64xf32, #tpu.memory_space<hbm>> -> memref<64xf32, #tpu.memory_space<hbm>>
      %dma_start3A_280 = tpu.memref_slice %arg10[%rem3A_59] : memref<16x!tpu.dma_semaphore, #tpu.memory_space<semaphore_mem>> -> memref<1x!tpu.dma_semaphore, #tpu.memory_space<semaphore_mem>>
      %dma_start3A_281 = tpu.memref_squeeze %dma_start3A_280 : memref<1x!tpu.dma_semaphore, #tpu.memory_space<semaphore_mem>> -> memref<!tpu.dma_semaphore, #tpu.memory_space<semaphore_mem>>
      %dma_start3A_282 = arith.constant 0 : i32
      %dma_start3A_283 = tpu.memref_slice %arg8[%scan3A_53, %dma_start3A_273, %dma_start3A_282] : memref<32x8x128xf32, #tpu.memory_space<vmem>> -> memref<1x1x64xf32, #tpu.memory_space<vmem>>
      %dma_start3A_284 = tpu.memref_squeeze %dma_start3A_283 : memref<1x1x64xf32, #tpu.memory_space<vmem>> -> memref<64xf32, #tpu.memory_space<vmem>>
      %dma_start3A_285 = arith.constant 0 : i32
      %dma_start3A_286 = tpu.memref_slice %arg4[%shift_right_arithmetic3A_270, %and3A_272, %dma_start3A_285] : memref<12500x8x64xf32, #tpu.memory_space<hbm>> -> memref<1x1x64xf32, #tpu.memory_space<hbm>>
      %dma_start3A_287 = tpu.memref_squeeze %dma_start3A_286 : memref<1x1x64xf32, #tpu.memory_space<hbm>> -> memref<64xf32, #tpu.memory_space<hbm>>
      tpu.enqueue_dma source(%dma_start3A_287 : memref<64xf32, #tpu.memory_space<hbm>>) target(%dma_start3A_284 : memref<64xf32, #tpu.memory_space<vmem>>) target_semaphore(%dma_start3A_281 : memref<!tpu.dma_semaphore, #tpu.memory_space<semaphore_mem>>)
      %slice3A_288 = vector.extract_strided_slice %get3A_57 {offsets = [11], sizes = [1], strides = [1]} : vector<16xi32> to vector<1xi32>
      %squeeze3A_289 = vector.extract %slice3A_288[0] : i32 from vector<1xi32>
      %shift_right_arithmetic3A_290 = arith.constant 3 : i32
      %shift_right_arithmetic3A_291 = arith.shrsi %squeeze3A_289, %shift_right_arithmetic3A_290 : i32
      %and3A_292 = arith.constant 7 : i32
      %and3A_293 = arith.andi %squeeze3A_289, %and3A_292 : i32
      %dma_start3A_294 = arith.constant 5 : i32
      %dma_start3A_295 = arith.constant 64 : i32
      %dma_start3A_296 = tpu.memref_slice %arg8[%scan3A_53, %dma_start3A_294, %dma_start3A_295] : memref<32x8x128xf32, #tpu.memory_space<vmem>> -> memref<1x1x64xf32, #tpu.memory_space<vmem>>
      %dma_start3A_297 = tpu.memref_squeeze %dma_start3A_296 : memref<1x1x64xf32, #tpu.memory_space<vmem>> -> memref<64xf32, #tpu.memory_space<vmem>>
      %dma_start3A_298 = arith.constant 0 : i32
      %dma_start3A_299 = tpu.memref_slice %arg4[%shift_right_arithmetic3A_291, %and3A_293, %dma_start3A_298] : memref<12500x8x64xf32, #tpu.memory_space<hbm>> -> memref<1x1x64xf32, #tpu.memory_space<hbm>>
      %dma_start3A_300 = tpu.memref_squeeze %dma_start3A_299 : memref<1x1x64xf32, #tpu.memory_space<hbm>> -> memref<64xf32, #tpu.memory_space<hbm>>
      %dma_start3A_301 = tpu.memref_slice %arg10[%rem3A_59] : memref<16x!tpu.dma_semaphore, #tpu.memory_space<semaphore_mem>> -> memref<1x!tpu.dma_semaphore, #tpu.memory_space<semaphore_mem>>
      %dma_start3A_302 = tpu.memref_squeeze %dma_start3A_301 : memref<1x!tpu.dma_semaphore, #tpu.memory_space<semaphore_mem>> -> memref<!tpu.dma_semaphore, #tpu.memory_space<semaphore_mem>>
      %dma_start3A_303 = arith.constant 64 : i32
      %dma_start3A_304 = tpu.memref_slice %arg8[%scan3A_53, %dma_start3A_294, %dma_start3A_303] : memref<32x8x128xf32, #tpu.memory_space<vmem>> -> memref<1x1x64xf32, #tpu.memory_space<vmem>>
      %dma_start3A_305 = tpu.memref_squeeze %dma_start3A_304 : memref<1x1x64xf32, #tpu.memory_space<vmem>> -> memref<64xf32, #tpu.memory_space<vmem>>
      %dma_start3A_306 = arith.constant 0 : i32
      %dma_start3A_307 = tpu.memref_slice %arg4[%shift_right_arithmetic3A_291, %and3A_293, %dma_start3A_306] : memref<12500x8x64xf32, #tpu.memory_space<hbm>> -> memref<1x1x64xf32, #tpu.memory_space<hbm>>
      %dma_start3A_308 = tpu.memref_squeeze %dma_start3A_307 : memref<1x1x64xf32, #tpu.memory_space<hbm>> -> memref<64xf32, #tpu.memory_space<hbm>>
      tpu.enqueue_dma source(%dma_start3A_308 : memref<64xf32, #tpu.memory_space<hbm>>) target(%dma_start3A_305 : memref<64xf32, #tpu.memory_space<vmem>>) target_semaphore(%dma_start3A_302 : memref<!tpu.dma_semaphore, #tpu.memory_space<semaphore_mem>>)
      %slice3A_309 = vector.extract_strided_slice %get3A_57 {offsets = [12], sizes = [1], strides = [1]} : vector<16xi32> to vector<1xi32>
      %squeeze3A_310 = vector.extract %slice3A_309[0] : i32 from vector<1xi32>
      %shift_right_arithmetic3A_311 = arith.constant 3 : i32
      %shift_right_arithmetic3A_312 = arith.shrsi %squeeze3A_310, %shift_right_arithmetic3A_311 : i32
      %and3A_313 = arith.constant 7 : i32
      %and3A_314 = arith.andi %squeeze3A_310, %and3A_313 : i32
      %dma_start3A_315 = arith.constant 6 : i32
      %dma_start3A_316 = arith.constant 0 : i32
      %dma_start3A_317 = tpu.memref_slice %arg8[%scan3A_53, %dma_start3A_315, %dma_start3A_316] : memref<32x8x128xf32, #tpu.memory_space<vmem>> -> memref<1x1x64xf32, #tpu.memory_space<vmem>>
      %dma_start3A_318 = tpu.memref_squeeze %dma_start3A_317 : memref<1x1x64xf32, #tpu.memory_space<vmem>> -> memref<64xf32, #tpu.memory_space<vmem>>
      %dma_start3A_319 = arith.constant 0 : i32
      %dma_start3A_320 = tpu.memref_slice %arg4[%shift_right_arithmetic3A_312, %and3A_314, %dma_start3A_319] : memref<12500x8x64xf32, #tpu.memory_space<hbm>> -> memref<1x1x64xf32, #tpu.memory_space<hbm>>
      %dma_start3A_321 = tpu.memref_squeeze %dma_start3A_320 : memref<1x1x64xf32, #tpu.memory_space<hbm>> -> memref<64xf32, #tpu.memory_space<hbm>>
      %dma_start3A_322 = tpu.memref_slice %arg10[%rem3A_59] : memref<16x!tpu.dma_semaphore, #tpu.memory_space<semaphore_mem>> -> memref<1x!tpu.dma_semaphore, #tpu.memory_space<semaphore_mem>>
      %dma_start3A_323 = tpu.memref_squeeze %dma_start3A_322 : memref<1x!tpu.dma_semaphore, #tpu.memory_space<semaphore_mem>> -> memref<!tpu.dma_semaphore, #tpu.memory_space<semaphore_mem>>
      %dma_start3A_324 = arith.constant 0 : i32
      %dma_start3A_325 = tpu.memref_slice %arg8[%scan3A_53, %dma_start3A_315, %dma_start3A_324] : memref<32x8x128xf32, #tpu.memory_space<vmem>> -> memref<1x1x64xf32, #tpu.memory_space<vmem>>
      %dma_start3A_326 = tpu.memref_squeeze %dma_start3A_325 : memref<1x1x64xf32, #tpu.memory_space<vmem>> -> memref<64xf32, #tpu.memory_space<vmem>>
      %dma_start3A_327 = arith.constant 0 : i32
      %dma_start3A_328 = tpu.memref_slice %arg4[%shift_right_arithmetic3A_312, %and3A_314, %dma_start3A_327] : memref<12500x8x64xf32, #tpu.memory_space<hbm>> -> memref<1x1x64xf32, #tpu.memory_space<hbm>>
      %dma_start3A_329 = tpu.memref_squeeze %dma_start3A_328 : memref<1x1x64xf32, #tpu.memory_space<hbm>> -> memref<64xf32, #tpu.memory_space<hbm>>
      tpu.enqueue_dma source(%dma_start3A_329 : memref<64xf32, #tpu.memory_space<hbm>>) target(%dma_start3A_326 : memref<64xf32, #tpu.memory_space<vmem>>) target_semaphore(%dma_start3A_323 : memref<!tpu.dma_semaphore, #tpu.memory_space<semaphore_mem>>)
      %slice3A_330 = vector.extract_strided_slice %get3A_57 {offsets = [13], sizes = [1], strides = [1]} : vector<16xi32> to vector<1xi32>
      %squeeze3A_331 = vector.extract %slice3A_330[0] : i32 from vector<1xi32>
      %shift_right_arithmetic3A_332 = arith.constant 3 : i32
      %shift_right_arithmetic3A_333 = arith.shrsi %squeeze3A_331, %shift_right_arithmetic3A_332 : i32
      %and3A_334 = arith.constant 7 : i32
      %and3A_335 = arith.andi %squeeze3A_331, %and3A_334 : i32
      %dma_start3A_336 = arith.constant 6 : i32
      %dma_start3A_337 = arith.constant 64 : i32
      %dma_start3A_338 = tpu.memref_slice %arg8[%scan3A_53, %dma_start3A_336, %dma_start3A_337] : memref<32x8x128xf32, #tpu.memory_space<vmem>> -> memref<1x1x64xf32, #tpu.memory_space<vmem>>
      %dma_start3A_339 = tpu.memref_squeeze %dma_start3A_338 : memref<1x1x64xf32, #tpu.memory_space<vmem>> -> memref<64xf32, #tpu.memory_space<vmem>>
      %dma_start3A_340 = arith.constant 0 : i32
      %dma_start3A_341 = tpu.memref_slice %arg4[%shift_right_arithmetic3A_333, %and3A_335, %dma_start3A_340] : memref<12500x8x64xf32, #tpu.memory_space<hbm>> -> memref<1x1x64xf32, #tpu.memory_space<hbm>>
      %dma_start3A_342 = tpu.memref_squeeze %dma_start3A_341 : memref<1x1x64xf32, #tpu.memory_space<hbm>> -> memref<64xf32, #tpu.memory_space<hbm>>
      %dma_start3A_343 = tpu.memref_slice %arg10[%rem3A_59] : memref<16x!tpu.dma_semaphore, #tpu.memory_space<semaphore_mem>> -> memref<1x!tpu.dma_semaphore, #tpu.memory_space<semaphore_mem>>
      %dma_start3A_344 = tpu.memref_squeeze %dma_start3A_343 : memref<1x!tpu.dma_semaphore, #tpu.memory_space<semaphore_mem>> -> memref<!tpu.dma_semaphore, #tpu.memory_space<semaphore_mem>>
      %dma_start3A_345 = arith.constant 64 : i32
      %dma_start3A_346 = tpu.memref_slice %arg8[%scan3A_53, %dma_start3A_336, %dma_start3A_345] : memref<32x8x128xf32, #tpu.memory_space<vmem>> -> memref<1x1x64xf32, #tpu.memory_space<vmem>>
      %dma_start3A_347 = tpu.memref_squeeze %dma_start3A_346 : memref<1x1x64xf32, #tpu.memory_space<vmem>> -> memref<64xf32, #tpu.memory_space<vmem>>
      %dma_start3A_348 = arith.constant 0 : i32
      %dma_start3A_349 = tpu.memref_slice %arg4[%shift_right_arithmetic3A_333, %and3A_335, %dma_start3A_348] : memref<12500x8x64xf32, #tpu.memory_space<hbm>> -> memref<1x1x64xf32, #tpu.memory_space<hbm>>
      %dma_start3A_350 = tpu.memref_squeeze %dma_start3A_349 : memref<1x1x64xf32, #tpu.memory_space<hbm>> -> memref<64xf32, #tpu.memory_space<hbm>>
      tpu.enqueue_dma source(%dma_start3A_350 : memref<64xf32, #tpu.memory_space<hbm>>) target(%dma_start3A_347 : memref<64xf32, #tpu.memory_space<vmem>>) target_semaphore(%dma_start3A_344 : memref<!tpu.dma_semaphore, #tpu.memory_space<semaphore_mem>>)
      %slice3A_351 = vector.extract_strided_slice %get3A_57 {offsets = [14], sizes = [1], strides = [1]} : vector<16xi32> to vector<1xi32>
      %squeeze3A_352 = vector.extract %slice3A_351[0] : i32 from vector<1xi32>
      %shift_right_arithmetic3A_353 = arith.constant 3 : i32
      %shift_right_arithmetic3A_354 = arith.shrsi %squeeze3A_352, %shift_right_arithmetic3A_353 : i32
      %and3A_355 = arith.constant 7 : i32
      %and3A_356 = arith.andi %squeeze3A_352, %and3A_355 : i32
      %dma_start3A_357 = arith.constant 7 : i32
      %dma_start3A_358 = arith.constant 0 : i32
      %dma_start3A_359 = tpu.memref_slice %arg8[%scan3A_53, %dma_start3A_357, %dma_start3A_358] : memref<32x8x128xf32, #tpu.memory_space<vmem>> -> memref<1x1x64xf32, #tpu.memory_space<vmem>>
      %dma_start3A_360 = tpu.memref_squeeze %dma_start3A_359 : memref<1x1x64xf32, #tpu.memory_space<vmem>> -> memref<64xf32, #tpu.memory_space<vmem>>
      %dma_start3A_361 = arith.constant 0 : i32
      %dma_start3A_362 = tpu.memref_slice %arg4[%shift_right_arithmetic3A_354, %and3A_356, %dma_start3A_361] : memref<12500x8x64xf32, #tpu.memory_space<hbm>> -> memref<1x1x64xf32, #tpu.memory_space<hbm>>
      %dma_start3A_363 = tpu.memref_squeeze %dma_start3A_362 : memref<1x1x64xf32, #tpu.memory_space<hbm>> -> memref<64xf32, #tpu.memory_space<hbm>>
      %dma_start3A_364 = tpu.memref_slice %arg10[%rem3A_59] : memref<16x!tpu.dma_semaphore, #tpu.memory_space<semaphore_mem>> -> memref<1x!tpu.dma_semaphore, #tpu.memory_space<semaphore_mem>>
      %dma_start3A_365 = tpu.memref_squeeze %dma_start3A_364 : memref<1x!tpu.dma_semaphore, #tpu.memory_space<semaphore_mem>> -> memref<!tpu.dma_semaphore, #tpu.memory_space<semaphore_mem>>
      %dma_start3A_366 = arith.constant 0 : i32
      %dma_start3A_367 = tpu.memref_slice %arg8[%scan3A_53, %dma_start3A_357, %dma_start3A_366] : memref<32x8x128xf32, #tpu.memory_space<vmem>> -> memref<1x1x64xf32, #tpu.memory_space<vmem>>
      %dma_start3A_368 = tpu.memref_squeeze %dma_start3A_367 : memref<1x1x64xf32, #tpu.memory_space<vmem>> -> memref<64xf32, #tpu.memory_space<vmem>>
      %dma_start3A_369 = arith.constant 0 : i32
      %dma_start3A_370 = tpu.memref_slice %arg4[%shift_right_arithmetic3A_354, %and3A_356, %dma_start3A_369] : memref<12500x8x64xf32, #tpu.memory_space<hbm>> -> memref<1x1x64xf32, #tpu.memory_space<hbm>>
      %dma_start3A_371 = tpu.memref_squeeze %dma_start3A_370 : memref<1x1x64xf32, #tpu.memory_space<hbm>> -> memref<64xf32, #tpu.memory_space<hbm>>
      tpu.enqueue_dma source(%dma_start3A_371 : memref<64xf32, #tpu.memory_space<hbm>>) target(%dma_start3A_368 : memref<64xf32, #tpu.memory_space<vmem>>) target_semaphore(%dma_start3A_365 : memref<!tpu.dma_semaphore, #tpu.memory_space<semaphore_mem>>)
      %slice3A_372 = vector.extract_strided_slice %get3A_57 {offsets = [15], sizes = [1], strides = [1]} : vector<16xi32> to vector<1xi32>
      %squeeze3A_373 = vector.extract %slice3A_372[0] : i32 from vector<1xi32>
      %shift_right_arithmetic3A_374 = arith.constant 3 : i32
      %shift_right_arithmetic3A_375 = arith.shrsi %squeeze3A_373, %shift_right_arithmetic3A_374 : i32
      %and3A_376 = arith.constant 7 : i32
      %and3A_377 = arith.andi %squeeze3A_373, %and3A_376 : i32
      %dma_start3A_378 = arith.constant 7 : i32
      %dma_start3A_379 = arith.constant 64 : i32
      %dma_start3A_380 = tpu.memref_slice %arg8[%scan3A_53, %dma_start3A_378, %dma_start3A_379] : memref<32x8x128xf32, #tpu.memory_space<vmem>> -> memref<1x1x64xf32, #tpu.memory_space<vmem>>
      %dma_start3A_381 = tpu.memref_squeeze %dma_start3A_380 : memref<1x1x64xf32, #tpu.memory_space<vmem>> -> memref<64xf32, #tpu.memory_space<vmem>>
      %dma_start3A_382 = arith.constant 0 : i32
      %dma_start3A_383 = tpu.memref_slice %arg4[%shift_right_arithmetic3A_375, %and3A_377, %dma_start3A_382] : memref<12500x8x64xf32, #tpu.memory_space<hbm>> -> memref<1x1x64xf32, #tpu.memory_space<hbm>>
      %dma_start3A_384 = tpu.memref_squeeze %dma_start3A_383 : memref<1x1x64xf32, #tpu.memory_space<hbm>> -> memref<64xf32, #tpu.memory_space<hbm>>
      %dma_start3A_385 = tpu.memref_slice %arg10[%rem3A_59] : memref<16x!tpu.dma_semaphore, #tpu.memory_space<semaphore_mem>> -> memref<1x!tpu.dma_semaphore, #tpu.memory_space<semaphore_mem>>
      %dma_start3A_386 = tpu.memref_squeeze %dma_start3A_385 : memref<1x!tpu.dma_semaphore, #tpu.memory_space<semaphore_mem>> -> memref<!tpu.dma_semaphore, #tpu.memory_space<semaphore_mem>>
      %dma_start3A_387 = arith.constant 64 : i32
      %dma_start3A_388 = tpu.memref_slice %arg8[%scan3A_53, %dma_start3A_378, %dma_start3A_387] : memref<32x8x128xf32, #tpu.memory_space<vmem>> -> memref<1x1x64xf32, #tpu.memory_space<vmem>>
      %dma_start3A_389 = tpu.memref_squeeze %dma_start3A_388 : memref<1x1x64xf32, #tpu.memory_space<vmem>> -> memref<64xf32, #tpu.memory_space<vmem>>
      %dma_start3A_390 = arith.constant 0 : i32
      %dma_start3A_391 = tpu.memref_slice %arg4[%shift_right_arithmetic3A_375, %and3A_377, %dma_start3A_390] : memref<12500x8x64xf32, #tpu.memory_space<hbm>> -> memref<1x1x64xf32, #tpu.memory_space<hbm>>
      %dma_start3A_392 = tpu.memref_squeeze %dma_start3A_391 : memref<1x1x64xf32, #tpu.memory_space<hbm>> -> memref<64xf32, #tpu.memory_space<hbm>>
      tpu.enqueue_dma source(%dma_start3A_392 : memref<64xf32, #tpu.memory_space<hbm>>) target(%dma_start3A_389 : memref<64xf32, #tpu.memory_space<vmem>>) target_semaphore(%dma_start3A_386 : memref<!tpu.dma_semaphore, #tpu.memory_space<semaphore_mem>>)
    }
    %scan3A_28 = arith.constant 16 : i32
    %dma_wait3A = arith.constant 0 : i32
    %dma_wait3A_29 = arith.constant 0 : i32
    %dma_wait3A_30 = tpu.memref_slice %arg2[%select_n3A, %dma_wait3A, %dma_wait3A_29] : memref<2048x8x64xf32, #tpu.memory_space<hbm>> -> memref<64x8x64xf32, #tpu.memory_space<hbm>>
    %dma_wait3A_31 = arith.constant 0 : i32
    %dma_wait3A_32 = arith.constant 0 : i32
    %dma_wait3A_33 = tpu.memref_slice %arg2[%select_n3A, %dma_wait3A_31, %dma_wait3A_32] : memref<2048x8x64xf32, #tpu.memory_space<hbm>> -> memref<64x8x64xf32, #tpu.memory_space<hbm>>
    tpu.wait_dma2 semaphore(%arg11 : memref<!tpu.dma_semaphore, #tpu.memory_space<semaphore_mem>>) src(%dma_wait3A_33 : memref<64x8x64xf32, #tpu.memory_space<hbm>>) dst(%arg7 : memref<64x8x64xf32, #tpu.memory_space<vmem>>)
    %broadcast_in_dim3A = arith.constant 0.000000e+00 : f32
    %broadcast_in_dim3A_34 = vector.broadcast %broadcast_in_dim3A : f32 to vector<16xf32>
    %scan3A_35 = arith.constant 16 : i32
    %scan3A_36 = arith.constant 16 : i32
    %scan3A_37 = arith.addi %scan3A_35, %scan3A_36 : i32
    %scan3A_38 = arith.constant 1 : i32
    %scan3A_39 = scf.for %scan3A_53 = %scan3A_35 to %scan3A_37 step %scan3A_38 iter_args(%scan3A_54 = %broadcast_in_dim3A_34) -> (vector<16xf32>)  : i32 {
      %sub3A_55 = arith.constant 16 : i32
      %sub3A_56 = arith.subi %scan3A_53, %sub3A_55 : i32
      %rem3A_57 = arith.constant 16 : i32
      %rem3A_58 = arith.remsi %sub3A_56, %rem3A_57 : i32
      %dma_wait3A_59 = arith.constant 0 : i32
      %dma_wait3A_60 = tpu.memref_slice %arg3[%dma_wait3A_59] : memref<16384xi32, #tpu.memory_space<hbm>> -> memref<512xi32, #tpu.memory_space<hbm>>
      %dma_wait3A_61 = tpu.memref_slice %arg10[%rem3A_58] : memref<16x!tpu.dma_semaphore, #tpu.memory_space<semaphore_mem>> -> memref<1x!tpu.dma_semaphore, #tpu.memory_space<semaphore_mem>>
      %dma_wait3A_62 = tpu.memref_squeeze %dma_wait3A_61 : memref<1x!tpu.dma_semaphore, #tpu.memory_space<semaphore_mem>> -> memref<!tpu.dma_semaphore, #tpu.memory_space<semaphore_mem>>
      %dma_wait3A_63 = arith.constant 0 : i32
      %dma_wait3A_64 = tpu.memref_slice %arg3[%dma_wait3A_63] : memref<16384xi32, #tpu.memory_space<hbm>> -> memref<512xi32, #tpu.memory_space<hbm>>
      tpu.wait_dma2 semaphore(%dma_wait3A_62 : memref<!tpu.dma_semaphore, #tpu.memory_space<semaphore_mem>>) src(%dma_wait3A_64 : memref<512xi32, #tpu.memory_space<hbm>>) dst(%arg6 : memref<512xi32, #tpu.memory_space<vmem>>)
      %dma_wait3A_65 = arith.constant 0 : i32
      %dma_wait3A_66 = tpu.memref_slice %arg3[%dma_wait3A_65] : memref<16384xi32, #tpu.memory_space<hbm>> -> memref<512xi32, #tpu.memory_space<hbm>>
      %dma_wait3A_67 = tpu.memref_slice %arg10[%rem3A_58] : memref<16x!tpu.dma_semaphore, #tpu.memory_space<semaphore_mem>> -> memref<1x!tpu.dma_semaphore, #tpu.memory_space<semaphore_mem>>
      %dma_wait3A_68 = tpu.memref_squeeze %dma_wait3A_67 : memref<1x!tpu.dma_semaphore, #tpu.memory_space<semaphore_mem>> -> memref<!tpu.dma_semaphore, #tpu.memory_space<semaphore_mem>>
      %dma_wait3A_69 = arith.constant 0 : i32
      %dma_wait3A_70 = tpu.memref_slice %arg3[%dma_wait3A_69] : memref<16384xi32, #tpu.memory_space<hbm>> -> memref<512xi32, #tpu.memory_space<hbm>>
      tpu.wait_dma2 semaphore(%dma_wait3A_68 : memref<!tpu.dma_semaphore, #tpu.memory_space<semaphore_mem>>) src(%dma_wait3A_70 : memref<512xi32, #tpu.memory_space<hbm>>) dst(%arg6 : memref<512xi32, #tpu.memory_space<vmem>>)
      %mul3A_71 = arith.constant 16 : i32
      %mul3A_72 = arith.muli %scan3A_53, %mul3A_71 : i32
      %get3A = arith.index_cast %mul3A_72 : i32 to index
      %get3A_73 = tpu.vector_load %arg6[%get3A] {strides = array<i32>} : memref<512xi32, #tpu.memory_space<vmem>>, vector<16xi32>,
      %get3A_74 = vector.shape_cast %get3A_73 : vector<16xi32> to vector<16xi32>
      %rem3A_75 = arith.constant 16 : i32
      %rem3A_76 = arith.remsi %scan3A_53, %rem3A_75 : i32
      %slice3A = vector.extract_strided_slice %get3A_74 {offsets = [0], sizes = [1], strides = [1]} : vector<16xi32> to vector<1xi32>
      %squeeze3A = vector.extract %slice3A[0] : i32 from vector<1xi32>
      %shift_right_arithmetic3A = arith.constant 3 : i32
      %shift_right_arithmetic3A_77 = arith.shrsi %squeeze3A, %shift_right_arithmetic3A : i32
      %and3A_78 = arith.constant 7 : i32
      %and3A_79 = arith.andi %squeeze3A, %and3A_78 : i32
      %dma_start3A_80 = arith.constant 0 : i32
      %dma_start3A_81 = arith.constant 0 : i32
      %dma_start3A_82 = tpu.memref_slice %arg8[%scan3A_53, %dma_start3A_80, %dma_start3A_81] : memref<32x8x128xf32, #tpu.memory_space<vmem>> -> memref<1x1x64xf32, #tpu.memory_space<vmem>>
      %dma_start3A_83 = tpu.memref_squeeze %dma_start3A_82 : memref<1x1x64xf32, #tpu.memory_space<vmem>> -> memref<64xf32, #tpu.memory_space<vmem>>
      %dma_start3A_84 = arith.constant 0 : i32
      %dma_start3A_85 = tpu.memref_slice %arg4[%shift_right_arithmetic3A_77, %and3A_79, %dma_start3A_84] : memref<12500x8x64xf32, #tpu.memory_space<hbm>> -> memref<1x1x64xf32, #tpu.memory_space<hbm>>
      %dma_start3A_86 = tpu.memref_squeeze %dma_start3A_85 : memref<1x1x64xf32, #tpu.memory_space<hbm>> -> memref<64xf32, #tpu.memory_space<hbm>>
      %dma_start3A_87 = tpu.memref_slice %arg10[%rem3A_76] : memref<16x!tpu.dma_semaphore, #tpu.memory_space<semaphore_mem>> -> memref<1x!tpu.dma_semaphore, #tpu.memory_space<semaphore_mem>>
      %dma_start3A_88 = tpu.memref_squeeze %dma_start3A_87 : memref<1x!tpu.dma_semaphore, #tpu.memory_space<semaphore_mem>> -> memref<!tpu.dma_semaphore, #tpu.memory_space<semaphore_mem>>
      %dma_start3A_89 = arith.constant 0 : i32
      %dma_start3A_90 = tpu.memref_slice %arg8[%scan3A_53, %dma_start3A_80, %dma_start3A_89] : memref<32x8x128xf32, #tpu.memory_space<vmem>> -> memref<1x1x64xf32, #tpu.memory_space<vmem>>
      %dma_start3A_91 = tpu.memref_squeeze %dma_start3A_90 : memref<1x1x64xf32, #tpu.memory_space<vmem>> -> memref<64xf32, #tpu.memory_space<vmem>>
      %dma_start3A_92 = arith.constant 0 : i32
      %dma_start3A_93 = tpu.memref_slice %arg4[%shift_right_arithmetic3A_77, %and3A_79, %dma_start3A_92] : memref<12500x8x64xf32, #tpu.memory_space<hbm>> -> memref<1x1x64xf32, #tpu.memory_space<hbm>>
      %dma_start3A_94 = tpu.memref_squeeze %dma_start3A_93 : memref<1x1x64xf32, #tpu.memory_space<hbm>> -> memref<64xf32, #tpu.memory_space<hbm>>
      tpu.enqueue_dma source(%dma_start3A_94 : memref<64xf32, #tpu.memory_space<hbm>>) target(%dma_start3A_91 : memref<64xf32, #tpu.memory_space<vmem>>) target_semaphore(%dma_start3A_88 : memref<!tpu.dma_semaphore, #tpu.memory_space<semaphore_mem>>)
      %slice3A_95 = vector.extract_strided_slice %get3A_74 {offsets = [1], sizes = [1], strides = [1]} : vector<16xi32> to vector<1xi32>
      %squeeze3A_96 = vector.extract %slice3A_95[0] : i32 from vector<1xi32>
      %shift_right_arithmetic3A_97 = arith.constant 3 : i32
      %shift_right_arithmetic3A_98 = arith.shrsi %squeeze3A_96, %shift_right_arithmetic3A_97 : i32
      %and3A_99 = arith.constant 7 : i32
      %and3A_100 = arith.andi %squeeze3A_96, %and3A_99 : i32
      %dma_start3A_101 = arith.constant 0 : i32
      %dma_start3A_102 = arith.constant 64 : i32
      %dma_start3A_103 = tpu.memref_slice %arg8[%scan3A_53, %dma_start3A_101, %dma_start3A_102] : memref<32x8x128xf32, #tpu.memory_space<vmem>> -> memref<1x1x64xf32, #tpu.memory_space<vmem>>
      %dma_start3A_104 = tpu.memref_squeeze %dma_start3A_103 : memref<1x1x64xf32, #tpu.memory_space<vmem>> -> memref<64xf32, #tpu.memory_space<vmem>>
      %dma_start3A_105 = arith.constant 0 : i32
      %dma_start3A_106 = tpu.memref_slice %arg4[%shift_right_arithmetic3A_98, %and3A_100, %dma_start3A_105] : memref<12500x8x64xf32, #tpu.memory_space<hbm>> -> memref<1x1x64xf32, #tpu.memory_space<hbm>>
      %dma_start3A_107 = tpu.memref_squeeze %dma_start3A_106 : memref<1x1x64xf32, #tpu.memory_space<hbm>> -> memref<64xf32, #tpu.memory_space<hbm>>
      %dma_start3A_108 = tpu.memref_slice %arg10[%rem3A_76] : memref<16x!tpu.dma_semaphore, #tpu.memory_space<semaphore_mem>> -> memref<1x!tpu.dma_semaphore, #tpu.memory_space<semaphore_mem>>
      %dma_start3A_109 = tpu.memref_squeeze %dma_start3A_108 : memref<1x!tpu.dma_semaphore, #tpu.memory_space<semaphore_mem>> -> memref<!tpu.dma_semaphore, #tpu.memory_space<semaphore_mem>>
      %dma_start3A_110 = arith.constant 64 : i32
      %dma_start3A_111 = tpu.memref_slice %arg8[%scan3A_53, %dma_start3A_101, %dma_start3A_110] : memref<32x8x128xf32, #tpu.memory_space<vmem>> -> memref<1x1x64xf32, #tpu.memory_space<vmem>>
      %dma_start3A_112 = tpu.memref_squeeze %dma_start3A_111 : memref<1x1x64xf32, #tpu.memory_space<vmem>> -> memref<64xf32, #tpu.memory_space<vmem>>
      %dma_start3A_113 = arith.constant 0 : i32
      %dma_start3A_114 = tpu.memref_slice %arg4[%shift_right_arithmetic3A_98, %and3A_100, %dma_start3A_113] : memref<12500x8x64xf32, #tpu.memory_space<hbm>> -> memref<1x1x64xf32, #tpu.memory_space<hbm>>
      %dma_start3A_115 = tpu.memref_squeeze %dma_start3A_114 : memref<1x1x64xf32, #tpu.memory_space<hbm>> -> memref<64xf32, #tpu.memory_space<hbm>>
      tpu.enqueue_dma source(%dma_start3A_115 : memref<64xf32, #tpu.memory_space<hbm>>) target(%dma_start3A_112 : memref<64xf32, #tpu.memory_space<vmem>>) target_semaphore(%dma_start3A_109 : memref<!tpu.dma_semaphore, #tpu.memory_space<semaphore_mem>>)
      %slice3A_116 = vector.extract_strided_slice %get3A_74 {offsets = [2], sizes = [1], strides = [1]} : vector<16xi32> to vector<1xi32>
      %squeeze3A_117 = vector.extract %slice3A_116[0] : i32 from vector<1xi32>
      %shift_right_arithmetic3A_118 = arith.constant 3 : i32
      %shift_right_arithmetic3A_119 = arith.shrsi %squeeze3A_117, %shift_right_arithmetic3A_118 : i32
      %and3A_120 = arith.constant 7 : i32
      %and3A_121 = arith.andi %squeeze3A_117, %and3A_120 : i32
      %dma_start3A_122 = arith.constant 1 : i32
      %dma_start3A_123 = arith.constant 0 : i32
      %dma_start3A_124 = tpu.memref_slice %arg8[%scan3A_53, %dma_start3A_122, %dma_start3A_123] : memref<32x8x128xf32, #tpu.memory_space<vmem>> -> memref<1x1x64xf32, #tpu.memory_space<vmem>>
      %dma_start3A_125 = tpu.memref_squeeze %dma_start3A_124 : memref<1x1x64xf32, #tpu.memory_space<vmem>> -> memref<64xf32, #tpu.memory_space<vmem>>
      %dma_start3A_126 = arith.constant 0 : i32
      %dma_start3A_127 = tpu.memref_slice %arg4[%shift_right_arithmetic3A_119, %and3A_121, %dma_start3A_126] : memref<12500x8x64xf32, #tpu.memory_space<hbm>> -> memref<1x1x64xf32, #tpu.memory_space<hbm>>
      %dma_start3A_128 = tpu.memref_squeeze %dma_start3A_127 : memref<1x1x64xf32, #tpu.memory_space<hbm>> -> memref<64xf32, #tpu.memory_space<hbm>>
      %dma_start3A_129 = tpu.memref_slice %arg10[%rem3A_76] : memref<16x!tpu.dma_semaphore, #tpu.memory_space<semaphore_mem>> -> memref<1x!tpu.dma_semaphore, #tpu.memory_space<semaphore_mem>>
      %dma_start3A_130 = tpu.memref_squeeze %dma_start3A_129 : memref<1x!tpu.dma_semaphore, #tpu.memory_space<semaphore_mem>> -> memref<!tpu.dma_semaphore, #tpu.memory_space<semaphore_mem>>
      %dma_start3A_131 = arith.constant 0 : i32
      %dma_start3A_132 = tpu.memref_slice %arg8[%scan3A_53, %dma_start3A_122, %dma_start3A_131] : memref<32x8x128xf32, #tpu.memory_space<vmem>> -> memref<1x1x64xf32, #tpu.memory_space<vmem>>
      %dma_start3A_133 = tpu.memref_squeeze %dma_start3A_132 : memref<1x1x64xf32, #tpu.memory_space<vmem>> -> memref<64xf32, #tpu.memory_space<vmem>>
      %dma_start3A_134 = arith.constant 0 : i32
      %dma_start3A_135 = tpu.memref_slice %arg4[%shift_right_arithmetic3A_119, %and3A_121, %dma_start3A_134] : memref<12500x8x64xf32, #tpu.memory_space<hbm>> -> memref<1x1x64xf32, #tpu.memory_space<hbm>>
      %dma_start3A_136 = tpu.memref_squeeze %dma_start3A_135 : memref<1x1x64xf32, #tpu.memory_space<hbm>> -> memref<64xf32, #tpu.memory_space<hbm>>
      tpu.enqueue_dma source(%dma_start3A_136 : memref<64xf32, #tpu.memory_space<hbm>>) target(%dma_start3A_133 : memref<64xf32, #tpu.memory_space<vmem>>) target_semaphore(%dma_start3A_130 : memref<!tpu.dma_semaphore, #tpu.memory_space<semaphore_mem>>)
      %slice3A_137 = vector.extract_strided_slice %get3A_74 {offsets = [3], sizes = [1], strides = [1]} : vector<16xi32> to vector<1xi32>
      %squeeze3A_138 = vector.extract %slice3A_137[0] : i32 from vector<1xi32>
      %shift_right_arithmetic3A_139 = arith.constant 3 : i32
      %shift_right_arithmetic3A_140 = arith.shrsi %squeeze3A_138, %shift_right_arithmetic3A_139 : i32
      %and3A_141 = arith.constant 7 : i32
      %and3A_142 = arith.andi %squeeze3A_138, %and3A_141 : i32
      %dma_start3A_143 = arith.constant 1 : i32
      %dma_start3A_144 = arith.constant 64 : i32
      %dma_start3A_145 = tpu.memref_slice %arg8[%scan3A_53, %dma_start3A_143, %dma_start3A_144] : memref<32x8x128xf32, #tpu.memory_space<vmem>> -> memref<1x1x64xf32, #tpu.memory_space<vmem>>
      %dma_start3A_146 = tpu.memref_squeeze %dma_start3A_145 : memref<1x1x64xf32, #tpu.memory_space<vmem>> -> memref<64xf32, #tpu.memory_space<vmem>>
      %dma_start3A_147 = arith.constant 0 : i32
      %dma_start3A_148 = tpu.memref_slice %arg4[%shift_right_arithmetic3A_140, %and3A_142, %dma_start3A_147] : memref<12500x8x64xf32, #tpu.memory_space<hbm>> -> memref<1x1x64xf32, #tpu.memory_space<hbm>>
      %dma_start3A_149 = tpu.memref_squeeze %dma_start3A_148 : memref<1x1x64xf32, #tpu.memory_space<hbm>> -> memref<64xf32, #tpu.memory_space<hbm>>
      %dma_start3A_150 = tpu.memref_slice %arg10[%rem3A_76] : memref<16x!tpu.dma_semaphore, #tpu.memory_space<semaphore_mem>> -> memref<1x!tpu.dma_semaphore, #tpu.memory_space<semaphore_mem>>
      %dma_start3A_151 = tpu.memref_squeeze %dma_start3A_150 : memref<1x!tpu.dma_semaphore, #tpu.memory_space<semaphore_mem>> -> memref<!tpu.dma_semaphore, #tpu.memory_space<semaphore_mem>>
      %dma_start3A_152 = arith.constant 64 : i32
      %dma_start3A_153 = tpu.memref_slice %arg8[%scan3A_53, %dma_start3A_143, %dma_start3A_152] : memref<32x8x128xf32, #tpu.memory_space<vmem>> -> memref<1x1x64xf32, #tpu.memory_space<vmem>>
      %dma_start3A_154 = tpu.memref_squeeze %dma_start3A_153 : memref<1x1x64xf32, #tpu.memory_space<vmem>> -> memref<64xf32, #tpu.memory_space<vmem>>
      %dma_start3A_155 = arith.constant 0 : i32
      %dma_start3A_156 = tpu.memref_slice %arg4[%shift_right_arithmetic3A_140, %and3A_142, %dma_start3A_155] : memref<12500x8x64xf32, #tpu.memory_space<hbm>> -> memref<1x1x64xf32, #tpu.memory_space<hbm>>
      %dma_start3A_157 = tpu.memref_squeeze %dma_start3A_156 : memref<1x1x64xf32, #tpu.memory_space<hbm>> -> memref<64xf32, #tpu.memory_space<hbm>>
      tpu.enqueue_dma source(%dma_start3A_157 : memref<64xf32, #tpu.memory_space<hbm>>) target(%dma_start3A_154 : memref<64xf32, #tpu.memory_space<vmem>>) target_semaphore(%dma_start3A_151 : memref<!tpu.dma_semaphore, #tpu.memory_space<semaphore_mem>>)
      %slice3A_158 = vector.extract_strided_slice %get3A_74 {offsets = [4], sizes = [1], strides = [1]} : vector<16xi32> to vector<1xi32>
      %squeeze3A_159 = vector.extract %slice3A_158[0] : i32 from vector<1xi32>
      %shift_right_arithmetic3A_160 = arith.constant 3 : i32
      %shift_right_arithmetic3A_161 = arith.shrsi %squeeze3A_159, %shift_right_arithmetic3A_160 : i32
      %and3A_162 = arith.constant 7 : i32
      %and3A_163 = arith.andi %squeeze3A_159, %and3A_162 : i32
      %dma_start3A_164 = arith.constant 2 : i32
      %dma_start3A_165 = arith.constant 0 : i32
      %dma_start3A_166 = tpu.memref_slice %arg8[%scan3A_53, %dma_start3A_164, %dma_start3A_165] : memref<32x8x128xf32, #tpu.memory_space<vmem>> -> memref<1x1x64xf32, #tpu.memory_space<vmem>>
      %dma_start3A_167 = tpu.memref_squeeze %dma_start3A_166 : memref<1x1x64xf32, #tpu.memory_space<vmem>> -> memref<64xf32, #tpu.memory_space<vmem>>
      %dma_start3A_168 = arith.constant 0 : i32
      %dma_start3A_169 = tpu.memref_slice %arg4[%shift_right_arithmetic3A_161, %and3A_163, %dma_start3A_168] : memref<12500x8x64xf32, #tpu.memory_space<hbm>> -> memref<1x1x64xf32, #tpu.memory_space<hbm>>
      %dma_start3A_170 = tpu.memref_squeeze %dma_start3A_169 : memref<1x1x64xf32, #tpu.memory_space<hbm>> -> memref<64xf32, #tpu.memory_space<hbm>>
      %dma_start3A_171 = tpu.memref_slice %arg10[%rem3A_76] : memref<16x!tpu.dma_semaphore, #tpu.memory_space<semaphore_mem>> -> memref<1x!tpu.dma_semaphore, #tpu.memory_space<semaphore_mem>>
      %dma_start3A_172 = tpu.memref_squeeze %dma_start3A_171 : memref<1x!tpu.dma_semaphore, #tpu.memory_space<semaphore_mem>> -> memref<!tpu.dma_semaphore, #tpu.memory_space<semaphore_mem>>
      %dma_start3A_173 = arith.constant 0 : i32
      %dma_start3A_174 = tpu.memref_slice %arg8[%scan3A_53, %dma_start3A_164, %dma_start3A_173] : memref<32x8x128xf32, #tpu.memory_space<vmem>> -> memref<1x1x64xf32, #tpu.memory_space<vmem>>
      %dma_start3A_175 = tpu.memref_squeeze %dma_start3A_174 : memref<1x1x64xf32, #tpu.memory_space<vmem>> -> memref<64xf32, #tpu.memory_space<vmem>>
      %dma_start3A_176 = arith.constant 0 : i32
      %dma_start3A_177 = tpu.memref_slice %arg4[%shift_right_arithmetic3A_161, %and3A_163, %dma_start3A_176] : memref<12500x8x64xf32, #tpu.memory_space<hbm>> -> memref<1x1x64xf32, #tpu.memory_space<hbm>>
      %dma_start3A_178 = tpu.memref_squeeze %dma_start3A_177 : memref<1x1x64xf32, #tpu.memory_space<hbm>> -> memref<64xf32, #tpu.memory_space<hbm>>
      tpu.enqueue_dma source(%dma_start3A_178 : memref<64xf32, #tpu.memory_space<hbm>>) target(%dma_start3A_175 : memref<64xf32, #tpu.memory_space<vmem>>) target_semaphore(%dma_start3A_172 : memref<!tpu.dma_semaphore, #tpu.memory_space<semaphore_mem>>)
      %slice3A_179 = vector.extract_strided_slice %get3A_74 {offsets = [5], sizes = [1], strides = [1]} : vector<16xi32> to vector<1xi32>
      %squeeze3A_180 = vector.extract %slice3A_179[0] : i32 from vector<1xi32>
      %shift_right_arithmetic3A_181 = arith.constant 3 : i32
      %shift_right_arithmetic3A_182 = arith.shrsi %squeeze3A_180, %shift_right_arithmetic3A_181 : i32
      %and3A_183 = arith.constant 7 : i32
      %and3A_184 = arith.andi %squeeze3A_180, %and3A_183 : i32
      %dma_start3A_185 = arith.constant 2 : i32
      %dma_start3A_186 = arith.constant 64 : i32
      %dma_start3A_187 = tpu.memref_slice %arg8[%scan3A_53, %dma_start3A_185, %dma_start3A_186] : memref<32x8x128xf32, #tpu.memory_space<vmem>> -> memref<1x1x64xf32, #tpu.memory_space<vmem>>
      %dma_start3A_188 = tpu.memref_squeeze %dma_start3A_187 : memref<1x1x64xf32, #tpu.memory_space<vmem>> -> memref<64xf32, #tpu.memory_space<vmem>>
      %dma_start3A_189 = arith.constant 0 : i32
      %dma_start3A_190 = tpu.memref_slice %arg4[%shift_right_arithmetic3A_182, %and3A_184, %dma_start3A_189] : memref<12500x8x64xf32, #tpu.memory_space<hbm>> -> memref<1x1x64xf32, #tpu.memory_space<hbm>>
      %dma_start3A_191 = tpu.memref_squeeze %dma_start3A_190 : memref<1x1x64xf32, #tpu.memory_space<hbm>> -> memref<64xf32, #tpu.memory_space<hbm>>
      %dma_start3A_192 = tpu.memref_slice %arg10[%rem3A_76] : memref<16x!tpu.dma_semaphore, #tpu.memory_space<semaphore_mem>> -> memref<1x!tpu.dma_semaphore, #tpu.memory_space<semaphore_mem>>
      %dma_start3A_193 = tpu.memref_squeeze %dma_start3A_192 : memref<1x!tpu.dma_semaphore, #tpu.memory_space<semaphore_mem>> -> memref<!tpu.dma_semaphore, #tpu.memory_space<semaphore_mem>>
      %dma_start3A_194 = arith.constant 64 : i32
      %dma_start3A_195 = tpu.memref_slice %arg8[%scan3A_53, %dma_start3A_185, %dma_start3A_194] : memref<32x8x128xf32, #tpu.memory_space<vmem>> -> memref<1x1x64xf32, #tpu.memory_space<vmem>>
      %dma_start3A_196 = tpu.memref_squeeze %dma_start3A_195 : memref<1x1x64xf32, #tpu.memory_space<vmem>> -> memref<64xf32, #tpu.memory_space<vmem>>
      %dma_start3A_197 = arith.constant 0 : i32
      %dma_start3A_198 = tpu.memref_slice %arg4[%shift_right_arithmetic3A_182, %and3A_184, %dma_start3A_197] : memref<12500x8x64xf32, #tpu.memory_space<hbm>> -> memref<1x1x64xf32, #tpu.memory_space<hbm>>
      %dma_start3A_199 = tpu.memref_squeeze %dma_start3A_198 : memref<1x1x64xf32, #tpu.memory_space<hbm>> -> memref<64xf32, #tpu.memory_space<hbm>>
      tpu.enqueue_dma source(%dma_start3A_199 : memref<64xf32, #tpu.memory_space<hbm>>) target(%dma_start3A_196 : memref<64xf32, #tpu.memory_space<vmem>>) target_semaphore(%dma_start3A_193 : memref<!tpu.dma_semaphore, #tpu.memory_space<semaphore_mem>>)
      %slice3A_200 = vector.extract_strided_slice %get3A_74 {offsets = [6], sizes = [1], strides = [1]} : vector<16xi32> to vector<1xi32>
      %squeeze3A_201 = vector.extract %slice3A_200[0] : i32 from vector<1xi32>
      %shift_right_arithmetic3A_202 = arith.constant 3 : i32
      %shift_right_arithmetic3A_203 = arith.shrsi %squeeze3A_201, %shift_right_arithmetic3A_202 : i32
      %and3A_204 = arith.constant 7 : i32
      %and3A_205 = arith.andi %squeeze3A_201, %and3A_204 : i32
      %dma_start3A_206 = arith.constant 3 : i32
      %dma_start3A_207 = arith.constant 0 : i32
      %dma_start3A_208 = tpu.memref_slice %arg8[%scan3A_53, %dma_start3A_206, %dma_start3A_207] : memref<32x8x128xf32, #tpu.memory_space<vmem>> -> memref<1x1x64xf32, #tpu.memory_space<vmem>>
      %dma_start3A_209 = tpu.memref_squeeze %dma_start3A_208 : memref<1x1x64xf32, #tpu.memory_space<vmem>> -> memref<64xf32, #tpu.memory_space<vmem>>
      %dma_start3A_210 = arith.constant 0 : i32
      %dma_start3A_211 = tpu.memref_slice %arg4[%shift_right_arithmetic3A_203, %and3A_205, %dma_start3A_210] : memref<12500x8x64xf32, #tpu.memory_space<hbm>> -> memref<1x1x64xf32, #tpu.memory_space<hbm>>
      %dma_start3A_212 = tpu.memref_squeeze %dma_start3A_211 : memref<1x1x64xf32, #tpu.memory_space<hbm>> -> memref<64xf32, #tpu.memory_space<hbm>>
      %dma_start3A_213 = tpu.memref_slice %arg10[%rem3A_76] : memref<16x!tpu.dma_semaphore, #tpu.memory_space<semaphore_mem>> -> memref<1x!tpu.dma_semaphore, #tpu.memory_space<semaphore_mem>>
      %dma_start3A_214 = tpu.memref_squeeze %dma_start3A_213 : memref<1x!tpu.dma_semaphore, #tpu.memory_space<semaphore_mem>> -> memref<!tpu.dma_semaphore, #tpu.memory_space<semaphore_mem>>
      %dma_start3A_215 = arith.constant 0 : i32
      %dma_start3A_216 = tpu.memref_slice %arg8[%scan3A_53, %dma_start3A_206, %dma_start3A_215] : memref<32x8x128xf32, #tpu.memory_space<vmem>> -> memref<1x1x64xf32, #tpu.memory_space<vmem>>
      %dma_start3A_217 = tpu.memref_squeeze %dma_start3A_216 : memref<1x1x64xf32, #tpu.memory_space<vmem>> -> memref<64xf32, #tpu.memory_space<vmem>>
      %dma_start3A_218 = arith.constant 0 : i32
      %dma_start3A_219 = tpu.memref_slice %arg4[%shift_right_arithmetic3A_203, %and3A_205, %dma_start3A_218] : memref<12500x8x64xf32, #tpu.memory_space<hbm>> -> memref<1x1x64xf32, #tpu.memory_space<hbm>>
      %dma_start3A_220 = tpu.memref_squeeze %dma_start3A_219 : memref<1x1x64xf32, #tpu.memory_space<hbm>> -> memref<64xf32, #tpu.memory_space<hbm>>
      tpu.enqueue_dma source(%dma_start3A_220 : memref<64xf32, #tpu.memory_space<hbm>>) target(%dma_start3A_217 : memref<64xf32, #tpu.memory_space<vmem>>) target_semaphore(%dma_start3A_214 : memref<!tpu.dma_semaphore, #tpu.memory_space<semaphore_mem>>)
      %slice3A_221 = vector.extract_strided_slice %get3A_74 {offsets = [7], sizes = [1], strides = [1]} : vector<16xi32> to vector<1xi32>
      %squeeze3A_222 = vector.extract %slice3A_221[0] : i32 from vector<1xi32>
      %shift_right_arithmetic3A_223 = arith.constant 3 : i32
      %shift_right_arithmetic3A_224 = arith.shrsi %squeeze3A_222, %shift_right_arithmetic3A_223 : i32
      %and3A_225 = arith.constant 7 : i32
      %and3A_226 = arith.andi %squeeze3A_222, %and3A_225 : i32
      %dma_start3A_227 = arith.constant 3 : i32
      %dma_start3A_228 = arith.constant 64 : i32
      %dma_start3A_229 = tpu.memref_slice %arg8[%scan3A_53, %dma_start3A_227, %dma_start3A_228] : memref<32x8x128xf32, #tpu.memory_space<vmem>> -> memref<1x1x64xf32, #tpu.memory_space<vmem>>
      %dma_start3A_230 = tpu.memref_squeeze %dma_start3A_229 : memref<1x1x64xf32, #tpu.memory_space<vmem>> -> memref<64xf32, #tpu.memory_space<vmem>>
      %dma_start3A_231 = arith.constant 0 : i32
      %dma_start3A_232 = tpu.memref_slice %arg4[%shift_right_arithmetic3A_224, %and3A_226, %dma_start3A_231] : memref<12500x8x64xf32, #tpu.memory_space<hbm>> -> memref<1x1x64xf32, #tpu.memory_space<hbm>>
      %dma_start3A_233 = tpu.memref_squeeze %dma_start3A_232 : memref<1x1x64xf32, #tpu.memory_space<hbm>> -> memref<64xf32, #tpu.memory_space<hbm>>
      %dma_start3A_234 = tpu.memref_slice %arg10[%rem3A_76] : memref<16x!tpu.dma_semaphore, #tpu.memory_space<semaphore_mem>> -> memref<1x!tpu.dma_semaphore, #tpu.memory_space<semaphore_mem>>
      %dma_start3A_235 = tpu.memref_squeeze %dma_start3A_234 : memref<1x!tpu.dma_semaphore, #tpu.memory_space<semaphore_mem>> -> memref<!tpu.dma_semaphore, #tpu.memory_space<semaphore_mem>>
      %dma_start3A_236 = arith.constant 64 : i32
      %dma_start3A_237 = tpu.memref_slice %arg8[%scan3A_53, %dma_start3A_227, %dma_start3A_236] : memref<32x8x128xf32, #tpu.memory_space<vmem>> -> memref<1x1x64xf32, #tpu.memory_space<vmem>>
      %dma_start3A_238 = tpu.memref_squeeze %dma_start3A_237 : memref<1x1x64xf32, #tpu.memory_space<vmem>> -> memref<64xf32, #tpu.memory_space<vmem>>
      %dma_start3A_239 = arith.constant 0 : i32
      %dma_start3A_240 = tpu.memref_slice %arg4[%shift_right_arithmetic3A_224, %and3A_226, %dma_start3A_239] : memref<12500x8x64xf32, #tpu.memory_space<hbm>> -> memref<1x1x64xf32, #tpu.memory_space<hbm>>
      %dma_start3A_241 = tpu.memref_squeeze %dma_start3A_240 : memref<1x1x64xf32, #tpu.memory_space<hbm>> -> memref<64xf32, #tpu.memory_space<hbm>>
      tpu.enqueue_dma source(%dma_start3A_241 : memref<64xf32, #tpu.memory_space<hbm>>) target(%dma_start3A_238 : memref<64xf32, #tpu.memory_space<vmem>>) target_semaphore(%dma_start3A_235 : memref<!tpu.dma_semaphore, #tpu.memory_space<semaphore_mem>>)
      %slice3A_242 = vector.extract_strided_slice %get3A_74 {offsets = [8], sizes = [1], strides = [1]} : vector<16xi32> to vector<1xi32>
      %squeeze3A_243 = vector.extract %slice3A_242[0] : i32 from vector<1xi32>
      %shift_right_arithmetic3A_244 = arith.constant 3 : i32
      %shift_right_arithmetic3A_245 = arith.shrsi %squeeze3A_243, %shift_right_arithmetic3A_244 : i32
      %and3A_246 = arith.constant 7 : i32
      %and3A_247 = arith.andi %squeeze3A_243, %and3A_246 : i32
      %dma_start3A_248 = arith.constant 4 : i32
      %dma_start3A_249 = arith.constant 0 : i32
      %dma_start3A_250 = tpu.memref_slice %arg8[%scan3A_53, %dma_start3A_248, %dma_start3A_249] : memref<32x8x128xf32, #tpu.memory_space<vmem>> -> memref<1x1x64xf32, #tpu.memory_space<vmem>>
      %dma_start3A_251 = tpu.memref_squeeze %dma_start3A_250 : memref<1x1x64xf32, #tpu.memory_space<vmem>> -> memref<64xf32, #tpu.memory_space<vmem>>
      %dma_start3A_252 = arith.constant 0 : i32
      %dma_start3A_253 = tpu.memref_slice %arg4[%shift_right_arithmetic3A_245, %and3A_247, %dma_start3A_252] : memref<12500x8x64xf32, #tpu.memory_space<hbm>> -> memref<1x1x64xf32, #tpu.memory_space<hbm>>
      %dma_start3A_254 = tpu.memref_squeeze %dma_start3A_253 : memref<1x1x64xf32, #tpu.memory_space<hbm>> -> memref<64xf32, #tpu.memory_space<hbm>>
      %dma_start3A_255 = tpu.memref_slice %arg10[%rem3A_76] : memref<16x!tpu.dma_semaphore, #tpu.memory_space<semaphore_mem>> -> memref<1x!tpu.dma_semaphore, #tpu.memory_space<semaphore_mem>>
      %dma_start3A_256 = tpu.memref_squeeze %dma_start3A_255 : memref<1x!tpu.dma_semaphore, #tpu.memory_space<semaphore_mem>> -> memref<!tpu.dma_semaphore, #tpu.memory_space<semaphore_mem>>
      %dma_start3A_257 = arith.constant 0 : i32
      %dma_start3A_258 = tpu.memref_slice %arg8[%scan3A_53, %dma_start3A_248, %dma_start3A_257] : memref<32x8x128xf32, #tpu.memory_space<vmem>> -> memref<1x1x64xf32, #tpu.memory_space<vmem>>
      %dma_start3A_259 = tpu.memref_squeeze %dma_start3A_258 : memref<1x1x64xf32, #tpu.memory_space<vmem>> -> memref<64xf32, #tpu.memory_space<vmem>>
      %dma_start3A_260 = arith.constant 0 : i32
      %dma_start3A_261 = tpu.memref_slice %arg4[%shift_right_arithmetic3A_245, %and3A_247, %dma_start3A_260] : memref<12500x8x64xf32, #tpu.memory_space<hbm>> -> memref<1x1x64xf32, #tpu.memory_space<hbm>>
      %dma_start3A_262 = tpu.memref_squeeze %dma_start3A_261 : memref<1x1x64xf32, #tpu.memory_space<hbm>> -> memref<64xf32, #tpu.memory_space<hbm>>
      tpu.enqueue_dma source(%dma_start3A_262 : memref<64xf32, #tpu.memory_space<hbm>>) target(%dma_start3A_259 : memref<64xf32, #tpu.memory_space<vmem>>) target_semaphore(%dma_start3A_256 : memref<!tpu.dma_semaphore, #tpu.memory_space<semaphore_mem>>)
      %slice3A_263 = vector.extract_strided_slice %get3A_74 {offsets = [9], sizes = [1], strides = [1]} : vector<16xi32> to vector<1xi32>
      %squeeze3A_264 = vector.extract %slice3A_263[0] : i32 from vector<1xi32>
      %shift_right_arithmetic3A_265 = arith.constant 3 : i32
      %shift_right_arithmetic3A_266 = arith.shrsi %squeeze3A_264, %shift_right_arithmetic3A_265 : i32
      %and3A_267 = arith.constant 7 : i32
      %and3A_268 = arith.andi %squeeze3A_264, %and3A_267 : i32
      %dma_start3A_269 = arith.constant 4 : i32
      %dma_start3A_270 = arith.constant 64 : i32
      %dma_start3A_271 = tpu.memref_slice %arg8[%scan3A_53, %dma_start3A_269, %dma_start3A_270] : memref<32x8x128xf32, #tpu.memory_space<vmem>> -> memref<1x1x64xf32, #tpu.memory_space<vmem>>
      %dma_start3A_272 = tpu.memref_squeeze %dma_start3A_271 : memref<1x1x64xf32, #tpu.memory_space<vmem>> -> memref<64xf32, #tpu.memory_space<vmem>>
      %dma_start3A_273 = arith.constant 0 : i32
      %dma_start3A_274 = tpu.memref_slice %arg4[%shift_right_arithmetic3A_266, %and3A_268, %dma_start3A_273] : memref<12500x8x64xf32, #tpu.memory_space<hbm>> -> memref<1x1x64xf32, #tpu.memory_space<hbm>>
      %dma_start3A_275 = tpu.memref_squeeze %dma_start3A_274 : memref<1x1x64xf32, #tpu.memory_space<hbm>> -> memref<64xf32, #tpu.memory_space<hbm>>
      %dma_start3A_276 = tpu.memref_slice %arg10[%rem3A_76] : memref<16x!tpu.dma_semaphore, #tpu.memory_space<semaphore_mem>> -> memref<1x!tpu.dma_semaphore, #tpu.memory_space<semaphore_mem>>
      %dma_start3A_277 = tpu.memref_squeeze %dma_start3A_276 : memref<1x!tpu.dma_semaphore, #tpu.memory_space<semaphore_mem>> -> memref<!tpu.dma_semaphore, #tpu.memory_space<semaphore_mem>>
      %dma_start3A_278 = arith.constant 64 : i32
      %dma_start3A_279 = tpu.memref_slice %arg8[%scan3A_53, %dma_start3A_269, %dma_start3A_278] : memref<32x8x128xf32, #tpu.memory_space<vmem>> -> memref<1x1x64xf32, #tpu.memory_space<vmem>>
      %dma_start3A_280 = tpu.memref_squeeze %dma_start3A_279 : memref<1x1x64xf32, #tpu.memory_space<vmem>> -> memref<64xf32, #tpu.memory_space<vmem>>
      %dma_start3A_281 = arith.constant 0 : i32
      %dma_start3A_282 = tpu.memref_slice %arg4[%shift_right_arithmetic3A_266, %and3A_268, %dma_start3A_281] : memref<12500x8x64xf32, #tpu.memory_space<hbm>> -> memref<1x1x64xf32, #tpu.memory_space<hbm>>
      %dma_start3A_283 = tpu.memref_squeeze %dma_start3A_282 : memref<1x1x64xf32, #tpu.memory_space<hbm>> -> memref<64xf32, #tpu.memory_space<hbm>>
      tpu.enqueue_dma source(%dma_start3A_283 : memref<64xf32, #tpu.memory_space<hbm>>) target(%dma_start3A_280 : memref<64xf32, #tpu.memory_space<vmem>>) target_semaphore(%dma_start3A_277 : memref<!tpu.dma_semaphore, #tpu.memory_space<semaphore_mem>>)
      %slice3A_284 = vector.extract_strided_slice %get3A_74 {offsets = [10], sizes = [1], strides = [1]} : vector<16xi32> to vector<1xi32>
      %squeeze3A_285 = vector.extract %slice3A_284[0] : i32 from vector<1xi32>
      %shift_right_arithmetic3A_286 = arith.constant 3 : i32
      %shift_right_arithmetic3A_287 = arith.shrsi %squeeze3A_285, %shift_right_arithmetic3A_286 : i32
      %and3A_288 = arith.constant 7 : i32
      %and3A_289 = arith.andi %squeeze3A_285, %and3A_288 : i32
      %dma_start3A_290 = arith.constant 5 : i32
      %dma_start3A_291 = arith.constant 0 : i32
      %dma_start3A_292 = tpu.memref_slice %arg8[%scan3A_53, %dma_start3A_290, %dma_start3A_291] : memref<32x8x128xf32, #tpu.memory_space<vmem>> -> memref<1x1x64xf32, #tpu.memory_space<vmem>>
      %dma_start3A_293 = tpu.memref_squeeze %dma_start3A_292 : memref<1x1x64xf32, #tpu.memory_space<vmem>> -> memref<64xf32, #tpu.memory_space<vmem>>
      %dma_start3A_294 = arith.constant 0 : i32
      %dma_start3A_295 = tpu.memref_slice %arg4[%shift_right_arithmetic3A_287, %and3A_289, %dma_start3A_294] : memref<12500x8x64xf32, #tpu.memory_space<hbm>> -> memref<1x1x64xf32, #tpu.memory_space<hbm>>
      %dma_start3A_296 = tpu.memref_squeeze %dma_start3A_295 : memref<1x1x64xf32, #tpu.memory_space<hbm>> -> memref<64xf32, #tpu.memory_space<hbm>>
      %dma_start3A_297 = tpu.memref_slice %arg10[%rem3A_76] : memref<16x!tpu.dma_semaphore, #tpu.memory_space<semaphore_mem>> -> memref<1x!tpu.dma_semaphore, #tpu.memory_space<semaphore_mem>>
      %dma_start3A_298 = tpu.memref_squeeze %dma_start3A_297 : memref<1x!tpu.dma_semaphore, #tpu.memory_space<semaphore_mem>> -> memref<!tpu.dma_semaphore, #tpu.memory_space<semaphore_mem>>
      %dma_start3A_299 = arith.constant 0 : i32
      %dma_start3A_300 = tpu.memref_slice %arg8[%scan3A_53, %dma_start3A_290, %dma_start3A_299] : memref<32x8x128xf32, #tpu.memory_space<vmem>> -> memref<1x1x64xf32, #tpu.memory_space<vmem>>
      %dma_start3A_301 = tpu.memref_squeeze %dma_start3A_300 : memref<1x1x64xf32, #tpu.memory_space<vmem>> -> memref<64xf32, #tpu.memory_space<vmem>>
      %dma_start3A_302 = arith.constant 0 : i32
      %dma_start3A_303 = tpu.memref_slice %arg4[%shift_right_arithmetic3A_287, %and3A_289, %dma_start3A_302] : memref<12500x8x64xf32, #tpu.memory_space<hbm>> -> memref<1x1x64xf32, #tpu.memory_space<hbm>>
      %dma_start3A_304 = tpu.memref_squeeze %dma_start3A_303 : memref<1x1x64xf32, #tpu.memory_space<hbm>> -> memref<64xf32, #tpu.memory_space<hbm>>
      tpu.enqueue_dma source(%dma_start3A_304 : memref<64xf32, #tpu.memory_space<hbm>>) target(%dma_start3A_301 : memref<64xf32, #tpu.memory_space<vmem>>) target_semaphore(%dma_start3A_298 : memref<!tpu.dma_semaphore, #tpu.memory_space<semaphore_mem>>)
      %slice3A_305 = vector.extract_strided_slice %get3A_74 {offsets = [11], sizes = [1], strides = [1]} : vector<16xi32> to vector<1xi32>
      %squeeze3A_306 = vector.extract %slice3A_305[0] : i32 from vector<1xi32>
      %shift_right_arithmetic3A_307 = arith.constant 3 : i32
      %shift_right_arithmetic3A_308 = arith.shrsi %squeeze3A_306, %shift_right_arithmetic3A_307 : i32
      %and3A_309 = arith.constant 7 : i32
      %and3A_310 = arith.andi %squeeze3A_306, %and3A_309 : i32
      %dma_start3A_311 = arith.constant 5 : i32
      %dma_start3A_312 = arith.constant 64 : i32
      %dma_start3A_313 = tpu.memref_slice %arg8[%scan3A_53, %dma_start3A_311, %dma_start3A_312] : memref<32x8x128xf32, #tpu.memory_space<vmem>> -> memref<1x1x64xf32, #tpu.memory_space<vmem>>
      %dma_start3A_314 = tpu.memref_squeeze %dma_start3A_313 : memref<1x1x64xf32, #tpu.memory_space<vmem>> -> memref<64xf32, #tpu.memory_space<vmem>>
      %dma_start3A_315 = arith.constant 0 : i32
      %dma_start3A_316 = tpu.memref_slice %arg4[%shift_right_arithmetic3A_308, %and3A_310, %dma_start3A_315] : memref<12500x8x64xf32, #tpu.memory_space<hbm>> -> memref<1x1x64xf32, #tpu.memory_space<hbm>>
      %dma_start3A_317 = tpu.memref_squeeze %dma_start3A_316 : memref<1x1x64xf32, #tpu.memory_space<hbm>> -> memref<64xf32, #tpu.memory_space<hbm>>
      %dma_start3A_318 = tpu.memref_slice %arg10[%rem3A_76] : memref<16x!tpu.dma_semaphore, #tpu.memory_space<semaphore_mem>> -> memref<1x!tpu.dma_semaphore, #tpu.memory_space<semaphore_mem>>
      %dma_start3A_319 = tpu.memref_squeeze %dma_start3A_318 : memref<1x!tpu.dma_semaphore, #tpu.memory_space<semaphore_mem>> -> memref<!tpu.dma_semaphore, #tpu.memory_space<semaphore_mem>>
      %dma_start3A_320 = arith.constant 64 : i32
      %dma_start3A_321 = tpu.memref_slice %arg8[%scan3A_53, %dma_start3A_311, %dma_start3A_320] : memref<32x8x128xf32, #tpu.memory_space<vmem>> -> memref<1x1x64xf32, #tpu.memory_space<vmem>>
      %dma_start3A_322 = tpu.memref_squeeze %dma_start3A_321 : memref<1x1x64xf32, #tpu.memory_space<vmem>> -> memref<64xf32, #tpu.memory_space<vmem>>
      %dma_start3A_323 = arith.constant 0 : i32
      %dma_start3A_324 = tpu.memref_slice %arg4[%shift_right_arithmetic3A_308, %and3A_310, %dma_start3A_323] : memref<12500x8x64xf32, #tpu.memory_space<hbm>> -> memref<1x1x64xf32, #tpu.memory_space<hbm>>
      %dma_start3A_325 = tpu.memref_squeeze %dma_start3A_324 : memref<1x1x64xf32, #tpu.memory_space<hbm>> -> memref<64xf32, #tpu.memory_space<hbm>>
      tpu.enqueue_dma source(%dma_start3A_325 : memref<64xf32, #tpu.memory_space<hbm>>) target(%dma_start3A_322 : memref<64xf32, #tpu.memory_space<vmem>>) target_semaphore(%dma_start3A_319 : memref<!tpu.dma_semaphore, #tpu.memory_space<semaphore_mem>>)
      %slice3A_326 = vector.extract_strided_slice %get3A_74 {offsets = [12], sizes = [1], strides = [1]} : vector<16xi32> to vector<1xi32>
      %squeeze3A_327 = vector.extract %slice3A_326[0] : i32 from vector<1xi32>
      %shift_right_arithmetic3A_328 = arith.constant 3 : i32
      %shift_right_arithmetic3A_329 = arith.shrsi %squeeze3A_327, %shift_right_arithmetic3A_328 : i32
      %and3A_330 = arith.constant 7 : i32
      %and3A_331 = arith.andi %squeeze3A_327, %and3A_330 : i32
      %dma_start3A_332 = arith.constant 6 : i32
      %dma_start3A_333 = arith.constant 0 : i32
      %dma_start3A_334 = tpu.memref_slice %arg8[%scan3A_53, %dma_start3A_332, %dma_start3A_333] : memref<32x8x128xf32, #tpu.memory_space<vmem>> -> memref<1x1x64xf32, #tpu.memory_space<vmem>>
      %dma_start3A_335 = tpu.memref_squeeze %dma_start3A_334 : memref<1x1x64xf32, #tpu.memory_space<vmem>> -> memref<64xf32, #tpu.memory_space<vmem>>
      %dma_start3A_336 = arith.constant 0 : i32
      %dma_start3A_337 = tpu.memref_slice %arg4[%shift_right_arithmetic3A_329, %and3A_331, %dma_start3A_336] : memref<12500x8x64xf32, #tpu.memory_space<hbm>> -> memref<1x1x64xf32, #tpu.memory_space<hbm>>
      %dma_start3A_338 = tpu.memref_squeeze %dma_start3A_337 : memref<1x1x64xf32, #tpu.memory_space<hbm>> -> memref<64xf32, #tpu.memory_space<hbm>>
      %dma_start3A_339 = tpu.memref_slice %arg10[%rem3A_76] : memref<16x!tpu.dma_semaphore, #tpu.memory_space<semaphore_mem>> -> memref<1x!tpu.dma_semaphore, #tpu.memory_space<semaphore_mem>>
      %dma_start3A_340 = tpu.memref_squeeze %dma_start3A_339 : memref<1x!tpu.dma_semaphore, #tpu.memory_space<semaphore_mem>> -> memref<!tpu.dma_semaphore, #tpu.memory_space<semaphore_mem>>
      %dma_start3A_341 = arith.constant 0 : i32
      %dma_start3A_342 = tpu.memref_slice %arg8[%scan3A_53, %dma_start3A_332, %dma_start3A_341] : memref<32x8x128xf32, #tpu.memory_space<vmem>> -> memref<1x1x64xf32, #tpu.memory_space<vmem>>
      %dma_start3A_343 = tpu.memref_squeeze %dma_start3A_342 : memref<1x1x64xf32, #tpu.memory_space<vmem>> -> memref<64xf32, #tpu.memory_space<vmem>>
      %dma_start3A_344 = arith.constant 0 : i32
      %dma_start3A_345 = tpu.memref_slice %arg4[%shift_right_arithmetic3A_329, %and3A_331, %dma_start3A_344] : memref<12500x8x64xf32, #tpu.memory_space<hbm>> -> memref<1x1x64xf32, #tpu.memory_space<hbm>>
      %dma_start3A_346 = tpu.memref_squeeze %dma_start3A_345 : memref<1x1x64xf32, #tpu.memory_space<hbm>> -> memref<64xf32, #tpu.memory_space<hbm>>
      tpu.enqueue_dma source(%dma_start3A_346 : memref<64xf32, #tpu.memory_space<hbm>>) target(%dma_start3A_343 : memref<64xf32, #tpu.memory_space<vmem>>) target_semaphore(%dma_start3A_340 : memref<!tpu.dma_semaphore, #tpu.memory_space<semaphore_mem>>)
      %slice3A_347 = vector.extract_strided_slice %get3A_74 {offsets = [13], sizes = [1], strides = [1]} : vector<16xi32> to vector<1xi32>
      %squeeze3A_348 = vector.extract %slice3A_347[0] : i32 from vector<1xi32>
      %shift_right_arithmetic3A_349 = arith.constant 3 : i32
      %shift_right_arithmetic3A_350 = arith.shrsi %squeeze3A_348, %shift_right_arithmetic3A_349 : i32
      %and3A_351 = arith.constant 7 : i32
      %and3A_352 = arith.andi %squeeze3A_348, %and3A_351 : i32
      %dma_start3A_353 = arith.constant 6 : i32
      %dma_start3A_354 = arith.constant 64 : i32
      %dma_start3A_355 = tpu.memref_slice %arg8[%scan3A_53, %dma_start3A_353, %dma_start3A_354] : memref<32x8x128xf32, #tpu.memory_space<vmem>> -> memref<1x1x64xf32, #tpu.memory_space<vmem>>
      %dma_start3A_356 = tpu.memref_squeeze %dma_start3A_355 : memref<1x1x64xf32, #tpu.memory_space<vmem>> -> memref<64xf32, #tpu.memory_space<vmem>>
      %dma_start3A_357 = arith.constant 0 : i32
      %dma_start3A_358 = tpu.memref_slice %arg4[%shift_right_arithmetic3A_350, %and3A_352, %dma_start3A_357] : memref<12500x8x64xf32, #tpu.memory_space<hbm>> -> memref<1x1x64xf32, #tpu.memory_space<hbm>>
      %dma_start3A_359 = tpu.memref_squeeze %dma_start3A_358 : memref<1x1x64xf32, #tpu.memory_space<hbm>> -> memref<64xf32, #tpu.memory_space<hbm>>
      %dma_start3A_360 = tpu.memref_slice %arg10[%rem3A_76] : memref<16x!tpu.dma_semaphore, #tpu.memory_space<semaphore_mem>> -> memref<1x!tpu.dma_semaphore, #tpu.memory_space<semaphore_mem>>
      %dma_start3A_361 = tpu.memref_squeeze %dma_start3A_360 : memref<1x!tpu.dma_semaphore, #tpu.memory_space<semaphore_mem>> -> memref<!tpu.dma_semaphore, #tpu.memory_space<semaphore_mem>>
      %dma_start3A_362 = arith.constant 64 : i32
      %dma_start3A_363 = tpu.memref_slice %arg8[%scan3A_53, %dma_start3A_353, %dma_start3A_362] : memref<32x8x128xf32, #tpu.memory_space<vmem>> -> memref<1x1x64xf32, #tpu.memory_space<vmem>>
      %dma_start3A_364 = tpu.memref_squeeze %dma_start3A_363 : memref<1x1x64xf32, #tpu.memory_space<vmem>> -> memref<64xf32, #tpu.memory_space<vmem>>
      %dma_start3A_365 = arith.constant 0 : i32
      %dma_start3A_366 = tpu.memref_slice %arg4[%shift_right_arithmetic3A_350, %and3A_352, %dma_start3A_365] : memref<12500x8x64xf32, #tpu.memory_space<hbm>> -> memref<1x1x64xf32, #tpu.memory_space<hbm>>
      %dma_start3A_367 = tpu.memref_squeeze %dma_start3A_366 : memref<1x1x64xf32, #tpu.memory_space<hbm>> -> memref<64xf32, #tpu.memory_space<hbm>>
      tpu.enqueue_dma source(%dma_start3A_367 : memref<64xf32, #tpu.memory_space<hbm>>) target(%dma_start3A_364 : memref<64xf32, #tpu.memory_space<vmem>>) target_semaphore(%dma_start3A_361 : memref<!tpu.dma_semaphore, #tpu.memory_space<semaphore_mem>>)
      %slice3A_368 = vector.extract_strided_slice %get3A_74 {offsets = [14], sizes = [1], strides = [1]} : vector<16xi32> to vector<1xi32>
      %squeeze3A_369 = vector.extract %slice3A_368[0] : i32 from vector<1xi32>
      %shift_right_arithmetic3A_370 = arith.constant 3 : i32
      %shift_right_arithmetic3A_371 = arith.shrsi %squeeze3A_369, %shift_right_arithmetic3A_370 : i32
      %and3A_372 = arith.constant 7 : i32
      %and3A_373 = arith.andi %squeeze3A_369, %and3A_372 : i32
      %dma_start3A_374 = arith.constant 7 : i32
      %dma_start3A_375 = arith.constant 0 : i32
      %dma_start3A_376 = tpu.memref_slice %arg8[%scan3A_53, %dma_start3A_374, %dma_start3A_375] : memref<32x8x128xf32, #tpu.memory_space<vmem>> -> memref<1x1x64xf32, #tpu.memory_space<vmem>>
      %dma_start3A_377 = tpu.memref_squeeze %dma_start3A_376 : memref<1x1x64xf32, #tpu.memory_space<vmem>> -> memref<64xf32, #tpu.memory_space<vmem>>
      %dma_start3A_378 = arith.constant 0 : i32
      %dma_start3A_379 = tpu.memref_slice %arg4[%shift_right_arithmetic3A_371, %and3A_373, %dma_start3A_378] : memref<12500x8x64xf32, #tpu.memory_space<hbm>> -> memref<1x1x64xf32, #tpu.memory_space<hbm>>
      %dma_start3A_380 = tpu.memref_squeeze %dma_start3A_379 : memref<1x1x64xf32, #tpu.memory_space<hbm>> -> memref<64xf32, #tpu.memory_space<hbm>>
      %dma_start3A_381 = tpu.memref_slice %arg10[%rem3A_76] : memref<16x!tpu.dma_semaphore, #tpu.memory_space<semaphore_mem>> -> memref<1x!tpu.dma_semaphore, #tpu.memory_space<semaphore_mem>>
      %dma_start3A_382 = tpu.memref_squeeze %dma_start3A_381 : memref<1x!tpu.dma_semaphore, #tpu.memory_space<semaphore_mem>> -> memref<!tpu.dma_semaphore, #tpu.memory_space<semaphore_mem>>
      %dma_start3A_383 = arith.constant 0 : i32
      %dma_start3A_384 = tpu.memref_slice %arg8[%scan3A_53, %dma_start3A_374, %dma_start3A_383] : memref<32x8x128xf32, #tpu.memory_space<vmem>> -> memref<1x1x64xf32, #tpu.memory_space<vmem>>
      %dma_start3A_385 = tpu.memref_squeeze %dma_start3A_384 : memref<1x1x64xf32, #tpu.memory_space<vmem>> -> memref<64xf32, #tpu.memory_space<vmem>>
      %dma_start3A_386 = arith.constant 0 : i32
      %dma_start3A_387 = tpu.memref_slice %arg4[%shift_right_arithmetic3A_371, %and3A_373, %dma_start3A_386] : memref<12500x8x64xf32, #tpu.memory_space<hbm>> -> memref<1x1x64xf32, #tpu.memory_space<hbm>>
      %dma_start3A_388 = tpu.memref_squeeze %dma_start3A_387 : memref<1x1x64xf32, #tpu.memory_space<hbm>> -> memref<64xf32, #tpu.memory_space<hbm>>
      tpu.enqueue_dma source(%dma_start3A_388 : memref<64xf32, #tpu.memory_space<hbm>>) target(%dma_start3A_385 : memref<64xf32, #tpu.memory_space<vmem>>) target_semaphore(%dma_start3A_382 : memref<!tpu.dma_semaphore, #tpu.memory_space<semaphore_mem>>)
      %slice3A_389 = vector.extract_strided_slice %get3A_74 {offsets = [15], sizes = [1], strides = [1]} : vector<16xi32> to vector<1xi32>
      %squeeze3A_390 = vector.extract %slice3A_389[0] : i32 from vector<1xi32>
      %shift_right_arithmetic3A_391 = arith.constant 3 : i32
      %shift_right_arithmetic3A_392 = arith.shrsi %squeeze3A_390, %shift_right_arithmetic3A_391 : i32
      %and3A_393 = arith.constant 7 : i32
      %and3A_394 = arith.andi %squeeze3A_390, %and3A_393 : i32
      %dma_start3A_395 = arith.constant 7 : i32
      %dma_start3A_396 = arith.constant 64 : i32
      %dma_start3A_397 = tpu.memref_slice %arg8[%scan3A_53, %dma_start3A_395, %dma_start3A_396] : memref<32x8x128xf32, #tpu.memory_space<vmem>> -> memref<1x1x64xf32, #tpu.memory_space<vmem>>
      %dma_start3A_398 = tpu.memref_squeeze %dma_start3A_397 : memref<1x1x64xf32, #tpu.memory_space<vmem>> -> memref<64xf32, #tpu.memory_space<vmem>>
      %dma_start3A_399 = arith.constant 0 : i32
      %dma_start3A_400 = tpu.memref_slice %arg4[%shift_right_arithmetic3A_392, %and3A_394, %dma_start3A_399] : memref<12500x8x64xf32, #tpu.memory_space<hbm>> -> memref<1x1x64xf32, #tpu.memory_space<hbm>>
      %dma_start3A_401 = tpu.memref_squeeze %dma_start3A_400 : memref<1x1x64xf32, #tpu.memory_space<hbm>> -> memref<64xf32, #tpu.memory_space<hbm>>
      %dma_start3A_402 = tpu.memref_slice %arg10[%rem3A_76] : memref<16x!tpu.dma_semaphore, #tpu.memory_space<semaphore_mem>> -> memref<1x!tpu.dma_semaphore, #tpu.memory_space<semaphore_mem>>
      %dma_start3A_403 = tpu.memref_squeeze %dma_start3A_402 : memref<1x!tpu.dma_semaphore, #tpu.memory_space<semaphore_mem>> -> memref<!tpu.dma_semaphore, #tpu.memory_space<semaphore_mem>>
      %dma_start3A_404 = arith.constant 64 : i32
      %dma_start3A_405 = tpu.memref_slice %arg8[%scan3A_53, %dma_start3A_395, %dma_start3A_404] : memref<32x8x128xf32, #tpu.memory_space<vmem>> -> memref<1x1x64xf32, #tpu.memory_space<vmem>>
      %dma_start3A_406 = tpu.memref_squeeze %dma_start3A_405 : memref<1x1x64xf32, #tpu.memory_space<vmem>> -> memref<64xf32, #tpu.memory_space<vmem>>
      %dma_start3A_407 = arith.constant 0 : i32
      %dma_start3A_408 = tpu.memref_slice %arg4[%shift_right_arithmetic3A_392, %and3A_394, %dma_start3A_407] : memref<12500x8x64xf32, #tpu.memory_space<hbm>> -> memref<1x1x64xf32, #tpu.memory_space<hbm>>
      %dma_start3A_409 = tpu.memref_squeeze %dma_start3A_408 : memref<1x1x64xf32, #tpu.memory_space<hbm>> -> memref<64xf32, #tpu.memory_space<hbm>>
      tpu.enqueue_dma source(%dma_start3A_409 : memref<64xf32, #tpu.memory_space<hbm>>) target(%dma_start3A_406 : memref<64xf32, #tpu.memory_space<vmem>>) target_semaphore(%dma_start3A_403 : memref<!tpu.dma_semaphore, #tpu.memory_space<semaphore_mem>>)
      %sub3A_410 = arith.constant 16 : i32
      %sub3A_411 = arith.subi %scan3A_53, %sub3A_410 : i32
      %mul3A_412 = arith.constant 2 : i32
      %mul3A_413 = arith.muli %mul3A_412, %sub3A_411 : i32
      %add3A_414 = arith.constant 0 : i32
      %add3A_415 = arith.addi %mul3A_413, %add3A_414 : i32
      %get3A_416 = arith.constant 0 : i32
      %get3A_417 = arith.index_cast %add3A_415 : i32 to index
      %get3A_418 = arith.index_cast %get3A_416 : i32 to index
      %get3A_419 = arith.constant 0 : index
      %get3A_420 = tpu.vector_load %arg7[%get3A_417, %get3A_418, %get3A_419] {strides = array<i32>} : memref<64x8x64xf32, #tpu.memory_space<vmem>>, vector<1x1x16xf32>,
      %get3A_421 = vector.shape_cast %get3A_420 : vector<1x1x16xf32> to vector<16xf32>
      %get3A_422 = arith.constant 0 : i32
      %get3A_423 = arith.index_cast %sub3A_411 : i32 to index
      %get3A_424 = arith.index_cast %get3A_422 : i32 to index
      %get3A_425 = arith.constant 0 : index
      %get3A_426 = tpu.vector_load %arg8[%get3A_423, %get3A_424, %get3A_425] {strides = array<i32>} : memref<32x8x128xf32, #tpu.memory_space<vmem>>, vector<1x1x16xf32>,
      %get3A_427 = vector.shape_cast %get3A_426 : vector<1x1x16xf32> to vector<16xf32>
      %sub3A_428 = arith.subf %get3A_421, %get3A_427 : vector<16xf32>
      %mul3A_429 = arith.mulf %sub3A_428, %sub3A_428 : vector<16xf32>
      %add3A_430 = arith.addf %scan3A_54, %mul3A_429 : vector<16xf32>
      %get3A_431 = arith.constant 0 : i32
      %get3A_432 = arith.index_cast %add3A_415 : i32 to index
      %get3A_433 = arith.index_cast %get3A_431 : i32 to index
      %get3A_434 = arith.constant 16 : index
      %get3A_435 = tpu.vector_load %arg7[%get3A_432, %get3A_433, %get3A_434] {strides = array<i32>} : memref<64x8x64xf32, #tpu.memory_space<vmem>>, vector<1x1x16xf32>,
      %get3A_436 = vector.shape_cast %get3A_435 : vector<1x1x16xf32> to vector<16xf32>
      %get3A_437 = arith.constant 0 : i32
      %get3A_438 = arith.index_cast %sub3A_411 : i32 to index
      %get3A_439 = arith.index_cast %get3A_437 : i32 to index
      %get3A_440 = arith.constant 16 : index
      %get3A_441 = tpu.vector_load %arg8[%get3A_438, %get3A_439, %get3A_440] {strides = array<i32>} : memref<32x8x128xf32, #tpu.memory_space<vmem>>, vector<1x1x16xf32>,
      %get3A_442 = vector.shape_cast %get3A_441 : vector<1x1x16xf32> to vector<16xf32>
      %sub3A_443 = arith.subf %get3A_436, %get3A_442 : vector<16xf32>
      %mul3A_444 = arith.mulf %sub3A_443, %sub3A_443 : vector<16xf32>
      %add3A_445 = arith.addf %add3A_430, %mul3A_444 : vector<16xf32>
      %get3A_446 = arith.constant 0 : i32
      %get3A_447 = arith.index_cast %add3A_415 : i32 to index
      %get3A_448 = arith.index_cast %get3A_446 : i32 to index
      %get3A_449 = arith.constant 32 : index
      %get3A_450 = tpu.vector_load %arg7[%get3A_447, %get3A_448, %get3A_449] {strides = array<i32>} : memref<64x8x64xf32, #tpu.memory_space<vmem>>, vector<1x1x16xf32>,
      %get3A_451 = vector.shape_cast %get3A_450 : vector<1x1x16xf32> to vector<16xf32>
      %get3A_452 = arith.constant 0 : i32
      %get3A_453 = arith.index_cast %sub3A_411 : i32 to index
      %get3A_454 = arith.index_cast %get3A_452 : i32 to index
      %get3A_455 = arith.constant 32 : index
      %get3A_456 = tpu.vector_load %arg8[%get3A_453, %get3A_454, %get3A_455] {strides = array<i32>} : memref<32x8x128xf32, #tpu.memory_space<vmem>>, vector<1x1x16xf32>,
      %get3A_457 = vector.shape_cast %get3A_456 : vector<1x1x16xf32> to vector<16xf32>
      %sub3A_458 = arith.subf %get3A_451, %get3A_457 : vector<16xf32>
      %mul3A_459 = arith.mulf %sub3A_458, %sub3A_458 : vector<16xf32>
      %add3A_460 = arith.addf %add3A_445, %mul3A_459 : vector<16xf32>
      %get3A_461 = arith.constant 0 : i32
      %get3A_462 = arith.index_cast %add3A_415 : i32 to index
      %get3A_463 = arith.index_cast %get3A_461 : i32 to index
      %get3A_464 = arith.constant 48 : index
      %get3A_465 = tpu.vector_load %arg7[%get3A_462, %get3A_463, %get3A_464] {strides = array<i32>} : memref<64x8x64xf32, #tpu.memory_space<vmem>>, vector<1x1x16xf32>,
      %get3A_466 = vector.shape_cast %get3A_465 : vector<1x1x16xf32> to vector<16xf32>
      %get3A_467 = arith.constant 0 : i32
      %get3A_468 = arith.index_cast %sub3A_411 : i32 to index
      %get3A_469 = arith.index_cast %get3A_467 : i32 to index
      %get3A_470 = arith.constant 48 : index
      %get3A_471 = tpu.vector_load %arg8[%get3A_468, %get3A_469, %get3A_470] {strides = array<i32>} : memref<32x8x128xf32, #tpu.memory_space<vmem>>, vector<1x1x16xf32>,
      %get3A_472 = vector.shape_cast %get3A_471 : vector<1x1x16xf32> to vector<16xf32>
      %sub3A_473 = arith.subf %get3A_466, %get3A_472 : vector<16xf32>
      %mul3A_474 = arith.mulf %sub3A_473, %sub3A_473 : vector<16xf32>
      %add3A_475 = arith.addf %add3A_460, %mul3A_474 : vector<16xf32>
      %mul3A_476 = arith.constant 2 : i32
      %mul3A_477 = arith.muli %mul3A_476, %sub3A_411 : i32
      %add3A_478 = arith.constant 0 : i32
      %add3A_479 = arith.addi %mul3A_477, %add3A_478 : i32
      %get3A_480 = arith.constant 1 : i32
      %get3A_481 = arith.index_cast %add3A_479 : i32 to index
      %get3A_482 = arith.index_cast %get3A_480 : i32 to index
      %get3A_483 = arith.constant 0 : index
      %get3A_484 = tpu.vector_load %arg7[%get3A_481, %get3A_482, %get3A_483] {strides = array<i32>} : memref<64x8x64xf32, #tpu.memory_space<vmem>>, vector<1x1x16xf32>,
      %get3A_485 = vector.shape_cast %get3A_484 : vector<1x1x16xf32> to vector<16xf32>
      %get3A_486 = arith.constant 0 : i32
      %get3A_487 = arith.index_cast %sub3A_411 : i32 to index
      %get3A_488 = arith.index_cast %get3A_486 : i32 to index
      %get3A_489 = arith.constant 64 : index
      %get3A_490 = tpu.vector_load %arg8[%get3A_487, %get3A_488, %get3A_489] {strides = array<i32>} : memref<32x8x128xf32, #tpu.memory_space<vmem>>, vector<1x1x16xf32>,
      %get3A_491 = vector.shape_cast %get3A_490 : vector<1x1x16xf32> to vector<16xf32>
      %sub3A_492 = arith.subf %get3A_485, %get3A_491 : vector<16xf32>
      %mul3A_493 = arith.mulf %sub3A_492, %sub3A_492 : vector<16xf32>
      %add3A_494 = arith.addf %add3A_475, %mul3A_493 : vector<16xf32>
      %get3A_495 = arith.constant 1 : i32
      %get3A_496 = arith.index_cast %add3A_479 : i32 to index
      %get3A_497 = arith.index_cast %get3A_495 : i32 to index
      %get3A_498 = arith.constant 16 : index
      %get3A_499 = tpu.vector_load %arg7[%get3A_496, %get3A_497, %get3A_498] {strides = array<i32>} : memref<64x8x64xf32, #tpu.memory_space<vmem>>, vector<1x1x16xf32>,
      %get3A_500 = vector.shape_cast %get3A_499 : vector<1x1x16xf32> to vector<16xf32>
      %get3A_501 = arith.constant 0 : i32
      %get3A_502 = arith.index_cast %sub3A_411 : i32 to index
      %get3A_503 = arith.index_cast %get3A_501 : i32 to index
      %get3A_504 = arith.constant 80 : index
      %get3A_505 = tpu.vector_load %arg8[%get3A_502, %get3A_503, %get3A_504] {strides = array<i32>} : memref<32x8x128xf32, #tpu.memory_space<vmem>>, vector<1x1x16xf32>,
      %get3A_506 = vector.shape_cast %get3A_505 : vector<1x1x16xf32> to vector<16xf32>
      %sub3A_507 = arith.subf %get3A_500, %get3A_506 : vector<16xf32>
      %mul3A_508 = arith.mulf %sub3A_507, %sub3A_507 : vector<16xf32>
      %add3A_509 = arith.addf %add3A_494, %mul3A_508 : vector<16xf32>
      %get3A_510 = arith.constant 1 : i32
      %get3A_511 = arith.index_cast %add3A_479 : i32 to index
      %get3A_512 = arith.index_cast %get3A_510 : i32 to index
      %get3A_513 = arith.constant 32 : index
      %get3A_514 = tpu.vector_load %arg7[%get3A_511, %get3A_512, %get3A_513] {strides = array<i32>} : memref<64x8x64xf32, #tpu.memory_space<vmem>>, vector<1x1x16xf32>,
      %get3A_515 = vector.shape_cast %get3A_514 : vector<1x1x16xf32> to vector<16xf32>
      %get3A_516 = arith.constant 0 : i32
      %get3A_517 = arith.index_cast %sub3A_411 : i32 to index
      %get3A_518 = arith.index_cast %get3A_516 : i32 to index
      %get3A_519 = arith.constant 96 : index
      %get3A_520 = tpu.vector_load %arg8[%get3A_517, %get3A_518, %get3A_519] {strides = array<i32>} : memref<32x8x128xf32, #tpu.memory_space<vmem>>, vector<1x1x16xf32>,
      %get3A_521 = vector.shape_cast %get3A_520 : vector<1x1x16xf32> to vector<16xf32>
      %sub3A_522 = arith.subf %get3A_515, %get3A_521 : vector<16xf32>
      %mul3A_523 = arith.mulf %sub3A_522, %sub3A_522 : vector<16xf32>
      %add3A_524 = arith.addf %add3A_509, %mul3A_523 : vector<16xf32>
      %get3A_525 = arith.constant 1 : i32
      %get3A_526 = arith.index_cast %add3A_479 : i32 to index
      %get3A_527 = arith.index_cast %get3A_525 : i32 to index
      %get3A_528 = arith.constant 48 : index
      %get3A_529 = tpu.vector_load %arg7[%get3A_526, %get3A_527, %get3A_528] {strides = array<i32>} : memref<64x8x64xf32, #tpu.memory_space<vmem>>, vector<1x1x16xf32>,
      %get3A_530 = vector.shape_cast %get3A_529 : vector<1x1x16xf32> to vector<16xf32>
      %get3A_531 = arith.constant 0 : i32
      %get3A_532 = arith.index_cast %sub3A_411 : i32 to index
      %get3A_533 = arith.index_cast %get3A_531 : i32 to index
      %get3A_534 = arith.constant 112 : index
      %get3A_535 = tpu.vector_load %arg8[%get3A_532, %get3A_533, %get3A_534] {strides = array<i32>} : memref<32x8x128xf32, #tpu.memory_space<vmem>>, vector<1x1x16xf32>,
      %get3A_536 = vector.shape_cast %get3A_535 : vector<1x1x16xf32> to vector<16xf32>
      %sub3A_537 = arith.subf %get3A_530, %get3A_536 : vector<16xf32>
      %mul3A_538 = arith.mulf %sub3A_537, %sub3A_537 : vector<16xf32>
      %add3A_539 = arith.addf %add3A_524, %mul3A_538 : vector<16xf32>
      %mul3A_540 = arith.constant 2 : i32
      %mul3A_541 = arith.muli %mul3A_540, %sub3A_411 : i32
      %add3A_542 = arith.constant 0 : i32
      %add3A_543 = arith.addi %mul3A_541, %add3A_542 : i32
      %get3A_544 = arith.constant 2 : i32
      %get3A_545 = arith.index_cast %add3A_543 : i32 to index
      %get3A_546 = arith.index_cast %get3A_544 : i32 to index
      %get3A_547 = arith.constant 0 : index
      %get3A_548 = tpu.vector_load %arg7[%get3A_545, %get3A_546, %get3A_547] {strides = array<i32>} : memref<64x8x64xf32, #tpu.memory_space<vmem>>, vector<1x1x16xf32>,
      %get3A_549 = vector.shape_cast %get3A_548 : vector<1x1x16xf32> to vector<16xf32>
      %get3A_550 = arith.constant 1 : i32
      %get3A_551 = arith.index_cast %sub3A_411 : i32 to index
      %get3A_552 = arith.index_cast %get3A_550 : i32 to index
      %get3A_553 = arith.constant 0 : index
      %get3A_554 = tpu.vector_load %arg8[%get3A_551, %get3A_552, %get3A_553] {strides = array<i32>} : memref<32x8x128xf32, #tpu.memory_space<vmem>>, vector<1x1x16xf32>,
      %get3A_555 = vector.shape_cast %get3A_554 : vector<1x1x16xf32> to vector<16xf32>
      %sub3A_556 = arith.subf %get3A_549, %get3A_555 : vector<16xf32>
      %mul3A_557 = arith.mulf %sub3A_556, %sub3A_556 : vector<16xf32>
      %add3A_558 = arith.addf %add3A_539, %mul3A_557 : vector<16xf32>
      %get3A_559 = arith.constant 2 : i32
      %get3A_560 = arith.index_cast %add3A_543 : i32 to index
      %get3A_561 = arith.index_cast %get3A_559 : i32 to index
      %get3A_562 = arith.constant 16 : index
      %get3A_563 = tpu.vector_load %arg7[%get3A_560, %get3A_561, %get3A_562] {strides = array<i32>} : memref<64x8x64xf32, #tpu.memory_space<vmem>>, vector<1x1x16xf32>,
      %get3A_564 = vector.shape_cast %get3A_563 : vector<1x1x16xf32> to vector<16xf32>
      %get3A_565 = arith.constant 1 : i32
      %get3A_566 = arith.index_cast %sub3A_411 : i32 to index
      %get3A_567 = arith.index_cast %get3A_565 : i32 to index
      %get3A_568 = arith.constant 16 : index
      %get3A_569 = tpu.vector_load %arg8[%get3A_566, %get3A_567, %get3A_568] {strides = array<i32>} : memref<32x8x128xf32, #tpu.memory_space<vmem>>, vector<1x1x16xf32>,
      %get3A_570 = vector.shape_cast %get3A_569 : vector<1x1x16xf32> to vector<16xf32>
      %sub3A_571 = arith.subf %get3A_564, %get3A_570 : vector<16xf32>
      %mul3A_572 = arith.mulf %sub3A_571, %sub3A_571 : vector<16xf32>
      %add3A_573 = arith.addf %add3A_558, %mul3A_572 : vector<16xf32>
      %get3A_574 = arith.constant 2 : i32
      %get3A_575 = arith.index_cast %add3A_543 : i32 to index
      %get3A_576 = arith.index_cast %get3A_574 : i32 to index
      %get3A_577 = arith.constant 32 : index
      %get3A_578 = tpu.vector_load %arg7[%get3A_575, %get3A_576, %get3A_577] {strides = array<i32>} : memref<64x8x64xf32, #tpu.memory_space<vmem>>, vector<1x1x16xf32>,
      %get3A_579 = vector.shape_cast %get3A_578 : vector<1x1x16xf32> to vector<16xf32>
      %get3A_580 = arith.constant 1 : i32
      %get3A_581 = arith.index_cast %sub3A_411 : i32 to index
      %get3A_582 = arith.index_cast %get3A_580 : i32 to index
      %get3A_583 = arith.constant 32 : index
      %get3A_584 = tpu.vector_load %arg8[%get3A_581, %get3A_582, %get3A_583] {strides = array<i32>} : memref<32x8x128xf32, #tpu.memory_space<vmem>>, vector<1x1x16xf32>,
      %get3A_585 = vector.shape_cast %get3A_584 : vector<1x1x16xf32> to vector<16xf32>
      %sub3A_586 = arith.subf %get3A_579, %get3A_585 : vector<16xf32>
      %mul3A_587 = arith.mulf %sub3A_586, %sub3A_586 : vector<16xf32>
      %add3A_588 = arith.addf %add3A_573, %mul3A_587 : vector<16xf32>
      %get3A_589 = arith.constant 2 : i32
      %get3A_590 = arith.index_cast %add3A_543 : i32 to index
      %get3A_591 = arith.index_cast %get3A_589 : i32 to index
      %get3A_592 = arith.constant 48 : index
      %get3A_593 = tpu.vector_load %arg7[%get3A_590, %get3A_591, %get3A_592] {strides = array<i32>} : memref<64x8x64xf32, #tpu.memory_space<vmem>>, vector<1x1x16xf32>,
      %get3A_594 = vector.shape_cast %get3A_593 : vector<1x1x16xf32> to vector<16xf32>
      %get3A_595 = arith.constant 1 : i32
      %get3A_596 = arith.index_cast %sub3A_411 : i32 to index
      %get3A_597 = arith.index_cast %get3A_595 : i32 to index
      %get3A_598 = arith.constant 48 : index
      %get3A_599 = tpu.vector_load %arg8[%get3A_596, %get3A_597, %get3A_598] {strides = array<i32>} : memref<32x8x128xf32, #tpu.memory_space<vmem>>, vector<1x1x16xf32>,
      %get3A_600 = vector.shape_cast %get3A_599 : vector<1x1x16xf32> to vector<16xf32>
      %sub3A_601 = arith.subf %get3A_594, %get3A_600 : vector<16xf32>
      %mul3A_602 = arith.mulf %sub3A_601, %sub3A_601 : vector<16xf32>
      %add3A_603 = arith.addf %add3A_588, %mul3A_602 : vector<16xf32>
      %mul3A_604 = arith.constant 2 : i32
      %mul3A_605 = arith.muli %mul3A_604, %sub3A_411 : i32
      %add3A_606 = arith.constant 0 : i32
      %add3A_607 = arith.addi %mul3A_605, %add3A_606 : i32
      %get3A_608 = arith.constant 3 : i32
      %get3A_609 = arith.index_cast %add3A_607 : i32 to index
      %get3A_610 = arith.index_cast %get3A_608 : i32 to index
      %get3A_611 = arith.constant 0 : index
      %get3A_612 = tpu.vector_load %arg7[%get3A_609, %get3A_610, %get3A_611] {strides = array<i32>} : memref<64x8x64xf32, #tpu.memory_space<vmem>>, vector<1x1x16xf32>,
      %get3A_613 = vector.shape_cast %get3A_612 : vector<1x1x16xf32> to vector<16xf32>
      %get3A_614 = arith.constant 1 : i32
      %get3A_615 = arith.index_cast %sub3A_411 : i32 to index
      %get3A_616 = arith.index_cast %get3A_614 : i32 to index
      %get3A_617 = arith.constant 64 : index
      %get3A_618 = tpu.vector_load %arg8[%get3A_615, %get3A_616, %get3A_617] {strides = array<i32>} : memref<32x8x128xf32, #tpu.memory_space<vmem>>, vector<1x1x16xf32>,
      %get3A_619 = vector.shape_cast %get3A_618 : vector<1x1x16xf32> to vector<16xf32>
      %sub3A_620 = arith.subf %get3A_613, %get3A_619 : vector<16xf32>
      %mul3A_621 = arith.mulf %sub3A_620, %sub3A_620 : vector<16xf32>
      %add3A_622 = arith.addf %add3A_603, %mul3A_621 : vector<16xf32>
      %get3A_623 = arith.constant 3 : i32
      %get3A_624 = arith.index_cast %add3A_607 : i32 to index
      %get3A_625 = arith.index_cast %get3A_623 : i32 to index
      %get3A_626 = arith.constant 16 : index
      %get3A_627 = tpu.vector_load %arg7[%get3A_624, %get3A_625, %get3A_626] {strides = array<i32>} : memref<64x8x64xf32, #tpu.memory_space<vmem>>, vector<1x1x16xf32>,
      %get3A_628 = vector.shape_cast %get3A_627 : vector<1x1x16xf32> to vector<16xf32>
      %get3A_629 = arith.constant 1 : i32
      %get3A_630 = arith.index_cast %sub3A_411 : i32 to index
      %get3A_631 = arith.index_cast %get3A_629 : i32 to index
      %get3A_632 = arith.constant 80 : index
      %get3A_633 = tpu.vector_load %arg8[%get3A_630, %get3A_631, %get3A_632] {strides = array<i32>} : memref<32x8x128xf32, #tpu.memory_space<vmem>>, vector<1x1x16xf32>,
      %get3A_634 = vector.shape_cast %get3A_633 : vector<1x1x16xf32> to vector<16xf32>
      %sub3A_635 = arith.subf %get3A_628, %get3A_634 : vector<16xf32>
      %mul3A_636 = arith.mulf %sub3A_635, %sub3A_635 : vector<16xf32>
      %add3A_637 = arith.addf %add3A_622, %mul3A_636 : vector<16xf32>
      %get3A_638 = arith.constant 3 : i32
      %get3A_639 = arith.index_cast %add3A_607 : i32 to index
      %get3A_640 = arith.index_cast %get3A_638 : i32 to index
      %get3A_641 = arith.constant 32 : index
      %get3A_642 = tpu.vector_load %arg7[%get3A_639, %get3A_640, %get3A_641] {strides = array<i32>} : memref<64x8x64xf32, #tpu.memory_space<vmem>>, vector<1x1x16xf32>,
      %get3A_643 = vector.shape_cast %get3A_642 : vector<1x1x16xf32> to vector<16xf32>
      %get3A_644 = arith.constant 1 : i32
      %get3A_645 = arith.index_cast %sub3A_411 : i32 to index
      %get3A_646 = arith.index_cast %get3A_644 : i32 to index
      %get3A_647 = arith.constant 96 : index
      %get3A_648 = tpu.vector_load %arg8[%get3A_645, %get3A_646, %get3A_647] {strides = array<i32>} : memref<32x8x128xf32, #tpu.memory_space<vmem>>, vector<1x1x16xf32>,
      %get3A_649 = vector.shape_cast %get3A_648 : vector<1x1x16xf32> to vector<16xf32>
      %sub3A_650 = arith.subf %get3A_643, %get3A_649 : vector<16xf32>
      %mul3A_651 = arith.mulf %sub3A_650, %sub3A_650 : vector<16xf32>
      %add3A_652 = arith.addf %add3A_637, %mul3A_651 : vector<16xf32>
      %get3A_653 = arith.constant 3 : i32
      %get3A_654 = arith.index_cast %add3A_607 : i32 to index
      %get3A_655 = arith.index_cast %get3A_653 : i32 to index
      %get3A_656 = arith.constant 48 : index
      %get3A_657 = tpu.vector_load %arg7[%get3A_654, %get3A_655, %get3A_656] {strides = array<i32>} : memref<64x8x64xf32, #tpu.memory_space<vmem>>, vector<1x1x16xf32>,
      %get3A_658 = vector.shape_cast %get3A_657 : vector<1x1x16xf32> to vector<16xf32>
      %get3A_659 = arith.constant 1 : i32
      %get3A_660 = arith.index_cast %sub3A_411 : i32 to index
      %get3A_661 = arith.index_cast %get3A_659 : i32 to index
      %get3A_662 = arith.constant 112 : index
      %get3A_663 = tpu.vector_load %arg8[%get3A_660, %get3A_661, %get3A_662] {strides = array<i32>} : memref<32x8x128xf32, #tpu.memory_space<vmem>>, vector<1x1x16xf32>,
      %get3A_664 = vector.shape_cast %get3A_663 : vector<1x1x16xf32> to vector<16xf32>
      %sub3A_665 = arith.subf %get3A_658, %get3A_664 : vector<16xf32>
      %mul3A_666 = arith.mulf %sub3A_665, %sub3A_665 : vector<16xf32>
      %add3A_667 = arith.addf %add3A_652, %mul3A_666 : vector<16xf32>
      %mul3A_668 = arith.constant 2 : i32
      %mul3A_669 = arith.muli %mul3A_668, %sub3A_411 : i32
      %add3A_670 = arith.constant 0 : i32
      %add3A_671 = arith.addi %mul3A_669, %add3A_670 : i32
      %get3A_672 = arith.constant 4 : i32
      %get3A_673 = arith.index_cast %add3A_671 : i32 to index
      %get3A_674 = arith.index_cast %get3A_672 : i32 to index
      %get3A_675 = arith.constant 0 : index
      %get3A_676 = tpu.vector_load %arg7[%get3A_673, %get3A_674, %get3A_675] {strides = array<i32>} : memref<64x8x64xf32, #tpu.memory_space<vmem>>, vector<1x1x16xf32>,
      %get3A_677 = vector.shape_cast %get3A_676 : vector<1x1x16xf32> to vector<16xf32>
      %get3A_678 = arith.constant 2 : i32
      %get3A_679 = arith.index_cast %sub3A_411 : i32 to index
      %get3A_680 = arith.index_cast %get3A_678 : i32 to index
      %get3A_681 = arith.constant 0 : index
      %get3A_682 = tpu.vector_load %arg8[%get3A_679, %get3A_680, %get3A_681] {strides = array<i32>} : memref<32x8x128xf32, #tpu.memory_space<vmem>>, vector<1x1x16xf32>,
      %get3A_683 = vector.shape_cast %get3A_682 : vector<1x1x16xf32> to vector<16xf32>
      %sub3A_684 = arith.subf %get3A_677, %get3A_683 : vector<16xf32>
      %mul3A_685 = arith.mulf %sub3A_684, %sub3A_684 : vector<16xf32>
      %add3A_686 = arith.addf %add3A_667, %mul3A_685 : vector<16xf32>
      %get3A_687 = arith.constant 4 : i32
      %get3A_688 = arith.index_cast %add3A_671 : i32 to index
      %get3A_689 = arith.index_cast %get3A_687 : i32 to index
      %get3A_690 = arith.constant 16 : index
      %get3A_691 = tpu.vector_load %arg7[%get3A_688, %get3A_689, %get3A_690] {strides = array<i32>} : memref<64x8x64xf32, #tpu.memory_space<vmem>>, vector<1x1x16xf32>,
      %get3A_692 = vector.shape_cast %get3A_691 : vector<1x1x16xf32> to vector<16xf32>
      %get3A_693 = arith.constant 2 : i32
      %get3A_694 = arith.index_cast %sub3A_411 : i32 to index
      %get3A_695 = arith.index_cast %get3A_693 : i32 to index
      %get3A_696 = arith.constant 16 : index
      %get3A_697 = tpu.vector_load %arg8[%get3A_694, %get3A_695, %get3A_696] {strides = array<i32>} : memref<32x8x128xf32, #tpu.memory_space<vmem>>, vector<1x1x16xf32>,
      %get3A_698 = vector.shape_cast %get3A_697 : vector<1x1x16xf32> to vector<16xf32>
      %sub3A_699 = arith.subf %get3A_692, %get3A_698 : vector<16xf32>
      %mul3A_700 = arith.mulf %sub3A_699, %sub3A_699 : vector<16xf32>
      %add3A_701 = arith.addf %add3A_686, %mul3A_700 : vector<16xf32>
      %get3A_702 = arith.constant 4 : i32
      %get3A_703 = arith.index_cast %add3A_671 : i32 to index
      %get3A_704 = arith.index_cast %get3A_702 : i32 to index
      %get3A_705 = arith.constant 32 : index
      %get3A_706 = tpu.vector_load %arg7[%get3A_703, %get3A_704, %get3A_705] {strides = array<i32>} : memref<64x8x64xf32, #tpu.memory_space<vmem>>, vector<1x1x16xf32>,
      %get3A_707 = vector.shape_cast %get3A_706 : vector<1x1x16xf32> to vector<16xf32>
      %get3A_708 = arith.constant 2 : i32
      %get3A_709 = arith.index_cast %sub3A_411 : i32 to index
      %get3A_710 = arith.index_cast %get3A_708 : i32 to index
      %get3A_711 = arith.constant 32 : index
      %get3A_712 = tpu.vector_load %arg8[%get3A_709, %get3A_710, %get3A_711] {strides = array<i32>} : memref<32x8x128xf32, #tpu.memory_space<vmem>>, vector<1x1x16xf32>,
      %get3A_713 = vector.shape_cast %get3A_712 : vector<1x1x16xf32> to vector<16xf32>
      %sub3A_714 = arith.subf %get3A_707, %get3A_713 : vector<16xf32>
      %mul3A_715 = arith.mulf %sub3A_714, %sub3A_714 : vector<16xf32>
      %add3A_716 = arith.addf %add3A_701, %mul3A_715 : vector<16xf32>
      %get3A_717 = arith.constant 4 : i32
      %get3A_718 = arith.index_cast %add3A_671 : i32 to index
      %get3A_719 = arith.index_cast %get3A_717 : i32 to index
      %get3A_720 = arith.constant 48 : index
      %get3A_721 = tpu.vector_load %arg7[%get3A_718, %get3A_719, %get3A_720] {strides = array<i32>} : memref<64x8x64xf32, #tpu.memory_space<vmem>>, vector<1x1x16xf32>,
      %get3A_722 = vector.shape_cast %get3A_721 : vector<1x1x16xf32> to vector<16xf32>
      %get3A_723 = arith.constant 2 : i32
      %get3A_724 = arith.index_cast %sub3A_411 : i32 to index
      %get3A_725 = arith.index_cast %get3A_723 : i32 to index
      %get3A_726 = arith.constant 48 : index
      %get3A_727 = tpu.vector_load %arg8[%get3A_724, %get3A_725, %get3A_726] {strides = array<i32>} : memref<32x8x128xf32, #tpu.memory_space<vmem>>, vector<1x1x16xf32>,
      %get3A_728 = vector.shape_cast %get3A_727 : vector<1x1x16xf32> to vector<16xf32>
      %sub3A_729 = arith.subf %get3A_722, %get3A_728 : vector<16xf32>
      %mul3A_730 = arith.mulf %sub3A_729, %sub3A_729 : vector<16xf32>
      %add3A_731 = arith.addf %add3A_716, %mul3A_730 : vector<16xf32>
      %mul3A_732 = arith.constant 2 : i32
      %mul3A_733 = arith.muli %mul3A_732, %sub3A_411 : i32
      %add3A_734 = arith.constant 0 : i32
      %add3A_735 = arith.addi %mul3A_733, %add3A_734 : i32
      %get3A_736 = arith.constant 5 : i32
      %get3A_737 = arith.index_cast %add3A_735 : i32 to index
      %get3A_738 = arith.index_cast %get3A_736 : i32 to index
      %get3A_739 = arith.constant 0 : index
      %get3A_740 = tpu.vector_load %arg7[%get3A_737, %get3A_738, %get3A_739] {strides = array<i32>} : memref<64x8x64xf32, #tpu.memory_space<vmem>>, vector<1x1x16xf32>,
      %get3A_741 = vector.shape_cast %get3A_740 : vector<1x1x16xf32> to vector<16xf32>
      %get3A_742 = arith.constant 2 : i32
      %get3A_743 = arith.index_cast %sub3A_411 : i32 to index
      %get3A_744 = arith.index_cast %get3A_742 : i32 to index
      %get3A_745 = arith.constant 64 : index
      %get3A_746 = tpu.vector_load %arg8[%get3A_743, %get3A_744, %get3A_745] {strides = array<i32>} : memref<32x8x128xf32, #tpu.memory_space<vmem>>, vector<1x1x16xf32>,
      %get3A_747 = vector.shape_cast %get3A_746 : vector<1x1x16xf32> to vector<16xf32>
      %sub3A_748 = arith.subf %get3A_741, %get3A_747 : vector<16xf32>
      %mul3A_749 = arith.mulf %sub3A_748, %sub3A_748 : vector<16xf32>
      %add3A_750 = arith.addf %add3A_731, %mul3A_749 : vector<16xf32>
      %get3A_751 = arith.constant 5 : i32
      %get3A_752 = arith.index_cast %add3A_735 : i32 to index
      %get3A_753 = arith.index_cast %get3A_751 : i32 to index
      %get3A_754 = arith.constant 16 : index
      %get3A_755 = tpu.vector_load %arg7[%get3A_752, %get3A_753, %get3A_754] {strides = array<i32>} : memref<64x8x64xf32, #tpu.memory_space<vmem>>, vector<1x1x16xf32>,
      %get3A_756 = vector.shape_cast %get3A_755 : vector<1x1x16xf32> to vector<16xf32>
      %get3A_757 = arith.constant 2 : i32
      %get3A_758 = arith.index_cast %sub3A_411 : i32 to index
      %get3A_759 = arith.index_cast %get3A_757 : i32 to index
      %get3A_760 = arith.constant 80 : index
      %get3A_761 = tpu.vector_load %arg8[%get3A_758, %get3A_759, %get3A_760] {strides = array<i32>} : memref<32x8x128xf32, #tpu.memory_space<vmem>>, vector<1x1x16xf32>,
      %get3A_762 = vector.shape_cast %get3A_761 : vector<1x1x16xf32> to vector<16xf32>
      %sub3A_763 = arith.subf %get3A_756, %get3A_762 : vector<16xf32>
      %mul3A_764 = arith.mulf %sub3A_763, %sub3A_763 : vector<16xf32>
      %add3A_765 = arith.addf %add3A_750, %mul3A_764 : vector<16xf32>
      %get3A_766 = arith.constant 5 : i32
      %get3A_767 = arith.index_cast %add3A_735 : i32 to index
      %get3A_768 = arith.index_cast %get3A_766 : i32 to index
      %get3A_769 = arith.constant 32 : index
      %get3A_770 = tpu.vector_load %arg7[%get3A_767, %get3A_768, %get3A_769] {strides = array<i32>} : memref<64x8x64xf32, #tpu.memory_space<vmem>>, vector<1x1x16xf32>,
      %get3A_771 = vector.shape_cast %get3A_770 : vector<1x1x16xf32> to vector<16xf32>
      %get3A_772 = arith.constant 2 : i32
      %get3A_773 = arith.index_cast %sub3A_411 : i32 to index
      %get3A_774 = arith.index_cast %get3A_772 : i32 to index
      %get3A_775 = arith.constant 96 : index
      %get3A_776 = tpu.vector_load %arg8[%get3A_773, %get3A_774, %get3A_775] {strides = array<i32>} : memref<32x8x128xf32, #tpu.memory_space<vmem>>, vector<1x1x16xf32>,
      %get3A_777 = vector.shape_cast %get3A_776 : vector<1x1x16xf32> to vector<16xf32>
      %sub3A_778 = arith.subf %get3A_771, %get3A_777 : vector<16xf32>
      %mul3A_779 = arith.mulf %sub3A_778, %sub3A_778 : vector<16xf32>
      %add3A_780 = arith.addf %add3A_765, %mul3A_779 : vector<16xf32>
      %get3A_781 = arith.constant 5 : i32
      %get3A_782 = arith.index_cast %add3A_735 : i32 to index
      %get3A_783 = arith.index_cast %get3A_781 : i32 to index
      %get3A_784 = arith.constant 48 : index
      %get3A_785 = tpu.vector_load %arg7[%get3A_782, %get3A_783, %get3A_784] {strides = array<i32>} : memref<64x8x64xf32, #tpu.memory_space<vmem>>, vector<1x1x16xf32>,
      %get3A_786 = vector.shape_cast %get3A_785 : vector<1x1x16xf32> to vector<16xf32>
      %get3A_787 = arith.constant 2 : i32
      %get3A_788 = arith.index_cast %sub3A_411 : i32 to index
      %get3A_789 = arith.index_cast %get3A_787 : i32 to index
      %get3A_790 = arith.constant 112 : index
      %get3A_791 = tpu.vector_load %arg8[%get3A_788, %get3A_789, %get3A_790] {strides = array<i32>} : memref<32x8x128xf32, #tpu.memory_space<vmem>>, vector<1x1x16xf32>,
      %get3A_792 = vector.shape_cast %get3A_791 : vector<1x1x16xf32> to vector<16xf32>
      %sub3A_793 = arith.subf %get3A_786, %get3A_792 : vector<16xf32>
      %mul3A_794 = arith.mulf %sub3A_793, %sub3A_793 : vector<16xf32>
      %add3A_795 = arith.addf %add3A_780, %mul3A_794 : vector<16xf32>
      %mul3A_796 = arith.constant 2 : i32
      %mul3A_797 = arith.muli %mul3A_796, %sub3A_411 : i32
      %add3A_798 = arith.constant 0 : i32
      %add3A_799 = arith.addi %mul3A_797, %add3A_798 : i32
      %get3A_800 = arith.constant 6 : i32
      %get3A_801 = arith.index_cast %add3A_799 : i32 to index
      %get3A_802 = arith.index_cast %get3A_800 : i32 to index
      %get3A_803 = arith.constant 0 : index
      %get3A_804 = tpu.vector_load %arg7[%get3A_801, %get3A_802, %get3A_803] {strides = array<i32>} : memref<64x8x64xf32, #tpu.memory_space<vmem>>, vector<1x1x16xf32>,
      %get3A_805 = vector.shape_cast %get3A_804 : vector<1x1x16xf32> to vector<16xf32>
      %get3A_806 = arith.constant 3 : i32
      %get3A_807 = arith.index_cast %sub3A_411 : i32 to index
      %get3A_808 = arith.index_cast %get3A_806 : i32 to index
      %get3A_809 = arith.constant 0 : index
      %get3A_810 = tpu.vector_load %arg8[%get3A_807, %get3A_808, %get3A_809] {strides = array<i32>} : memref<32x8x128xf32, #tpu.memory_space<vmem>>, vector<1x1x16xf32>,
      %get3A_811 = vector.shape_cast %get3A_810 : vector<1x1x16xf32> to vector<16xf32>
      %sub3A_812 = arith.subf %get3A_805, %get3A_811 : vector<16xf32>
      %mul3A_813 = arith.mulf %sub3A_812, %sub3A_812 : vector<16xf32>
      %add3A_814 = arith.addf %add3A_795, %mul3A_813 : vector<16xf32>
      %get3A_815 = arith.constant 6 : i32
      %get3A_816 = arith.index_cast %add3A_799 : i32 to index
      %get3A_817 = arith.index_cast %get3A_815 : i32 to index
      %get3A_818 = arith.constant 16 : index
      %get3A_819 = tpu.vector_load %arg7[%get3A_816, %get3A_817, %get3A_818] {strides = array<i32>} : memref<64x8x64xf32, #tpu.memory_space<vmem>>, vector<1x1x16xf32>,
      %get3A_820 = vector.shape_cast %get3A_819 : vector<1x1x16xf32> to vector<16xf32>
      %get3A_821 = arith.constant 3 : i32
      %get3A_822 = arith.index_cast %sub3A_411 : i32 to index
      %get3A_823 = arith.index_cast %get3A_821 : i32 to index
      %get3A_824 = arith.constant 16 : index
      %get3A_825 = tpu.vector_load %arg8[%get3A_822, %get3A_823, %get3A_824] {strides = array<i32>} : memref<32x8x128xf32, #tpu.memory_space<vmem>>, vector<1x1x16xf32>,
      %get3A_826 = vector.shape_cast %get3A_825 : vector<1x1x16xf32> to vector<16xf32>
      %sub3A_827 = arith.subf %get3A_820, %get3A_826 : vector<16xf32>
      %mul3A_828 = arith.mulf %sub3A_827, %sub3A_827 : vector<16xf32>
      %add3A_829 = arith.addf %add3A_814, %mul3A_828 : vector<16xf32>
      %get3A_830 = arith.constant 6 : i32
      %get3A_831 = arith.index_cast %add3A_799 : i32 to index
      %get3A_832 = arith.index_cast %get3A_830 : i32 to index
      %get3A_833 = arith.constant 32 : index
      %get3A_834 = tpu.vector_load %arg7[%get3A_831, %get3A_832, %get3A_833] {strides = array<i32>} : memref<64x8x64xf32, #tpu.memory_space<vmem>>, vector<1x1x16xf32>,
      %get3A_835 = vector.shape_cast %get3A_834 : vector<1x1x16xf32> to vector<16xf32>
      %get3A_836 = arith.constant 3 : i32
      %get3A_837 = arith.index_cast %sub3A_411 : i32 to index
      %get3A_838 = arith.index_cast %get3A_836 : i32 to index
      %get3A_839 = arith.constant 32 : index
      %get3A_840 = tpu.vector_load %arg8[%get3A_837, %get3A_838, %get3A_839] {strides = array<i32>} : memref<32x8x128xf32, #tpu.memory_space<vmem>>, vector<1x1x16xf32>,
      %get3A_841 = vector.shape_cast %get3A_840 : vector<1x1x16xf32> to vector<16xf32>
      %sub3A_842 = arith.subf %get3A_835, %get3A_841 : vector<16xf32>
      %mul3A_843 = arith.mulf %sub3A_842, %sub3A_842 : vector<16xf32>
      %add3A_844 = arith.addf %add3A_829, %mul3A_843 : vector<16xf32>
      %get3A_845 = arith.constant 6 : i32
      %get3A_846 = arith.index_cast %add3A_799 : i32 to index
      %get3A_847 = arith.index_cast %get3A_845 : i32 to index
      %get3A_848 = arith.constant 48 : index
      %get3A_849 = tpu.vector_load %arg7[%get3A_846, %get3A_847, %get3A_848] {strides = array<i32>} : memref<64x8x64xf32, #tpu.memory_space<vmem>>, vector<1x1x16xf32>,
      %get3A_850 = vector.shape_cast %get3A_849 : vector<1x1x16xf32> to vector<16xf32>
      %get3A_851 = arith.constant 3 : i32
      %get3A_852 = arith.index_cast %sub3A_411 : i32 to index
      %get3A_853 = arith.index_cast %get3A_851 : i32 to index
      %get3A_854 = arith.constant 48 : index
      %get3A_855 = tpu.vector_load %arg8[%get3A_852, %get3A_853, %get3A_854] {strides = array<i32>} : memref<32x8x128xf32, #tpu.memory_space<vmem>>, vector<1x1x16xf32>,
      %get3A_856 = vector.shape_cast %get3A_855 : vector<1x1x16xf32> to vector<16xf32>
      %sub3A_857 = arith.subf %get3A_850, %get3A_856 : vector<16xf32>
      %mul3A_858 = arith.mulf %sub3A_857, %sub3A_857 : vector<16xf32>
      %add3A_859 = arith.addf %add3A_844, %mul3A_858 : vector<16xf32>
      %mul3A_860 = arith.constant 2 : i32
      %mul3A_861 = arith.muli %mul3A_860, %sub3A_411 : i32
      %add3A_862 = arith.constant 0 : i32
      %add3A_863 = arith.addi %mul3A_861, %add3A_862 : i32
      %get3A_864 = arith.constant 7 : i32
      %get3A_865 = arith.index_cast %add3A_863 : i32 to index
      %get3A_866 = arith.index_cast %get3A_864 : i32 to index
      %get3A_867 = arith.constant 0 : index
      %get3A_868 = tpu.vector_load %arg7[%get3A_865, %get3A_866, %get3A_867] {strides = array<i32>} : memref<64x8x64xf32, #tpu.memory_space<vmem>>, vector<1x1x16xf32>,
      %get3A_869 = vector.shape_cast %get3A_868 : vector<1x1x16xf32> to vector<16xf32>
      %get3A_870 = arith.constant 3 : i32
      %get3A_871 = arith.index_cast %sub3A_411 : i32 to index
      %get3A_872 = arith.index_cast %get3A_870 : i32 to index
      %get3A_873 = arith.constant 64 : index
      %get3A_874 = tpu.vector_load %arg8[%get3A_871, %get3A_872, %get3A_873] {strides = array<i32>} : memref<32x8x128xf32, #tpu.memory_space<vmem>>, vector<1x1x16xf32>,
      %get3A_875 = vector.shape_cast %get3A_874 : vector<1x1x16xf32> to vector<16xf32>
      %sub3A_876 = arith.subf %get3A_869, %get3A_875 : vector<16xf32>
      %mul3A_877 = arith.mulf %sub3A_876, %sub3A_876 : vector<16xf32>
      %add3A_878 = arith.addf %add3A_859, %mul3A_877 : vector<16xf32>
      %get3A_879 = arith.constant 7 : i32
      %get3A_880 = arith.index_cast %add3A_863 : i32 to index
      %get3A_881 = arith.index_cast %get3A_879 : i32 to index
      %get3A_882 = arith.constant 16 : index
      %get3A_883 = tpu.vector_load %arg7[%get3A_880, %get3A_881, %get3A_882] {strides = array<i32>} : memref<64x8x64xf32, #tpu.memory_space<vmem>>, vector<1x1x16xf32>,
      %get3A_884 = vector.shape_cast %get3A_883 : vector<1x1x16xf32> to vector<16xf32>
      %get3A_885 = arith.constant 3 : i32
      %get3A_886 = arith.index_cast %sub3A_411 : i32 to index
      %get3A_887 = arith.index_cast %get3A_885 : i32 to index
      %get3A_888 = arith.constant 80 : index
      %get3A_889 = tpu.vector_load %arg8[%get3A_886, %get3A_887, %get3A_888] {strides = array<i32>} : memref<32x8x128xf32, #tpu.memory_space<vmem>>, vector<1x1x16xf32>,
      %get3A_890 = vector.shape_cast %get3A_889 : vector<1x1x16xf32> to vector<16xf32>
      %sub3A_891 = arith.subf %get3A_884, %get3A_890 : vector<16xf32>
      %mul3A_892 = arith.mulf %sub3A_891, %sub3A_891 : vector<16xf32>
      %add3A_893 = arith.addf %add3A_878, %mul3A_892 : vector<16xf32>
      %get3A_894 = arith.constant 7 : i32
      %get3A_895 = arith.index_cast %add3A_863 : i32 to index
      %get3A_896 = arith.index_cast %get3A_894 : i32 to index
      %get3A_897 = arith.constant 32 : index
      %get3A_898 = tpu.vector_load %arg7[%get3A_895, %get3A_896, %get3A_897] {strides = array<i32>} : memref<64x8x64xf32, #tpu.memory_space<vmem>>, vector<1x1x16xf32>,
      %get3A_899 = vector.shape_cast %get3A_898 : vector<1x1x16xf32> to vector<16xf32>
      %get3A_900 = arith.constant 3 : i32
      %get3A_901 = arith.index_cast %sub3A_411 : i32 to index
      %get3A_902 = arith.index_cast %get3A_900 : i32 to index
      %get3A_903 = arith.constant 96 : index
      %get3A_904 = tpu.vector_load %arg8[%get3A_901, %get3A_902, %get3A_903] {strides = array<i32>} : memref<32x8x128xf32, #tpu.memory_space<vmem>>, vector<1x1x16xf32>,
      %get3A_905 = vector.shape_cast %get3A_904 : vector<1x1x16xf32> to vector<16xf32>
      %sub3A_906 = arith.subf %get3A_899, %get3A_905 : vector<16xf32>
      %mul3A_907 = arith.mulf %sub3A_906, %sub3A_906 : vector<16xf32>
      %add3A_908 = arith.addf %add3A_893, %mul3A_907 : vector<16xf32>
      %get3A_909 = arith.constant 7 : i32
      %get3A_910 = arith.index_cast %add3A_863 : i32 to index
      %get3A_911 = arith.index_cast %get3A_909 : i32 to index
      %get3A_912 = arith.constant 48 : index
      %get3A_913 = tpu.vector_load %arg7[%get3A_910, %get3A_911, %get3A_912] {strides = array<i32>} : memref<64x8x64xf32, #tpu.memory_space<vmem>>, vector<1x1x16xf32>,
      %get3A_914 = vector.shape_cast %get3A_913 : vector<1x1x16xf32> to vector<16xf32>
      %get3A_915 = arith.constant 3 : i32
      %get3A_916 = arith.index_cast %sub3A_411 : i32 to index
      %get3A_917 = arith.index_cast %get3A_915 : i32 to index
      %get3A_918 = arith.constant 112 : index
      %get3A_919 = tpu.vector_load %arg8[%get3A_916, %get3A_917, %get3A_918] {strides = array<i32>} : memref<32x8x128xf32, #tpu.memory_space<vmem>>, vector<1x1x16xf32>,
      %get3A_920 = vector.shape_cast %get3A_919 : vector<1x1x16xf32> to vector<16xf32>
      %sub3A_921 = arith.subf %get3A_914, %get3A_920 : vector<16xf32>
      %mul3A_922 = arith.mulf %sub3A_921, %sub3A_921 : vector<16xf32>
      %add3A_923 = arith.addf %add3A_908, %mul3A_922 : vector<16xf32>
      %mul3A_924 = arith.constant 2 : i32
      %mul3A_925 = arith.muli %mul3A_924, %sub3A_411 : i32
      %add3A_926 = arith.constant 1 : i32
      %add3A_927 = arith.addi %mul3A_925, %add3A_926 : i32
      %get3A_928 = arith.constant 0 : i32
      %get3A_929 = arith.index_cast %add3A_927 : i32 to index
      %get3A_930 = arith.index_cast %get3A_928 : i32 to index
      %get3A_931 = arith.constant 0 : index
      %get3A_932 = tpu.vector_load %arg7[%get3A_929, %get3A_930, %get3A_931] {strides = array<i32>} : memref<64x8x64xf32, #tpu.memory_space<vmem>>, vector<1x1x16xf32>,
      %get3A_933 = vector.shape_cast %get3A_932 : vector<1x1x16xf32> to vector<16xf32>
      %get3A_934 = arith.constant 4 : i32
      %get3A_935 = arith.index_cast %sub3A_411 : i32 to index
      %get3A_936 = arith.index_cast %get3A_934 : i32 to index
      %get3A_937 = arith.constant 0 : index
      %get3A_938 = tpu.vector_load %arg8[%get3A_935, %get3A_936, %get3A_937] {strides = array<i32>} : memref<32x8x128xf32, #tpu.memory_space<vmem>>, vector<1x1x16xf32>,
      %get3A_939 = vector.shape_cast %get3A_938 : vector<1x1x16xf32> to vector<16xf32>
      %sub3A_940 = arith.subf %get3A_933, %get3A_939 : vector<16xf32>
      %mul3A_941 = arith.mulf %sub3A_940, %sub3A_940 : vector<16xf32>
      %add3A_942 = arith.addf %add3A_923, %mul3A_941 : vector<16xf32>
      %get3A_943 = arith.constant 0 : i32
      %get3A_944 = arith.index_cast %add3A_927 : i32 to index
      %get3A_945 = arith.index_cast %get3A_943 : i32 to index
      %get3A_946 = arith.constant 16 : index
      %get3A_947 = tpu.vector_load %arg7[%get3A_944, %get3A_945, %get3A_946] {strides = array<i32>} : memref<64x8x64xf32, #tpu.memory_space<vmem>>, vector<1x1x16xf32>,
      %get3A_948 = vector.shape_cast %get3A_947 : vector<1x1x16xf32> to vector<16xf32>
      %get3A_949 = arith.constant 4 : i32
      %get3A_950 = arith.index_cast %sub3A_411 : i32 to index
      %get3A_951 = arith.index_cast %get3A_949 : i32 to index
      %get3A_952 = arith.constant 16 : index
      %get3A_953 = tpu.vector_load %arg8[%get3A_950, %get3A_951, %get3A_952] {strides = array<i32>} : memref<32x8x128xf32, #tpu.memory_space<vmem>>, vector<1x1x16xf32>,
      %get3A_954 = vector.shape_cast %get3A_953 : vector<1x1x16xf32> to vector<16xf32>
      %sub3A_955 = arith.subf %get3A_948, %get3A_954 : vector<16xf32>
      %mul3A_956 = arith.mulf %sub3A_955, %sub3A_955 : vector<16xf32>
      %add3A_957 = arith.addf %add3A_942, %mul3A_956 : vector<16xf32>
      %get3A_958 = arith.constant 0 : i32
      %get3A_959 = arith.index_cast %add3A_927 : i32 to index
      %get3A_960 = arith.index_cast %get3A_958 : i32 to index
      %get3A_961 = arith.constant 32 : index
      %get3A_962 = tpu.vector_load %arg7[%get3A_959, %get3A_960, %get3A_961] {strides = array<i32>} : memref<64x8x64xf32, #tpu.memory_space<vmem>>, vector<1x1x16xf32>,
      %get3A_963 = vector.shape_cast %get3A_962 : vector<1x1x16xf32> to vector<16xf32>
      %get3A_964 = arith.constant 4 : i32
      %get3A_965 = arith.index_cast %sub3A_411 : i32 to index
      %get3A_966 = arith.index_cast %get3A_964 : i32 to index
      %get3A_967 = arith.constant 32 : index
      %get3A_968 = tpu.vector_load %arg8[%get3A_965, %get3A_966, %get3A_967] {strides = array<i32>} : memref<32x8x128xf32, #tpu.memory_space<vmem>>, vector<1x1x16xf32>,
      %get3A_969 = vector.shape_cast %get3A_968 : vector<1x1x16xf32> to vector<16xf32>
      %sub3A_970 = arith.subf %get3A_963, %get3A_969 : vector<16xf32>
      %mul3A_971 = arith.mulf %sub3A_970, %sub3A_970 : vector<16xf32>
      %add3A_972 = arith.addf %add3A_957, %mul3A_971 : vector<16xf32>
      %get3A_973 = arith.constant 0 : i32
      %get3A_974 = arith.index_cast %add3A_927 : i32 to index
      %get3A_975 = arith.index_cast %get3A_973 : i32 to index
      %get3A_976 = arith.constant 48 : index
      %get3A_977 = tpu.vector_load %arg7[%get3A_974, %get3A_975, %get3A_976] {strides = array<i32>} : memref<64x8x64xf32, #tpu.memory_space<vmem>>, vector<1x1x16xf32>,
      %get3A_978 = vector.shape_cast %get3A_977 : vector<1x1x16xf32> to vector<16xf32>
      %get3A_979 = arith.constant 4 : i32
      %get3A_980 = arith.index_cast %sub3A_411 : i32 to index
      %get3A_981 = arith.index_cast %get3A_979 : i32 to index
      %get3A_982 = arith.constant 48 : index
      %get3A_983 = tpu.vector_load %arg8[%get3A_980, %get3A_981, %get3A_982] {strides = array<i32>} : memref<32x8x128xf32, #tpu.memory_space<vmem>>, vector<1x1x16xf32>,
      %get3A_984 = vector.shape_cast %get3A_983 : vector<1x1x16xf32> to vector<16xf32>
      %sub3A_985 = arith.subf %get3A_978, %get3A_984 : vector<16xf32>
      %mul3A_986 = arith.mulf %sub3A_985, %sub3A_985 : vector<16xf32>
      %add3A_987 = arith.addf %add3A_972, %mul3A_986 : vector<16xf32>
      %mul3A_988 = arith.constant 2 : i32
      %mul3A_989 = arith.muli %mul3A_988, %sub3A_411 : i32
      %add3A_990 = arith.constant 1 : i32
      %add3A_991 = arith.addi %mul3A_989, %add3A_990 : i32
      %get3A_992 = arith.constant 1 : i32
      %get3A_993 = arith.index_cast %add3A_991 : i32 to index
      %get3A_994 = arith.index_cast %get3A_992 : i32 to index
      %get3A_995 = arith.constant 0 : index
      %get3A_996 = tpu.vector_load %arg7[%get3A_993, %get3A_994, %get3A_995] {strides = array<i32>} : memref<64x8x64xf32, #tpu.memory_space<vmem>>, vector<1x1x16xf32>,
      %get3A_997 = vector.shape_cast %get3A_996 : vector<1x1x16xf32> to vector<16xf32>
      %get3A_998 = arith.constant 4 : i32
      %get3A_999 = arith.index_cast %sub3A_411 : i32 to index
      %get3A_1000 = arith.index_cast %get3A_998 : i32 to index
      %get3A_1001 = arith.constant 64 : index
      %get3A_1002 = tpu.vector_load %arg8[%get3A_999, %get3A_1000, %get3A_1001] {strides = array<i32>} : memref<32x8x128xf32, #tpu.memory_space<vmem>>, vector<1x1x16xf32>,
      %get3A_1003 = vector.shape_cast %get3A_1002 : vector<1x1x16xf32> to vector<16xf32>
      %sub3A_1004 = arith.subf %get3A_997, %get3A_1003 : vector<16xf32>
      %mul3A_1005 = arith.mulf %sub3A_1004, %sub3A_1004 : vector<16xf32>
      %add3A_1006 = arith.addf %add3A_987, %mul3A_1005 : vector<16xf32>
      %get3A_1007 = arith.constant 1 : i32
      %get3A_1008 = arith.index_cast %add3A_991 : i32 to index
      %get3A_1009 = arith.index_cast %get3A_1007 : i32 to index
      %get3A_1010 = arith.constant 16 : index
      %get3A_1011 = tpu.vector_load %arg7[%get3A_1008, %get3A_1009, %get3A_1010] {strides = array<i32>} : memref<64x8x64xf32, #tpu.memory_space<vmem>>, vector<1x1x16xf32>,
      %get3A_1012 = vector.shape_cast %get3A_1011 : vector<1x1x16xf32> to vector<16xf32>
      %get3A_1013 = arith.constant 4 : i32
      %get3A_1014 = arith.index_cast %sub3A_411 : i32 to index
      %get3A_1015 = arith.index_cast %get3A_1013 : i32 to index
      %get3A_1016 = arith.constant 80 : index
      %get3A_1017 = tpu.vector_load %arg8[%get3A_1014, %get3A_1015, %get3A_1016] {strides = array<i32>} : memref<32x8x128xf32, #tpu.memory_space<vmem>>, vector<1x1x16xf32>,
      %get3A_1018 = vector.shape_cast %get3A_1017 : vector<1x1x16xf32> to vector<16xf32>
      %sub3A_1019 = arith.subf %get3A_1012, %get3A_1018 : vector<16xf32>
      %mul3A_1020 = arith.mulf %sub3A_1019, %sub3A_1019 : vector<16xf32>
      %add3A_1021 = arith.addf %add3A_1006, %mul3A_1020 : vector<16xf32>
      %get3A_1022 = arith.constant 1 : i32
      %get3A_1023 = arith.index_cast %add3A_991 : i32 to index
      %get3A_1024 = arith.index_cast %get3A_1022 : i32 to index
      %get3A_1025 = arith.constant 32 : index
      %get3A_1026 = tpu.vector_load %arg7[%get3A_1023, %get3A_1024, %get3A_1025] {strides = array<i32>} : memref<64x8x64xf32, #tpu.memory_space<vmem>>, vector<1x1x16xf32>,
      %get3A_1027 = vector.shape_cast %get3A_1026 : vector<1x1x16xf32> to vector<16xf32>
      %get3A_1028 = arith.constant 4 : i32
      %get3A_1029 = arith.index_cast %sub3A_411 : i32 to index
      %get3A_1030 = arith.index_cast %get3A_1028 : i32 to index
      %get3A_1031 = arith.constant 96 : index
      %get3A_1032 = tpu.vector_load %arg8[%get3A_1029, %get3A_1030, %get3A_1031] {strides = array<i32>} : memref<32x8x128xf32, #tpu.memory_space<vmem>>, vector<1x1x16xf32>,
      %get3A_1033 = vector.shape_cast %get3A_1032 : vector<1x1x16xf32> to vector<16xf32>
      %sub3A_1034 = arith.subf %get3A_1027, %get3A_1033 : vector<16xf32>
      %mul3A_1035 = arith.mulf %sub3A_1034, %sub3A_1034 : vector<16xf32>
      %add3A_1036 = arith.addf %add3A_1021, %mul3A_1035 : vector<16xf32>
      %get3A_1037 = arith.constant 1 : i32
      %get3A_1038 = arith.index_cast %add3A_991 : i32 to index
      %get3A_1039 = arith.index_cast %get3A_1037 : i32 to index
      %get3A_1040 = arith.constant 48 : index
      %get3A_1041 = tpu.vector_load %arg7[%get3A_1038, %get3A_1039, %get3A_1040] {strides = array<i32>} : memref<64x8x64xf32, #tpu.memory_space<vmem>>, vector<1x1x16xf32>,
      %get3A_1042 = vector.shape_cast %get3A_1041 : vector<1x1x16xf32> to vector<16xf32>
      %get3A_1043 = arith.constant 4 : i32
      %get3A_1044 = arith.index_cast %sub3A_411 : i32 to index
      %get3A_1045 = arith.index_cast %get3A_1043 : i32 to index
      %get3A_1046 = arith.constant 112 : index
      %get3A_1047 = tpu.vector_load %arg8[%get3A_1044, %get3A_1045, %get3A_1046] {strides = array<i32>} : memref<32x8x128xf32, #tpu.memory_space<vmem>>, vector<1x1x16xf32>,
      %get3A_1048 = vector.shape_cast %get3A_1047 : vector<1x1x16xf32> to vector<16xf32>
      %sub3A_1049 = arith.subf %get3A_1042, %get3A_1048 : vector<16xf32>
      %mul3A_1050 = arith.mulf %sub3A_1049, %sub3A_1049 : vector<16xf32>
      %add3A_1051 = arith.addf %add3A_1036, %mul3A_1050 : vector<16xf32>
      %mul3A_1052 = arith.constant 2 : i32
      %mul3A_1053 = arith.muli %mul3A_1052, %sub3A_411 : i32
      %add3A_1054 = arith.constant 1 : i32
      %add3A_1055 = arith.addi %mul3A_1053, %add3A_1054 : i32
      %get3A_1056 = arith.constant 2 : i32
      %get3A_1057 = arith.index_cast %add3A_1055 : i32 to index
      %get3A_1058 = arith.index_cast %get3A_1056 : i32 to index
      %get3A_1059 = arith.constant 0 : index
      %get3A_1060 = tpu.vector_load %arg7[%get3A_1057, %get3A_1058, %get3A_1059] {strides = array<i32>} : memref<64x8x64xf32, #tpu.memory_space<vmem>>, vector<1x1x16xf32>,
      %get3A_1061 = vector.shape_cast %get3A_1060 : vector<1x1x16xf32> to vector<16xf32>
      %get3A_1062 = arith.constant 5 : i32
      %get3A_1063 = arith.index_cast %sub3A_411 : i32 to index
      %get3A_1064 = arith.index_cast %get3A_1062 : i32 to index
      %get3A_1065 = arith.constant 0 : index
      %get3A_1066 = tpu.vector_load %arg8[%get3A_1063, %get3A_1064, %get3A_1065] {strides = array<i32>} : memref<32x8x128xf32, #tpu.memory_space<vmem>>, vector<1x1x16xf32>,
      %get3A_1067 = vector.shape_cast %get3A_1066 : vector<1x1x16xf32> to vector<16xf32>
      %sub3A_1068 = arith.subf %get3A_1061, %get3A_1067 : vector<16xf32>
      %mul3A_1069 = arith.mulf %sub3A_1068, %sub3A_1068 : vector<16xf32>
      %add3A_1070 = arith.addf %add3A_1051, %mul3A_1069 : vector<16xf32>
      %get3A_1071 = arith.constant 2 : i32
      %get3A_1072 = arith.index_cast %add3A_1055 : i32 to index
      %get3A_1073 = arith.index_cast %get3A_1071 : i32 to index
      %get3A_1074 = arith.constant 16 : index
      %get3A_1075 = tpu.vector_load %arg7[%get3A_1072, %get3A_1073, %get3A_1074] {strides = array<i32>} : memref<64x8x64xf32, #tpu.memory_space<vmem>>, vector<1x1x16xf32>,
      %get3A_1076 = vector.shape_cast %get3A_1075 : vector<1x1x16xf32> to vector<16xf32>
      %get3A_1077 = arith.constant 5 : i32
      %get3A_1078 = arith.index_cast %sub3A_411 : i32 to index
      %get3A_1079 = arith.index_cast %get3A_1077 : i32 to index
      %get3A_1080 = arith.constant 16 : index
      %get3A_1081 = tpu.vector_load %arg8[%get3A_1078, %get3A_1079, %get3A_1080] {strides = array<i32>} : memref<32x8x128xf32, #tpu.memory_space<vmem>>, vector<1x1x16xf32>,
      %get3A_1082 = vector.shape_cast %get3A_1081 : vector<1x1x16xf32> to vector<16xf32>
      %sub3A_1083 = arith.subf %get3A_1076, %get3A_1082 : vector<16xf32>
      %mul3A_1084 = arith.mulf %sub3A_1083, %sub3A_1083 : vector<16xf32>
      %add3A_1085 = arith.addf %add3A_1070, %mul3A_1084 : vector<16xf32>
      %get3A_1086 = arith.constant 2 : i32
      %get3A_1087 = arith.index_cast %add3A_1055 : i32 to index
      %get3A_1088 = arith.index_cast %get3A_1086 : i32 to index
      %get3A_1089 = arith.constant 32 : index
      %get3A_1090 = tpu.vector_load %arg7[%get3A_1087, %get3A_1088, %get3A_1089] {strides = array<i32>} : memref<64x8x64xf32, #tpu.memory_space<vmem>>, vector<1x1x16xf32>,
      %get3A_1091 = vector.shape_cast %get3A_1090 : vector<1x1x16xf32> to vector<16xf32>
      %get3A_1092 = arith.constant 5 : i32
      %get3A_1093 = arith.index_cast %sub3A_411 : i32 to index
      %get3A_1094 = arith.index_cast %get3A_1092 : i32 to index
      %get3A_1095 = arith.constant 32 : index
      %get3A_1096 = tpu.vector_load %arg8[%get3A_1093, %get3A_1094, %get3A_1095] {strides = array<i32>} : memref<32x8x128xf32, #tpu.memory_space<vmem>>, vector<1x1x16xf32>,
      %get3A_1097 = vector.shape_cast %get3A_1096 : vector<1x1x16xf32> to vector<16xf32>
      %sub3A_1098 = arith.subf %get3A_1091, %get3A_1097 : vector<16xf32>
      %mul3A_1099 = arith.mulf %sub3A_1098, %sub3A_1098 : vector<16xf32>
      %add3A_1100 = arith.addf %add3A_1085, %mul3A_1099 : vector<16xf32>
      %get3A_1101 = arith.constant 2 : i32
      %get3A_1102 = arith.index_cast %add3A_1055 : i32 to index
      %get3A_1103 = arith.index_cast %get3A_1101 : i32 to index
      %get3A_1104 = arith.constant 48 : index
      %get3A_1105 = tpu.vector_load %arg7[%get3A_1102, %get3A_1103, %get3A_1104] {strides = array<i32>} : memref<64x8x64xf32, #tpu.memory_space<vmem>>, vector<1x1x16xf32>,
      %get3A_1106 = vector.shape_cast %get3A_1105 : vector<1x1x16xf32> to vector<16xf32>
      %get3A_1107 = arith.constant 5 : i32
      %get3A_1108 = arith.index_cast %sub3A_411 : i32 to index
      %get3A_1109 = arith.index_cast %get3A_1107 : i32 to index
      %get3A_1110 = arith.constant 48 : index
      %get3A_1111 = tpu.vector_load %arg8[%get3A_1108, %get3A_1109, %get3A_1110] {strides = array<i32>} : memref<32x8x128xf32, #tpu.memory_space<vmem>>, vector<1x1x16xf32>,
      %get3A_1112 = vector.shape_cast %get3A_1111 : vector<1x1x16xf32> to vector<16xf32>
      %sub3A_1113 = arith.subf %get3A_1106, %get3A_1112 : vector<16xf32>
      %mul3A_1114 = arith.mulf %sub3A_1113, %sub3A_1113 : vector<16xf32>
      %add3A_1115 = arith.addf %add3A_1100, %mul3A_1114 : vector<16xf32>
      %mul3A_1116 = arith.constant 2 : i32
      %mul3A_1117 = arith.muli %mul3A_1116, %sub3A_411 : i32
      %add3A_1118 = arith.constant 1 : i32
      %add3A_1119 = arith.addi %mul3A_1117, %add3A_1118 : i32
      %get3A_1120 = arith.constant 3 : i32
      %get3A_1121 = arith.index_cast %add3A_1119 : i32 to index
      %get3A_1122 = arith.index_cast %get3A_1120 : i32 to index
      %get3A_1123 = arith.constant 0 : index
      %get3A_1124 = tpu.vector_load %arg7[%get3A_1121, %get3A_1122, %get3A_1123] {strides = array<i32>} : memref<64x8x64xf32, #tpu.memory_space<vmem>>, vector<1x1x16xf32>,
      %get3A_1125 = vector.shape_cast %get3A_1124 : vector<1x1x16xf32> to vector<16xf32>
      %get3A_1126 = arith.constant 5 : i32
      %get3A_1127 = arith.index_cast %sub3A_411 : i32 to index
      %get3A_1128 = arith.index_cast %get3A_1126 : i32 to index
      %get3A_1129 = arith.constant 64 : index
      %get3A_1130 = tpu.vector_load %arg8[%get3A_1127, %get3A_1128, %get3A_1129] {strides = array<i32>} : memref<32x8x128xf32, #tpu.memory_space<vmem>>, vector<1x1x16xf32>,
      %get3A_1131 = vector.shape_cast %get3A_1130 : vector<1x1x16xf32> to vector<16xf32>
      %sub3A_1132 = arith.subf %get3A_1125, %get3A_1131 : vector<16xf32>
      %mul3A_1133 = arith.mulf %sub3A_1132, %sub3A_1132 : vector<16xf32>
      %add3A_1134 = arith.addf %add3A_1115, %mul3A_1133 : vector<16xf32>
      %get3A_1135 = arith.constant 3 : i32
      %get3A_1136 = arith.index_cast %add3A_1119 : i32 to index
      %get3A_1137 = arith.index_cast %get3A_1135 : i32 to index
      %get3A_1138 = arith.constant 16 : index
      %get3A_1139 = tpu.vector_load %arg7[%get3A_1136, %get3A_1137, %get3A_1138] {strides = array<i32>} : memref<64x8x64xf32, #tpu.memory_space<vmem>>, vector<1x1x16xf32>,
      %get3A_1140 = vector.shape_cast %get3A_1139 : vector<1x1x16xf32> to vector<16xf32>
      %get3A_1141 = arith.constant 5 : i32
      %get3A_1142 = arith.index_cast %sub3A_411 : i32 to index
      %get3A_1143 = arith.index_cast %get3A_1141 : i32 to index
      %get3A_1144 = arith.constant 80 : index
      %get3A_1145 = tpu.vector_load %arg8[%get3A_1142, %get3A_1143, %get3A_1144] {strides = array<i32>} : memref<32x8x128xf32, #tpu.memory_space<vmem>>, vector<1x1x16xf32>,
      %get3A_1146 = vector.shape_cast %get3A_1145 : vector<1x1x16xf32> to vector<16xf32>
      %sub3A_1147 = arith.subf %get3A_1140, %get3A_1146 : vector<16xf32>
      %mul3A_1148 = arith.mulf %sub3A_1147, %sub3A_1147 : vector<16xf32>
      %add3A_1149 = arith.addf %add3A_1134, %mul3A_1148 : vector<16xf32>
      %get3A_1150 = arith.constant 3 : i32
      %get3A_1151 = arith.index_cast %add3A_1119 : i32 to index
      %get3A_1152 = arith.index_cast %get3A_1150 : i32 to index
      %get3A_1153 = arith.constant 32 : index
      %get3A_1154 = tpu.vector_load %arg7[%get3A_1151, %get3A_1152, %get3A_1153] {strides = array<i32>} : memref<64x8x64xf32, #tpu.memory_space<vmem>>, vector<1x1x16xf32>,
      %get3A_1155 = vector.shape_cast %get3A_1154 : vector<1x1x16xf32> to vector<16xf32>
      %get3A_1156 = arith.constant 5 : i32
      %get3A_1157 = arith.index_cast %sub3A_411 : i32 to index
      %get3A_1158 = arith.index_cast %get3A_1156 : i32 to index
      %get3A_1159 = arith.constant 96 : index
      %get3A_1160 = tpu.vector_load %arg8[%get3A_1157, %get3A_1158, %get3A_1159] {strides = array<i32>} : memref<32x8x128xf32, #tpu.memory_space<vmem>>, vector<1x1x16xf32>,
      %get3A_1161 = vector.shape_cast %get3A_1160 : vector<1x1x16xf32> to vector<16xf32>
      %sub3A_1162 = arith.subf %get3A_1155, %get3A_1161 : vector<16xf32>
      %mul3A_1163 = arith.mulf %sub3A_1162, %sub3A_1162 : vector<16xf32>
      %add3A_1164 = arith.addf %add3A_1149, %mul3A_1163 : vector<16xf32>
      %get3A_1165 = arith.constant 3 : i32
      %get3A_1166 = arith.index_cast %add3A_1119 : i32 to index
      %get3A_1167 = arith.index_cast %get3A_1165 : i32 to index
      %get3A_1168 = arith.constant 48 : index
      %get3A_1169 = tpu.vector_load %arg7[%get3A_1166, %get3A_1167, %get3A_1168] {strides = array<i32>} : memref<64x8x64xf32, #tpu.memory_space<vmem>>, vector<1x1x16xf32>,
      %get3A_1170 = vector.shape_cast %get3A_1169 : vector<1x1x16xf32> to vector<16xf32>
      %get3A_1171 = arith.constant 5 : i32
      %get3A_1172 = arith.index_cast %sub3A_411 : i32 to index
      %get3A_1173 = arith.index_cast %get3A_1171 : i32 to index
      %get3A_1174 = arith.constant 112 : index
      %get3A_1175 = tpu.vector_load %arg8[%get3A_1172, %get3A_1173, %get3A_1174] {strides = array<i32>} : memref<32x8x128xf32, #tpu.memory_space<vmem>>, vector<1x1x16xf32>,
      %get3A_1176 = vector.shape_cast %get3A_1175 : vector<1x1x16xf32> to vector<16xf32>
      %sub3A_1177 = arith.subf %get3A_1170, %get3A_1176 : vector<16xf32>
      %mul3A_1178 = arith.mulf %sub3A_1177, %sub3A_1177 : vector<16xf32>
      %add3A_1179 = arith.addf %add3A_1164, %mul3A_1178 : vector<16xf32>
      %mul3A_1180 = arith.constant 2 : i32
      %mul3A_1181 = arith.muli %mul3A_1180, %sub3A_411 : i32
      %add3A_1182 = arith.constant 1 : i32
      %add3A_1183 = arith.addi %mul3A_1181, %add3A_1182 : i32
      %get3A_1184 = arith.constant 4 : i32
      %get3A_1185 = arith.index_cast %add3A_1183 : i32 to index
      %get3A_1186 = arith.index_cast %get3A_1184 : i32 to index
      %get3A_1187 = arith.constant 0 : index
      %get3A_1188 = tpu.vector_load %arg7[%get3A_1185, %get3A_1186, %get3A_1187] {strides = array<i32>} : memref<64x8x64xf32, #tpu.memory_space<vmem>>, vector<1x1x16xf32>,
      %get3A_1189 = vector.shape_cast %get3A_1188 : vector<1x1x16xf32> to vector<16xf32>
      %get3A_1190 = arith.constant 6 : i32
      %get3A_1191 = arith.index_cast %sub3A_411 : i32 to index
      %get3A_1192 = arith.index_cast %get3A_1190 : i32 to index
      %get3A_1193 = arith.constant 0 : index
      %get3A_1194 = tpu.vector_load %arg8[%get3A_1191, %get3A_1192, %get3A_1193] {strides = array<i32>} : memref<32x8x128xf32, #tpu.memory_space<vmem>>, vector<1x1x16xf32>,
      %get3A_1195 = vector.shape_cast %get3A_1194 : vector<1x1x16xf32> to vector<16xf32>
      %sub3A_1196 = arith.subf %get3A_1189, %get3A_1195 : vector<16xf32>
      %mul3A_1197 = arith.mulf %sub3A_1196, %sub3A_1196 : vector<16xf32>
      %add3A_1198 = arith.addf %add3A_1179, %mul3A_1197 : vector<16xf32>
      %get3A_1199 = arith.constant 4 : i32
      %get3A_1200 = arith.index_cast %add3A_1183 : i32 to index
      %get3A_1201 = arith.index_cast %get3A_1199 : i32 to index
      %get3A_1202 = arith.constant 16 : index
      %get3A_1203 = tpu.vector_load %arg7[%get3A_1200, %get3A_1201, %get3A_1202] {strides = array<i32>} : memref<64x8x64xf32, #tpu.memory_space<vmem>>, vector<1x1x16xf32>,
      %get3A_1204 = vector.shape_cast %get3A_1203 : vector<1x1x16xf32> to vector<16xf32>
      %get3A_1205 = arith.constant 6 : i32
      %get3A_1206 = arith.index_cast %sub3A_411 : i32 to index
      %get3A_1207 = arith.index_cast %get3A_1205 : i32 to index
      %get3A_1208 = arith.constant 16 : index
      %get3A_1209 = tpu.vector_load %arg8[%get3A_1206, %get3A_1207, %get3A_1208] {strides = array<i32>} : memref<32x8x128xf32, #tpu.memory_space<vmem>>, vector<1x1x16xf32>,
      %get3A_1210 = vector.shape_cast %get3A_1209 : vector<1x1x16xf32> to vector<16xf32>
      %sub3A_1211 = arith.subf %get3A_1204, %get3A_1210 : vector<16xf32>
      %mul3A_1212 = arith.mulf %sub3A_1211, %sub3A_1211 : vector<16xf32>
      %add3A_1213 = arith.addf %add3A_1198, %mul3A_1212 : vector<16xf32>
      %get3A_1214 = arith.constant 4 : i32
      %get3A_1215 = arith.index_cast %add3A_1183 : i32 to index
      %get3A_1216 = arith.index_cast %get3A_1214 : i32 to index
      %get3A_1217 = arith.constant 32 : index
      %get3A_1218 = tpu.vector_load %arg7[%get3A_1215, %get3A_1216, %get3A_1217] {strides = array<i32>} : memref<64x8x64xf32, #tpu.memory_space<vmem>>, vector<1x1x16xf32>,
      %get3A_1219 = vector.shape_cast %get3A_1218 : vector<1x1x16xf32> to vector<16xf32>
      %get3A_1220 = arith.constant 6 : i32
      %get3A_1221 = arith.index_cast %sub3A_411 : i32 to index
      %get3A_1222 = arith.index_cast %get3A_1220 : i32 to index
      %get3A_1223 = arith.constant 32 : index
      %get3A_1224 = tpu.vector_load %arg8[%get3A_1221, %get3A_1222, %get3A_1223] {strides = array<i32>} : memref<32x8x128xf32, #tpu.memory_space<vmem>>, vector<1x1x16xf32>,
      %get3A_1225 = vector.shape_cast %get3A_1224 : vector<1x1x16xf32> to vector<16xf32>
      %sub3A_1226 = arith.subf %get3A_1219, %get3A_1225 : vector<16xf32>
      %mul3A_1227 = arith.mulf %sub3A_1226, %sub3A_1226 : vector<16xf32>
      %add3A_1228 = arith.addf %add3A_1213, %mul3A_1227 : vector<16xf32>
      %get3A_1229 = arith.constant 4 : i32
      %get3A_1230 = arith.index_cast %add3A_1183 : i32 to index
      %get3A_1231 = arith.index_cast %get3A_1229 : i32 to index
      %get3A_1232 = arith.constant 48 : index
      %get3A_1233 = tpu.vector_load %arg7[%get3A_1230, %get3A_1231, %get3A_1232] {strides = array<i32>} : memref<64x8x64xf32, #tpu.memory_space<vmem>>, vector<1x1x16xf32>,
      %get3A_1234 = vector.shape_cast %get3A_1233 : vector<1x1x16xf32> to vector<16xf32>
      %get3A_1235 = arith.constant 6 : i32
      %get3A_1236 = arith.index_cast %sub3A_411 : i32 to index
      %get3A_1237 = arith.index_cast %get3A_1235 : i32 to index
      %get3A_1238 = arith.constant 48 : index
      %get3A_1239 = tpu.vector_load %arg8[%get3A_1236, %get3A_1237, %get3A_1238] {strides = array<i32>} : memref<32x8x128xf32, #tpu.memory_space<vmem>>, vector<1x1x16xf32>,
      %get3A_1240 = vector.shape_cast %get3A_1239 : vector<1x1x16xf32> to vector<16xf32>
      %sub3A_1241 = arith.subf %get3A_1234, %get3A_1240 : vector<16xf32>
      %mul3A_1242 = arith.mulf %sub3A_1241, %sub3A_1241 : vector<16xf32>
      %add3A_1243 = arith.addf %add3A_1228, %mul3A_1242 : vector<16xf32>
      %mul3A_1244 = arith.constant 2 : i32
      %mul3A_1245 = arith.muli %mul3A_1244, %sub3A_411 : i32
      %add3A_1246 = arith.constant 1 : i32
      %add3A_1247 = arith.addi %mul3A_1245, %add3A_1246 : i32
      %get3A_1248 = arith.constant 5 : i32
      %get3A_1249 = arith.index_cast %add3A_1247 : i32 to index
      %get3A_1250 = arith.index_cast %get3A_1248 : i32 to index
      %get3A_1251 = arith.constant 0 : index
      %get3A_1252 = tpu.vector_load %arg7[%get3A_1249, %get3A_1250, %get3A_1251] {strides = array<i32>} : memref<64x8x64xf32, #tpu.memory_space<vmem>>, vector<1x1x16xf32>,
      %get3A_1253 = vector.shape_cast %get3A_1252 : vector<1x1x16xf32> to vector<16xf32>
      %get3A_1254 = arith.constant 6 : i32
      %get3A_1255 = arith.index_cast %sub3A_411 : i32 to index
      %get3A_1256 = arith.index_cast %get3A_1254 : i32 to index
      %get3A_1257 = arith.constant 64 : index
      %get3A_1258 = tpu.vector_load %arg8[%get3A_1255, %get3A_1256, %get3A_1257] {strides = array<i32>} : memref<32x8x128xf32, #tpu.memory_space<vmem>>, vector<1x1x16xf32>,
      %get3A_1259 = vector.shape_cast %get3A_1258 : vector<1x1x16xf32> to vector<16xf32>
      %sub3A_1260 = arith.subf %get3A_1253, %get3A_1259 : vector<16xf32>
      %mul3A_1261 = arith.mulf %sub3A_1260, %sub3A_1260 : vector<16xf32>
      %add3A_1262 = arith.addf %add3A_1243, %mul3A_1261 : vector<16xf32>
      %get3A_1263 = arith.constant 5 : i32
      %get3A_1264 = arith.index_cast %add3A_1247 : i32 to index
      %get3A_1265 = arith.index_cast %get3A_1263 : i32 to index
      %get3A_1266 = arith.constant 16 : index
      %get3A_1267 = tpu.vector_load %arg7[%get3A_1264, %get3A_1265, %get3A_1266] {strides = array<i32>} : memref<64x8x64xf32, #tpu.memory_space<vmem>>, vector<1x1x16xf32>,
      %get3A_1268 = vector.shape_cast %get3A_1267 : vector<1x1x16xf32> to vector<16xf32>
      %get3A_1269 = arith.constant 6 : i32
      %get3A_1270 = arith.index_cast %sub3A_411 : i32 to index
      %get3A_1271 = arith.index_cast %get3A_1269 : i32 to index
      %get3A_1272 = arith.constant 80 : index
      %get3A_1273 = tpu.vector_load %arg8[%get3A_1270, %get3A_1271, %get3A_1272] {strides = array<i32>} : memref<32x8x128xf32, #tpu.memory_space<vmem>>, vector<1x1x16xf32>,
      %get3A_1274 = vector.shape_cast %get3A_1273 : vector<1x1x16xf32> to vector<16xf32>
      %sub3A_1275 = arith.subf %get3A_1268, %get3A_1274 : vector<16xf32>
      %mul3A_1276 = arith.mulf %sub3A_1275, %sub3A_1275 : vector<16xf32>
      %add3A_1277 = arith.addf %add3A_1262, %mul3A_1276 : vector<16xf32>
      %get3A_1278 = arith.constant 5 : i32
      %get3A_1279 = arith.index_cast %add3A_1247 : i32 to index
      %get3A_1280 = arith.index_cast %get3A_1278 : i32 to index
      %get3A_1281 = arith.constant 32 : index
      %get3A_1282 = tpu.vector_load %arg7[%get3A_1279, %get3A_1280, %get3A_1281] {strides = array<i32>} : memref<64x8x64xf32, #tpu.memory_space<vmem>>, vector<1x1x16xf32>,
      %get3A_1283 = vector.shape_cast %get3A_1282 : vector<1x1x16xf32> to vector<16xf32>
      %get3A_1284 = arith.constant 6 : i32
      %get3A_1285 = arith.index_cast %sub3A_411 : i32 to index
      %get3A_1286 = arith.index_cast %get3A_1284 : i32 to index
      %get3A_1287 = arith.constant 96 : index
      %get3A_1288 = tpu.vector_load %arg8[%get3A_1285, %get3A_1286, %get3A_1287] {strides = array<i32>} : memref<32x8x128xf32, #tpu.memory_space<vmem>>, vector<1x1x16xf32>,
      %get3A_1289 = vector.shape_cast %get3A_1288 : vector<1x1x16xf32> to vector<16xf32>
      %sub3A_1290 = arith.subf %get3A_1283, %get3A_1289 : vector<16xf32>
      %mul3A_1291 = arith.mulf %sub3A_1290, %sub3A_1290 : vector<16xf32>
      %add3A_1292 = arith.addf %add3A_1277, %mul3A_1291 : vector<16xf32>
      %get3A_1293 = arith.constant 5 : i32
      %get3A_1294 = arith.index_cast %add3A_1247 : i32 to index
      %get3A_1295 = arith.index_cast %get3A_1293 : i32 to index
      %get3A_1296 = arith.constant 48 : index
      %get3A_1297 = tpu.vector_load %arg7[%get3A_1294, %get3A_1295, %get3A_1296] {strides = array<i32>} : memref<64x8x64xf32, #tpu.memory_space<vmem>>, vector<1x1x16xf32>,
      %get3A_1298 = vector.shape_cast %get3A_1297 : vector<1x1x16xf32> to vector<16xf32>
      %get3A_1299 = arith.constant 6 : i32
      %get3A_1300 = arith.index_cast %sub3A_411 : i32 to index
      %get3A_1301 = arith.index_cast %get3A_1299 : i32 to index
      %get3A_1302 = arith.constant 112 : index
      %get3A_1303 = tpu.vector_load %arg8[%get3A_1300, %get3A_1301, %get3A_1302] {strides = array<i32>} : memref<32x8x128xf32, #tpu.memory_space<vmem>>, vector<1x1x16xf32>,
      %get3A_1304 = vector.shape_cast %get3A_1303 : vector<1x1x16xf32> to vector<16xf32>
      %sub3A_1305 = arith.subf %get3A_1298, %get3A_1304 : vector<16xf32>
      %mul3A_1306 = arith.mulf %sub3A_1305, %sub3A_1305 : vector<16xf32>
      %add3A_1307 = arith.addf %add3A_1292, %mul3A_1306 : vector<16xf32>
      %mul3A_1308 = arith.constant 2 : i32
      %mul3A_1309 = arith.muli %mul3A_1308, %sub3A_411 : i32
      %add3A_1310 = arith.constant 1 : i32
      %add3A_1311 = arith.addi %mul3A_1309, %add3A_1310 : i32
      %get3A_1312 = arith.constant 6 : i32
      %get3A_1313 = arith.index_cast %add3A_1311 : i32 to index
      %get3A_1314 = arith.index_cast %get3A_1312 : i32 to index
      %get3A_1315 = arith.constant 0 : index
      %get3A_1316 = tpu.vector_load %arg7[%get3A_1313, %get3A_1314, %get3A_1315] {strides = array<i32>} : memref<64x8x64xf32, #tpu.memory_space<vmem>>, vector<1x1x16xf32>,
      %get3A_1317 = vector.shape_cast %get3A_1316 : vector<1x1x16xf32> to vector<16xf32>
      %get3A_1318 = arith.constant 7 : i32
      %get3A_1319 = arith.index_cast %sub3A_411 : i32 to index
      %get3A_1320 = arith.index_cast %get3A_1318 : i32 to index
      %get3A_1321 = arith.constant 0 : index
      %get3A_1322 = tpu.vector_load %arg8[%get3A_1319, %get3A_1320, %get3A_1321] {strides = array<i32>} : memref<32x8x128xf32, #tpu.memory_space<vmem>>, vector<1x1x16xf32>,
      %get3A_1323 = vector.shape_cast %get3A_1322 : vector<1x1x16xf32> to vector<16xf32>
      %sub3A_1324 = arith.subf %get3A_1317, %get3A_1323 : vector<16xf32>
      %mul3A_1325 = arith.mulf %sub3A_1324, %sub3A_1324 : vector<16xf32>
      %add3A_1326 = arith.addf %add3A_1307, %mul3A_1325 : vector<16xf32>
      %get3A_1327 = arith.constant 6 : i32
      %get3A_1328 = arith.index_cast %add3A_1311 : i32 to index
      %get3A_1329 = arith.index_cast %get3A_1327 : i32 to index
      %get3A_1330 = arith.constant 16 : index
      %get3A_1331 = tpu.vector_load %arg7[%get3A_1328, %get3A_1329, %get3A_1330] {strides = array<i32>} : memref<64x8x64xf32, #tpu.memory_space<vmem>>, vector<1x1x16xf32>,
      %get3A_1332 = vector.shape_cast %get3A_1331 : vector<1x1x16xf32> to vector<16xf32>
      %get3A_1333 = arith.constant 7 : i32
      %get3A_1334 = arith.index_cast %sub3A_411 : i32 to index
      %get3A_1335 = arith.index_cast %get3A_1333 : i32 to index
      %get3A_1336 = arith.constant 16 : index
      %get3A_1337 = tpu.vector_load %arg8[%get3A_1334, %get3A_1335, %get3A_1336] {strides = array<i32>} : memref<32x8x128xf32, #tpu.memory_space<vmem>>, vector<1x1x16xf32>,
      %get3A_1338 = vector.shape_cast %get3A_1337 : vector<1x1x16xf32> to vector<16xf32>
      %sub3A_1339 = arith.subf %get3A_1332, %get3A_1338 : vector<16xf32>
      %mul3A_1340 = arith.mulf %sub3A_1339, %sub3A_1339 : vector<16xf32>
      %add3A_1341 = arith.addf %add3A_1326, %mul3A_1340 : vector<16xf32>
      %get3A_1342 = arith.constant 6 : i32
      %get3A_1343 = arith.index_cast %add3A_1311 : i32 to index
      %get3A_1344 = arith.index_cast %get3A_1342 : i32 to index
      %get3A_1345 = arith.constant 32 : index
      %get3A_1346 = tpu.vector_load %arg7[%get3A_1343, %get3A_1344, %get3A_1345] {strides = array<i32>} : memref<64x8x64xf32, #tpu.memory_space<vmem>>, vector<1x1x16xf32>,
      %get3A_1347 = vector.shape_cast %get3A_1346 : vector<1x1x16xf32> to vector<16xf32>
      %get3A_1348 = arith.constant 7 : i32
      %get3A_1349 = arith.index_cast %sub3A_411 : i32 to index
      %get3A_1350 = arith.index_cast %get3A_1348 : i32 to index
      %get3A_1351 = arith.constant 32 : index
      %get3A_1352 = tpu.vector_load %arg8[%get3A_1349, %get3A_1350, %get3A_1351] {strides = array<i32>} : memref<32x8x128xf32, #tpu.memory_space<vmem>>, vector<1x1x16xf32>,
      %get3A_1353 = vector.shape_cast %get3A_1352 : vector<1x1x16xf32> to vector<16xf32>
      %sub3A_1354 = arith.subf %get3A_1347, %get3A_1353 : vector<16xf32>
      %mul3A_1355 = arith.mulf %sub3A_1354, %sub3A_1354 : vector<16xf32>
      %add3A_1356 = arith.addf %add3A_1341, %mul3A_1355 : vector<16xf32>
      %get3A_1357 = arith.constant 6 : i32
      %get3A_1358 = arith.index_cast %add3A_1311 : i32 to index
      %get3A_1359 = arith.index_cast %get3A_1357 : i32 to index
      %get3A_1360 = arith.constant 48 : index
      %get3A_1361 = tpu.vector_load %arg7[%get3A_1358, %get3A_1359, %get3A_1360] {strides = array<i32>} : memref<64x8x64xf32, #tpu.memory_space<vmem>>, vector<1x1x16xf32>,
      %get3A_1362 = vector.shape_cast %get3A_1361 : vector<1x1x16xf32> to vector<16xf32>
      %get3A_1363 = arith.constant 7 : i32
      %get3A_1364 = arith.index_cast %sub3A_411 : i32 to index
      %get3A_1365 = arith.index_cast %get3A_1363 : i32 to index
      %get3A_1366 = arith.constant 48 : index
      %get3A_1367 = tpu.vector_load %arg8[%get3A_1364, %get3A_1365, %get3A_1366] {strides = array<i32>} : memref<32x8x128xf32, #tpu.memory_space<vmem>>, vector<1x1x16xf32>,
      %get3A_1368 = vector.shape_cast %get3A_1367 : vector<1x1x16xf32> to vector<16xf32>
      %sub3A_1369 = arith.subf %get3A_1362, %get3A_1368 : vector<16xf32>
      %mul3A_1370 = arith.mulf %sub3A_1369, %sub3A_1369 : vector<16xf32>
      %add3A_1371 = arith.addf %add3A_1356, %mul3A_1370 : vector<16xf32>
      %mul3A_1372 = arith.constant 2 : i32
      %mul3A_1373 = arith.muli %mul3A_1372, %sub3A_411 : i32
      %add3A_1374 = arith.constant 1 : i32
      %add3A_1375 = arith.addi %mul3A_1373, %add3A_1374 : i32
      %get3A_1376 = arith.constant 7 : i32
      %get3A_1377 = arith.index_cast %add3A_1375 : i32 to index
      %get3A_1378 = arith.index_cast %get3A_1376 : i32 to index
      %get3A_1379 = arith.constant 0 : index
      %get3A_1380 = tpu.vector_load %arg7[%get3A_1377, %get3A_1378, %get3A_1379] {strides = array<i32>} : memref<64x8x64xf32, #tpu.memory_space<vmem>>, vector<1x1x16xf32>,
      %get3A_1381 = vector.shape_cast %get3A_1380 : vector<1x1x16xf32> to vector<16xf32>
      %get3A_1382 = arith.constant 7 : i32
      %get3A_1383 = arith.index_cast %sub3A_411 : i32 to index
      %get3A_1384 = arith.index_cast %get3A_1382 : i32 to index
      %get3A_1385 = arith.constant 64 : index
      %get3A_1386 = tpu.vector_load %arg8[%get3A_1383, %get3A_1384, %get3A_1385] {strides = array<i32>} : memref<32x8x128xf32, #tpu.memory_space<vmem>>, vector<1x1x16xf32>,
      %get3A_1387 = vector.shape_cast %get3A_1386 : vector<1x1x16xf32> to vector<16xf32>
      %sub3A_1388 = arith.subf %get3A_1381, %get3A_1387 : vector<16xf32>
      %mul3A_1389 = arith.mulf %sub3A_1388, %sub3A_1388 : vector<16xf32>
      %add3A_1390 = arith.addf %add3A_1371, %mul3A_1389 : vector<16xf32>
      %get3A_1391 = arith.constant 7 : i32
      %get3A_1392 = arith.index_cast %add3A_1375 : i32 to index
      %get3A_1393 = arith.index_cast %get3A_1391 : i32 to index
      %get3A_1394 = arith.constant 16 : index
      %get3A_1395 = tpu.vector_load %arg7[%get3A_1392, %get3A_1393, %get3A_1394] {strides = array<i32>} : memref<64x8x64xf32, #tpu.memory_space<vmem>>, vector<1x1x16xf32>,
      %get3A_1396 = vector.shape_cast %get3A_1395 : vector<1x1x16xf32> to vector<16xf32>
      %get3A_1397 = arith.constant 7 : i32
      %get3A_1398 = arith.index_cast %sub3A_411 : i32 to index
      %get3A_1399 = arith.index_cast %get3A_1397 : i32 to index
      %get3A_1400 = arith.constant 80 : index
      %get3A_1401 = tpu.vector_load %arg8[%get3A_1398, %get3A_1399, %get3A_1400] {strides = array<i32>} : memref<32x8x128xf32, #tpu.memory_space<vmem>>, vector<1x1x16xf32>,
      %get3A_1402 = vector.shape_cast %get3A_1401 : vector<1x1x16xf32> to vector<16xf32>
      %sub3A_1403 = arith.subf %get3A_1396, %get3A_1402 : vector<16xf32>
      %mul3A_1404 = arith.mulf %sub3A_1403, %sub3A_1403 : vector<16xf32>
      %add3A_1405 = arith.addf %add3A_1390, %mul3A_1404 : vector<16xf32>
      %get3A_1406 = arith.constant 7 : i32
      %get3A_1407 = arith.index_cast %add3A_1375 : i32 to index
      %get3A_1408 = arith.index_cast %get3A_1406 : i32 to index
      %get3A_1409 = arith.constant 32 : index
      %get3A_1410 = tpu.vector_load %arg7[%get3A_1407, %get3A_1408, %get3A_1409] {strides = array<i32>} : memref<64x8x64xf32, #tpu.memory_space<vmem>>, vector<1x1x16xf32>,
      %get3A_1411 = vector.shape_cast %get3A_1410 : vector<1x1x16xf32> to vector<16xf32>
      %get3A_1412 = arith.constant 7 : i32
      %get3A_1413 = arith.index_cast %sub3A_411 : i32 to index
      %get3A_1414 = arith.index_cast %get3A_1412 : i32 to index
      %get3A_1415 = arith.constant 96 : index
      %get3A_1416 = tpu.vector_load %arg8[%get3A_1413, %get3A_1414, %get3A_1415] {strides = array<i32>} : memref<32x8x128xf32, #tpu.memory_space<vmem>>, vector<1x1x16xf32>,
      %get3A_1417 = vector.shape_cast %get3A_1416 : vector<1x1x16xf32> to vector<16xf32>
      %sub3A_1418 = arith.subf %get3A_1411, %get3A_1417 : vector<16xf32>
      %mul3A_1419 = arith.mulf %sub3A_1418, %sub3A_1418 : vector<16xf32>
      %add3A_1420 = arith.addf %add3A_1405, %mul3A_1419 : vector<16xf32>
      %get3A_1421 = arith.constant 7 : i32
      %get3A_1422 = arith.index_cast %add3A_1375 : i32 to index
      %get3A_1423 = arith.index_cast %get3A_1421 : i32 to index
      %get3A_1424 = arith.constant 48 : index
      %get3A_1425 = tpu.vector_load %arg7[%get3A_1422, %get3A_1423, %get3A_1424] {strides = array<i32>} : memref<64x8x64xf32, #tpu.memory_space<vmem>>, vector<1x1x16xf32>,
      %get3A_1426 = vector.shape_cast %get3A_1425 : vector<1x1x16xf32> to vector<16xf32>
      %get3A_1427 = arith.constant 7 : i32
      %get3A_1428 = arith.index_cast %sub3A_411 : i32 to index
      %get3A_1429 = arith.index_cast %get3A_1427 : i32 to index
      %get3A_1430 = arith.constant 112 : index
      %get3A_1431 = tpu.vector_load %arg8[%get3A_1428, %get3A_1429, %get3A_1430] {strides = array<i32>} : memref<32x8x128xf32, #tpu.memory_space<vmem>>, vector<1x1x16xf32>,
      %get3A_1432 = vector.shape_cast %get3A_1431 : vector<1x1x16xf32> to vector<16xf32>
      %sub3A_1433 = arith.subf %get3A_1426, %get3A_1432 : vector<16xf32>
      %mul3A_1434 = arith.mulf %sub3A_1433, %sub3A_1433 : vector<16xf32>
      %add3A_1435 = arith.addf %add3A_1420, %mul3A_1434 : vector<16xf32>
      scf.yield %add3A_1435 : vector<16xf32>
    }
    %scan3A_40 = arith.constant 16 : i32
    %scan3A_41 = arith.constant 16 : i32
    %scan3A_42 = arith.constant 16 : i32
    %scan3A_43 = arith.addi %scan3A_41, %scan3A_42 : i32
    %scan3A_44 = arith.constant 1 : i32
    %scan3A_45 = scf.for %scan3A_53 = %scan3A_41 to %scan3A_43 step %scan3A_44 iter_args(%scan3A_54 = %scan3A_39) -> (vector<16xf32>)  : i32 {
      %rem3A_55 = arith.constant 16 : i32
      %rem3A_56 = arith.remsi %scan3A_53, %rem3A_55 : i32
      %dma_wait3A_57 = arith.constant 0 : i32
      %dma_wait3A_58 = tpu.memref_slice %arg3[%dma_wait3A_57] : memref<16384xi32, #tpu.memory_space<hbm>> -> memref<512xi32, #tpu.memory_space<hbm>>
      %dma_wait3A_59 = tpu.memref_slice %arg10[%rem3A_56] : memref<16x!tpu.dma_semaphore, #tpu.memory_space<semaphore_mem>> -> memref<1x!tpu.dma_semaphore, #tpu.memory_space<semaphore_mem>>
      %dma_wait3A_60 = tpu.memref_squeeze %dma_wait3A_59 : memref<1x!tpu.dma_semaphore, #tpu.memory_space<semaphore_mem>> -> memref<!tpu.dma_semaphore, #tpu.memory_space<semaphore_mem>>
      %dma_wait3A_61 = arith.constant 0 : i32
      %dma_wait3A_62 = tpu.memref_slice %arg3[%dma_wait3A_61] : memref<16384xi32, #tpu.memory_space<hbm>> -> memref<512xi32, #tpu.memory_space<hbm>>
      tpu.wait_dma2 semaphore(%dma_wait3A_60 : memref<!tpu.dma_semaphore, #tpu.memory_space<semaphore_mem>>) src(%dma_wait3A_62 : memref<512xi32, #tpu.memory_space<hbm>>) dst(%arg6 : memref<512xi32, #tpu.memory_space<vmem>>)
      %dma_wait3A_63 = arith.constant 0 : i32
      %dma_wait3A_64 = tpu.memref_slice %arg3[%dma_wait3A_63] : memref<16384xi32, #tpu.memory_space<hbm>> -> memref<512xi32, #tpu.memory_space<hbm>>
      %dma_wait3A_65 = tpu.memref_slice %arg10[%rem3A_56] : memref<16x!tpu.dma_semaphore, #tpu.memory_space<semaphore_mem>> -> memref<1x!tpu.dma_semaphore, #tpu.memory_space<semaphore_mem>>
      %dma_wait3A_66 = tpu.memref_squeeze %dma_wait3A_65 : memref<1x!tpu.dma_semaphore, #tpu.memory_space<semaphore_mem>> -> memref<!tpu.dma_semaphore, #tpu.memory_space<semaphore_mem>>
      %dma_wait3A_67 = arith.constant 0 : i32
      %dma_wait3A_68 = tpu.memref_slice %arg3[%dma_wait3A_67] : memref<16384xi32, #tpu.memory_space<hbm>> -> memref<512xi32, #tpu.memory_space<hbm>>
      tpu.wait_dma2 semaphore(%dma_wait3A_66 : memref<!tpu.dma_semaphore, #tpu.memory_space<semaphore_mem>>) src(%dma_wait3A_68 : memref<512xi32, #tpu.memory_space<hbm>>) dst(%arg6 : memref<512xi32, #tpu.memory_space<vmem>>)
      %mul3A_69 = arith.constant 2 : i32
      %mul3A_70 = arith.muli %mul3A_69, %scan3A_53 : i32
      %add3A_71 = arith.constant 0 : i32
      %add3A_72 = arith.addi %mul3A_70, %add3A_71 : i32
      %get3A = arith.constant 0 : i32
      %get3A_73 = arith.index_cast %add3A_72 : i32 to index
      %get3A_74 = arith.index_cast %get3A : i32 to index
      %get3A_75 = arith.constant 0 : index
      %get3A_76 = tpu.vector_load %arg7[%get3A_73, %get3A_74, %get3A_75] {strides = array<i32>} : memref<64x8x64xf32, #tpu.memory_space<vmem>>, vector<1x1x16xf32>,
      %get3A_77 = vector.shape_cast %get3A_76 : vector<1x1x16xf32> to vector<16xf32>
      %get3A_78 = arith.constant 0 : i32
      %get3A_79 = arith.index_cast %scan3A_53 : i32 to index
      %get3A_80 = arith.index_cast %get3A_78 : i32 to index
      %get3A_81 = arith.constant 0 : index
      %get3A_82 = tpu.vector_load %arg8[%get3A_79, %get3A_80, %get3A_81] {strides = array<i32>} : memref<32x8x128xf32, #tpu.memory_space<vmem>>, vector<1x1x16xf32>,
      %get3A_83 = vector.shape_cast %get3A_82 : vector<1x1x16xf32> to vector<16xf32>
      %sub3A_84 = arith.subf %get3A_77, %get3A_83 : vector<16xf32>
      %mul3A_85 = arith.mulf %sub3A_84, %sub3A_84 : vector<16xf32>
      %add3A_86 = arith.addf %scan3A_54, %mul3A_85 : vector<16xf32>
      %get3A_87 = arith.constant 0 : i32
      %get3A_88 = arith.index_cast %add3A_72 : i32 to index
      %get3A_89 = arith.index_cast %get3A_87 : i32 to index
      %get3A_90 = arith.constant 16 : index
      %get3A_91 = tpu.vector_load %arg7[%get3A_88, %get3A_89, %get3A_90] {strides = array<i32>} : memref<64x8x64xf32, #tpu.memory_space<vmem>>, vector<1x1x16xf32>,
      %get3A_92 = vector.shape_cast %get3A_91 : vector<1x1x16xf32> to vector<16xf32>
      %get3A_93 = arith.constant 0 : i32
      %get3A_94 = arith.index_cast %scan3A_53 : i32 to index
      %get3A_95 = arith.index_cast %get3A_93 : i32 to index
      %get3A_96 = arith.constant 16 : index
      %get3A_97 = tpu.vector_load %arg8[%get3A_94, %get3A_95, %get3A_96] {strides = array<i32>} : memref<32x8x128xf32, #tpu.memory_space<vmem>>, vector<1x1x16xf32>,
      %get3A_98 = vector.shape_cast %get3A_97 : vector<1x1x16xf32> to vector<16xf32>
      %sub3A_99 = arith.subf %get3A_92, %get3A_98 : vector<16xf32>
      %mul3A_100 = arith.mulf %sub3A_99, %sub3A_99 : vector<16xf32>
      %add3A_101 = arith.addf %add3A_86, %mul3A_100 : vector<16xf32>
      %get3A_102 = arith.constant 0 : i32
      %get3A_103 = arith.index_cast %add3A_72 : i32 to index
      %get3A_104 = arith.index_cast %get3A_102 : i32 to index
      %get3A_105 = arith.constant 32 : index
      %get3A_106 = tpu.vector_load %arg7[%get3A_103, %get3A_104, %get3A_105] {strides = array<i32>} : memref<64x8x64xf32, #tpu.memory_space<vmem>>, vector<1x1x16xf32>,
      %get3A_107 = vector.shape_cast %get3A_106 : vector<1x1x16xf32> to vector<16xf32>
      %get3A_108 = arith.constant 0 : i32
      %get3A_109 = arith.index_cast %scan3A_53 : i32 to index
      %get3A_110 = arith.index_cast %get3A_108 : i32 to index
      %get3A_111 = arith.constant 32 : index
      %get3A_112 = tpu.vector_load %arg8[%get3A_109, %get3A_110, %get3A_111] {strides = array<i32>} : memref<32x8x128xf32, #tpu.memory_space<vmem>>, vector<1x1x16xf32>,
      %get3A_113 = vector.shape_cast %get3A_112 : vector<1x1x16xf32> to vector<16xf32>
      %sub3A_114 = arith.subf %get3A_107, %get3A_113 : vector<16xf32>
      %mul3A_115 = arith.mulf %sub3A_114, %sub3A_114 : vector<16xf32>
      %add3A_116 = arith.addf %add3A_101, %mul3A_115 : vector<16xf32>
      %get3A_117 = arith.constant 0 : i32
      %get3A_118 = arith.index_cast %add3A_72 : i32 to index
      %get3A_119 = arith.index_cast %get3A_117 : i32 to index
      %get3A_120 = arith.constant 48 : index
      %get3A_121 = tpu.vector_load %arg7[%get3A_118, %get3A_119, %get3A_120] {strides = array<i32>} : memref<64x8x64xf32, #tpu.memory_space<vmem>>, vector<1x1x16xf32>,
      %get3A_122 = vector.shape_cast %get3A_121 : vector<1x1x16xf32> to vector<16xf32>
      %get3A_123 = arith.constant 0 : i32
      %get3A_124 = arith.index_cast %scan3A_53 : i32 to index
      %get3A_125 = arith.index_cast %get3A_123 : i32 to index
      %get3A_126 = arith.constant 48 : index
      %get3A_127 = tpu.vector_load %arg8[%get3A_124, %get3A_125, %get3A_126] {strides = array<i32>} : memref<32x8x128xf32, #tpu.memory_space<vmem>>, vector<1x1x16xf32>,
      %get3A_128 = vector.shape_cast %get3A_127 : vector<1x1x16xf32> to vector<16xf32>
      %sub3A_129 = arith.subf %get3A_122, %get3A_128 : vector<16xf32>
      %mul3A_130 = arith.mulf %sub3A_129, %sub3A_129 : vector<16xf32>
      %add3A_131 = arith.addf %add3A_116, %mul3A_130 : vector<16xf32>
      %mul3A_132 = arith.constant 2 : i32
      %mul3A_133 = arith.muli %mul3A_132, %scan3A_53 : i32
      %add3A_134 = arith.constant 0 : i32
      %add3A_135 = arith.addi %mul3A_133, %add3A_134 : i32
      %get3A_136 = arith.constant 1 : i32
      %get3A_137 = arith.index_cast %add3A_135 : i32 to index
      %get3A_138 = arith.index_cast %get3A_136 : i32 to index
      %get3A_139 = arith.constant 0 : index
      %get3A_140 = tpu.vector_load %arg7[%get3A_137, %get3A_138, %get3A_139] {strides = array<i32>} : memref<64x8x64xf32, #tpu.memory_space<vmem>>, vector<1x1x16xf32>,
      %get3A_141 = vector.shape_cast %get3A_140 : vector<1x1x16xf32> to vector<16xf32>
      %get3A_142 = arith.constant 0 : i32
      %get3A_143 = arith.index_cast %scan3A_53 : i32 to index
      %get3A_144 = arith.index_cast %get3A_142 : i32 to index
      %get3A_145 = arith.constant 64 : index
      %get3A_146 = tpu.vector_load %arg8[%get3A_143, %get3A_144, %get3A_145] {strides = array<i32>} : memref<32x8x128xf32, #tpu.memory_space<vmem>>, vector<1x1x16xf32>,
      %get3A_147 = vector.shape_cast %get3A_146 : vector<1x1x16xf32> to vector<16xf32>
      %sub3A_148 = arith.subf %get3A_141, %get3A_147 : vector<16xf32>
      %mul3A_149 = arith.mulf %sub3A_148, %sub3A_148 : vector<16xf32>
      %add3A_150 = arith.addf %add3A_131, %mul3A_149 : vector<16xf32>
      %get3A_151 = arith.constant 1 : i32
      %get3A_152 = arith.index_cast %add3A_135 : i32 to index
      %get3A_153 = arith.index_cast %get3A_151 : i32 to index
      %get3A_154 = arith.constant 16 : index
      %get3A_155 = tpu.vector_load %arg7[%get3A_152, %get3A_153, %get3A_154] {strides = array<i32>} : memref<64x8x64xf32, #tpu.memory_space<vmem>>, vector<1x1x16xf32>,
      %get3A_156 = vector.shape_cast %get3A_155 : vector<1x1x16xf32> to vector<16xf32>
      %get3A_157 = arith.constant 0 : i32
      %get3A_158 = arith.index_cast %scan3A_53 : i32 to index
      %get3A_159 = arith.index_cast %get3A_157 : i32 to index
      %get3A_160 = arith.constant 80 : index
      %get3A_161 = tpu.vector_load %arg8[%get3A_158, %get3A_159, %get3A_160] {strides = array<i32>} : memref<32x8x128xf32, #tpu.memory_space<vmem>>, vector<1x1x16xf32>,
      %get3A_162 = vector.shape_cast %get3A_161 : vector<1x1x16xf32> to vector<16xf32>
      %sub3A_163 = arith.subf %get3A_156, %get3A_162 : vector<16xf32>
      %mul3A_164 = arith.mulf %sub3A_163, %sub3A_163 : vector<16xf32>
      %add3A_165 = arith.addf %add3A_150, %mul3A_164 : vector<16xf32>
      %get3A_166 = arith.constant 1 : i32
      %get3A_167 = arith.index_cast %add3A_135 : i32 to index
      %get3A_168 = arith.index_cast %get3A_166 : i32 to index
      %get3A_169 = arith.constant 32 : index
      %get3A_170 = tpu.vector_load %arg7[%get3A_167, %get3A_168, %get3A_169] {strides = array<i32>} : memref<64x8x64xf32, #tpu.memory_space<vmem>>, vector<1x1x16xf32>,
      %get3A_171 = vector.shape_cast %get3A_170 : vector<1x1x16xf32> to vector<16xf32>
      %get3A_172 = arith.constant 0 : i32
      %get3A_173 = arith.index_cast %scan3A_53 : i32 to index
      %get3A_174 = arith.index_cast %get3A_172 : i32 to index
      %get3A_175 = arith.constant 96 : index
      %get3A_176 = tpu.vector_load %arg8[%get3A_173, %get3A_174, %get3A_175] {strides = array<i32>} : memref<32x8x128xf32, #tpu.memory_space<vmem>>, vector<1x1x16xf32>,
      %get3A_177 = vector.shape_cast %get3A_176 : vector<1x1x16xf32> to vector<16xf32>
      %sub3A_178 = arith.subf %get3A_171, %get3A_177 : vector<16xf32>
      %mul3A_179 = arith.mulf %sub3A_178, %sub3A_178 : vector<16xf32>
      %add3A_180 = arith.addf %add3A_165, %mul3A_179 : vector<16xf32>
      %get3A_181 = arith.constant 1 : i32
      %get3A_182 = arith.index_cast %add3A_135 : i32 to index
      %get3A_183 = arith.index_cast %get3A_181 : i32 to index
      %get3A_184 = arith.constant 48 : index
      %get3A_185 = tpu.vector_load %arg7[%get3A_182, %get3A_183, %get3A_184] {strides = array<i32>} : memref<64x8x64xf32, #tpu.memory_space<vmem>>, vector<1x1x16xf32>,
      %get3A_186 = vector.shape_cast %get3A_185 : vector<1x1x16xf32> to vector<16xf32>
      %get3A_187 = arith.constant 0 : i32
      %get3A_188 = arith.index_cast %scan3A_53 : i32 to index
      %get3A_189 = arith.index_cast %get3A_187 : i32 to index
      %get3A_190 = arith.constant 112 : index
      %get3A_191 = tpu.vector_load %arg8[%get3A_188, %get3A_189, %get3A_190] {strides = array<i32>} : memref<32x8x128xf32, #tpu.memory_space<vmem>>, vector<1x1x16xf32>,
      %get3A_192 = vector.shape_cast %get3A_191 : vector<1x1x16xf32> to vector<16xf32>
      %sub3A_193 = arith.subf %get3A_186, %get3A_192 : vector<16xf32>
      %mul3A_194 = arith.mulf %sub3A_193, %sub3A_193 : vector<16xf32>
      %add3A_195 = arith.addf %add3A_180, %mul3A_194 : vector<16xf32>
      %mul3A_196 = arith.constant 2 : i32
      %mul3A_197 = arith.muli %mul3A_196, %scan3A_53 : i32
      %add3A_198 = arith.constant 0 : i32
      %add3A_199 = arith.addi %mul3A_197, %add3A_198 : i32
      %get3A_200 = arith.constant 2 : i32
      %get3A_201 = arith.index_cast %add3A_199 : i32 to index
      %get3A_202 = arith.index_cast %get3A_200 : i32 to index
      %get3A_203 = arith.constant 0 : index
      %get3A_204 = tpu.vector_load %arg7[%get3A_201, %get3A_202, %get3A_203] {strides = array<i32>} : memref<64x8x64xf32, #tpu.memory_space<vmem>>, vector<1x1x16xf32>,
      %get3A_205 = vector.shape_cast %get3A_204 : vector<1x1x16xf32> to vector<16xf32>
      %get3A_206 = arith.constant 1 : i32
      %get3A_207 = arith.index_cast %scan3A_53 : i32 to index
      %get3A_208 = arith.index_cast %get3A_206 : i32 to index
      %get3A_209 = arith.constant 0 : index
      %get3A_210 = tpu.vector_load %arg8[%get3A_207, %get3A_208, %get3A_209] {strides = array<i32>} : memref<32x8x128xf32, #tpu.memory_space<vmem>>, vector<1x1x16xf32>,
      %get3A_211 = vector.shape_cast %get3A_210 : vector<1x1x16xf32> to vector<16xf32>
      %sub3A_212 = arith.subf %get3A_205, %get3A_211 : vector<16xf32>
      %mul3A_213 = arith.mulf %sub3A_212, %sub3A_212 : vector<16xf32>
      %add3A_214 = arith.addf %add3A_195, %mul3A_213 : vector<16xf32>
      %get3A_215 = arith.constant 2 : i32
      %get3A_216 = arith.index_cast %add3A_199 : i32 to index
      %get3A_217 = arith.index_cast %get3A_215 : i32 to index
      %get3A_218 = arith.constant 16 : index
      %get3A_219 = tpu.vector_load %arg7[%get3A_216, %get3A_217, %get3A_218] {strides = array<i32>} : memref<64x8x64xf32, #tpu.memory_space<vmem>>, vector<1x1x16xf32>,
      %get3A_220 = vector.shape_cast %get3A_219 : vector<1x1x16xf32> to vector<16xf32>
      %get3A_221 = arith.constant 1 : i32
      %get3A_222 = arith.index_cast %scan3A_53 : i32 to index
      %get3A_223 = arith.index_cast %get3A_221 : i32 to index
      %get3A_224 = arith.constant 16 : index
      %get3A_225 = tpu.vector_load %arg8[%get3A_222, %get3A_223, %get3A_224] {strides = array<i32>} : memref<32x8x128xf32, #tpu.memory_space<vmem>>, vector<1x1x16xf32>,
      %get3A_226 = vector.shape_cast %get3A_225 : vector<1x1x16xf32> to vector<16xf32>
      %sub3A_227 = arith.subf %get3A_220, %get3A_226 : vector<16xf32>
      %mul3A_228 = arith.mulf %sub3A_227, %sub3A_227 : vector<16xf32>
      %add3A_229 = arith.addf %add3A_214, %mul3A_228 : vector<16xf32>
      %get3A_230 = arith.constant 2 : i32
      %get3A_231 = arith.index_cast %add3A_199 : i32 to index
      %get3A_232 = arith.index_cast %get3A_230 : i32 to index
      %get3A_233 = arith.constant 32 : index
      %get3A_234 = tpu.vector_load %arg7[%get3A_231, %get3A_232, %get3A_233] {strides = array<i32>} : memref<64x8x64xf32, #tpu.memory_space<vmem>>, vector<1x1x16xf32>,
      %get3A_235 = vector.shape_cast %get3A_234 : vector<1x1x16xf32> to vector<16xf32>
      %get3A_236 = arith.constant 1 : i32
      %get3A_237 = arith.index_cast %scan3A_53 : i32 to index
      %get3A_238 = arith.index_cast %get3A_236 : i32 to index
      %get3A_239 = arith.constant 32 : index
      %get3A_240 = tpu.vector_load %arg8[%get3A_237, %get3A_238, %get3A_239] {strides = array<i32>} : memref<32x8x128xf32, #tpu.memory_space<vmem>>, vector<1x1x16xf32>,
      %get3A_241 = vector.shape_cast %get3A_240 : vector<1x1x16xf32> to vector<16xf32>
      %sub3A_242 = arith.subf %get3A_235, %get3A_241 : vector<16xf32>
      %mul3A_243 = arith.mulf %sub3A_242, %sub3A_242 : vector<16xf32>
      %add3A_244 = arith.addf %add3A_229, %mul3A_243 : vector<16xf32>
      %get3A_245 = arith.constant 2 : i32
      %get3A_246 = arith.index_cast %add3A_199 : i32 to index
      %get3A_247 = arith.index_cast %get3A_245 : i32 to index
      %get3A_248 = arith.constant 48 : index
      %get3A_249 = tpu.vector_load %arg7[%get3A_246, %get3A_247, %get3A_248] {strides = array<i32>} : memref<64x8x64xf32, #tpu.memory_space<vmem>>, vector<1x1x16xf32>,
      %get3A_250 = vector.shape_cast %get3A_249 : vector<1x1x16xf32> to vector<16xf32>
      %get3A_251 = arith.constant 1 : i32
      %get3A_252 = arith.index_cast %scan3A_53 : i32 to index
      %get3A_253 = arith.index_cast %get3A_251 : i32 to index
      %get3A_254 = arith.constant 48 : index
      %get3A_255 = tpu.vector_load %arg8[%get3A_252, %get3A_253, %get3A_254] {strides = array<i32>} : memref<32x8x128xf32, #tpu.memory_space<vmem>>, vector<1x1x16xf32>,
      %get3A_256 = vector.shape_cast %get3A_255 : vector<1x1x16xf32> to vector<16xf32>
      %sub3A_257 = arith.subf %get3A_250, %get3A_256 : vector<16xf32>
      %mul3A_258 = arith.mulf %sub3A_257, %sub3A_257 : vector<16xf32>
      %add3A_259 = arith.addf %add3A_244, %mul3A_258 : vector<16xf32>
      %mul3A_260 = arith.constant 2 : i32
      %mul3A_261 = arith.muli %mul3A_260, %scan3A_53 : i32
      %add3A_262 = arith.constant 0 : i32
      %add3A_263 = arith.addi %mul3A_261, %add3A_262 : i32
      %get3A_264 = arith.constant 3 : i32
      %get3A_265 = arith.index_cast %add3A_263 : i32 to index
      %get3A_266 = arith.index_cast %get3A_264 : i32 to index
      %get3A_267 = arith.constant 0 : index
      %get3A_268 = tpu.vector_load %arg7[%get3A_265, %get3A_266, %get3A_267] {strides = array<i32>} : memref<64x8x64xf32, #tpu.memory_space<vmem>>, vector<1x1x16xf32>,
      %get3A_269 = vector.shape_cast %get3A_268 : vector<1x1x16xf32> to vector<16xf32>
      %get3A_270 = arith.constant 1 : i32
      %get3A_271 = arith.index_cast %scan3A_53 : i32 to index
      %get3A_272 = arith.index_cast %get3A_270 : i32 to index
      %get3A_273 = arith.constant 64 : index
      %get3A_274 = tpu.vector_load %arg8[%get3A_271, %get3A_272, %get3A_273] {strides = array<i32>} : memref<32x8x128xf32, #tpu.memory_space<vmem>>, vector<1x1x16xf32>,
      %get3A_275 = vector.shape_cast %get3A_274 : vector<1x1x16xf32> to vector<16xf32>
      %sub3A_276 = arith.subf %get3A_269, %get3A_275 : vector<16xf32>
      %mul3A_277 = arith.mulf %sub3A_276, %sub3A_276 : vector<16xf32>
      %add3A_278 = arith.addf %add3A_259, %mul3A_277 : vector<16xf32>
      %get3A_279 = arith.constant 3 : i32
      %get3A_280 = arith.index_cast %add3A_263 : i32 to index
      %get3A_281 = arith.index_cast %get3A_279 : i32 to index
      %get3A_282 = arith.constant 16 : index
      %get3A_283 = tpu.vector_load %arg7[%get3A_280, %get3A_281, %get3A_282] {strides = array<i32>} : memref<64x8x64xf32, #tpu.memory_space<vmem>>, vector<1x1x16xf32>,
      %get3A_284 = vector.shape_cast %get3A_283 : vector<1x1x16xf32> to vector<16xf32>
      %get3A_285 = arith.constant 1 : i32
      %get3A_286 = arith.index_cast %scan3A_53 : i32 to index
      %get3A_287 = arith.index_cast %get3A_285 : i32 to index
      %get3A_288 = arith.constant 80 : index
      %get3A_289 = tpu.vector_load %arg8[%get3A_286, %get3A_287, %get3A_288] {strides = array<i32>} : memref<32x8x128xf32, #tpu.memory_space<vmem>>, vector<1x1x16xf32>,
      %get3A_290 = vector.shape_cast %get3A_289 : vector<1x1x16xf32> to vector<16xf32>
      %sub3A_291 = arith.subf %get3A_284, %get3A_290 : vector<16xf32>
      %mul3A_292 = arith.mulf %sub3A_291, %sub3A_291 : vector<16xf32>
      %add3A_293 = arith.addf %add3A_278, %mul3A_292 : vector<16xf32>
      %get3A_294 = arith.constant 3 : i32
      %get3A_295 = arith.index_cast %add3A_263 : i32 to index
      %get3A_296 = arith.index_cast %get3A_294 : i32 to index
      %get3A_297 = arith.constant 32 : index
      %get3A_298 = tpu.vector_load %arg7[%get3A_295, %get3A_296, %get3A_297] {strides = array<i32>} : memref<64x8x64xf32, #tpu.memory_space<vmem>>, vector<1x1x16xf32>,
      %get3A_299 = vector.shape_cast %get3A_298 : vector<1x1x16xf32> to vector<16xf32>
      %get3A_300 = arith.constant 1 : i32
      %get3A_301 = arith.index_cast %scan3A_53 : i32 to index
      %get3A_302 = arith.index_cast %get3A_300 : i32 to index
      %get3A_303 = arith.constant 96 : index
      %get3A_304 = tpu.vector_load %arg8[%get3A_301, %get3A_302, %get3A_303] {strides = array<i32>} : memref<32x8x128xf32, #tpu.memory_space<vmem>>, vector<1x1x16xf32>,
      %get3A_305 = vector.shape_cast %get3A_304 : vector<1x1x16xf32> to vector<16xf32>
      %sub3A_306 = arith.subf %get3A_299, %get3A_305 : vector<16xf32>
      %mul3A_307 = arith.mulf %sub3A_306, %sub3A_306 : vector<16xf32>
      %add3A_308 = arith.addf %add3A_293, %mul3A_307 : vector<16xf32>
      %get3A_309 = arith.constant 3 : i32
      %get3A_310 = arith.index_cast %add3A_263 : i32 to index
      %get3A_311 = arith.index_cast %get3A_309 : i32 to index
      %get3A_312 = arith.constant 48 : index
      %get3A_313 = tpu.vector_load %arg7[%get3A_310, %get3A_311, %get3A_312] {strides = array<i32>} : memref<64x8x64xf32, #tpu.memory_space<vmem>>, vector<1x1x16xf32>,
      %get3A_314 = vector.shape_cast %get3A_313 : vector<1x1x16xf32> to vector<16xf32>
      %get3A_315 = arith.constant 1 : i32
      %get3A_316 = arith.index_cast %scan3A_53 : i32 to index
      %get3A_317 = arith.index_cast %get3A_315 : i32 to index
      %get3A_318 = arith.constant 112 : index
      %get3A_319 = tpu.vector_load %arg8[%get3A_316, %get3A_317, %get3A_318] {strides = array<i32>} : memref<32x8x128xf32, #tpu.memory_space<vmem>>, vector<1x1x16xf32>,
      %get3A_320 = vector.shape_cast %get3A_319 : vector<1x1x16xf32> to vector<16xf32>
      %sub3A_321 = arith.subf %get3A_314, %get3A_320 : vector<16xf32>
      %mul3A_322 = arith.mulf %sub3A_321, %sub3A_321 : vector<16xf32>
      %add3A_323 = arith.addf %add3A_308, %mul3A_322 : vector<16xf32>
      %mul3A_324 = arith.constant 2 : i32
      %mul3A_325 = arith.muli %mul3A_324, %scan3A_53 : i32
      %add3A_326 = arith.constant 0 : i32
      %add3A_327 = arith.addi %mul3A_325, %add3A_326 : i32
      %get3A_328 = arith.constant 4 : i32
      %get3A_329 = arith.index_cast %add3A_327 : i32 to index
      %get3A_330 = arith.index_cast %get3A_328 : i32 to index
      %get3A_331 = arith.constant 0 : index
      %get3A_332 = tpu.vector_load %arg7[%get3A_329, %get3A_330, %get3A_331] {strides = array<i32>} : memref<64x8x64xf32, #tpu.memory_space<vmem>>, vector<1x1x16xf32>,
      %get3A_333 = vector.shape_cast %get3A_332 : vector<1x1x16xf32> to vector<16xf32>
      %get3A_334 = arith.constant 2 : i32
      %get3A_335 = arith.index_cast %scan3A_53 : i32 to index
      %get3A_336 = arith.index_cast %get3A_334 : i32 to index
      %get3A_337 = arith.constant 0 : index
      %get3A_338 = tpu.vector_load %arg8[%get3A_335, %get3A_336, %get3A_337] {strides = array<i32>} : memref<32x8x128xf32, #tpu.memory_space<vmem>>, vector<1x1x16xf32>,
      %get3A_339 = vector.shape_cast %get3A_338 : vector<1x1x16xf32> to vector<16xf32>
      %sub3A_340 = arith.subf %get3A_333, %get3A_339 : vector<16xf32>
      %mul3A_341 = arith.mulf %sub3A_340, %sub3A_340 : vector<16xf32>
      %add3A_342 = arith.addf %add3A_323, %mul3A_341 : vector<16xf32>
      %get3A_343 = arith.constant 4 : i32
      %get3A_344 = arith.index_cast %add3A_327 : i32 to index
      %get3A_345 = arith.index_cast %get3A_343 : i32 to index
      %get3A_346 = arith.constant 16 : index
      %get3A_347 = tpu.vector_load %arg7[%get3A_344, %get3A_345, %get3A_346] {strides = array<i32>} : memref<64x8x64xf32, #tpu.memory_space<vmem>>, vector<1x1x16xf32>,
      %get3A_348 = vector.shape_cast %get3A_347 : vector<1x1x16xf32> to vector<16xf32>
      %get3A_349 = arith.constant 2 : i32
      %get3A_350 = arith.index_cast %scan3A_53 : i32 to index
      %get3A_351 = arith.index_cast %get3A_349 : i32 to index
      %get3A_352 = arith.constant 16 : index
      %get3A_353 = tpu.vector_load %arg8[%get3A_350, %get3A_351, %get3A_352] {strides = array<i32>} : memref<32x8x128xf32, #tpu.memory_space<vmem>>, vector<1x1x16xf32>,
      %get3A_354 = vector.shape_cast %get3A_353 : vector<1x1x16xf32> to vector<16xf32>
      %sub3A_355 = arith.subf %get3A_348, %get3A_354 : vector<16xf32>
      %mul3A_356 = arith.mulf %sub3A_355, %sub3A_355 : vector<16xf32>
      %add3A_357 = arith.addf %add3A_342, %mul3A_356 : vector<16xf32>
      %get3A_358 = arith.constant 4 : i32
      %get3A_359 = arith.index_cast %add3A_327 : i32 to index
      %get3A_360 = arith.index_cast %get3A_358 : i32 to index
      %get3A_361 = arith.constant 32 : index
      %get3A_362 = tpu.vector_load %arg7[%get3A_359, %get3A_360, %get3A_361] {strides = array<i32>} : memref<64x8x64xf32, #tpu.memory_space<vmem>>, vector<1x1x16xf32>,
      %get3A_363 = vector.shape_cast %get3A_362 : vector<1x1x16xf32> to vector<16xf32>
      %get3A_364 = arith.constant 2 : i32
      %get3A_365 = arith.index_cast %scan3A_53 : i32 to index
      %get3A_366 = arith.index_cast %get3A_364 : i32 to index
      %get3A_367 = arith.constant 32 : index
      %get3A_368 = tpu.vector_load %arg8[%get3A_365, %get3A_366, %get3A_367] {strides = array<i32>} : memref<32x8x128xf32, #tpu.memory_space<vmem>>, vector<1x1x16xf32>,
      %get3A_369 = vector.shape_cast %get3A_368 : vector<1x1x16xf32> to vector<16xf32>
      %sub3A_370 = arith.subf %get3A_363, %get3A_369 : vector<16xf32>
      %mul3A_371 = arith.mulf %sub3A_370, %sub3A_370 : vector<16xf32>
      %add3A_372 = arith.addf %add3A_357, %mul3A_371 : vector<16xf32>
      %get3A_373 = arith.constant 4 : i32
      %get3A_374 = arith.index_cast %add3A_327 : i32 to index
      %get3A_375 = arith.index_cast %get3A_373 : i32 to index
      %get3A_376 = arith.constant 48 : index
      %get3A_377 = tpu.vector_load %arg7[%get3A_374, %get3A_375, %get3A_376] {strides = array<i32>} : memref<64x8x64xf32, #tpu.memory_space<vmem>>, vector<1x1x16xf32>,
      %get3A_378 = vector.shape_cast %get3A_377 : vector<1x1x16xf32> to vector<16xf32>
      %get3A_379 = arith.constant 2 : i32
      %get3A_380 = arith.index_cast %scan3A_53 : i32 to index
      %get3A_381 = arith.index_cast %get3A_379 : i32 to index
      %get3A_382 = arith.constant 48 : index
      %get3A_383 = tpu.vector_load %arg8[%get3A_380, %get3A_381, %get3A_382] {strides = array<i32>} : memref<32x8x128xf32, #tpu.memory_space<vmem>>, vector<1x1x16xf32>,
      %get3A_384 = vector.shape_cast %get3A_383 : vector<1x1x16xf32> to vector<16xf32>
      %sub3A_385 = arith.subf %get3A_378, %get3A_384 : vector<16xf32>
      %mul3A_386 = arith.mulf %sub3A_385, %sub3A_385 : vector<16xf32>
      %add3A_387 = arith.addf %add3A_372, %mul3A_386 : vector<16xf32>
      %mul3A_388 = arith.constant 2 : i32
      %mul3A_389 = arith.muli %mul3A_388, %scan3A_53 : i32
      %add3A_390 = arith.constant 0 : i32
      %add3A_391 = arith.addi %mul3A_389, %add3A_390 : i32
      %get3A_392 = arith.constant 5 : i32
      %get3A_393 = arith.index_cast %add3A_391 : i32 to index
      %get3A_394 = arith.index_cast %get3A_392 : i32 to index
      %get3A_395 = arith.constant 0 : index
      %get3A_396 = tpu.vector_load %arg7[%get3A_393, %get3A_394, %get3A_395] {strides = array<i32>} : memref<64x8x64xf32, #tpu.memory_space<vmem>>, vector<1x1x16xf32>,
      %get3A_397 = vector.shape_cast %get3A_396 : vector<1x1x16xf32> to vector<16xf32>
      %get3A_398 = arith.constant 2 : i32
      %get3A_399 = arith.index_cast %scan3A_53 : i32 to index
      %get3A_400 = arith.index_cast %get3A_398 : i32 to index
      %get3A_401 = arith.constant 64 : index
      %get3A_402 = tpu.vector_load %arg8[%get3A_399, %get3A_400, %get3A_401] {strides = array<i32>} : memref<32x8x128xf32, #tpu.memory_space<vmem>>, vector<1x1x16xf32>,
      %get3A_403 = vector.shape_cast %get3A_402 : vector<1x1x16xf32> to vector<16xf32>
      %sub3A_404 = arith.subf %get3A_397, %get3A_403 : vector<16xf32>
      %mul3A_405 = arith.mulf %sub3A_404, %sub3A_404 : vector<16xf32>
      %add3A_406 = arith.addf %add3A_387, %mul3A_405 : vector<16xf32>
      %get3A_407 = arith.constant 5 : i32
      %get3A_408 = arith.index_cast %add3A_391 : i32 to index
      %get3A_409 = arith.index_cast %get3A_407 : i32 to index
      %get3A_410 = arith.constant 16 : index
      %get3A_411 = tpu.vector_load %arg7[%get3A_408, %get3A_409, %get3A_410] {strides = array<i32>} : memref<64x8x64xf32, #tpu.memory_space<vmem>>, vector<1x1x16xf32>,
      %get3A_412 = vector.shape_cast %get3A_411 : vector<1x1x16xf32> to vector<16xf32>
      %get3A_413 = arith.constant 2 : i32
      %get3A_414 = arith.index_cast %scan3A_53 : i32 to index
      %get3A_415 = arith.index_cast %get3A_413 : i32 to index
      %get3A_416 = arith.constant 80 : index
      %get3A_417 = tpu.vector_load %arg8[%get3A_414, %get3A_415, %get3A_416] {strides = array<i32>} : memref<32x8x128xf32, #tpu.memory_space<vmem>>, vector<1x1x16xf32>,
      %get3A_418 = vector.shape_cast %get3A_417 : vector<1x1x16xf32> to vector<16xf32>
      %sub3A_419 = arith.subf %get3A_412, %get3A_418 : vector<16xf32>
      %mul3A_420 = arith.mulf %sub3A_419, %sub3A_419 : vector<16xf32>
      %add3A_421 = arith.addf %add3A_406, %mul3A_420 : vector<16xf32>
      %get3A_422 = arith.constant 5 : i32
      %get3A_423 = arith.index_cast %add3A_391 : i32 to index
      %get3A_424 = arith.index_cast %get3A_422 : i32 to index
      %get3A_425 = arith.constant 32 : index
      %get3A_426 = tpu.vector_load %arg7[%get3A_423, %get3A_424, %get3A_425] {strides = array<i32>} : memref<64x8x64xf32, #tpu.memory_space<vmem>>, vector<1x1x16xf32>,
      %get3A_427 = vector.shape_cast %get3A_426 : vector<1x1x16xf32> to vector<16xf32>
      %get3A_428 = arith.constant 2 : i32
      %get3A_429 = arith.index_cast %scan3A_53 : i32 to index
      %get3A_430 = arith.index_cast %get3A_428 : i32 to index
      %get3A_431 = arith.constant 96 : index
      %get3A_432 = tpu.vector_load %arg8[%get3A_429, %get3A_430, %get3A_431] {strides = array<i32>} : memref<32x8x128xf32, #tpu.memory_space<vmem>>, vector<1x1x16xf32>,
      %get3A_433 = vector.shape_cast %get3A_432 : vector<1x1x16xf32> to vector<16xf32>
      %sub3A_434 = arith.subf %get3A_427, %get3A_433 : vector<16xf32>
      %mul3A_435 = arith.mulf %sub3A_434, %sub3A_434 : vector<16xf32>
      %add3A_436 = arith.addf %add3A_421, %mul3A_435 : vector<16xf32>
      %get3A_437 = arith.constant 5 : i32
      %get3A_438 = arith.index_cast %add3A_391 : i32 to index
      %get3A_439 = arith.index_cast %get3A_437 : i32 to index
      %get3A_440 = arith.constant 48 : index
      %get3A_441 = tpu.vector_load %arg7[%get3A_438, %get3A_439, %get3A_440] {strides = array<i32>} : memref<64x8x64xf32, #tpu.memory_space<vmem>>, vector<1x1x16xf32>,
      %get3A_442 = vector.shape_cast %get3A_441 : vector<1x1x16xf32> to vector<16xf32>
      %get3A_443 = arith.constant 2 : i32
      %get3A_444 = arith.index_cast %scan3A_53 : i32 to index
      %get3A_445 = arith.index_cast %get3A_443 : i32 to index
      %get3A_446 = arith.constant 112 : index
      %get3A_447 = tpu.vector_load %arg8[%get3A_444, %get3A_445, %get3A_446] {strides = array<i32>} : memref<32x8x128xf32, #tpu.memory_space<vmem>>, vector<1x1x16xf32>,
      %get3A_448 = vector.shape_cast %get3A_447 : vector<1x1x16xf32> to vector<16xf32>
      %sub3A_449 = arith.subf %get3A_442, %get3A_448 : vector<16xf32>
      %mul3A_450 = arith.mulf %sub3A_449, %sub3A_449 : vector<16xf32>
      %add3A_451 = arith.addf %add3A_436, %mul3A_450 : vector<16xf32>
      %mul3A_452 = arith.constant 2 : i32
      %mul3A_453 = arith.muli %mul3A_452, %scan3A_53 : i32
      %add3A_454 = arith.constant 0 : i32
      %add3A_455 = arith.addi %mul3A_453, %add3A_454 : i32
      %get3A_456 = arith.constant 6 : i32
      %get3A_457 = arith.index_cast %add3A_455 : i32 to index
      %get3A_458 = arith.index_cast %get3A_456 : i32 to index
      %get3A_459 = arith.constant 0 : index
      %get3A_460 = tpu.vector_load %arg7[%get3A_457, %get3A_458, %get3A_459] {strides = array<i32>} : memref<64x8x64xf32, #tpu.memory_space<vmem>>, vector<1x1x16xf32>,
      %get3A_461 = vector.shape_cast %get3A_460 : vector<1x1x16xf32> to vector<16xf32>
      %get3A_462 = arith.constant 3 : i32
      %get3A_463 = arith.index_cast %scan3A_53 : i32 to index
      %get3A_464 = arith.index_cast %get3A_462 : i32 to index
      %get3A_465 = arith.constant 0 : index
      %get3A_466 = tpu.vector_load %arg8[%get3A_463, %get3A_464, %get3A_465] {strides = array<i32>} : memref<32x8x128xf32, #tpu.memory_space<vmem>>, vector<1x1x16xf32>,
      %get3A_467 = vector.shape_cast %get3A_466 : vector<1x1x16xf32> to vector<16xf32>
      %sub3A_468 = arith.subf %get3A_461, %get3A_467 : vector<16xf32>
      %mul3A_469 = arith.mulf %sub3A_468, %sub3A_468 : vector<16xf32>
      %add3A_470 = arith.addf %add3A_451, %mul3A_469 : vector<16xf32>
      %get3A_471 = arith.constant 6 : i32
      %get3A_472 = arith.index_cast %add3A_455 : i32 to index
      %get3A_473 = arith.index_cast %get3A_471 : i32 to index
      %get3A_474 = arith.constant 16 : index
      %get3A_475 = tpu.vector_load %arg7[%get3A_472, %get3A_473, %get3A_474] {strides = array<i32>} : memref<64x8x64xf32, #tpu.memory_space<vmem>>, vector<1x1x16xf32>,
      %get3A_476 = vector.shape_cast %get3A_475 : vector<1x1x16xf32> to vector<16xf32>
      %get3A_477 = arith.constant 3 : i32
      %get3A_478 = arith.index_cast %scan3A_53 : i32 to index
      %get3A_479 = arith.index_cast %get3A_477 : i32 to index
      %get3A_480 = arith.constant 16 : index
      %get3A_481 = tpu.vector_load %arg8[%get3A_478, %get3A_479, %get3A_480] {strides = array<i32>} : memref<32x8x128xf32, #tpu.memory_space<vmem>>, vector<1x1x16xf32>,
      %get3A_482 = vector.shape_cast %get3A_481 : vector<1x1x16xf32> to vector<16xf32>
      %sub3A_483 = arith.subf %get3A_476, %get3A_482 : vector<16xf32>
      %mul3A_484 = arith.mulf %sub3A_483, %sub3A_483 : vector<16xf32>
      %add3A_485 = arith.addf %add3A_470, %mul3A_484 : vector<16xf32>
      %get3A_486 = arith.constant 6 : i32
      %get3A_487 = arith.index_cast %add3A_455 : i32 to index
      %get3A_488 = arith.index_cast %get3A_486 : i32 to index
      %get3A_489 = arith.constant 32 : index
      %get3A_490 = tpu.vector_load %arg7[%get3A_487, %get3A_488, %get3A_489] {strides = array<i32>} : memref<64x8x64xf32, #tpu.memory_space<vmem>>, vector<1x1x16xf32>,
      %get3A_491 = vector.shape_cast %get3A_490 : vector<1x1x16xf32> to vector<16xf32>
      %get3A_492 = arith.constant 3 : i32
      %get3A_493 = arith.index_cast %scan3A_53 : i32 to index
      %get3A_494 = arith.index_cast %get3A_492 : i32 to index
      %get3A_495 = arith.constant 32 : index
      %get3A_496 = tpu.vector_load %arg8[%get3A_493, %get3A_494, %get3A_495] {strides = array<i32>} : memref<32x8x128xf32, #tpu.memory_space<vmem>>, vector<1x1x16xf32>,
      %get3A_497 = vector.shape_cast %get3A_496 : vector<1x1x16xf32> to vector<16xf32>
      %sub3A_498 = arith.subf %get3A_491, %get3A_497 : vector<16xf32>
      %mul3A_499 = arith.mulf %sub3A_498, %sub3A_498 : vector<16xf32>
      %add3A_500 = arith.addf %add3A_485, %mul3A_499 : vector<16xf32>
      %get3A_501 = arith.constant 6 : i32
      %get3A_502 = arith.index_cast %add3A_455 : i32 to index
      %get3A_503 = arith.index_cast %get3A_501 : i32 to index
      %get3A_504 = arith.constant 48 : index
      %get3A_505 = tpu.vector_load %arg7[%get3A_502, %get3A_503, %get3A_504] {strides = array<i32>} : memref<64x8x64xf32, #tpu.memory_space<vmem>>, vector<1x1x16xf32>,
      %get3A_506 = vector.shape_cast %get3A_505 : vector<1x1x16xf32> to vector<16xf32>
      %get3A_507 = arith.constant 3 : i32
      %get3A_508 = arith.index_cast %scan3A_53 : i32 to index
      %get3A_509 = arith.index_cast %get3A_507 : i32 to index
      %get3A_510 = arith.constant 48 : index
      %get3A_511 = tpu.vector_load %arg8[%get3A_508, %get3A_509, %get3A_510] {strides = array<i32>} : memref<32x8x128xf32, #tpu.memory_space<vmem>>, vector<1x1x16xf32>,
      %get3A_512 = vector.shape_cast %get3A_511 : vector<1x1x16xf32> to vector<16xf32>
      %sub3A_513 = arith.subf %get3A_506, %get3A_512 : vector<16xf32>
      %mul3A_514 = arith.mulf %sub3A_513, %sub3A_513 : vector<16xf32>
      %add3A_515 = arith.addf %add3A_500, %mul3A_514 : vector<16xf32>
      %mul3A_516 = arith.constant 2 : i32
      %mul3A_517 = arith.muli %mul3A_516, %scan3A_53 : i32
      %add3A_518 = arith.constant 0 : i32
      %add3A_519 = arith.addi %mul3A_517, %add3A_518 : i32
      %get3A_520 = arith.constant 7 : i32
      %get3A_521 = arith.index_cast %add3A_519 : i32 to index
      %get3A_522 = arith.index_cast %get3A_520 : i32 to index
      %get3A_523 = arith.constant 0 : index
      %get3A_524 = tpu.vector_load %arg7[%get3A_521, %get3A_522, %get3A_523] {strides = array<i32>} : memref<64x8x64xf32, #tpu.memory_space<vmem>>, vector<1x1x16xf32>,
      %get3A_525 = vector.shape_cast %get3A_524 : vector<1x1x16xf32> to vector<16xf32>
      %get3A_526 = arith.constant 3 : i32
      %get3A_527 = arith.index_cast %scan3A_53 : i32 to index
      %get3A_528 = arith.index_cast %get3A_526 : i32 to index
      %get3A_529 = arith.constant 64 : index
      %get3A_530 = tpu.vector_load %arg8[%get3A_527, %get3A_528, %get3A_529] {strides = array<i32>} : memref<32x8x128xf32, #tpu.memory_space<vmem>>, vector<1x1x16xf32>,
      %get3A_531 = vector.shape_cast %get3A_530 : vector<1x1x16xf32> to vector<16xf32>
      %sub3A_532 = arith.subf %get3A_525, %get3A_531 : vector<16xf32>
      %mul3A_533 = arith.mulf %sub3A_532, %sub3A_532 : vector<16xf32>
      %add3A_534 = arith.addf %add3A_515, %mul3A_533 : vector<16xf32>
      %get3A_535 = arith.constant 7 : i32
      %get3A_536 = arith.index_cast %add3A_519 : i32 to index
      %get3A_537 = arith.index_cast %get3A_535 : i32 to index
      %get3A_538 = arith.constant 16 : index
      %get3A_539 = tpu.vector_load %arg7[%get3A_536, %get3A_537, %get3A_538] {strides = array<i32>} : memref<64x8x64xf32, #tpu.memory_space<vmem>>, vector<1x1x16xf32>,
      %get3A_540 = vector.shape_cast %get3A_539 : vector<1x1x16xf32> to vector<16xf32>
      %get3A_541 = arith.constant 3 : i32
      %get3A_542 = arith.index_cast %scan3A_53 : i32 to index
      %get3A_543 = arith.index_cast %get3A_541 : i32 to index
      %get3A_544 = arith.constant 80 : index
      %get3A_545 = tpu.vector_load %arg8[%get3A_542, %get3A_543, %get3A_544] {strides = array<i32>} : memref<32x8x128xf32, #tpu.memory_space<vmem>>, vector<1x1x16xf32>,
      %get3A_546 = vector.shape_cast %get3A_545 : vector<1x1x16xf32> to vector<16xf32>
      %sub3A_547 = arith.subf %get3A_540, %get3A_546 : vector<16xf32>
      %mul3A_548 = arith.mulf %sub3A_547, %sub3A_547 : vector<16xf32>
      %add3A_549 = arith.addf %add3A_534, %mul3A_548 : vector<16xf32>
      %get3A_550 = arith.constant 7 : i32
      %get3A_551 = arith.index_cast %add3A_519 : i32 to index
      %get3A_552 = arith.index_cast %get3A_550 : i32 to index
      %get3A_553 = arith.constant 32 : index
      %get3A_554 = tpu.vector_load %arg7[%get3A_551, %get3A_552, %get3A_553] {strides = array<i32>} : memref<64x8x64xf32, #tpu.memory_space<vmem>>, vector<1x1x16xf32>,
      %get3A_555 = vector.shape_cast %get3A_554 : vector<1x1x16xf32> to vector<16xf32>
      %get3A_556 = arith.constant 3 : i32
      %get3A_557 = arith.index_cast %scan3A_53 : i32 to index
      %get3A_558 = arith.index_cast %get3A_556 : i32 to index
      %get3A_559 = arith.constant 96 : index
      %get3A_560 = tpu.vector_load %arg8[%get3A_557, %get3A_558, %get3A_559] {strides = array<i32>} : memref<32x8x128xf32, #tpu.memory_space<vmem>>, vector<1x1x16xf32>,
      %get3A_561 = vector.shape_cast %get3A_560 : vector<1x1x16xf32> to vector<16xf32>
      %sub3A_562 = arith.subf %get3A_555, %get3A_561 : vector<16xf32>
      %mul3A_563 = arith.mulf %sub3A_562, %sub3A_562 : vector<16xf32>
      %add3A_564 = arith.addf %add3A_549, %mul3A_563 : vector<16xf32>
      %get3A_565 = arith.constant 7 : i32
      %get3A_566 = arith.index_cast %add3A_519 : i32 to index
      %get3A_567 = arith.index_cast %get3A_565 : i32 to index
      %get3A_568 = arith.constant 48 : index
      %get3A_569 = tpu.vector_load %arg7[%get3A_566, %get3A_567, %get3A_568] {strides = array<i32>} : memref<64x8x64xf32, #tpu.memory_space<vmem>>, vector<1x1x16xf32>,
      %get3A_570 = vector.shape_cast %get3A_569 : vector<1x1x16xf32> to vector<16xf32>
      %get3A_571 = arith.constant 3 : i32
      %get3A_572 = arith.index_cast %scan3A_53 : i32 to index
      %get3A_573 = arith.index_cast %get3A_571 : i32 to index
      %get3A_574 = arith.constant 112 : index
      %get3A_575 = tpu.vector_load %arg8[%get3A_572, %get3A_573, %get3A_574] {strides = array<i32>} : memref<32x8x128xf32, #tpu.memory_space<vmem>>, vector<1x1x16xf32>,
      %get3A_576 = vector.shape_cast %get3A_575 : vector<1x1x16xf32> to vector<16xf32>
      %sub3A_577 = arith.subf %get3A_570, %get3A_576 : vector<16xf32>
      %mul3A_578 = arith.mulf %sub3A_577, %sub3A_577 : vector<16xf32>
      %add3A_579 = arith.addf %add3A_564, %mul3A_578 : vector<16xf32>
      %mul3A_580 = arith.constant 2 : i32
      %mul3A_581 = arith.muli %mul3A_580, %scan3A_53 : i32
      %add3A_582 = arith.constant 1 : i32
      %add3A_583 = arith.addi %mul3A_581, %add3A_582 : i32
      %get3A_584 = arith.constant 0 : i32
      %get3A_585 = arith.index_cast %add3A_583 : i32 to index
      %get3A_586 = arith.index_cast %get3A_584 : i32 to index
      %get3A_587 = arith.constant 0 : index
      %get3A_588 = tpu.vector_load %arg7[%get3A_585, %get3A_586, %get3A_587] {strides = array<i32>} : memref<64x8x64xf32, #tpu.memory_space<vmem>>, vector<1x1x16xf32>,
      %get3A_589 = vector.shape_cast %get3A_588 : vector<1x1x16xf32> to vector<16xf32>
      %get3A_590 = arith.constant 4 : i32
      %get3A_591 = arith.index_cast %scan3A_53 : i32 to index
      %get3A_592 = arith.index_cast %get3A_590 : i32 to index
      %get3A_593 = arith.constant 0 : index
      %get3A_594 = tpu.vector_load %arg8[%get3A_591, %get3A_592, %get3A_593] {strides = array<i32>} : memref<32x8x128xf32, #tpu.memory_space<vmem>>, vector<1x1x16xf32>,
      %get3A_595 = vector.shape_cast %get3A_594 : vector<1x1x16xf32> to vector<16xf32>
      %sub3A_596 = arith.subf %get3A_589, %get3A_595 : vector<16xf32>
      %mul3A_597 = arith.mulf %sub3A_596, %sub3A_596 : vector<16xf32>
      %add3A_598 = arith.addf %add3A_579, %mul3A_597 : vector<16xf32>
      %get3A_599 = arith.constant 0 : i32
      %get3A_600 = arith.index_cast %add3A_583 : i32 to index
      %get3A_601 = arith.index_cast %get3A_599 : i32 to index
      %get3A_602 = arith.constant 16 : index
      %get3A_603 = tpu.vector_load %arg7[%get3A_600, %get3A_601, %get3A_602] {strides = array<i32>} : memref<64x8x64xf32, #tpu.memory_space<vmem>>, vector<1x1x16xf32>,
      %get3A_604 = vector.shape_cast %get3A_603 : vector<1x1x16xf32> to vector<16xf32>
      %get3A_605 = arith.constant 4 : i32
      %get3A_606 = arith.index_cast %scan3A_53 : i32 to index
      %get3A_607 = arith.index_cast %get3A_605 : i32 to index
      %get3A_608 = arith.constant 16 : index
      %get3A_609 = tpu.vector_load %arg8[%get3A_606, %get3A_607, %get3A_608] {strides = array<i32>} : memref<32x8x128xf32, #tpu.memory_space<vmem>>, vector<1x1x16xf32>,
      %get3A_610 = vector.shape_cast %get3A_609 : vector<1x1x16xf32> to vector<16xf32>
      %sub3A_611 = arith.subf %get3A_604, %get3A_610 : vector<16xf32>
      %mul3A_612 = arith.mulf %sub3A_611, %sub3A_611 : vector<16xf32>
      %add3A_613 = arith.addf %add3A_598, %mul3A_612 : vector<16xf32>
      %get3A_614 = arith.constant 0 : i32
      %get3A_615 = arith.index_cast %add3A_583 : i32 to index
      %get3A_616 = arith.index_cast %get3A_614 : i32 to index
      %get3A_617 = arith.constant 32 : index
      %get3A_618 = tpu.vector_load %arg7[%get3A_615, %get3A_616, %get3A_617] {strides = array<i32>} : memref<64x8x64xf32, #tpu.memory_space<vmem>>, vector<1x1x16xf32>,
      %get3A_619 = vector.shape_cast %get3A_618 : vector<1x1x16xf32> to vector<16xf32>
      %get3A_620 = arith.constant 4 : i32
      %get3A_621 = arith.index_cast %scan3A_53 : i32 to index
      %get3A_622 = arith.index_cast %get3A_620 : i32 to index
      %get3A_623 = arith.constant 32 : index
      %get3A_624 = tpu.vector_load %arg8[%get3A_621, %get3A_622, %get3A_623] {strides = array<i32>} : memref<32x8x128xf32, #tpu.memory_space<vmem>>, vector<1x1x16xf32>,
      %get3A_625 = vector.shape_cast %get3A_624 : vector<1x1x16xf32> to vector<16xf32>
      %sub3A_626 = arith.subf %get3A_619, %get3A_625 : vector<16xf32>
      %mul3A_627 = arith.mulf %sub3A_626, %sub3A_626 : vector<16xf32>
      %add3A_628 = arith.addf %add3A_613, %mul3A_627 : vector<16xf32>
      %get3A_629 = arith.constant 0 : i32
      %get3A_630 = arith.index_cast %add3A_583 : i32 to index
      %get3A_631 = arith.index_cast %get3A_629 : i32 to index
      %get3A_632 = arith.constant 48 : index
      %get3A_633 = tpu.vector_load %arg7[%get3A_630, %get3A_631, %get3A_632] {strides = array<i32>} : memref<64x8x64xf32, #tpu.memory_space<vmem>>, vector<1x1x16xf32>,
      %get3A_634 = vector.shape_cast %get3A_633 : vector<1x1x16xf32> to vector<16xf32>
      %get3A_635 = arith.constant 4 : i32
      %get3A_636 = arith.index_cast %scan3A_53 : i32 to index
      %get3A_637 = arith.index_cast %get3A_635 : i32 to index
      %get3A_638 = arith.constant 48 : index
      %get3A_639 = tpu.vector_load %arg8[%get3A_636, %get3A_637, %get3A_638] {strides = array<i32>} : memref<32x8x128xf32, #tpu.memory_space<vmem>>, vector<1x1x16xf32>,
      %get3A_640 = vector.shape_cast %get3A_639 : vector<1x1x16xf32> to vector<16xf32>
      %sub3A_641 = arith.subf %get3A_634, %get3A_640 : vector<16xf32>
      %mul3A_642 = arith.mulf %sub3A_641, %sub3A_641 : vector<16xf32>
      %add3A_643 = arith.addf %add3A_628, %mul3A_642 : vector<16xf32>
      %mul3A_644 = arith.constant 2 : i32
      %mul3A_645 = arith.muli %mul3A_644, %scan3A_53 : i32
      %add3A_646 = arith.constant 1 : i32
      %add3A_647 = arith.addi %mul3A_645, %add3A_646 : i32
      %get3A_648 = arith.constant 1 : i32
      %get3A_649 = arith.index_cast %add3A_647 : i32 to index
      %get3A_650 = arith.index_cast %get3A_648 : i32 to index
      %get3A_651 = arith.constant 0 : index
      %get3A_652 = tpu.vector_load %arg7[%get3A_649, %get3A_650, %get3A_651] {strides = array<i32>} : memref<64x8x64xf32, #tpu.memory_space<vmem>>, vector<1x1x16xf32>,
      %get3A_653 = vector.shape_cast %get3A_652 : vector<1x1x16xf32> to vector<16xf32>
      %get3A_654 = arith.constant 4 : i32
      %get3A_655 = arith.index_cast %scan3A_53 : i32 to index
      %get3A_656 = arith.index_cast %get3A_654 : i32 to index
      %get3A_657 = arith.constant 64 : index
      %get3A_658 = tpu.vector_load %arg8[%get3A_655, %get3A_656, %get3A_657] {strides = array<i32>} : memref<32x8x128xf32, #tpu.memory_space<vmem>>, vector<1x1x16xf32>,
      %get3A_659 = vector.shape_cast %get3A_658 : vector<1x1x16xf32> to vector<16xf32>
      %sub3A_660 = arith.subf %get3A_653, %get3A_659 : vector<16xf32>
      %mul3A_661 = arith.mulf %sub3A_660, %sub3A_660 : vector<16xf32>
      %add3A_662 = arith.addf %add3A_643, %mul3A_661 : vector<16xf32>
      %get3A_663 = arith.constant 1 : i32
      %get3A_664 = arith.index_cast %add3A_647 : i32 to index
      %get3A_665 = arith.index_cast %get3A_663 : i32 to index
      %get3A_666 = arith.constant 16 : index
      %get3A_667 = tpu.vector_load %arg7[%get3A_664, %get3A_665, %get3A_666] {strides = array<i32>} : memref<64x8x64xf32, #tpu.memory_space<vmem>>, vector<1x1x16xf32>,
      %get3A_668 = vector.shape_cast %get3A_667 : vector<1x1x16xf32> to vector<16xf32>
      %get3A_669 = arith.constant 4 : i32
      %get3A_670 = arith.index_cast %scan3A_53 : i32 to index
      %get3A_671 = arith.index_cast %get3A_669 : i32 to index
      %get3A_672 = arith.constant 80 : index
      %get3A_673 = tpu.vector_load %arg8[%get3A_670, %get3A_671, %get3A_672] {strides = array<i32>} : memref<32x8x128xf32, #tpu.memory_space<vmem>>, vector<1x1x16xf32>,
      %get3A_674 = vector.shape_cast %get3A_673 : vector<1x1x16xf32> to vector<16xf32>
      %sub3A_675 = arith.subf %get3A_668, %get3A_674 : vector<16xf32>
      %mul3A_676 = arith.mulf %sub3A_675, %sub3A_675 : vector<16xf32>
      %add3A_677 = arith.addf %add3A_662, %mul3A_676 : vector<16xf32>
      %get3A_678 = arith.constant 1 : i32
      %get3A_679 = arith.index_cast %add3A_647 : i32 to index
      %get3A_680 = arith.index_cast %get3A_678 : i32 to index
      %get3A_681 = arith.constant 32 : index
      %get3A_682 = tpu.vector_load %arg7[%get3A_679, %get3A_680, %get3A_681] {strides = array<i32>} : memref<64x8x64xf32, #tpu.memory_space<vmem>>, vector<1x1x16xf32>,
      %get3A_683 = vector.shape_cast %get3A_682 : vector<1x1x16xf32> to vector<16xf32>
      %get3A_684 = arith.constant 4 : i32
      %get3A_685 = arith.index_cast %scan3A_53 : i32 to index
      %get3A_686 = arith.index_cast %get3A_684 : i32 to index
      %get3A_687 = arith.constant 96 : index
      %get3A_688 = tpu.vector_load %arg8[%get3A_685, %get3A_686, %get3A_687] {strides = array<i32>} : memref<32x8x128xf32, #tpu.memory_space<vmem>>, vector<1x1x16xf32>,
      %get3A_689 = vector.shape_cast %get3A_688 : vector<1x1x16xf32> to vector<16xf32>
      %sub3A_690 = arith.subf %get3A_683, %get3A_689 : vector<16xf32>
      %mul3A_691 = arith.mulf %sub3A_690, %sub3A_690 : vector<16xf32>
      %add3A_692 = arith.addf %add3A_677, %mul3A_691 : vector<16xf32>
      %get3A_693 = arith.constant 1 : i32
      %get3A_694 = arith.index_cast %add3A_647 : i32 to index
      %get3A_695 = arith.index_cast %get3A_693 : i32 to index
      %get3A_696 = arith.constant 48 : index
      %get3A_697 = tpu.vector_load %arg7[%get3A_694, %get3A_695, %get3A_696] {strides = array<i32>} : memref<64x8x64xf32, #tpu.memory_space<vmem>>, vector<1x1x16xf32>,
      %get3A_698 = vector.shape_cast %get3A_697 : vector<1x1x16xf32> to vector<16xf32>
      %get3A_699 = arith.constant 4 : i32
      %get3A_700 = arith.index_cast %scan3A_53 : i32 to index
      %get3A_701 = arith.index_cast %get3A_699 : i32 to index
      %get3A_702 = arith.constant 112 : index
      %get3A_703 = tpu.vector_load %arg8[%get3A_700, %get3A_701, %get3A_702] {strides = array<i32>} : memref<32x8x128xf32, #tpu.memory_space<vmem>>, vector<1x1x16xf32>,
      %get3A_704 = vector.shape_cast %get3A_703 : vector<1x1x16xf32> to vector<16xf32>
      %sub3A_705 = arith.subf %get3A_698, %get3A_704 : vector<16xf32>
      %mul3A_706 = arith.mulf %sub3A_705, %sub3A_705 : vector<16xf32>
      %add3A_707 = arith.addf %add3A_692, %mul3A_706 : vector<16xf32>
      %mul3A_708 = arith.constant 2 : i32
      %mul3A_709 = arith.muli %mul3A_708, %scan3A_53 : i32
      %add3A_710 = arith.constant 1 : i32
      %add3A_711 = arith.addi %mul3A_709, %add3A_710 : i32
      %get3A_712 = arith.constant 2 : i32
      %get3A_713 = arith.index_cast %add3A_711 : i32 to index
      %get3A_714 = arith.index_cast %get3A_712 : i32 to index
      %get3A_715 = arith.constant 0 : index
      %get3A_716 = tpu.vector_load %arg7[%get3A_713, %get3A_714, %get3A_715] {strides = array<i32>} : memref<64x8x64xf32, #tpu.memory_space<vmem>>, vector<1x1x16xf32>,
      %get3A_717 = vector.shape_cast %get3A_716 : vector<1x1x16xf32> to vector<16xf32>
      %get3A_718 = arith.constant 5 : i32
      %get3A_719 = arith.index_cast %scan3A_53 : i32 to index
      %get3A_720 = arith.index_cast %get3A_718 : i32 to index
      %get3A_721 = arith.constant 0 : index
      %get3A_722 = tpu.vector_load %arg8[%get3A_719, %get3A_720, %get3A_721] {strides = array<i32>} : memref<32x8x128xf32, #tpu.memory_space<vmem>>, vector<1x1x16xf32>,
      %get3A_723 = vector.shape_cast %get3A_722 : vector<1x1x16xf32> to vector<16xf32>
      %sub3A_724 = arith.subf %get3A_717, %get3A_723 : vector<16xf32>
      %mul3A_725 = arith.mulf %sub3A_724, %sub3A_724 : vector<16xf32>
      %add3A_726 = arith.addf %add3A_707, %mul3A_725 : vector<16xf32>
      %get3A_727 = arith.constant 2 : i32
      %get3A_728 = arith.index_cast %add3A_711 : i32 to index
      %get3A_729 = arith.index_cast %get3A_727 : i32 to index
      %get3A_730 = arith.constant 16 : index
      %get3A_731 = tpu.vector_load %arg7[%get3A_728, %get3A_729, %get3A_730] {strides = array<i32>} : memref<64x8x64xf32, #tpu.memory_space<vmem>>, vector<1x1x16xf32>,
      %get3A_732 = vector.shape_cast %get3A_731 : vector<1x1x16xf32> to vector<16xf32>
      %get3A_733 = arith.constant 5 : i32
      %get3A_734 = arith.index_cast %scan3A_53 : i32 to index
      %get3A_735 = arith.index_cast %get3A_733 : i32 to index
      %get3A_736 = arith.constant 16 : index
      %get3A_737 = tpu.vector_load %arg8[%get3A_734, %get3A_735, %get3A_736] {strides = array<i32>} : memref<32x8x128xf32, #tpu.memory_space<vmem>>, vector<1x1x16xf32>,
      %get3A_738 = vector.shape_cast %get3A_737 : vector<1x1x16xf32> to vector<16xf32>
      %sub3A_739 = arith.subf %get3A_732, %get3A_738 : vector<16xf32>
      %mul3A_740 = arith.mulf %sub3A_739, %sub3A_739 : vector<16xf32>
      %add3A_741 = arith.addf %add3A_726, %mul3A_740 : vector<16xf32>
      %get3A_742 = arith.constant 2 : i32
      %get3A_743 = arith.index_cast %add3A_711 : i32 to index
      %get3A_744 = arith.index_cast %get3A_742 : i32 to index
      %get3A_745 = arith.constant 32 : index
      %get3A_746 = tpu.vector_load %arg7[%get3A_743, %get3A_744, %get3A_745] {strides = array<i32>} : memref<64x8x64xf32, #tpu.memory_space<vmem>>, vector<1x1x16xf32>,
      %get3A_747 = vector.shape_cast %get3A_746 : vector<1x1x16xf32> to vector<16xf32>
      %get3A_748 = arith.constant 5 : i32
      %get3A_749 = arith.index_cast %scan3A_53 : i32 to index
      %get3A_750 = arith.index_cast %get3A_748 : i32 to index
      %get3A_751 = arith.constant 32 : index
      %get3A_752 = tpu.vector_load %arg8[%get3A_749, %get3A_750, %get3A_751] {strides = array<i32>} : memref<32x8x128xf32, #tpu.memory_space<vmem>>, vector<1x1x16xf32>,
      %get3A_753 = vector.shape_cast %get3A_752 : vector<1x1x16xf32> to vector<16xf32>
      %sub3A_754 = arith.subf %get3A_747, %get3A_753 : vector<16xf32>
      %mul3A_755 = arith.mulf %sub3A_754, %sub3A_754 : vector<16xf32>
      %add3A_756 = arith.addf %add3A_741, %mul3A_755 : vector<16xf32>
      %get3A_757 = arith.constant 2 : i32
      %get3A_758 = arith.index_cast %add3A_711 : i32 to index
      %get3A_759 = arith.index_cast %get3A_757 : i32 to index
      %get3A_760 = arith.constant 48 : index
      %get3A_761 = tpu.vector_load %arg7[%get3A_758, %get3A_759, %get3A_760] {strides = array<i32>} : memref<64x8x64xf32, #tpu.memory_space<vmem>>, vector<1x1x16xf32>,
      %get3A_762 = vector.shape_cast %get3A_761 : vector<1x1x16xf32> to vector<16xf32>
      %get3A_763 = arith.constant 5 : i32
      %get3A_764 = arith.index_cast %scan3A_53 : i32 to index
      %get3A_765 = arith.index_cast %get3A_763 : i32 to index
      %get3A_766 = arith.constant 48 : index
      %get3A_767 = tpu.vector_load %arg8[%get3A_764, %get3A_765, %get3A_766] {strides = array<i32>} : memref<32x8x128xf32, #tpu.memory_space<vmem>>, vector<1x1x16xf32>,
      %get3A_768 = vector.shape_cast %get3A_767 : vector<1x1x16xf32> to vector<16xf32>
      %sub3A_769 = arith.subf %get3A_762, %get3A_768 : vector<16xf32>
      %mul3A_770 = arith.mulf %sub3A_769, %sub3A_769 : vector<16xf32>
      %add3A_771 = arith.addf %add3A_756, %mul3A_770 : vector<16xf32>
      %mul3A_772 = arith.constant 2 : i32
      %mul3A_773 = arith.muli %mul3A_772, %scan3A_53 : i32
      %add3A_774 = arith.constant 1 : i32
      %add3A_775 = arith.addi %mul3A_773, %add3A_774 : i32
      %get3A_776 = arith.constant 3 : i32
      %get3A_777 = arith.index_cast %add3A_775 : i32 to index
      %get3A_778 = arith.index_cast %get3A_776 : i32 to index
      %get3A_779 = arith.constant 0 : index
      %get3A_780 = tpu.vector_load %arg7[%get3A_777, %get3A_778, %get3A_779] {strides = array<i32>} : memref<64x8x64xf32, #tpu.memory_space<vmem>>, vector<1x1x16xf32>,
      %get3A_781 = vector.shape_cast %get3A_780 : vector<1x1x16xf32> to vector<16xf32>
      %get3A_782 = arith.constant 5 : i32
      %get3A_783 = arith.index_cast %scan3A_53 : i32 to index
      %get3A_784 = arith.index_cast %get3A_782 : i32 to index
      %get3A_785 = arith.constant 64 : index
      %get3A_786 = tpu.vector_load %arg8[%get3A_783, %get3A_784, %get3A_785] {strides = array<i32>} : memref<32x8x128xf32, #tpu.memory_space<vmem>>, vector<1x1x16xf32>,
      %get3A_787 = vector.shape_cast %get3A_786 : vector<1x1x16xf32> to vector<16xf32>
      %sub3A_788 = arith.subf %get3A_781, %get3A_787 : vector<16xf32>
      %mul3A_789 = arith.mulf %sub3A_788, %sub3A_788 : vector<16xf32>
      %add3A_790 = arith.addf %add3A_771, %mul3A_789 : vector<16xf32>
      %get3A_791 = arith.constant 3 : i32
      %get3A_792 = arith.index_cast %add3A_775 : i32 to index
      %get3A_793 = arith.index_cast %get3A_791 : i32 to index
      %get3A_794 = arith.constant 16 : index
      %get3A_795 = tpu.vector_load %arg7[%get3A_792, %get3A_793, %get3A_794] {strides = array<i32>} : memref<64x8x64xf32, #tpu.memory_space<vmem>>, vector<1x1x16xf32>,
      %get3A_796 = vector.shape_cast %get3A_795 : vector<1x1x16xf32> to vector<16xf32>
      %get3A_797 = arith.constant 5 : i32
      %get3A_798 = arith.index_cast %scan3A_53 : i32 to index
      %get3A_799 = arith.index_cast %get3A_797 : i32 to index
      %get3A_800 = arith.constant 80 : index
      %get3A_801 = tpu.vector_load %arg8[%get3A_798, %get3A_799, %get3A_800] {strides = array<i32>} : memref<32x8x128xf32, #tpu.memory_space<vmem>>, vector<1x1x16xf32>,
      %get3A_802 = vector.shape_cast %get3A_801 : vector<1x1x16xf32> to vector<16xf32>
      %sub3A_803 = arith.subf %get3A_796, %get3A_802 : vector<16xf32>
      %mul3A_804 = arith.mulf %sub3A_803, %sub3A_803 : vector<16xf32>
      %add3A_805 = arith.addf %add3A_790, %mul3A_804 : vector<16xf32>
      %get3A_806 = arith.constant 3 : i32
      %get3A_807 = arith.index_cast %add3A_775 : i32 to index
      %get3A_808 = arith.index_cast %get3A_806 : i32 to index
      %get3A_809 = arith.constant 32 : index
      %get3A_810 = tpu.vector_load %arg7[%get3A_807, %get3A_808, %get3A_809] {strides = array<i32>} : memref<64x8x64xf32, #tpu.memory_space<vmem>>, vector<1x1x16xf32>,
      %get3A_811 = vector.shape_cast %get3A_810 : vector<1x1x16xf32> to vector<16xf32>
      %get3A_812 = arith.constant 5 : i32
      %get3A_813 = arith.index_cast %scan3A_53 : i32 to index
      %get3A_814 = arith.index_cast %get3A_812 : i32 to index
      %get3A_815 = arith.constant 96 : index
      %get3A_816 = tpu.vector_load %arg8[%get3A_813, %get3A_814, %get3A_815] {strides = array<i32>} : memref<32x8x128xf32, #tpu.memory_space<vmem>>, vector<1x1x16xf32>,
      %get3A_817 = vector.shape_cast %get3A_816 : vector<1x1x16xf32> to vector<16xf32>
      %sub3A_818 = arith.subf %get3A_811, %get3A_817 : vector<16xf32>
      %mul3A_819 = arith.mulf %sub3A_818, %sub3A_818 : vector<16xf32>
      %add3A_820 = arith.addf %add3A_805, %mul3A_819 : vector<16xf32>
      %get3A_821 = arith.constant 3 : i32
      %get3A_822 = arith.index_cast %add3A_775 : i32 to index
      %get3A_823 = arith.index_cast %get3A_821 : i32 to index
      %get3A_824 = arith.constant 48 : index
      %get3A_825 = tpu.vector_load %arg7[%get3A_822, %get3A_823, %get3A_824] {strides = array<i32>} : memref<64x8x64xf32, #tpu.memory_space<vmem>>, vector<1x1x16xf32>,
      %get3A_826 = vector.shape_cast %get3A_825 : vector<1x1x16xf32> to vector<16xf32>
      %get3A_827 = arith.constant 5 : i32
      %get3A_828 = arith.index_cast %scan3A_53 : i32 to index
      %get3A_829 = arith.index_cast %get3A_827 : i32 to index
      %get3A_830 = arith.constant 112 : index
      %get3A_831 = tpu.vector_load %arg8[%get3A_828, %get3A_829, %get3A_830] {strides = array<i32>} : memref<32x8x128xf32, #tpu.memory_space<vmem>>, vector<1x1x16xf32>,
      %get3A_832 = vector.shape_cast %get3A_831 : vector<1x1x16xf32> to vector<16xf32>
      %sub3A_833 = arith.subf %get3A_826, %get3A_832 : vector<16xf32>
      %mul3A_834 = arith.mulf %sub3A_833, %sub3A_833 : vector<16xf32>
      %add3A_835 = arith.addf %add3A_820, %mul3A_834 : vector<16xf32>
      %mul3A_836 = arith.constant 2 : i32
      %mul3A_837 = arith.muli %mul3A_836, %scan3A_53 : i32
      %add3A_838 = arith.constant 1 : i32
      %add3A_839 = arith.addi %mul3A_837, %add3A_838 : i32
      %get3A_840 = arith.constant 4 : i32
      %get3A_841 = arith.index_cast %add3A_839 : i32 to index
      %get3A_842 = arith.index_cast %get3A_840 : i32 to index
      %get3A_843 = arith.constant 0 : index
      %get3A_844 = tpu.vector_load %arg7[%get3A_841, %get3A_842, %get3A_843] {strides = array<i32>} : memref<64x8x64xf32, #tpu.memory_space<vmem>>, vector<1x1x16xf32>,
      %get3A_845 = vector.shape_cast %get3A_844 : vector<1x1x16xf32> to vector<16xf32>
      %get3A_846 = arith.constant 6 : i32
      %get3A_847 = arith.index_cast %scan3A_53 : i32 to index
      %get3A_848 = arith.index_cast %get3A_846 : i32 to index
      %get3A_849 = arith.constant 0 : index
      %get3A_850 = tpu.vector_load %arg8[%get3A_847, %get3A_848, %get3A_849] {strides = array<i32>} : memref<32x8x128xf32, #tpu.memory_space<vmem>>, vector<1x1x16xf32>,
      %get3A_851 = vector.shape_cast %get3A_850 : vector<1x1x16xf32> to vector<16xf32>
      %sub3A_852 = arith.subf %get3A_845, %get3A_851 : vector<16xf32>
      %mul3A_853 = arith.mulf %sub3A_852, %sub3A_852 : vector<16xf32>
      %add3A_854 = arith.addf %add3A_835, %mul3A_853 : vector<16xf32>
      %get3A_855 = arith.constant 4 : i32
      %get3A_856 = arith.index_cast %add3A_839 : i32 to index
      %get3A_857 = arith.index_cast %get3A_855 : i32 to index
      %get3A_858 = arith.constant 16 : index
      %get3A_859 = tpu.vector_load %arg7[%get3A_856, %get3A_857, %get3A_858] {strides = array<i32>} : memref<64x8x64xf32, #tpu.memory_space<vmem>>, vector<1x1x16xf32>,
      %get3A_860 = vector.shape_cast %get3A_859 : vector<1x1x16xf32> to vector<16xf32>
      %get3A_861 = arith.constant 6 : i32
      %get3A_862 = arith.index_cast %scan3A_53 : i32 to index
      %get3A_863 = arith.index_cast %get3A_861 : i32 to index
      %get3A_864 = arith.constant 16 : index
      %get3A_865 = tpu.vector_load %arg8[%get3A_862, %get3A_863, %get3A_864] {strides = array<i32>} : memref<32x8x128xf32, #tpu.memory_space<vmem>>, vector<1x1x16xf32>,
      %get3A_866 = vector.shape_cast %get3A_865 : vector<1x1x16xf32> to vector<16xf32>
      %sub3A_867 = arith.subf %get3A_860, %get3A_866 : vector<16xf32>
      %mul3A_868 = arith.mulf %sub3A_867, %sub3A_867 : vector<16xf32>
      %add3A_869 = arith.addf %add3A_854, %mul3A_868 : vector<16xf32>
      %get3A_870 = arith.constant 4 : i32
      %get3A_871 = arith.index_cast %add3A_839 : i32 to index
      %get3A_872 = arith.index_cast %get3A_870 : i32 to index
      %get3A_873 = arith.constant 32 : index
      %get3A_874 = tpu.vector_load %arg7[%get3A_871, %get3A_872, %get3A_873] {strides = array<i32>} : memref<64x8x64xf32, #tpu.memory_space<vmem>>, vector<1x1x16xf32>,
      %get3A_875 = vector.shape_cast %get3A_874 : vector<1x1x16xf32> to vector<16xf32>
      %get3A_876 = arith.constant 6 : i32
      %get3A_877 = arith.index_cast %scan3A_53 : i32 to index
      %get3A_878 = arith.index_cast %get3A_876 : i32 to index
      %get3A_879 = arith.constant 32 : index
      %get3A_880 = tpu.vector_load %arg8[%get3A_877, %get3A_878, %get3A_879] {strides = array<i32>} : memref<32x8x128xf32, #tpu.memory_space<vmem>>, vector<1x1x16xf32>,
      %get3A_881 = vector.shape_cast %get3A_880 : vector<1x1x16xf32> to vector<16xf32>
      %sub3A_882 = arith.subf %get3A_875, %get3A_881 : vector<16xf32>
      %mul3A_883 = arith.mulf %sub3A_882, %sub3A_882 : vector<16xf32>
      %add3A_884 = arith.addf %add3A_869, %mul3A_883 : vector<16xf32>
      %get3A_885 = arith.constant 4 : i32
      %get3A_886 = arith.index_cast %add3A_839 : i32 to index
      %get3A_887 = arith.index_cast %get3A_885 : i32 to index
      %get3A_888 = arith.constant 48 : index
      %get3A_889 = tpu.vector_load %arg7[%get3A_886, %get3A_887, %get3A_888] {strides = array<i32>} : memref<64x8x64xf32, #tpu.memory_space<vmem>>, vector<1x1x16xf32>,
      %get3A_890 = vector.shape_cast %get3A_889 : vector<1x1x16xf32> to vector<16xf32>
      %get3A_891 = arith.constant 6 : i32
      %get3A_892 = arith.index_cast %scan3A_53 : i32 to index
      %get3A_893 = arith.index_cast %get3A_891 : i32 to index
      %get3A_894 = arith.constant 48 : index
      %get3A_895 = tpu.vector_load %arg8[%get3A_892, %get3A_893, %get3A_894] {strides = array<i32>} : memref<32x8x128xf32, #tpu.memory_space<vmem>>, vector<1x1x16xf32>,
      %get3A_896 = vector.shape_cast %get3A_895 : vector<1x1x16xf32> to vector<16xf32>
      %sub3A_897 = arith.subf %get3A_890, %get3A_896 : vector<16xf32>
      %mul3A_898 = arith.mulf %sub3A_897, %sub3A_897 : vector<16xf32>
      %add3A_899 = arith.addf %add3A_884, %mul3A_898 : vector<16xf32>
      %mul3A_900 = arith.constant 2 : i32
      %mul3A_901 = arith.muli %mul3A_900, %scan3A_53 : i32
      %add3A_902 = arith.constant 1 : i32
      %add3A_903 = arith.addi %mul3A_901, %add3A_902 : i32
      %get3A_904 = arith.constant 5 : i32
      %get3A_905 = arith.index_cast %add3A_903 : i32 to index
      %get3A_906 = arith.index_cast %get3A_904 : i32 to index
      %get3A_907 = arith.constant 0 : index
      %get3A_908 = tpu.vector_load %arg7[%get3A_905, %get3A_906, %get3A_907] {strides = array<i32>} : memref<64x8x64xf32, #tpu.memory_space<vmem>>, vector<1x1x16xf32>,
      %get3A_909 = vector.shape_cast %get3A_908 : vector<1x1x16xf32> to vector<16xf32>
      %get3A_910 = arith.constant 6 : i32
      %get3A_911 = arith.index_cast %scan3A_53 : i32 to index
      %get3A_912 = arith.index_cast %get3A_910 : i32 to index
      %get3A_913 = arith.constant 64 : index
      %get3A_914 = tpu.vector_load %arg8[%get3A_911, %get3A_912, %get3A_913] {strides = array<i32>} : memref<32x8x128xf32, #tpu.memory_space<vmem>>, vector<1x1x16xf32>,
      %get3A_915 = vector.shape_cast %get3A_914 : vector<1x1x16xf32> to vector<16xf32>
      %sub3A_916 = arith.subf %get3A_909, %get3A_915 : vector<16xf32>
      %mul3A_917 = arith.mulf %sub3A_916, %sub3A_916 : vector<16xf32>
      %add3A_918 = arith.addf %add3A_899, %mul3A_917 : vector<16xf32>
      %get3A_919 = arith.constant 5 : i32
      %get3A_920 = arith.index_cast %add3A_903 : i32 to index
      %get3A_921 = arith.index_cast %get3A_919 : i32 to index
      %get3A_922 = arith.constant 16 : index
      %get3A_923 = tpu.vector_load %arg7[%get3A_920, %get3A_921, %get3A_922] {strides = array<i32>} : memref<64x8x64xf32, #tpu.memory_space<vmem>>, vector<1x1x16xf32>,
      %get3A_924 = vector.shape_cast %get3A_923 : vector<1x1x16xf32> to vector<16xf32>
      %get3A_925 = arith.constant 6 : i32
      %get3A_926 = arith.index_cast %scan3A_53 : i32 to index
      %get3A_927 = arith.index_cast %get3A_925 : i32 to index
      %get3A_928 = arith.constant 80 : index
      %get3A_929 = tpu.vector_load %arg8[%get3A_926, %get3A_927, %get3A_928] {strides = array<i32>} : memref<32x8x128xf32, #tpu.memory_space<vmem>>, vector<1x1x16xf32>,
      %get3A_930 = vector.shape_cast %get3A_929 : vector<1x1x16xf32> to vector<16xf32>
      %sub3A_931 = arith.subf %get3A_924, %get3A_930 : vector<16xf32>
      %mul3A_932 = arith.mulf %sub3A_931, %sub3A_931 : vector<16xf32>
      %add3A_933 = arith.addf %add3A_918, %mul3A_932 : vector<16xf32>
      %get3A_934 = arith.constant 5 : i32
      %get3A_935 = arith.index_cast %add3A_903 : i32 to index
      %get3A_936 = arith.index_cast %get3A_934 : i32 to index
      %get3A_937 = arith.constant 32 : index
      %get3A_938 = tpu.vector_load %arg7[%get3A_935, %get3A_936, %get3A_937] {strides = array<i32>} : memref<64x8x64xf32, #tpu.memory_space<vmem>>, vector<1x1x16xf32>,
      %get3A_939 = vector.shape_cast %get3A_938 : vector<1x1x16xf32> to vector<16xf32>
      %get3A_940 = arith.constant 6 : i32
      %get3A_941 = arith.index_cast %scan3A_53 : i32 to index
      %get3A_942 = arith.index_cast %get3A_940 : i32 to index
      %get3A_943 = arith.constant 96 : index
      %get3A_944 = tpu.vector_load %arg8[%get3A_941, %get3A_942, %get3A_943] {strides = array<i32>} : memref<32x8x128xf32, #tpu.memory_space<vmem>>, vector<1x1x16xf32>,
      %get3A_945 = vector.shape_cast %get3A_944 : vector<1x1x16xf32> to vector<16xf32>
      %sub3A_946 = arith.subf %get3A_939, %get3A_945 : vector<16xf32>
      %mul3A_947 = arith.mulf %sub3A_946, %sub3A_946 : vector<16xf32>
      %add3A_948 = arith.addf %add3A_933, %mul3A_947 : vector<16xf32>
      %get3A_949 = arith.constant 5 : i32
      %get3A_950 = arith.index_cast %add3A_903 : i32 to index
      %get3A_951 = arith.index_cast %get3A_949 : i32 to index
      %get3A_952 = arith.constant 48 : index
      %get3A_953 = tpu.vector_load %arg7[%get3A_950, %get3A_951, %get3A_952] {strides = array<i32>} : memref<64x8x64xf32, #tpu.memory_space<vmem>>, vector<1x1x16xf32>,
      %get3A_954 = vector.shape_cast %get3A_953 : vector<1x1x16xf32> to vector<16xf32>
      %get3A_955 = arith.constant 6 : i32
      %get3A_956 = arith.index_cast %scan3A_53 : i32 to index
      %get3A_957 = arith.index_cast %get3A_955 : i32 to index
      %get3A_958 = arith.constant 112 : index
      %get3A_959 = tpu.vector_load %arg8[%get3A_956, %get3A_957, %get3A_958] {strides = array<i32>} : memref<32x8x128xf32, #tpu.memory_space<vmem>>, vector<1x1x16xf32>,
      %get3A_960 = vector.shape_cast %get3A_959 : vector<1x1x16xf32> to vector<16xf32>
      %sub3A_961 = arith.subf %get3A_954, %get3A_960 : vector<16xf32>
      %mul3A_962 = arith.mulf %sub3A_961, %sub3A_961 : vector<16xf32>
      %add3A_963 = arith.addf %add3A_948, %mul3A_962 : vector<16xf32>
      %mul3A_964 = arith.constant 2 : i32
      %mul3A_965 = arith.muli %mul3A_964, %scan3A_53 : i32
      %add3A_966 = arith.constant 1 : i32
      %add3A_967 = arith.addi %mul3A_965, %add3A_966 : i32
      %get3A_968 = arith.constant 6 : i32
      %get3A_969 = arith.index_cast %add3A_967 : i32 to index
      %get3A_970 = arith.index_cast %get3A_968 : i32 to index
      %get3A_971 = arith.constant 0 : index
      %get3A_972 = tpu.vector_load %arg7[%get3A_969, %get3A_970, %get3A_971] {strides = array<i32>} : memref<64x8x64xf32, #tpu.memory_space<vmem>>, vector<1x1x16xf32>,
      %get3A_973 = vector.shape_cast %get3A_972 : vector<1x1x16xf32> to vector<16xf32>
      %get3A_974 = arith.constant 7 : i32
      %get3A_975 = arith.index_cast %scan3A_53 : i32 to index
      %get3A_976 = arith.index_cast %get3A_974 : i32 to index
      %get3A_977 = arith.constant 0 : index
      %get3A_978 = tpu.vector_load %arg8[%get3A_975, %get3A_976, %get3A_977] {strides = array<i32>} : memref<32x8x128xf32, #tpu.memory_space<vmem>>, vector<1x1x16xf32>,
      %get3A_979 = vector.shape_cast %get3A_978 : vector<1x1x16xf32> to vector<16xf32>
      %sub3A_980 = arith.subf %get3A_973, %get3A_979 : vector<16xf32>
      %mul3A_981 = arith.mulf %sub3A_980, %sub3A_980 : vector<16xf32>
      %add3A_982 = arith.addf %add3A_963, %mul3A_981 : vector<16xf32>
      %get3A_983 = arith.constant 6 : i32
      %get3A_984 = arith.index_cast %add3A_967 : i32 to index
      %get3A_985 = arith.index_cast %get3A_983 : i32 to index
      %get3A_986 = arith.constant 16 : index
      %get3A_987 = tpu.vector_load %arg7[%get3A_984, %get3A_985, %get3A_986] {strides = array<i32>} : memref<64x8x64xf32, #tpu.memory_space<vmem>>, vector<1x1x16xf32>,
      %get3A_988 = vector.shape_cast %get3A_987 : vector<1x1x16xf32> to vector<16xf32>
      %get3A_989 = arith.constant 7 : i32
      %get3A_990 = arith.index_cast %scan3A_53 : i32 to index
      %get3A_991 = arith.index_cast %get3A_989 : i32 to index
      %get3A_992 = arith.constant 16 : index
      %get3A_993 = tpu.vector_load %arg8[%get3A_990, %get3A_991, %get3A_992] {strides = array<i32>} : memref<32x8x128xf32, #tpu.memory_space<vmem>>, vector<1x1x16xf32>,
      %get3A_994 = vector.shape_cast %get3A_993 : vector<1x1x16xf32> to vector<16xf32>
      %sub3A_995 = arith.subf %get3A_988, %get3A_994 : vector<16xf32>
      %mul3A_996 = arith.mulf %sub3A_995, %sub3A_995 : vector<16xf32>
      %add3A_997 = arith.addf %add3A_982, %mul3A_996 : vector<16xf32>
      %get3A_998 = arith.constant 6 : i32
      %get3A_999 = arith.index_cast %add3A_967 : i32 to index
      %get3A_1000 = arith.index_cast %get3A_998 : i32 to index
      %get3A_1001 = arith.constant 32 : index
      %get3A_1002 = tpu.vector_load %arg7[%get3A_999, %get3A_1000, %get3A_1001] {strides = array<i32>} : memref<64x8x64xf32, #tpu.memory_space<vmem>>, vector<1x1x16xf32>,
      %get3A_1003 = vector.shape_cast %get3A_1002 : vector<1x1x16xf32> to vector<16xf32>
      %get3A_1004 = arith.constant 7 : i32
      %get3A_1005 = arith.index_cast %scan3A_53 : i32 to index
      %get3A_1006 = arith.index_cast %get3A_1004 : i32 to index
      %get3A_1007 = arith.constant 32 : index
      %get3A_1008 = tpu.vector_load %arg8[%get3A_1005, %get3A_1006, %get3A_1007] {strides = array<i32>} : memref<32x8x128xf32, #tpu.memory_space<vmem>>, vector<1x1x16xf32>,
      %get3A_1009 = vector.shape_cast %get3A_1008 : vector<1x1x16xf32> to vector<16xf32>
      %sub3A_1010 = arith.subf %get3A_1003, %get3A_1009 : vector<16xf32>
      %mul3A_1011 = arith.mulf %sub3A_1010, %sub3A_1010 : vector<16xf32>
      %add3A_1012 = arith.addf %add3A_997, %mul3A_1011 : vector<16xf32>
      %get3A_1013 = arith.constant 6 : i32
      %get3A_1014 = arith.index_cast %add3A_967 : i32 to index
      %get3A_1015 = arith.index_cast %get3A_1013 : i32 to index
      %get3A_1016 = arith.constant 48 : index
      %get3A_1017 = tpu.vector_load %arg7[%get3A_1014, %get3A_1015, %get3A_1016] {strides = array<i32>} : memref<64x8x64xf32, #tpu.memory_space<vmem>>, vector<1x1x16xf32>,
      %get3A_1018 = vector.shape_cast %get3A_1017 : vector<1x1x16xf32> to vector<16xf32>
      %get3A_1019 = arith.constant 7 : i32
      %get3A_1020 = arith.index_cast %scan3A_53 : i32 to index
      %get3A_1021 = arith.index_cast %get3A_1019 : i32 to index
      %get3A_1022 = arith.constant 48 : index
      %get3A_1023 = tpu.vector_load %arg8[%get3A_1020, %get3A_1021, %get3A_1022] {strides = array<i32>} : memref<32x8x128xf32, #tpu.memory_space<vmem>>, vector<1x1x16xf32>,
      %get3A_1024 = vector.shape_cast %get3A_1023 : vector<1x1x16xf32> to vector<16xf32>
      %sub3A_1025 = arith.subf %get3A_1018, %get3A_1024 : vector<16xf32>
      %mul3A_1026 = arith.mulf %sub3A_1025, %sub3A_1025 : vector<16xf32>
      %add3A_1027 = arith.addf %add3A_1012, %mul3A_1026 : vector<16xf32>
      %mul3A_1028 = arith.constant 2 : i32
      %mul3A_1029 = arith.muli %mul3A_1028, %scan3A_53 : i32
      %add3A_1030 = arith.constant 1 : i32
      %add3A_1031 = arith.addi %mul3A_1029, %add3A_1030 : i32
      %get3A_1032 = arith.constant 7 : i32
      %get3A_1033 = arith.index_cast %add3A_1031 : i32 to index
      %get3A_1034 = arith.index_cast %get3A_1032 : i32 to index
      %get3A_1035 = arith.constant 0 : index
      %get3A_1036 = tpu.vector_load %arg7[%get3A_1033, %get3A_1034, %get3A_1035] {strides = array<i32>} : memref<64x8x64xf32, #tpu.memory_space<vmem>>, vector<1x1x16xf32>,
      %get3A_1037 = vector.shape_cast %get3A_1036 : vector<1x1x16xf32> to vector<16xf32>
      %get3A_1038 = arith.constant 7 : i32
      %get3A_1039 = arith.index_cast %scan3A_53 : i32 to index
      %get3A_1040 = arith.index_cast %get3A_1038 : i32 to index
      %get3A_1041 = arith.constant 64 : index
      %get3A_1042 = tpu.vector_load %arg8[%get3A_1039, %get3A_1040, %get3A_1041] {strides = array<i32>} : memref<32x8x128xf32, #tpu.memory_space<vmem>>, vector<1x1x16xf32>,
      %get3A_1043 = vector.shape_cast %get3A_1042 : vector<1x1x16xf32> to vector<16xf32>
      %sub3A_1044 = arith.subf %get3A_1037, %get3A_1043 : vector<16xf32>
      %mul3A_1045 = arith.mulf %sub3A_1044, %sub3A_1044 : vector<16xf32>
      %add3A_1046 = arith.addf %add3A_1027, %mul3A_1045 : vector<16xf32>
      %get3A_1047 = arith.constant 7 : i32
      %get3A_1048 = arith.index_cast %add3A_1031 : i32 to index
      %get3A_1049 = arith.index_cast %get3A_1047 : i32 to index
      %get3A_1050 = arith.constant 16 : index
      %get3A_1051 = tpu.vector_load %arg7[%get3A_1048, %get3A_1049, %get3A_1050] {strides = array<i32>} : memref<64x8x64xf32, #tpu.memory_space<vmem>>, vector<1x1x16xf32>,
      %get3A_1052 = vector.shape_cast %get3A_1051 : vector<1x1x16xf32> to vector<16xf32>
      %get3A_1053 = arith.constant 7 : i32
      %get3A_1054 = arith.index_cast %scan3A_53 : i32 to index
      %get3A_1055 = arith.index_cast %get3A_1053 : i32 to index
      %get3A_1056 = arith.constant 80 : index
      %get3A_1057 = tpu.vector_load %arg8[%get3A_1054, %get3A_1055, %get3A_1056] {strides = array<i32>} : memref<32x8x128xf32, #tpu.memory_space<vmem>>, vector<1x1x16xf32>,
      %get3A_1058 = vector.shape_cast %get3A_1057 : vector<1x1x16xf32> to vector<16xf32>
      %sub3A_1059 = arith.subf %get3A_1052, %get3A_1058 : vector<16xf32>
      %mul3A_1060 = arith.mulf %sub3A_1059, %sub3A_1059 : vector<16xf32>
      %add3A_1061 = arith.addf %add3A_1046, %mul3A_1060 : vector<16xf32>
      %get3A_1062 = arith.constant 7 : i32
      %get3A_1063 = arith.index_cast %add3A_1031 : i32 to index
      %get3A_1064 = arith.index_cast %get3A_1062 : i32 to index
      %get3A_1065 = arith.constant 32 : index
      %get3A_1066 = tpu.vector_load %arg7[%get3A_1063, %get3A_1064, %get3A_1065] {strides = array<i32>} : memref<64x8x64xf32, #tpu.memory_space<vmem>>, vector<1x1x16xf32>,
      %get3A_1067 = vector.shape_cast %get3A_1066 : vector<1x1x16xf32> to vector<16xf32>
      %get3A_1068 = arith.constant 7 : i32
      %get3A_1069 = arith.index_cast %scan3A_53 : i32 to index
      %get3A_1070 = arith.index_cast %get3A_1068 : i32 to index
      %get3A_1071 = arith.constant 96 : index
      %get3A_1072 = tpu.vector_load %arg8[%get3A_1069, %get3A_1070, %get3A_1071] {strides = array<i32>} : memref<32x8x128xf32, #tpu.memory_space<vmem>>, vector<1x1x16xf32>,
      %get3A_1073 = vector.shape_cast %get3A_1072 : vector<1x1x16xf32> to vector<16xf32>
      %sub3A_1074 = arith.subf %get3A_1067, %get3A_1073 : vector<16xf32>
      %mul3A_1075 = arith.mulf %sub3A_1074, %sub3A_1074 : vector<16xf32>
      %add3A_1076 = arith.addf %add3A_1061, %mul3A_1075 : vector<16xf32>
      %get3A_1077 = arith.constant 7 : i32
      %get3A_1078 = arith.index_cast %add3A_1031 : i32 to index
      %get3A_1079 = arith.index_cast %get3A_1077 : i32 to index
      %get3A_1080 = arith.constant 48 : index
      %get3A_1081 = tpu.vector_load %arg7[%get3A_1078, %get3A_1079, %get3A_1080] {strides = array<i32>} : memref<64x8x64xf32, #tpu.memory_space<vmem>>, vector<1x1x16xf32>,
      %get3A_1082 = vector.shape_cast %get3A_1081 : vector<1x1x16xf32> to vector<16xf32>
      %get3A_1083 = arith.constant 7 : i32
      %get3A_1084 = arith.index_cast %scan3A_53 : i32 to index
      %get3A_1085 = arith.index_cast %get3A_1083 : i32 to index
      %get3A_1086 = arith.constant 112 : index
      %get3A_1087 = tpu.vector_load %arg8[%get3A_1084, %get3A_1085, %get3A_1086] {strides = array<i32>} : memref<32x8x128xf32, #tpu.memory_space<vmem>>, vector<1x1x16xf32>,
      %get3A_1088 = vector.shape_cast %get3A_1087 : vector<1x1x16xf32> to vector<16xf32>
      %sub3A_1089 = arith.subf %get3A_1082, %get3A_1088 : vector<16xf32>
      %mul3A_1090 = arith.mulf %sub3A_1089, %sub3A_1089 : vector<16xf32>
      %add3A_1091 = arith.addf %add3A_1076, %mul3A_1090 : vector<16xf32>
      scf.yield %add3A_1091 : vector<16xf32>
    }
    %scan3A_46 = arith.constant 16 : i32
    %mul3A_47 = arith.constant 9.53674316E-7 : f32
    %mul3A_48 = vector.broadcast %mul3A_47 : f32 to vector<16xf32>
    %mul3A_49 = arith.mulf %scan3A_45, %mul3A_48 : vector<16xf32>
    %swap3A = arith.constant 0 : index
    %swap3A_50 = tpu.vector_load %arg9[%swap3A] {strides = array<i32>} : memref<16xf32, #tpu.memory_space<vmem>>, vector<16xf32>,
    %swap3A_51 = vector.shape_cast %swap3A_50 : vector<16xf32> to vector<16xf32>
    %swap3A_52 = vector.shape_cast %mul3A_49 : vector<16xf32> to vector<16xf32>
    tpu.vector_store %arg9[%swap3A], %swap3A_52 {strides = array<i32>} : memref<16xf32, #tpu.memory_space<vmem>>, vector<16xf32>,
    "tpu.region"() ({
      %run_scoped3A = tpu.sem_alloc : memref<!tpu.dma_semaphore, #tpu.memory_space<semaphore_mem>>
      %dma_start3A_53 = arith.constant 0 : i32
      %dma_start3A_54 = tpu.memref_slice %arg5[%add3A, %dma_start3A_53] : memref<32x16xf32, #tpu.memory_space<hbm>> -> memref<1x16xf32, #tpu.memory_space<hbm>>
      %dma_start3A_55 = tpu.memref_squeeze %dma_start3A_54 : memref<1x16xf32, #tpu.memory_space<hbm>> -> memref<16xf32, #tpu.memory_space<hbm>>
      %dma_start3A_56 = arith.constant 0 : i32
      %dma_start3A_57 = tpu.memref_slice %arg5[%add3A, %dma_start3A_56] : memref<32x16xf32, #tpu.memory_space<hbm>> -> memref<1x16xf32, #tpu.memory_space<hbm>>
      %dma_start3A_58 = tpu.memref_squeeze %dma_start3A_57 : memref<1x16xf32, #tpu.memory_space<hbm>> -> memref<16xf32, #tpu.memory_space<hbm>>
      tpu.enqueue_dma source(%arg9 : memref<16xf32, #tpu.memory_space<vmem>>) target(%dma_start3A_58 : memref<16xf32, #tpu.memory_space<hbm>>) target_semaphore(%run_scoped3A : memref<!tpu.dma_semaphore, #tpu.memory_space<semaphore_mem>>)
      %dma_wait3A_59 = arith.constant 0 : i32
      %dma_wait3A_60 = tpu.memref_slice %arg5[%add3A, %dma_wait3A_59] : memref<32x16xf32, #tpu.memory_space<hbm>> -> memref<1x16xf32, #tpu.memory_space<hbm>>
      %dma_wait3A_61 = tpu.memref_squeeze %dma_wait3A_60 : memref<1x16xf32, #tpu.memory_space<hbm>> -> memref<16xf32, #tpu.memory_space<hbm>>
      %dma_wait3A_62 = arith.constant 0 : i32
      %dma_wait3A_63 = tpu.memref_slice %arg5[%add3A, %dma_wait3A_62] : memref<32x16xf32, #tpu.memory_space<hbm>> -> memref<1x16xf32, #tpu.memory_space<hbm>>
      %dma_wait3A_64 = tpu.memref_squeeze %dma_wait3A_63 : memref<1x16xf32, #tpu.memory_space<hbm>> -> memref<16xf32, #tpu.memory_space<hbm>>
      tpu.wait_dma2 semaphore(%run_scoped3A : memref<!tpu.dma_semaphore, #tpu.memory_space<semaphore_mem>>) src(%arg9 : memref<16xf32, #tpu.memory_space<vmem>>) dst(%dma_wait3A_64 : memref<16xf32, #tpu.memory_space<hbm>>)
      tpu.yield
    }) : () -> ()
    return
  }
}

</mosaic_0001>

<sc_bundles>
// kernel: kernel.3.cloned.1.call-start
scs
__scs_entry_jumppad:
0x0: {  	(pc) =	sbr.rel $0x88, $3  }
0x1: {  	(tag) =	ssettag $0x0;
	lr =	simm.s32 $0x1  }
0x2: {  	[smem:$0x3F9E] =	sst lr;
	_ =	strace $0xD0000000  }
0x3: {  	_ = 	snop  }
0x4: {  	_ = 	snop  }
0x5: {  	_ = 	snop  }
0x6: {  	_ = 	snop  }
0x7: {  	_ = 	snop  }
__scs_overlays_trampoline_lowered:
0x8: {  	[smem:$0x3FAD] =	sst s0  }
0x9: {  	[smem:$0x3FAE] =	sst s1  }
0xa: {  	[smem:$0x3FAF] =	sst s2  }
0xb: {  	[smem:$0x3FB0] =	sst s3  }
0xc: {  	[smem:$0x3FB1] =	sst s4  }
0xd: {  	[smem:$0x3FB2] =	sst s5  }
0xe: {  	[smem:$0x3FB3] =	sst s6  }
0xf: {  	[smem:$0x3FB4] =	sst s7  }
0x10: {  	[smem:$0x3FB5] =	sst s8  }
0x11: {  	[smem:$0x3FB6] =	sst s9;
	s0 =	simm.s32 @!p0 $0x0  }
0x12: {  	s1 =	sld [smem:$0x3F9C];
	s0 =	simm.s32 @p0 $0x1  }
0x13: {  	[smem:$0x3FB7] =	sst s0;
	s0 =	simm.s32 @!p1 $0x0  }
0x14: {  	s2 =	sld [smem:$0x3F9B];
	s0 =	simm.s32 @p1 $0x1  }
0x15: {  	[smem:$0x3FB8] =	sst s0;
	s0 =	simm.s32 @!p2 $0x0  }
0x16: {  	s3 =	sld [smem:$0x3FDB];
	s0 =	simm.s32 @p2 $0x1  }
0x17: {  	s4 =	simm.s32 $0x1BF5;
	[smem:$0x3FBA] =	sst s0  }
0x18: {  	s0 =	sld [smem:$0x3F9D];
	_ =	swait.ge [sflag:s4], $0x0  }
0x19: {  	s7 =	sld [smem:$0x3F9E]  }
0x1a: {  	s8 =	sadd.s32 $0xFFFFE003, lr  }
0x1b: {  	s9 =	sadd.s32 $0xFFFFFEF7, lr;
	s5 =	simm.s32 $0xFFFFFFFF;
	p2 =	slt.u32 s8, $0xFFFFF086  }
0x1c: {  	p1 =	slt.u32 s9, $0xF7A;
	s5 =	simm.s32 @!p2 $0x0  }
0x1d: {  	s5 =	simm.s32 @p1 $0x1;
	p0 =	seq.s32 s7, s2  }
0x1e: {  	s7 =	smul.u32 @!p0 $0xF7A, s2;
	p2 =	seq.s32 @!p0 s5, $0x0  }
0x1f: {  	s9 =	smul.u32 $0xF7A, s1;
	s8 =	simm.s32 @!p0 $0x1BF5;
	p2 =	por !p2, p0  }
0x20: {  	[sflag:s8] =	ssyncset.s32 @!p0 $0xFFFFF086;
	s6 =	sadd.s32 @!p0 s3, s7;
	s7 =	simm.s32 @!p0 $0x108  }
0x21: {  	s3 =	sadd.s32 s3, s9;
	s6 =	sadd.s32 @!p0 $0x88, s6;
	s7 =	simm.s32 @p2 $0x1082  }
0x22: {  	[simem:s7], [sflag:s8] =	dma.local @!p0 [hbm:s6], $0xF7A  }
0x23: {  	s9 =	sor.u32 $0xD0000000, s2;
	s6 =	simm.s32 $0x108;
	_ =	swait.ge @!p0 [sflag:s8], $0x0  }
0x24: {  	s3 =	sadd.s32 $0x88, s3;
	s6 =	simm.s32 @!p1 $0x1082;
	[sflag:s4] =	ssyncset.s32 $0xFFFFF086  }
0x25: {  	[simem:s6], [sflag:s4] =	dma.local [hbm:s3], $0xF7A  }
0x26: {  	[smem:$0x3F9E] =	sst s1;
	(tag) =	ssettag s2;
	_ =	strace s9  }
0x27: {  	s1 =	sld [smem:$0x3FAE]  }
0x28: {  	s2 =	sld [smem:$0x3FAF]  }
0x29: {  	s4 =	sld [smem:$0x3FB1]  }
0x2a: {  	p0 =	seq.s32 s5, $0x0;
	s5 =	sld [smem:$0x3FB2]  }
0x2b: {  	s6 =	sld [smem:$0x3FB3]  }
0x2c: {  	s7 =	sld [smem:$0x3FB4]  }
0x2d: {  	s3 =	simm.s32 $0x108;
	s8 =	sld [smem:$0x3FB5]  }
0x2e: {  	s3 =	simm.s32 @!p0 $0x1082;
	s9 =	sld [smem:$0x3FB6]  }
0x2f: {  	lr =	sadd.s32 s0, s3;
	s0 =	sld [smem:$0x3FAD]  }
0x30: {  	s3 =	sld [smem:$0x3FB0]  }
0x31: {  	[smem:$0x3FB9] =	sst s10  }
0x32: {  	s10 =	sld [smem:$0x3FB7];
	_ =	sdelay $0x3  }
0x33: {  	p0 =	seq.s32 s10, $0x1;
	s10 =	sld [smem:$0x3FB9];
	_ =	sdelay $0x3  }
0x34: {  	[smem:$0x3FB9] =	sst s10  }
0x35: {  	s10 =	sld [smem:$0x3FB8];
	_ =	sdelay $0x3  }
0x36: {  	p1 =	seq.s32 s10, $0x1;
	s10 =	sld [smem:$0x3FB9];
	_ =	sdelay $0x3  }
0x37: {  	[smem:$0x3FB9] =	sst s10  }
0x38: {  	s10 =	sld [smem:$0x3FBA]  }
0x39: {  	_ = 	snop;
	(pc) =	sbr.ind lr, $3  }
0x3a: {  	_ = 	snop  }
0x3b: {  	_ = 	snop  }
0x3c: {  	p2 =	seq.s32 s10, $0x1;
	s10 =	sld [smem:$0x3FB9]  }
0x3d: {  	_ =	shalt  }
0x3e: {  	_ =	shalt  }
0x3f: {  	_ =	shalt  }
0x40: {  	_ =	shalt  }
0x41: {  	_ =	shalt  }
0x42: {  	_ =	shalt  }
0x43: {  	_ =	shalt  }
0x44: {  	_ =	shalt  }
0x45: {  	_ =	shalt  }
0x46: {  	_ =	shalt  }
0x47: {  	_ =	shalt  }
0x48: {  	_ =	shalt  }
0x49: {  	_ =	shalt  }
0x4a: {  	_ =	shalt  }
0x4b: {  	_ =	shalt  }
0x4c: {  	_ =	shalt  }
0x4d: {  	_ =	shalt  }
0x4e: {  	_ =	shalt  }
0x4f: {  	_ =	shalt  }
0x50: {  	_ =	shalt  }
0x51: {  	_ =	shalt  }
0x52: {  	_ =	shalt  }
0x53: {  	_ =	shalt  }
0x54: {  	_ =	shalt  }
0x55: {  	_ =	shalt  }
0x56: {  	_ =	shalt  }
0x57: {  	_ =	shalt  }
0x58: {  	_ =	shalt  }
0x59: {  	_ =	shalt  }
0x5a: {  	_ =	shalt  }
0x5b: {  	_ =	shalt  }
0x5c: {  	_ =	shalt  }
0x5d: {  	_ =	shalt  }
0x5e: {  	_ =	shalt  }
0x5f: {  	_ =	shalt  }
0x60: {  	_ =	shalt  }
0x61: {  	_ =	shalt  }
0x62: {  	_ =	shalt  }
0x63: {  	_ =	shalt  }
0x64: {  	_ =	shalt  }
0x65: {  	_ =	shalt  }
0x66: {  	_ =	shalt  }
0x67: {  	_ =	shalt  }
0x68: {  	_ =	shalt  }
0x69: {  	_ =	shalt  }
0x6a: {  	_ =	shalt  }
0x6b: {  	_ =	shalt  }
0x6c: {  	_ =	shalt  }
0x6d: {  	_ =	shalt  }
0x6e: {  	_ =	shalt  }
0x6f: {  	_ =	shalt  }
0x70: {  	_ =	shalt  }
0x71: {  	_ =	shalt  }
0x72: {  	_ =	shalt  }
0x73: {  	_ =	shalt  }
0x74: {  	_ =	shalt  }
0x75: {  	_ =	shalt  }
0x76: {  	_ =	shalt  }
0x77: {  	_ =	shalt  }
0x78: {  	_ =	shalt  }
0x79: {  	_ =	shalt  }
0x7a: {  	_ =	shalt  }
0x7b: {  	_ =	shalt  }
0x7c: {  	_ =	shalt  }
0x7d: {  	_ =	shalt  }
0x7e: {  	_ =	shalt  }
0x7f: {  	_ =	shalt  }
0x80: {  	_ =	shalt  }
0x81: {  	_ =	shalt  }
0x82: {  	_ =	shalt  }
0x83: {  	_ =	shalt  }
0x84: {  	_ =	shalt  }
0x85: {  	_ =	shalt  }
0x86: {  	_ =	shalt  }
0x87: {  	_ =	shalt  }
.Lfunc_end0:
.L_simem_size_0:
called_computation_lowered:
.L_overlay_start_0:
0x88: {  	s2 =	sld [smem:$0x3FD9]  }
0x89: {  	s3 =	sld [smem:$0x3FFE];
	_ =	sdelay $0x1  }
0x8a: {  	s1 =	srdreg.scid  }
0x8b: {  	s0 =	sand.u32 $0x1, s1  }
0x8c: {  	s17 =	sshll.u32 s0, $0xA;
	s2 =	sadd.s32 s3, s2  }
0x8d: {  	s2 =	sadd.s32 s2, s17  }
0x8e: {  	[smem:$0x3FC5] =	sst s2  }
0x8f: {  	_ = 	snop  }
0x90: {  	s2 =	sld [smem:$0x3FC8];
	(tm) =	ssettm $0x1  }
0x91: {  	s18 =	sld [smem:$0x3FFB];
	_ =	sdelay $0x3  }
0x92: {  	_ =	strace s18  }
0x93: {  	s3 =	sld [smem:$0x3FFC];
	_ =	sdelay $0x3  }
0x94: {  	_ =	strace s3  }
0x95: {  	s3 =	sld [smem:$0x3FFD];
	_ =	sdelay $0x3  }
0x96: {  	_ =	strace s3  }
0x97: {  	_ =	strace $0x8FFFFFFF  }
0x98: {  	s19 =	sld [smem:$0x3FDB];
	_ =	sdelay $0x1  }
0x99: {  	s4 =	simm.s32 $_scs_section_size  }
0x9a: {  	s5 =	simm.s32 $_size__tile_overlayer_lowered;
	s6 =	simm.s32 $_tile_overlayer_lowered  }
0x9b: {  	s22 =	simm.s32 $0x1BFF;
	s21 =	sshll.u32 s6, $0x1;
	s3 =	sadd.s32 s4, s19  }
0x9c: {  	s7 =	simm.s32 $0x0;
	s20 =	sshll.u32 s5, $0x1;
	s5 =	sadd.s32 s21, s3  }
0x9d: {  	[timem:s7], [sflag:s22] =	dma.local [hbm:s5], s20  }
0x9e: {  	_ =	swait.ge [sflag:s22], s20  }
0x9f: {  	s4 =	ssub.s32 $0x0, s20;
	[sflag:s22] =	ssyncset.done $0x0  }
0xa0: {  	[sflag:s22] =	ssyncadd.s32 s4;
	_ =	sdelay $0x1  }
0xa1: {  	s23 =	simm.s32 $0x1B8B  }
0xa2: {  	_ =	swait.ge [sflag:s23], $0x1  }
0xa3: {  	[sflag:s23] =	ssyncset.done $0x0  }
0xa4: {  	s25 =	simm.s32 $0x1B8E;
	s24 =	sld [smem:$0x3FFE];
	[sflag:s23] =	ssyncadd.s32 $0xFFFFFFFF  }
0xa5: {  	s26 =	simm.s32 $execute0_lowered;
	[smem:$0x3FD2] =	sst s25  }
0xa6: {  	s5 =	sshll.u32 s26, $0x1;
	_ =	strace $0x80000046;
	[dreg:$0x1] =	wrdreg $0xFFFFFFFF  }
0xa7: {  	s28 =	simm.s32 $_size_execute0_lowered;
	s3 =	sadd.s32 s3, s5;
	[dreg:$0x0] =	wrdreg $0x0  }
0xa8: {  	s5 =	sshll.u32 s28, $0x1;
	[dreg:$0x2] =	wrdreg s3  }
0xa9: {  	[dreg:$0x3] =	wrdreg s5  }
0xaa: {  	[dreg:$0x4] =	wrdreg $0xC0  }
0xab: {  	_ =	task [dreg:s7], $0x5FFFF  }
0xac: {  	[dreg:$0x1] =	wrdreg $0xFFFFFFFF  }
0xad: {  	[dreg:$0x0] =	wrdreg $0x60  }
0xae: {  	[dreg:$0x2] =	wrdreg s24  }
0xaf: {  	[dreg:$0x3] =	wrdreg s2  }
0xb0: {  	[dreg:$0x4] =	wrdreg $0x9  }
0xb1: {  	_ =	task.clear_ibuf [dreg:s7], $0x5FFFF;
	_ =	strace $0x90000046  }
0xb2: {  	s29 =	simm.s32 $0x9;
	_ =	strace $0x80000048  }
0xb3: {  	_ =	swait.ge [sflag:s29], $0x1  }
0xb4: {  	[sflag:s29] =	ssyncadd.s32 $0xFFFFFFFF  }
0xb5: {  	_ =	strace $0x90000048  }
0xb6: {  	_ =	sfence  }
0xb7: {  	s30 =	sld [smem:$0x0];
	_ =	sdelay $0x2  }
0xb8: {  	s31 =	sshll.u32 s1, $0xD;
	s1 =	sshrl.u32 s1, $0x2  }
0xb9: {  	s3 =	sand.u32 $0x4000, s31;
	s1 =	sadd.s32 s1, s30  }
0xba: {  	s0 =	sor.u32 s3, s0;
	s1 =	sshll.u32 s1, $0x11  }
0xbb: {  	s0 =	sor.u32 s1, s0  }
0xbc: {  	s0 =	sadd.s32 $0x8F2B, s0  }
0xbd: {  	[sflag:s0] =	ssyncadd.remote.s32 $0x1  }
0xbe: {  	_ =	sfence.sel $0xFFFF  }
0xbf: {  	[dreg:$0x0] =	wrdreg $0xFFFFFFFF;
	(pc) =	sbr.abs _section_cstart, $3  }
0xc0: {  	[dreg:$0x1] =	wrdreg $0xFFFFFFFF  }
0xc1: {  	_ =	task.clear_ibuf [dreg:s7], $0x2FFFF;
	_ =	strace $0x9FFFFFFF  }
0xc2: {  	(tm) =	ssettm $0x7FFFFFFF  }
0xc3: {  	_ =	shalt  }
tec
execute0_lowered:
.L_overlay_start_1:
0x0: {  	(tag) =	ssettag $0x1  }
0x1: {  	s5 =	rddreg [dreg:$0x0]  }
0x2: {  	s4 =	rddreg [dreg:$0x1]  }
0x3: {  	s0 =	rddreg [dreg:$0x2]  }
0x4: {  	s3 =	srdreg.scid;
	s1 =	stileid.u32;
	s2 =	simm.s32 $0x0  }
0x5: {  	s11 =	simm.s32 $0x400;
	s12 =	simm.s32 $0x11;
	s13 =	simm.s32 $0x18200  }
0x6: {  	s14 =	simm.s32 $0x0;
	s6 =	sand.u32 $0x1, s3;
	s31 =	sshll.u32 s1, $0x1  }
0x7: {  	[smem:$0x7FF] =	sst s2;
	s3 =	sadd.s32 $0x40000, s5;
	s7 =	sor.u32 s6, s31  }
0x8: {  	_ =	strace $0x80000047;
	s6 =	ssub.s32 $0x2, s6;
	s8 =	sshll.u32 s7, $0x4  }
0x9: {  	s9 =	sshrl.u32 s6, $0x1;
	s10 =	sshll.u32 s7, $0x6;
	s7 =	sshll.u32 s7, $0xD  }
0xa: {  	s8 =	sadd.s32 s8, s5;
	s9 =	ssub.s32 s6, s9;
	s4 =	sadd.s32 s4, s10  }
0xb: {  	s5 =	sadd.s32 s5, s7;
	s10 =	simm.s32 $0x80;
	s6 =	sadd.s32 $0x1C6A00, s8  }
0xc: {  	s7 =	smax.u32 s9, $0x1;
	s8 =	simm.s32 $0x12;
	s9 =	simm.s32 $0x200  }
.LBB2_1:
0xd: {  	[tilespmem:s2], [sflag:$0x12] =	stream.linear.gather [hbm4b:s4+s2], $0x200, $0x38;
	[tilespmem:$0x18280] =	vst v63  }
0xe: {  	_ =	swait.ge [sflag:s8], $0x200  }
0xf: {  	[sflag:s8] =	ssyncset.done $0x0  }
0x10: {  	[sflag:s8] =	ssyncadd.s32 $0xFFFFFE00  }
0x11: {  	[tilespmem:s9], [sflag:$0x11] =	stream.linear.gather [hbm4b:s5+s2], $0x10000, $0x38;
	[tilespmem:$0x18280] =	vst v63  }
0x12: {  	v0 =	vld [tilespmem:s2+$0x0];
	_ =	sdelay $0x4  }
0x13: {  	v0 =	vshll.u32 v0, $0x4  }
0x14: {  	(v2sf) =	vpush v0, $0x0;
	_ =	sdelay $0x1  }
0x15: {  	(v2sf) =	vpush v0, $0x1;
	_ =	sdelay $0x3  }
0x16: {  	(v2sf) =	vpush v0, $0x2;
	_ =	sdelay $0x3  }
0x17: {  	(v2sf) =	vpush v0, $0x3;
	_ =	sdelay $0x3  }
0x18: {  	(v2sf) =	vpush v0, $0x4  }
0x19: {  	s16 =	spop (v2sf)  }
0x1a: {  	s15 =	simm.s32 $0x1;
	s16 =	sand.u32 $0x1FFFFFF0, s16  }
0x1b: {  	s18 =	simm.s32 $0x10200;
	s17 =	spop (v2sf);
	s16 =	sadd.s32 s3, s16  }
0x1c: {  	(v2sf) =	vpush v0, $0x5;
	[tilespmem:s18], [sflag:s15] =	stream.strided.gather [hbm4b:s16+s10], $0x0, s11, s10, $0x38;
	[tilespmem:$0x18280] =	vst v63  }
0x1d: {  	s17 =	sand.u32 $0x1FFFFFF0, s17  }
0x1e: {  	[tilespmem:s18], [sflag:s15] =	stream.linear.gather [hbm4b:s16+s2], $0x40, $0x38;
	[tilespmem:$0x18280] =	vst v63  }
0x1f: {  	s28 =	simm.s32 $0x10240;
	s29 =	spop (v2sf);
	s17 =	sadd.s32 s3, s17  }
0x20: {  	(v2sf) =	vpush v0, $0x6;
	[tilespmem:s28], [sflag:s15] =	stream.strided.gather [hbm4b:s17+s10], $0x0, s11, s10, $0x38;
	[tilespmem:$0x18280] =	vst v63  }
0x21: {  	s18 =	sand.u32 $0x1FFFFFF0, s29  }
0x22: {  	[tilespmem:s28], [sflag:s15] =	stream.linear.gather [hbm4b:s17+s2], $0x40, $0x38;
	[tilespmem:$0x18280] =	vst v63  }
0x23: {  	s31 =	simm.s32 $0x10280;
	s30 =	spop (v2sf);
	s18 =	sadd.s32 s3, s18  }
0x24: {  	(v2sf) =	vpush v0, $0x7;
	[tilespmem:s31], [sflag:s15] =	stream.strided.gather [hbm4b:s18+s10], $0x0, s11, s10, $0x38;
	[tilespmem:$0x18280] =	vst v63  }
0x25: {  	s16 =	sand.u32 $0x1FFFFFF0, s30  }
0x26: {  	[tilespmem:s31], [sflag:s15] =	stream.linear.gather [hbm4b:s18+s2], $0x40, $0x38;
	[tilespmem:$0x18280] =	vst v63  }
0x27: {  	s20 =	simm.s32 $0x102C0;
	s19 =	spop (v2sf);
	s16 =	sadd.s32 s3, s16  }
0x28: {  	(v2sf) =	vpush v0, $0x8;
	[tilespmem:s20], [sflag:s15] =	stream.strided.gather [hbm4b:s16+s10], $0x0, s11, s10, $0x38;
	[tilespmem:$0x18280] =	vst v63  }
0x29: {  	s17 =	sand.u32 $0x1FFFFFF0, s19  }
0x2a: {  	[tilespmem:s20], [sflag:s15] =	stream.linear.gather [hbm4b:s16+s2], $0x40, $0x38;
	[tilespmem:$0x18280] =	vst v63  }
0x2b: {  	s22 =	simm.s32 $0x10300;
	s17 =	sadd.s32 s3, s17;
	s21 =	spop (v2sf)  }
0x2c: {  	(v2sf) =	vpush v0, $0x9;
	[tilespmem:s22], [sflag:s15] =	stream.strided.gather [hbm4b:s17+s10], $0x0, s11, s10, $0x38;
	[tilespmem:$0x18280] =	vst v63  }
0x2d: {  	s16 =	sand.u32 $0x1FFFFFF0, s21  }
0x2e: {  	[tilespmem:s22], [sflag:s15] =	stream.linear.gather [hbm4b:s17+s2], $0x40, $0x38;
	[tilespmem:$0x18280] =	vst v63  }
0x2f: {  	s24 =	simm.s32 $0x10340;
	s23 =	spop (v2sf);
	s16 =	sadd.s32 s3, s16  }
0x30: {  	(v2sf) =	vpush v0, $0xA;
	[tilespmem:s24], [sflag:s15] =	stream.strided.gather [hbm4b:s16+s10], $0x0, s11, s10, $0x38;
	[tilespmem:$0x18280] =	vst v63  }
0x31: {  	s17 =	sand.u32 $0x1FFFFFF0, s23  }
0x32: {  	[tilespmem:s24], [sflag:s15] =	stream.linear.gather [hbm4b:s16+s2], $0x40, $0x38;
	[tilespmem:$0x18280] =	vst v63  }
0x33: {  	s26 =	simm.s32 $0x10380;
	s25 =	spop (v2sf);
	s17 =	sadd.s32 s3, s17  }
0x34: {  	(v2sf) =	vpush v0, $0xB;
	[tilespmem:s26], [sflag:s15] =	stream.strided.gather [hbm4b:s17+s10], $0x0, s11, s10, $0x38;
	[tilespmem:$0x18280] =	vst v63  }
0x35: {  	s16 =	sand.u32 $0x1FFFFFF0, s25  }
0x36: {  	[tilespmem:s26], [sflag:s15] =	stream.linear.gather [hbm4b:s17+s2], $0x40, $0x38;
	[tilespmem:$0x18280] =	vst v63  }
0x37: {  	s29 =	simm.s32 $0x103C0;
	s28 =	spop (v2sf);
	s16 =	sadd.s32 s3, s16  }
0x38: {  	(v2sf) =	vpush v0, $0xC;
	[tilespmem:s29], [sflag:s15] =	stream.strided.gather [hbm4b:s16+s10], $0x0, s11, s10, $0x38;
	[tilespmem:$0x18280] =	vst v63  }
0x39: {  	s17 =	sand.u32 $0x1FFFFFF0, s28  }
0x3a: {  	[tilespmem:s29], [sflag:s15] =	stream.linear.gather [hbm4b:s16+s2], $0x40, $0x38;
	[tilespmem:$0x18280] =	vst v63  }
0x3b: {  	s31 =	simm.s32 $0x10400;
	s30 =	spop (v2sf);
	s17 =	sadd.s32 s3, s17  }
0x3c: {  	(v2sf) =	vpush v0, $0xD;
	[tilespmem:s31], [sflag:s15] =	stream.strided.gather [hbm4b:s17+s10], $0x0, s11, s10, $0x38;
	[tilespmem:$0x18280] =	vst v63  }
0x3d: {  	s16 =	sand.u32 $0x1FFFFFF0, s30  }
0x3e: {  	[tilespmem:s31], [sflag:s15] =	stream.linear.gather [hbm4b:s17+s2], $0x40, $0x38;
	[tilespmem:$0x18280] =	vst v63  }
0x3f: {  	s20 =	simm.s32 $0x10440;
	s19 =	spop (v2sf);
	s16 =	sadd.s32 s3, s16  }
0x40: {  	(v2sf) =	vpush v0, $0xE;
	[tilespmem:s20], [sflag:s15] =	stream.strided.gather [hbm4b:s16+s10], $0x0, s11, s10, $0x38;
	[tilespmem:$0x18280] =	vst v63  }
0x41: {  	s17 =	sand.u32 $0x1FFFFFF0, s19  }
0x42: {  	[tilespmem:s20], [sflag:s15] =	stream.linear.gather [hbm4b:s16+s2], $0x40, $0x38;
	[tilespmem:$0x18280] =	vst v63  }
0x43: {  	s22 =	simm.s32 $0x10480;
	s21 =	spop (v2sf);
	s17 =	sadd.s32 s3, s17  }
0x44: {  	(v2sf) =	vpush v0, $0xF;
	[tilespmem:s22], [sflag:s15] =	stream.strided.gather [hbm4b:s17+s10], $0x0, s11, s10, $0x38;
	[tilespmem:$0x18280] =	vst v63  }
0x45: {  	s16 =	sand.u32 $0x1FFFFFF0, s21  }
0x46: {  	[tilespmem:s22], [sflag:s15] =	stream.linear.gather [hbm4b:s17+s2], $0x40, $0x38;
	[tilespmem:$0x18280] =	vst v63  }
0x47: {  	s24 =	simm.s32 $0x104C0;
	s23 =	spop (v2sf);
	s16 =	sadd.s32 s3, s16  }
0x48: {  	[tilespmem:s24], [sflag:s15] =	stream.strided.gather [hbm4b:s16+s10], $0x0, s11, s10, $0x38;
	[tilespmem:$0x18280] =	vst v63  }
0x49: {  	s17 =	sand.u32 $0x1FFFFFF0, s23  }
0x4a: {  	[tilespmem:s24], [sflag:s15] =	stream.linear.gather [hbm4b:s16+s2], $0x40, $0x38;
	[tilespmem:$0x18280] =	vst v63  }
0x4b: {  	s26 =	simm.s32 $0x10500;
	s25 =	spop (v2sf);
	s17 =	sadd.s32 s3, s17  }
0x4c: {  	[tilespmem:s26], [sflag:s15] =	stream.strided.gather [hbm4b:s17+s10], $0x0, s11, s10, $0x38;
	[tilespmem:$0x18280] =	vst v63  }
0x4d: {  	s16 =	sand.u32 $0x1FFFFFF0, s25  }
0x4e: {  	[tilespmem:s26], [sflag:s15] =	stream.linear.gather [hbm4b:s17+s2], $0x40, $0x38;
	[tilespmem:$0x18280] =	vst v63  }
0x4f: {  	s29 =	simm.s32 $0x10540;
	s28 =	spop (v2sf);
	s16 =	sadd.s32 s3, s16  }
0x50: {  	[tilespmem:s29], [sflag:s15] =	stream.strided.gather [hbm4b:s16+s10], $0x0, s11, s10, $0x38;
	[tilespmem:$0x18280] =	vst v63  }
0x51: {  	s17 =	sand.u32 $0x1FFFFFF0, s28  }
0x52: {  	[tilespmem:s29], [sflag:s15] =	stream.linear.gather [hbm4b:s16+s2], $0x40, $0x38;
	[tilespmem:$0x18280] =	vst v63  }
0x53: {  	s31 =	simm.s32 $0x10580;
	s30 =	spop (v2sf);
	s17 =	sadd.s32 s3, s17  }
0x54: {  	[tilespmem:s31], [sflag:s15] =	stream.strided.gather [hbm4b:s17+s10], $0x0, s11, s10, $0x38;
	[tilespmem:$0x18280] =	vst v63  }
0x55: {  	s18 =	simm.s32 $0x1;
	s19 =	simm.s32 $0x105C0;
	s16 =	sand.u32 $0x1FFFFFF0, s30  }
0x56: {  	[tilespmem:s31], [sflag:s15] =	stream.linear.gather [hbm4b:s17+s2], $0x40, $0x38;
	[tilespmem:$0x18280] =	vst v63  }
0x57: {  	s20 =	sadd.s32 s3, s16;
	s16 =	simm.s32 $0x1000;
	s17 =	simm.s32 $0x0  }
0x58: {  	[tilespmem:s19], [sflag:s15] =	stream.strided.gather [hbm4b:s20+s10], $0x0, s11, s10, $0x38;
	[tilespmem:$0x18280] =	vst v63  }
.LBB2_2:
0x59: {  	p0 =	sne.s32 s16, $0xF000;
	s17 =	sadd.s32 $0x10, s17;
	s15 =	sadd.s32 $0x1, s15  }
0x5a: {  	[tilespmem:s19], [sflag:s18] =	stream.linear.gather [hbm4b:s20+s2], $0x40, $0x38;
	[tilespmem:$0x18280] =	vst v63  }
0x5b: {  	s18 =	smov.u32 s15;
	s19 =	smov.u32 s16;
	s16 =	sadd.s32 $0x1000, s16;
	v0 =	vld [tilespmem:s17+$0x0]  }
0x5c: {  	_ =	sdelay $0x3  }
0x5d: {  	v0 =	vshll.u32 v0, $0x4  }
0x5e: {  	(v2sf) =	vpush v0, $0x0  }
0x5f: {  	(v2sf) =	vpush v0, $0x1  }
0x60: {  	(v2sf) =	vpush v0, $0x2;
	_ =	sdelay $0x2  }
0x61: {  	(v2sf) =	vpush v0, $0x3;
	_ =	sdelay $0x1  }
0x62: {  	(v2sf) =	vpush v0, $0x4;
	_ =	sdelay $0x1  }
0x63: {  	(v2sf) =	vpush v0, $0x5;
	_ =	sdelay $0x1  }
0x64: {  	(v2sf) =	vpush v0, $0x6;
	_ =	sdelay $0x1  }
0x65: {  	(v2sf) =	vpush v0, $0x7;
	_ =	sdelay $0x1  }
0x66: {  	s20 =	spop (v2sf);
	(v2sf) =	vpush v0, $0x8  }
0x67: {  	s19 =	sshra.s32 s19, $0x2;
	s20 =	sand.u32 $0x1FFFFFF0, s20;
	s21 =	spop (v2sf)  }
0x68: {  	s22 =	sadd.s32 $0x10240, s19;
	s20 =	sadd.s32 s3, s20;
	s23 =	spop (v2sf);
	(v2sf) =	vpush v0, $0x9  }
0x69: {  	s24 =	sadd.s32 $0x10200, s19;
	s21 =	sand.u32 $0x1FFFFFF0, s21;
	s23 =	sand.u32 $0x1FFFFFF0, s23  }
0x6a: {  	[tilespmem:s24], [sflag:s15] =	stream.strided.gather [hbm4b:s20+s10], $0x0, s11, s10, $0x38;
	(v2sf) =	vpush v0, $0xA;
	[tilespmem:$0x18280] =	vst v63  }
0x6b: {  	s25 =	spop (v2sf)  }
0x6c: {  	[tilespmem:s24], [sflag:s15] =	stream.linear.gather [hbm4b:s20+s2], $0x40, $0x38;
	(v2sf) =	vpush v0, $0xB;
	[tilespmem:$0x18280] =	vst v63  }
0x6d: {  	s20 =	sadd.s32 s3, s21;
	s21 =	sand.u32 $0x1FFFFFF0, s25;
	s24 =	spop (v2sf)  }
0x6e: {  	[tilespmem:s22], [sflag:s15] =	stream.strided.gather [hbm4b:s20+s10], $0x0, s11, s10, $0x38;
	(v2sf) =	vpush v0, $0xC;
	[tilespmem:$0x18280] =	vst v63  }
0x6f: {  	s25 =	sadd.s32 $0x10280, s19;
	s24 =	sand.u32 $0x1FFFFFF0, s24;
	s26 =	spop (v2sf)  }
0x70: {  	[tilespmem:s22], [sflag:s15] =	stream.linear.gather [hbm4b:s20+s2], $0x40, $0x38;
	[tilespmem:$0x18280] =	vst v63  }
0x71: {  	s20 =	sadd.s32 s3, s23;
	s22 =	sand.u32 $0x1FFFFFF0, s26;
	s23 =	spop (v2sf)  }
0x72: {  	[tilespmem:s25], [sflag:s15] =	stream.strided.gather [hbm4b:s20+s10], $0x0, s11, s10, $0x38;
	(v2sf) =	vpush v0, $0xD;
	[tilespmem:$0x18280] =	vst v63  }
0x73: {  	s26 =	sadd.s32 $0x102C0, s19;
	s23 =	sand.u32 $0x1FFFFFF0, s23;
	s28 =	spop (v2sf)  }
0x74: {  	[tilespmem:s25], [sflag:s15] =	stream.linear.gather [hbm4b:s20+s2], $0x40, $0x38;
	[tilespmem:$0x18280] =	vst v63  }
0x75: {  	s20 =	sadd.s32 s3, s21;
	s21 =	sand.u32 $0x1FFFFFF0, s28;
	s25 =	spop (v2sf)  }
0x76: {  	[tilespmem:s26], [sflag:s15] =	stream.strided.gather [hbm4b:s20+s10], $0x0, s11, s10, $0x38;
	(v2sf) =	vpush v0, $0xE;
	[tilespmem:$0x18280] =	vst v63  }
0x77: {  	s28 =	sadd.s32 $0x10300, s19;
	s25 =	sand.u32 $0x1FFFFFF0, s25;
	s29 =	spop (v2sf)  }
0x78: {  	[tilespmem:s26], [sflag:s15] =	stream.linear.gather [hbm4b:s20+s2], $0x40, $0x38;
	[tilespmem:$0x18280] =	vst v63  }
0x79: {  	s20 =	sadd.s32 s3, s24;
	s24 =	sand.u32 $0x1FFFFFF0, s29;
	s26 =	spop (v2sf)  }
0x7a: {  	[tilespmem:s28], [sflag:s15] =	stream.strided.gather [hbm4b:s20+s10], $0x0, s11, s10, $0x38;
	(v2sf) =	vpush v0, $0xF;
	[tilespmem:$0x18280] =	vst v63  }
0x7b: {  	s29 =	sadd.s32 $0x10340, s19;
	s26 =	sand.u32 $0x1FFFFFF0, s26;
	s30 =	spop (v2sf)  }
0x7c: {  	[tilespmem:s28], [sflag:s15] =	stream.linear.gather [hbm4b:s20+s2], $0x40, $0x38;
	[tilespmem:$0x18280] =	vst v63  }
0x7d: {  	s20 =	sadd.s32 s3, s22;
	s22 =	sand.u32 $0x1FFFFFF0, s30;
	s28 =	spop (v2sf)  }
0x7e: {  	[tilespmem:s29], [sflag:s15] =	stream.strided.gather [hbm4b:s20+s10], $0x0, s11, s10, $0x38;
	[tilespmem:$0x18280] =	vst v63  }
0x7f: {  	s23 =	sadd.s32 s3, s23;
	s30 =	sadd.s32 $0x10380, s19;
	s28 =	sand.u32 $0x1FFFFFF0, s28  }
0x80: {  	[tilespmem:s29], [sflag:s15] =	stream.linear.gather [hbm4b:s20+s2], $0x40, $0x38;
	[tilespmem:$0x18280] =	vst v63  }
0x81: {  	s20 =	spop (v2sf)  }
0x82: {  	[tilespmem:s30], [sflag:s15] =	stream.strided.gather [hbm4b:s23+s10], $0x0, s11, s10, $0x38;
	[tilespmem:$0x18280] =	vst v63  }
0x83: {  	s21 =	sadd.s32 s3, s21;
	s29 =	sadd.s32 $0x103C0, s19;
	s20 =	sand.u32 $0x1FFFFFF0, s20  }
0x84: {  	[tilespmem:s30], [sflag:s15] =	stream.linear.gather [hbm4b:s23+s2], $0x40, $0x38;
	[tilespmem:$0x18280] =	vst v63  }
0x85: {  	s23 =	spop (v2sf)  }
0x86: {  	[tilespmem:s29], [sflag:s15] =	stream.strided.gather [hbm4b:s21+s10], $0x0, s11, s10, $0x38;
	[tilespmem:$0x18280] =	vst v63  }
0x87: {  	s25 =	sadd.s32 s3, s25;
	s30 =	sadd.s32 $0x10400, s19;
	s23 =	sand.u32 $0x1FFFFFF0, s23  }
0x88: {  	[tilespmem:s29], [sflag:s15] =	stream.linear.gather [hbm4b:s21+s2], $0x40, $0x38;
	[tilespmem:$0x18280] =	vst v63  }
0x89: {  	s21 =	spop (v2sf)  }
0x8a: {  	[tilespmem:s30], [sflag:s15] =	stream.strided.gather [hbm4b:s25+s10], $0x0, s11, s10, $0x38;
	[tilespmem:$0x18280] =	vst v63  }
0x8b: {  	s24 =	sadd.s32 s3, s24;
	s29 =	sadd.s32 $0x10440, s19;
	s21 =	sand.u32 $0x1FFFFFF0, s21  }
0x8c: {  	[tilespmem:s30], [sflag:s15] =	stream.linear.gather [hbm4b:s25+s2], $0x40, $0x38;
	[tilespmem:$0x18280] =	vst v63  }
0x8d: {  	_ = 	snop  }
0x8e: {  	[tilespmem:s29], [sflag:s15] =	stream.strided.gather [hbm4b:s24+s10], $0x0, s11, s10, $0x38;
	[tilespmem:$0x18280] =	vst v63  }
0x8f: {  	s26 =	sadd.s32 s3, s26;
	s25 =	sadd.s32 $0x10480, s19  }
0x90: {  	[tilespmem:s29], [sflag:s15] =	stream.linear.gather [hbm4b:s24+s2], $0x40, $0x38;
	[tilespmem:$0x18280] =	vst v63  }
0x91: {  	_ = 	snop  }
0x92: {  	[tilespmem:s25], [sflag:s15] =	stream.strided.gather [hbm4b:s26+s10], $0x0, s11, s10, $0x38;
	[tilespmem:$0x18280] =	vst v63  }
0x93: {  	s22 =	sadd.s32 s3, s22;
	s24 =	sadd.s32 $0x104C0, s19  }
0x94: {  	[tilespmem:s25], [sflag:s15] =	stream.linear.gather [hbm4b:s26+s2], $0x40, $0x38;
	[tilespmem:$0x18280] =	vst v63  }
0x95: {  	_ = 	snop  }
0x96: {  	[tilespmem:s24], [sflag:s15] =	stream.strided.gather [hbm4b:s22+s10], $0x0, s11, s10, $0x38;
	[tilespmem:$0x18280] =	vst v63  }
0x97: {  	s25 =	sadd.s32 $0x10500, s19;
	s26 =	sadd.s32 s3, s28  }
0x98: {  	[tilespmem:s24], [sflag:s15] =	stream.linear.gather [hbm4b:s22+s2], $0x40, $0x38;
	[tilespmem:$0x18280] =	vst v63  }
0x99: {  	_ = 	snop  }
0x9a: {  	[tilespmem:s25], [sflag:s15] =	stream.strided.gather [hbm4b:s26+s10], $0x0, s11, s10, $0x38;
	[tilespmem:$0x18280] =	vst v63  }
0x9b: {  	s20 =	sadd.s32 s3, s20;
	s22 =	sadd.s32 $0x10540, s19  }
0x9c: {  	[tilespmem:s25], [sflag:s15] =	stream.linear.gather [hbm4b:s26+s2], $0x40, $0x38;
	[tilespmem:$0x18280] =	vst v63  }
0x9d: {  	_ = 	snop  }
0x9e: {  	[tilespmem:s22], [sflag:s15] =	stream.strided.gather [hbm4b:s20+s10], $0x0, s11, s10, $0x38;
	[tilespmem:$0x18280] =	vst v63  }
0x9f: {  	s23 =	sadd.s32 s3, s23;
	s24 =	sadd.s32 $0x10580, s19  }
0xa0: {  	[tilespmem:s22], [sflag:s15] =	stream.linear.gather [hbm4b:s20+s2], $0x40, $0x38;
	[tilespmem:$0x18280] =	vst v63  }
0xa1: {  	_ = 	snop  }
0xa2: {  	[tilespmem:s24], [sflag:s15] =	stream.strided.gather [hbm4b:s23+s10], $0x0, s11, s10, $0x38;
	[tilespmem:$0x18280] =	vst v63  }
.Ltmp0:
0xa3: {  	_ = 	snop;
	(pc) =	sbr.rel @p0 .LBB2_2-.Ltmp0, $4  }
0xa4: {  	s19 =	sadd.s32 $0x105C0, s19;
	s20 =	sadd.s32 s3, s21  }
0xa5: {  	[tilespmem:s24], [sflag:s15] =	stream.linear.gather [hbm4b:s23+s2], $0x40, $0x38;
	[tilespmem:$0x18280] =	vst v63  }
0xa6: {  	_ = 	snop  }
0xa7: {  	[tilespmem:s19], [sflag:s15] =	stream.strided.gather [hbm4b:s20+s10], $0x0, s11, s10, $0x38;
	[tilespmem:$0x18280] =	vst v63  }
0xa8: {  	[tilespmem:s19], [sflag:s18] =	stream.linear.gather [hbm4b:s20+s2], $0x40, $0x38;
	[tilespmem:$0x18280] =	vst v63  }
0xa9: {  	s16 =	simm.s32 $0x100  }
0xaa: {  	s15 =	simm.s32 $0x1;
	s17 =	simm.s32 $0x0;
	_ =	swait.ge [sflag:s12], $0x10000  }
0xab: {  	s18 =	simm.s32 $0x600;
	s19 =	simm.s32 $0x0;
	[sflag:s12] =	ssyncset.done $0x0  }
0xac: {  	v0 =	vimm.f32 $0.0e+00;
	s20 =	simm.s32 $0x1;
	s21 =	simm.s32 $0x0;
	[sflag:s12] =	ssyncadd.s32 $0xFFFF0000  }
.LBB2_4:
0xad: {  	s22 =	sshll.u32 s19, $0x18  }
0xae: {  	s22 =	sshra.s32 s22, $0x1F  }
0xaf: {  	s22 =	sand.u32 $0xF, s22  }
0xb0: {  	s22 =	sadd.s32 s22, s19  }
0xb1: {  	s22 =	sand.u32 $0xF0, s22  }
0xb2: {  	s22 =	ssub.s32 s19, s22  }
0xb3: {  	s22 =	sshll.u32 s22, $0x18  }
0xb4: {  	s22 =	sshra.s32 s22, $0x18  }
0xb5: {  	s22 =	sadd.s32 $0x1, s22  }
0xb6: {  	_ =	swait.ge [sflag:s22], $0x200  }
0xb7: {  	[sflag:s22] =	ssyncset.done $0x0  }
0xb8: {  	[sflag:s22] =	ssyncadd.s32 $0xFFFFFE00  }
0xb9: {  	_ =	swait.ge [sflag:s22], $0x200  }
0xba: {  	[sflag:s22] =	ssyncset.done $0x0  }
0xbb: {  	[sflag:s22] =	ssyncadd.s32 $0xFFFFFE00  }
0xbc: {  	v1 =	vld [tilespmem:s16+$0x0];
	_ =	sdelay $0x4  }
0xbd: {  	v1 =	vshll.u32 v1, $0x4  }
0xbe: {  	(v2sf) =	vpush v1, $0x0;
	_ =	sdelay $0x3  }
0xbf: {  	(v2sf) =	vpush v1, $0x1;
	_ =	sdelay $0x4  }
0xc0: {  	(v2sf) =	vpush v1, $0x2;
	_ =	sdelay $0x5  }
0xc1: {  	s23 =	spop (v2sf)  }
0xc2: {  	s22 =	sshra.s32 s21, $0x2;
	(v2sf) =	vpush v1, $0x3;
	s23 =	sand.u32 $0x1FFFFFF0, s23  }
0xc3: {  	s24 =	sadd.s32 $0x14200, s22;
	s23 =	sadd.s32 s3, s23  }
0xc4: {  	[tilespmem:s24], [sflag:s20] =	stream.strided.gather [hbm4b:s23+s10], $0x0, s11, s10, $0x38;
	[tilespmem:$0x18280] =	vst v63  }
0xc5: {  	s25 =	spop (v2sf)  }
0xc6: {  	(v2sf) =	vpush v1, $0x4;
	[tilespmem:s24], [sflag:s20] =	stream.linear.gather [hbm4b:s23+s17], $0x40, $0x38;
	[tilespmem:$0x18280] =	vst v63  }
0xc7: {  	s23 =	sand.u32 $0x1FFFFFF0, s25  }
0xc8: {  	s26 =	sadd.s32 $0x14240, s22;
	s23 =	sadd.s32 s3, s23  }
0xc9: {  	[tilespmem:s26], [sflag:s20] =	stream.strided.gather [hbm4b:s23+s10], $0x0, s11, s10, $0x38;
	[tilespmem:$0x18280] =	vst v63  }
0xca: {  	s28 =	spop (v2sf)  }
0xcb: {  	(v2sf) =	vpush v1, $0x5;
	[tilespmem:s26], [sflag:s20] =	stream.linear.gather [hbm4b:s23+s17], $0x40, $0x38;
	[tilespmem:$0x18280] =	vst v63  }
0xcc: {  	s23 =	sand.u32 $0x1FFFFFF0, s28  }
0xcd: {  	s29 =	sadd.s32 $0x14280, s22;
	s23 =	sadd.s32 s3, s23  }
0xce: {  	[tilespmem:s29], [sflag:s20] =	stream.strided.gather [hbm4b:s23+s10], $0x0, s11, s10, $0x38;
	[tilespmem:$0x18280] =	vst v63  }
0xcf: {  	_ = 	snop  }
0xd0: {  	[tilespmem:s29], [sflag:s20] =	stream.linear.gather [hbm4b:s23+s17], $0x40, $0x38;
	[tilespmem:$0x18280] =	vst v63  }
0xd1: {  	s30 =	spop (v2sf)  }
0xd2: {  	(v2sf) =	vpush v1, $0x6;
	s23 =	sand.u32 $0x1FFFFFF0, s30  }
0xd3: {  	s31 =	sadd.s32 $0x142C0, s22;
	s23 =	sadd.s32 s3, s23  }
0xd4: {  	[tilespmem:s31], [sflag:s20] =	stream.strided.gather [hbm4b:s23+s10], $0x0, s11, s10, $0x38;
	[tilespmem:$0x18280] =	vst v63  }
0xd5: {  	s25 =	spop (v2sf)  }
0xd6: {  	(v2sf) =	vpush v1, $0x7;
	[tilespmem:s31], [sflag:s20] =	stream.linear.gather [hbm4b:s23+s17], $0x40, $0x38;
	[tilespmem:$0x18280] =	vst v63  }
0xd7: {  	s23 =	sand.u32 $0x1FFFFFF0, s25  }
0xd8: {  	s26 =	sadd.s32 $0x14300, s22;
	s23 =	sadd.s32 s3, s23  }
0xd9: {  	[tilespmem:s26], [sflag:s20] =	stream.strided.gather [hbm4b:s23+s10], $0x0, s11, s10, $0x38;
	[tilespmem:$0x18280] =	vst v63  }
0xda: {  	s28 =	spop (v2sf)  }
0xdb: {  	(v2sf) =	vpush v1, $0x8;
	[tilespmem:s26], [sflag:s20] =	stream.linear.gather [hbm4b:s23+s17], $0x40, $0x38;
	[tilespmem:$0x18280] =	vst v63  }
0xdc: {  	s23 =	sand.u32 $0x1FFFFFF0, s28  }
0xdd: {  	s29 =	sadd.s32 $0x14340, s22;
	s23 =	sadd.s32 s3, s23  }
0xde: {  	[tilespmem:s29], [sflag:s20] =	stream.strided.gather [hbm4b:s23+s10], $0x0, s11, s10, $0x38;
	[tilespmem:$0x18280] =	vst v63  }
0xdf: {  	_ = 	snop  }
0xe0: {  	[tilespmem:s29], [sflag:s20] =	stream.linear.gather [hbm4b:s23+s17], $0x40, $0x38;
	[tilespmem:$0x18280] =	vst v63  }
0xe1: {  	s30 =	spop (v2sf)  }
0xe2: {  	(v2sf) =	vpush v1, $0x9;
	s23 =	sand.u32 $0x1FFFFFF0, s30  }
0xe3: {  	s31 =	sadd.s32 $0x14380, s22;
	s23 =	sadd.s32 s3, s23  }
0xe4: {  	[tilespmem:s31], [sflag:s20] =	stream.strided.gather [hbm4b:s23+s10], $0x0, s11, s10, $0x38;
	[tilespmem:$0x18280] =	vst v63  }
0xe5: {  	s25 =	spop (v2sf)  }
0xe6: {  	(v2sf) =	vpush v1, $0xA;
	[tilespmem:s31], [sflag:s20] =	stream.linear.gather [hbm4b:s23+s17], $0x40, $0x38;
	[tilespmem:$0x18280] =	vst v63  }
0xe7: {  	s23 =	sand.u32 $0x1FFFFFF0, s25  }
0xe8: {  	s26 =	sadd.s32 $0x143C0, s22;
	s23 =	sadd.s32 s3, s23  }
0xe9: {  	[tilespmem:s26], [sflag:s20] =	stream.strided.gather [hbm4b:s23+s10], $0x0, s11, s10, $0x38;
	[tilespmem:$0x18280] =	vst v63  }
0xea: {  	s28 =	spop (v2sf)  }
0xeb: {  	(v2sf) =	vpush v1, $0xB;
	[tilespmem:s26], [sflag:s20] =	stream.linear.gather [hbm4b:s23+s17], $0x40, $0x38;
	[tilespmem:$0x18280] =	vst v63  }
0xec: {  	s23 =	sand.u32 $0x1FFFFFF0, s28  }
0xed: {  	s29 =	sadd.s32 $0x14400, s22;
	s23 =	sadd.s32 s3, s23  }
0xee: {  	[tilespmem:s29], [sflag:s20] =	stream.strided.gather [hbm4b:s23+s10], $0x0, s11, s10, $0x38;
	[tilespmem:$0x18280] =	vst v63  }
0xef: {  	_ = 	snop  }
0xf0: {  	[tilespmem:s29], [sflag:s20] =	stream.linear.gather [hbm4b:s23+s17], $0x40, $0x38;
	[tilespmem:$0x18280] =	vst v63  }
0xf1: {  	s30 =	spop (v2sf)  }
0xf2: {  	(v2sf) =	vpush v1, $0xC;
	s23 =	sand.u32 $0x1FFFFFF0, s30  }
0xf3: {  	s31 =	sadd.s32 $0x14440, s22;
	s23 =	sadd.s32 s3, s23  }
0xf4: {  	[tilespmem:s31], [sflag:s20] =	stream.strided.gather [hbm4b:s23+s10], $0x0, s11, s10, $0x38;
	[tilespmem:$0x18280] =	vst v63  }
0xf5: {  	s25 =	spop (v2sf)  }
0xf6: {  	(v2sf) =	vpush v1, $0xD;
	[tilespmem:s31], [sflag:s20] =	stream.linear.gather [hbm4b:s23+s17], $0x40, $0x38;
	[tilespmem:$0x18280] =	vst v63  }
0xf7: {  	s23 =	sand.u32 $0x1FFFFFF0, s25  }
0xf8: {  	s26 =	sadd.s32 $0x14480, s22;
	s23 =	sadd.s32 s3, s23  }
0xf9: {  	[tilespmem:s26], [sflag:s20] =	stream.strided.gather [hbm4b:s23+s10], $0x0, s11, s10, $0x38;
	[tilespmem:$0x18280] =	vst v63  }
0xfa: {  	s28 =	spop (v2sf)  }
0xfb: {  	(v2sf) =	vpush v1, $0xE;
	[tilespmem:s26], [sflag:s20] =	stream.linear.gather [hbm4b:s23+s17], $0x40, $0x38;
	[tilespmem:$0x18280] =	vst v63  }
0xfc: {  	s23 =	sand.u32 $0x1FFFFFF0, s28  }
0xfd: {  	s29 =	sadd.s32 $0x144C0, s22;
	s23 =	sadd.s32 s3, s23  }
0xfe: {  	[tilespmem:s29], [sflag:s20] =	stream.strided.gather [hbm4b:s23+s10], $0x0, s11, s10, $0x38;
	[tilespmem:$0x18280] =	vst v63  }
0xff: {  	_ = 	snop  }
0x100: {  	[tilespmem:s29], [sflag:s20] =	stream.linear.gather [hbm4b:s23+s17], $0x40, $0x38;
	[tilespmem:$0x18280] =	vst v63  }
0x101: {  	s30 =	spop (v2sf)  }
0x102: {  	(v2sf) =	vpush v1, $0xF;
	s23 =	sand.u32 $0x1FFFFFF0, s30  }
0x103: {  	s31 =	sadd.s32 $0x14500, s22;
	s23 =	sadd.s32 s3, s23  }
0x104: {  	[tilespmem:s31], [sflag:s20] =	stream.strided.gather [hbm4b:s23+s10], $0x0, s11, s10, $0x38;
	[tilespmem:$0x18280] =	vst v63  }
0x105: {  	s25 =	spop (v2sf)  }
0x106: {  	[tilespmem:s31], [sflag:s20] =	stream.linear.gather [hbm4b:s23+s17], $0x40, $0x38;
	[tilespmem:$0x18280] =	vst v63  }
0x107: {  	s23 =	sand.u32 $0x1FFFFFF0, s25  }
0x108: {  	s26 =	sadd.s32 $0x14540, s22;
	s23 =	sadd.s32 s3, s23  }
0x109: {  	[tilespmem:s26], [sflag:s20] =	stream.strided.gather [hbm4b:s23+s10], $0x0, s11, s10, $0x38;
	[tilespmem:$0x18280] =	vst v63  }
0x10a: {  	s28 =	spop (v2sf)  }
0x10b: {  	[tilespmem:s26], [sflag:s20] =	stream.linear.gather [hbm4b:s23+s17], $0x40, $0x38;
	[tilespmem:$0x18280] =	vst v63  }
0x10c: {  	s23 =	sand.u32 $0x1FFFFFF0, s28  }
0x10d: {  	s29 =	sadd.s32 $0x14580, s22;
	s23 =	sadd.s32 s3, s23  }
0x10e: {  	[tilespmem:s29], [sflag:s20] =	stream.strided.gather [hbm4b:s23+s10], $0x0, s11, s10, $0x38;
	[tilespmem:$0x18280] =	vst v63  }
0x10f: {  	_ = 	snop  }
0x110: {  	[tilespmem:s29], [sflag:s20] =	stream.linear.gather [hbm4b:s23+s17], $0x40, $0x38;
	[tilespmem:$0x18280] =	vst v63  }
0x111: {  	s30 =	spop (v2sf)  }
0x112: {  	s23 =	sand.u32 $0x1FFFFFF0, s30  }
0x113: {  	s31 =	sadd.s32 $0x145C0, s22;
	s23 =	sadd.s32 s3, s23  }
0x114: {  	[tilespmem:s31], [sflag:s20] =	stream.strided.gather [hbm4b:s23+s10], $0x0, s11, s10, $0x38;
	[tilespmem:$0x18280] =	vst v63  }
0x115: {  	_ = 	snop  }
0x116: {  	[tilespmem:s31], [sflag:s20] =	stream.linear.gather [hbm4b:s23+s17], $0x40, $0x38;
	[tilespmem:$0x18280] =	vst v63  }
0x117: {  	v1 =	vld [tilespmem:s18+$0xFFFFFC00]  }
0x118: {  	v2 =	vld [tilespmem:s22+$0x10200]  }
0x119: {  	v3 =	vld [tilespmem:s18+$0xFFFFFC10]  }
0x11a: {  	v4 =	vld [tilespmem:s22+$0x10210]  }
0x11b: {  	v5 =	vld [tilespmem:s18+$0xFFFFFC20]  }
0x11c: {  	v6 =	vld [tilespmem:s22+$0x10220]  }
0x11d: {  	v7 =	vld [tilespmem:s22+$0x10230];
	v1 =	vsub.f32 v1, v2  }
0x11e: {  	v2 =	vld [tilespmem:s18+$0xFFFFFC30]  }
0x11f: {  	v17 =	vld [tilespmem:s18+$0xFFFFFC80];
	v3 =	vsub.f32 v3, v4;
	v1 =	vmul.f32 v1, v1  }
0x120: {  	v8 =	vld [tilespmem:s22+$0x10240]  }
0x121: {  	v18 =	vld [tilespmem:s18+$0xFFFFFC90];
	v0 =	vadd.f32 v1, v0;
	v1 =	vmul.f32 v3, v3;
	v3 =	vsub.f32 v5, v6  }
0x122: {  	v19 =	vld [tilespmem:s22+$0x10250]  }
0x123: {  	v20 =	vld [tilespmem:s22+$0x10260];
	v2 =	vsub.f32 v2, v7;
	v0 =	vadd.f32 v1, v0;
	v1 =	vmul.f32 v3, v3  }
0x124: {  	v3 =	vld [tilespmem:s18+$0xFFFFFCA0]  }
0x125: {  	v21 =	vld [tilespmem:s18+$0xFFFFFCB0];
	v0 =	vadd.f32 v1, v0;
	v1 =	vmul.f32 v2, v2;
	v2 =	vsub.f32 v17, v8  }
0x126: {  	v22 =	vld [tilespmem:s22+$0x10270]  }
0x127: {  	v23 =	vld [tilespmem:s18+$0xFFFFFD00];
	v0 =	vadd.f32 v1, v0;
	v1 =	vmul.f32 v2, v2;
	v2 =	vsub.f32 v18, v19  }
0x128: {  	v24 =	vld [tilespmem:s22+$0x10280]  }
0x129: {  	v25 =	vld [tilespmem:s22+$0x10290];
	v0 =	vadd.f32 v1, v0;
	v1 =	vmul.f32 v2, v2;
	v2 =	vsub.f32 v3, v20  }
0x12a: {  	v3 =	vld [tilespmem:s18+$0xFFFFFD10]  }
0x12b: {  	v26 =	vld [tilespmem:s18+$0xFFFFFD20];
	v0 =	vadd.f32 v1, v0;
	v1 =	vmul.f32 v2, v2;
	v2 =	vsub.f32 v21, v22  }
0x12c: {  	v27 =	vld [tilespmem:s22+$0x102A0]  }
0x12d: {  	v28 =	vld [tilespmem:s18+$0xFFFFFD30];
	v0 =	vadd.f32 v1, v0;
	v1 =	vmul.f32 v2, v2;
	v2 =	vsub.f32 v23, v24  }
0x12e: {  	v29 =	vld [tilespmem:s22+$0x102B0]  }
0x12f: {  	v30 =	vld [tilespmem:s22+$0x102C0];
	v0 =	vadd.f32 v1, v0;
	v1 =	vmul.f32 v2, v2;
	v2 =	vsub.f32 v3, v25  }
0x130: {  	v3 =	vld [tilespmem:s18+$0xFFFFFD80]  }
0x131: {  	v31 =	vld [tilespmem:s18+$0xFFFFFD90];
	v0 =	vadd.f32 v1, v0;
	v1 =	vmul.f32 v2, v2;
	v2 =	vsub.f32 v26, v27  }
0x132: {  	v32 =	vld [tilespmem:s22+$0x102D0]  }
0x133: {  	v33 =	vld [tilespmem:s18+$0xFFFFFDA0];
	v0 =	vadd.f32 v1, v0;
	v1 =	vmul.f32 v2, v2;
	v2 =	vsub.f32 v28, v29  }
0x134: {  	v34 =	vld [tilespmem:s22+$0x102E0]  }
0x135: {  	v35 =	vld [tilespmem:s22+$0x102F0];
	v0 =	vadd.f32 v1, v0;
	v1 =	vmul.f32 v2, v2;
	v2 =	vsub.f32 v3, v30  }
0x136: {  	v3 =	vld [tilespmem:s18+$0xFFFFFDB0]  }
0x137: {  	v36 =	vld [tilespmem:s18+$0xFFFFFE00];
	v0 =	vadd.f32 v1, v0;
	v1 =	vmul.f32 v2, v2;
	v2 =	vsub.f32 v31, v32  }
0x138: {  	v37 =	vld [tilespmem:s22+$0x10300]  }
0x139: {  	v38 =	vld [tilespmem:s18+$0xFFFFFE10];
	v0 =	vadd.f32 v1, v0;
	v1 =	vmul.f32 v2, v2;
	v2 =	vsub.f32 v33, v34  }
0x13a: {  	v39 =	vld [tilespmem:s22+$0x10310]  }
0x13b: {  	v40 =	vld [tilespmem:s22+$0x10320];
	v0 =	vadd.f32 v1, v0;
	v1 =	vmul.f32 v2, v2;
	v2 =	vsub.f32 v3, v35  }
0x13c: {  	v3 =	vld [tilespmem:s18+$0xFFFFFE20]  }
0x13d: {  	v41 =	vld [tilespmem:s18+$0xFFFFFE30];
	v0 =	vadd.f32 v1, v0;
	v1 =	vmul.f32 v2, v2;
	v2 =	vsub.f32 v36, v37  }
0x13e: {  	v42 =	vld [tilespmem:s22+$0x10330]  }
0x13f: {  	v43 =	vld [tilespmem:s18+$0xFFFFFE80];
	v0 =	vadd.f32 v1, v0;
	v1 =	vmul.f32 v2, v2;
	v2 =	vsub.f32 v38, v39  }
0x140: {  	v44 =	vld [tilespmem:s22+$0x10340]  }
0x141: {  	v45 =	vld [tilespmem:s22+$0x10350];
	v0 =	vadd.f32 v1, v0;
	v1 =	vmul.f32 v2, v2;
	v2 =	vsub.f32 v3, v40  }
0x142: {  	v3 =	vld [tilespmem:s18+$0xFFFFFE90]  }
0x143: {  	v46 =	vld [tilespmem:s18+$0xFFFFFEA0];
	v0 =	vadd.f32 v1, v0;
	v1 =	vmul.f32 v2, v2;
	v2 =	vsub.f32 v41, v42  }
0x144: {  	v47 =	vld [tilespmem:s22+$0x10360]  }
0x145: {  	v48 =	vld [tilespmem:s18+$0xFFFFFEB0];
	v0 =	vadd.f32 v1, v0;
	v1 =	vmul.f32 v2, v2;
	v2 =	vsub.f32 v43, v44  }
0x146: {  	v49 =	vld [tilespmem:s22+$0x10370]  }
0x147: {  	v50 =	vld [tilespmem:s22+$0x10380];
	v0 =	vadd.f32 v1, v0;
	v1 =	vmul.f32 v2, v2;
	v2 =	vsub.f32 v3, v45  }
0x148: {  	v3 =	vld [tilespmem:s18+$0xFFFFFF00]  }
0x149: {  	v51 =	vld [tilespmem:s18+$0xFFFFFF10];
	v0 =	vadd.f32 v1, v0;
	v1 =	vmul.f32 v2, v2;
	v2 =	vsub.f32 v46, v47  }
0x14a: {  	v52 =	vld [tilespmem:s22+$0x10390]  }
0x14b: {  	v53 =	vld [tilespmem:s18+$0xFFFFFF20];
	v0 =	vadd.f32 v1, v0;
	v1 =	vmul.f32 v2, v2;
	v2 =	vsub.f32 v48, v49  }
0x14c: {  	v54 =	vld [tilespmem:s22+$0x103A0]  }
0x14d: {  	v55 =	vld [tilespmem:s22+$0x103B0];
	v0 =	vadd.f32 v1, v0;
	v1 =	vmul.f32 v2, v2;
	v2 =	vsub.f32 v3, v50  }
0x14e: {  	v3 =	vld [tilespmem:s18+$0xFFFFFF30]  }
0x14f: {  	v56 =	vld [tilespmem:s18+$0xFFFFFF80];
	v0 =	vadd.f32 v1, v0;
	v1 =	vmul.f32 v2, v2;
	v2 =	vsub.f32 v51, v52  }
0x150: {  	v57 =	vld [tilespmem:s22+$0x103C0]  }
0x151: {  	v58 =	vld [tilespmem:s18+$0xFFFFFF90];
	v0 =	vadd.f32 v1, v0;
	v1 =	vmul.f32 v2, v2;
	v2 =	vsub.f32 v53, v54  }
0x152: {  	v59 =	vld [tilespmem:s22+$0x103D0]  }
0x153: {  	v60 =	vld [tilespmem:s22+$0x103E0];
	v0 =	vadd.f32 v1, v0;
	v1 =	vmul.f32 v2, v2;
	v2 =	vsub.f32 v3, v55  }
0x154: {  	v3 =	vld [tilespmem:s18+$0xFFFFFFA0]  }
0x155: {  	v61 =	vld [tilespmem:s18+$0xFFFFFFB0];
	v0 =	vadd.f32 v1, v0;
	v1 =	vmul.f32 v2, v2;
	v2 =	vsub.f32 v56, v57  }
0x156: {  	v62 =	vld [tilespmem:s22+$0x103F0]  }
0x157: {  	v63 =	vld [tilespmem:s18+$0x0];
	v0 =	vadd.f32 v1, v0;
	v1 =	vmul.f32 v2, v2;
	v2 =	vsub.f32 v58, v59  }
0x158: {  	v12 =	vld [tilespmem:s22+$0x10400]  }
0x159: {  	v13 =	vld [tilespmem:s22+$0x10410];
	v0 =	vadd.f32 v1, v0;
	v1 =	vmul.f32 v2, v2;
	v2 =	vsub.f32 v3, v60  }
0x15a: {  	v3 =	vld [tilespmem:s18+$0x10]  }
0x15b: {  	v14 =	vld [tilespmem:s18+$0x20];
	v0 =	vadd.f32 v1, v0;
	v1 =	vmul.f32 v2, v2;
	v2 =	vsub.f32 v61, v62  }
0x15c: {  	v15 =	vld [tilespmem:s22+$0x10420]  }
0x15d: {  	v16 =	vld [tilespmem:s18+$0x30];
	v0 =	vadd.f32 v1, v0;
	v1 =	vmul.f32 v2, v2;
	v2 =	vsub.f32 v63, v12  }
0x15e: {  	v17 =	vld [tilespmem:s22+$0x10430]  }
0x15f: {  	v18 =	vld [tilespmem:s22+$0x10440];
	v0 =	vadd.f32 v1, v0;
	v1 =	vmul.f32 v2, v2;
	v2 =	vsub.f32 v3, v13  }
0x160: {  	v3 =	vld [tilespmem:s18+$0x80]  }
0x161: {  	v19 =	vld [tilespmem:s18+$0x90];
	v0 =	vadd.f32 v1, v0;
	v1 =	vmul.f32 v2, v2;
	v2 =	vsub.f32 v14, v15  }
0x162: {  	v20 =	vld [tilespmem:s22+$0x10450]  }
0x163: {  	v21 =	vld [tilespmem:s18+$0xA0];
	v0 =	vadd.f32 v1, v0;
	v1 =	vmul.f32 v2, v2;
	v2 =	vsub.f32 v16, v17  }
0x164: {  	v22 =	vld [tilespmem:s22+$0x10460]  }
0x165: {  	v23 =	vld [tilespmem:s22+$0x10470];
	v0 =	vadd.f32 v1, v0;
	v1 =	vmul.f32 v2, v2;
	v2 =	vsub.f32 v3, v18  }
0x166: {  	v3 =	vld [tilespmem:s18+$0xB0]  }
0x167: {  	v24 =	vld [tilespmem:s18+$0x100];
	v0 =	vadd.f32 v1, v0;
	v1 =	vmul.f32 v2, v2;
	v2 =	vsub.f32 v19, v20  }
0x168: {  	v25 =	vld [tilespmem:s22+$0x10480]  }
0x169: {  	v26 =	vld [tilespmem:s18+$0x110];
	v0 =	vadd.f32 v1, v0;
	v1 =	vmul.f32 v2, v2;
	v2 =	vsub.f32 v21, v22  }
0x16a: {  	v27 =	vld [tilespmem:s22+$0x10490]  }
0x16b: {  	v28 =	vld [tilespmem:s22+$0x104A0];
	v0 =	vadd.f32 v1, v0;
	v1 =	vmul.f32 v2, v2;
	v2 =	vsub.f32 v3, v23  }
0x16c: {  	v3 =	vld [tilespmem:s18+$0x120]  }
0x16d: {  	v29 =	vld [tilespmem:s18+$0x130];
	v0 =	vadd.f32 v1, v0;
	v1 =	vmul.f32 v2, v2;
	v2 =	vsub.f32 v24, v25  }
0x16e: {  	v30 =	vld [tilespmem:s22+$0x104B0]  }
0x16f: {  	v31 =	vld [tilespmem:s18+$0x180];
	v0 =	vadd.f32 v1, v0;
	v1 =	vmul.f32 v2, v2;
	v2 =	vsub.f32 v26, v27  }
0x170: {  	v32 =	vld [tilespmem:s22+$0x104C0]  }
0x171: {  	v33 =	vld [tilespmem:s22+$0x104D0];
	v0 =	vadd.f32 v1, v0;
	v1 =	vmul.f32 v2, v2;
	v2 =	vsub.f32 v3, v28  }
0x172: {  	v3 =	vld [tilespmem:s18+$0x190]  }
0x173: {  	v34 =	vld [tilespmem:s18+$0x1A0];
	v0 =	vadd.f32 v1, v0;
	v1 =	vmul.f32 v2, v2;
	v2 =	vsub.f32 v29, v30  }
0x174: {  	v35 =	vld [tilespmem:s22+$0x104E0]  }
0x175: {  	v36 =	vld [tilespmem:s18+$0x1B0];
	v0 =	vadd.f32 v1, v0;
	v1 =	vmul.f32 v2, v2;
	v2 =	vsub.f32 v31, v32  }
0x176: {  	v37 =	vld [tilespmem:s22+$0x104F0]  }
0x177: {  	v38 =	vld [tilespmem:s22+$0x10500];
	v0 =	vadd.f32 v1, v0;
	v1 =	vmul.f32 v2, v2;
	v2 =	vsub.f32 v3, v33  }
0x178: {  	v3 =	vld [tilespmem:s18+$0x200]  }
0x179: {  	v39 =	vld [tilespmem:s18+$0x210];
	v0 =	vadd.f32 v1, v0;
	v1 =	vmul.f32 v2, v2;
	v2 =	vsub.f32 v34, v35  }
0x17a: {  	v40 =	vld [tilespmem:s22+$0x10510]  }
0x17b: {  	v41 =	vld [tilespmem:s18+$0x220];
	v0 =	vadd.f32 v1, v0;
	v1 =	vmul.f32 v2, v2;
	v2 =	vsub.f32 v36, v37  }
0x17c: {  	v42 =	vld [tilespmem:s22+$0x10520]  }
0x17d: {  	v43 =	vld [tilespmem:s22+$0x10530];
	v0 =	vadd.f32 v1, v0;
	v1 =	vmul.f32 v2, v2;
	v2 =	vsub.f32 v3, v38  }
0x17e: {  	v3 =	vld [tilespmem:s18+$0x230]  }
0x17f: {  	v44 =	vld [tilespmem:s18+$0x280];
	v0 =	vadd.f32 v1, v0;
	v1 =	vmul.f32 v2, v2;
	v2 =	vsub.f32 v39, v40  }
0x180: {  	v45 =	vld [tilespmem:s22+$0x10540]  }
0x181: {  	v46 =	vld [tilespmem:s18+$0x290];
	v0 =	vadd.f32 v1, v0;
	v1 =	vmul.f32 v2, v2;
	v2 =	vsub.f32 v41, v42  }
0x182: {  	v47 =	vld [tilespmem:s22+$0x10550]  }
0x183: {  	v48 =	vld [tilespmem:s22+$0x10560];
	v0 =	vadd.f32 v1, v0;
	v1 =	vmul.f32 v2, v2;
	v2 =	vsub.f32 v3, v43  }
0x184: {  	v3 =	vld [tilespmem:s18+$0x2A0]  }
0x185: {  	v49 =	vld [tilespmem:s18+$0x2B0];
	v0 =	vadd.f32 v1, v0;
	v1 =	vmul.f32 v2, v2;
	v2 =	vsub.f32 v44, v45  }
0x186: {  	v50 =	vld [tilespmem:s22+$0x10570]  }
0x187: {  	v51 =	vld [tilespmem:s18+$0x300];
	v0 =	vadd.f32 v1, v0;
	v1 =	vmul.f32 v2, v2;
	v2 =	vsub.f32 v46, v47  }
0x188: {  	v52 =	vld [tilespmem:s22+$0x10580]  }
0x189: {  	v53 =	vld [tilespmem:s22+$0x10590];
	v0 =	vadd.f32 v1, v0;
	v1 =	vmul.f32 v2, v2;
	v2 =	vsub.f32 v3, v48  }
0x18a: {  	v3 =	vld [tilespmem:s18+$0x310]  }
0x18b: {  	v54 =	vld [tilespmem:s18+$0x320];
	v0 =	vadd.f32 v1, v0;
	v1 =	vmul.f32 v2, v2;
	v2 =	vsub.f32 v49, v50  }
0x18c: {  	v55 =	vld [tilespmem:s22+$0x105A0]  }
0x18d: {  	v56 =	vld [tilespmem:s18+$0x330];
	v0 =	vadd.f32 v1, v0;
	v1 =	vmul.f32 v2, v2;
	v2 =	vsub.f32 v51, v52  }
0x18e: {  	v57 =	vld [tilespmem:s22+$0x105B0]  }
0x18f: {  	v58 =	vld [tilespmem:s22+$0x105C0];
	v0 =	vadd.f32 v1, v0;
	v1 =	vmul.f32 v2, v2;
	v2 =	vsub.f32 v3, v53  }
0x190: {  	v3 =	vld [tilespmem:s18+$0x380]  }
0x191: {  	v59 =	vld [tilespmem:s18+$0x390];
	v0 =	vadd.f32 v1, v0;
	v1 =	vmul.f32 v2, v2;
	v2 =	vsub.f32 v54, v55  }
0x192: {  	v60 =	vld [tilespmem:s22+$0x105D0]  }
0x193: {  	v61 =	vld [tilespmem:s18+$0x3A0];
	v0 =	vadd.f32 v1, v0;
	v1 =	vmul.f32 v2, v2;
	v2 =	vsub.f32 v56, v57  }
0x194: {  	v62 =	vld [tilespmem:s22+$0x105E0]  }
0x195: {  	v63 =	vld [tilespmem:s22+$0x105F0];
	v0 =	vadd.f32 v1, v0;
	v1 =	vmul.f32 v2, v2;
	v2 =	vsub.f32 v3, v58  }
0x196: {  	v3 =	vld [tilespmem:s18+$0x3B0]  }
0x197: {  	v0 =	vadd.f32 v1, v0;
	v1 =	vsub.f32 v59, v60;
	v2 =	vmul.f32 v2, v2;
	_ =	sdelay $0x1  }
0x198: {  	v0 =	vadd.f32 v2, v0;
	v2 =	vsub.f32 v61, v62;
	v1 =	vmul.f32 v1, v1  }
0x199: {  	p0 =	sne.s32 s21, $0xF000  }
.Ltmp1:
0x19a: {  	v0 =	vadd.f32 v1, v0;
	v1 =	vsub.f32 v3, v63;
	v2 =	vmul.f32 v2, v2;
	(pc) =	sbr.rel @p0 .LBB2_4-.Ltmp1, $4  }
0x19b: {  	_ = 	snop  }
0x19c: {  	v0 =	vadd.f32 v2, v0;
	v1 =	vmul.f32 v1, v1  }
0x19d: {  	s19 =	sadd.s32 $0x1, s19;
	s21 =	sadd.s32 $0x1000, s21  }
0x19e: {  	s16 =	sadd.s32 $0x10, s16;
	s20 =	sadd.s32 $0x1, s20;
	s18 =	sadd.s32 $0x800, s18;
	v0 =	vadd.f32 v1, v0  }
0x19f: {  	_ =	swait.ge [sflag:s15], $0x200  }
0x1a0: {  	[sflag:s15] =	ssyncset.done $0x0  }
0x1a1: {  	[sflag:s15] =	ssyncadd.s32 $0xFFFFFE00  }
0x1a2: {  	_ =	swait.ge [sflag:s15], $0x200  }
0x1a3: {  	[sflag:s15] =	ssyncset.done $0x0  }
0x1a4: {  	s16 =	simm.s32 $0x0;
	[sflag:s15] =	ssyncadd.s32 $0xFFFFFE00  }
0x1a5: {  	s15 =	simm.s32 $0x14200;
	v1 =	vld [tilespmem:s16+$0x8200]  }
0x1a6: {  	v2 =	vld [tilespmem:s15+$0x0]  }
0x1a7: {  	v3 =	vld [tilespmem:s16+$0x8210]  }
0x1a8: {  	v4 =	vld [tilespmem:s15+$0x10]  }
0x1a9: {  	v5 =	vld [tilespmem:s16+$0x8220]  }
0x1aa: {  	v6 =	vld [tilespmem:s15+$0x20]  }
0x1ab: {  	v7 =	vld [tilespmem:s16+$0x8230]  }
0x1ac: {  	v8 =	vld [tilespmem:s16+$0x8280];
	v1 =	vsub.f32 v1, v2  }
0x1ad: {  	v2 =	vld [tilespmem:s15+$0x30]  }
0x1ae: {  	v9 =	vld [tilespmem:s16+$0x8290];
	v3 =	vsub.f32 v3, v4;
	v1 =	vmul.f32 v1, v1  }
0x1af: {  	v4 =	vld [tilespmem:s15+$0x40]  }
0x1b0: {  	v0 =	vadd.f32 v1, v0;
	v1 =	vmul.f32 v3, v3;
	v3 =	vsub.f32 v5, v6;
	v5 =	vld [tilespmem:s15+$0x50]  }
0x1b1: {  	v6 =	vld [tilespmem:s16+$0x82A0]  }
0x1b2: {  	v2 =	vsub.f32 v7, v2;
	v7 =	vld [tilespmem:s16+$0x82B0];
	v0 =	vadd.f32 v1, v0;
	v1 =	vmul.f32 v3, v3  }
0x1b3: {  	v3 =	vld [tilespmem:s15+$0x60]  }
0x1b4: {  	v0 =	vadd.f32 v1, v0;
	v1 =	vmul.f32 v2, v2;
	v2 =	vsub.f32 v8, v4;
	v4 =	vld [tilespmem:s15+$0x70]  }
0x1b5: {  	v8 =	vld [tilespmem:s16+$0x8300]  }
0x1b6: {  	v0 =	vadd.f32 v1, v0;
	v1 =	vmul.f32 v2, v2;
	v2 =	vsub.f32 v9, v5;
	v5 =	vld [tilespmem:s15+$0x80]  }
0x1b7: {  	v9 =	vld [tilespmem:s16+$0x8310]  }
0x1b8: {  	v0 =	vadd.f32 v1, v0;
	v1 =	vmul.f32 v2, v2;
	v2 =	vsub.f32 v6, v3;
	v3 =	vld [tilespmem:s15+$0x90]  }
0x1b9: {  	v6 =	vld [tilespmem:s16+$0x8320]  }
0x1ba: {  	v0 =	vadd.f32 v1, v0;
	v1 =	vmul.f32 v2, v2;
	v2 =	vsub.f32 v7, v4;
	v4 =	vld [tilespmem:s15+$0xA0]  }
0x1bb: {  	v7 =	vld [tilespmem:s16+$0x8330]  }
0x1bc: {  	v0 =	vadd.f32 v1, v0;
	v1 =	vmul.f32 v2, v2;
	v2 =	vsub.f32 v8, v5;
	v5 =	vld [tilespmem:s15+$0xB0]  }
0x1bd: {  	v8 =	vld [tilespmem:s16+$0x8380]  }
0x1be: {  	v0 =	vadd.f32 v1, v0;
	v1 =	vmul.f32 v2, v2;
	v2 =	vsub.f32 v9, v3;
	v3 =	vld [tilespmem:s15+$0xC0]  }
0x1bf: {  	v9 =	vld [tilespmem:s16+$0x8390]  }
0x1c0: {  	v0 =	vadd.f32 v1, v0;
	v1 =	vmul.f32 v2, v2;
	v2 =	vsub.f32 v6, v4;
	v4 =	vld [tilespmem:s15+$0xD0]  }
0x1c1: {  	v6 =	vld [tilespmem:s16+$0x83A0]  }
0x1c2: {  	v0 =	vadd.f32 v1, v0;
	v1 =	vmul.f32 v2, v2;
	v2 =	vsub.f32 v7, v5;
	v5 =	vld [tilespmem:s15+$0xE0]  }
0x1c3: {  	v7 =	vld [tilespmem:s16+$0x83B0]  }
0x1c4: {  	v0 =	vadd.f32 v1, v0;
	v1 =	vmul.f32 v2, v2;
	v2 =	vsub.f32 v8, v3;
	v3 =	vld [tilespmem:s15+$0xF0]  }
0x1c5: {  	v8 =	vld [tilespmem:s16+$0x8400]  }
0x1c6: {  	v0 =	vadd.f32 v1, v0;
	v1 =	vmul.f32 v2, v2;
	v2 =	vsub.f32 v9, v4;
	v4 =	vld [tilespmem:s15+$0x100]  }
0x1c7: {  	v9 =	vld [tilespmem:s16+$0x8410]  }
0x1c8: {  	v0 =	vadd.f32 v1, v0;
	v1 =	vmul.f32 v2, v2;
	v2 =	vsub.f32 v6, v5;
	v5 =	vld [tilespmem:s15+$0x110]  }
0x1c9: {  	v6 =	vld [tilespmem:s16+$0x8420]  }
0x1ca: {  	v0 =	vadd.f32 v1, v0;
	v1 =	vmul.f32 v2, v2;
	v2 =	vsub.f32 v7, v3;
	v3 =	vld [tilespmem:s15+$0x120]  }
0x1cb: {  	v7 =	vld [tilespmem:s16+$0x8430]  }
0x1cc: {  	v0 =	vadd.f32 v1, v0;
	v1 =	vmul.f32 v2, v2;
	v2 =	vsub.f32 v8, v4;
	v4 =	vld [tilespmem:s15+$0x130]  }
0x1cd: {  	v8 =	vld [tilespmem:s16+$0x8480]  }
0x1ce: {  	v0 =	vadd.f32 v1, v0;
	v1 =	vmul.f32 v2, v2;
	v2 =	vsub.f32 v9, v5;
	v5 =	vld [tilespmem:s15+$0x140]  }
0x1cf: {  	v9 =	vld [tilespmem:s16+$0x8490]  }
0x1d0: {  	v0 =	vadd.f32 v1, v0;
	v1 =	vmul.f32 v2, v2;
	v2 =	vsub.f32 v6, v3;
	v3 =	vld [tilespmem:s15+$0x150]  }
0x1d1: {  	v6 =	vld [tilespmem:s16+$0x84A0]  }
0x1d2: {  	v0 =	vadd.f32 v1, v0;
	v1 =	vmul.f32 v2, v2;
	v2 =	vsub.f32 v7, v4;
	v4 =	vld [tilespmem:s15+$0x160]  }
0x1d3: {  	v7 =	vld [tilespmem:s16+$0x84B0]  }
0x1d4: {  	v0 =	vadd.f32 v1, v0;
	v1 =	vmul.f32 v2, v2;
	v2 =	vsub.f32 v8, v5;
	v5 =	vld [tilespmem:s15+$0x170]  }
0x1d5: {  	v8 =	vld [tilespmem:s16+$0x8500]  }
0x1d6: {  	v0 =	vadd.f32 v1, v0;
	v1 =	vmul.f32 v2, v2;
	v2 =	vsub.f32 v9, v3;
	v3 =	vld [tilespmem:s15+$0x180]  }
0x1d7: {  	v9 =	vld [tilespmem:s16+$0x8510]  }
0x1d8: {  	v0 =	vadd.f32 v1, v0;
	v1 =	vmul.f32 v2, v2;
	v2 =	vsub.f32 v6, v4;
	v4 =	vld [tilespmem:s15+$0x190]  }
0x1d9: {  	v6 =	vld [tilespmem:s16+$0x8520]  }
0x1da: {  	v0 =	vadd.f32 v1, v0;
	v1 =	vmul.f32 v2, v2;
	v2 =	vsub.f32 v7, v5;
	v5 =	vld [tilespmem:s15+$0x1A0]  }
0x1db: {  	v7 =	vld [tilespmem:s16+$0x8530]  }
0x1dc: {  	v0 =	vadd.f32 v1, v0;
	v1 =	vmul.f32 v2, v2;
	v2 =	vsub.f32 v8, v3;
	v3 =	vld [tilespmem:s15+$0x1B0]  }
0x1dd: {  	v8 =	vld [tilespmem:s16+$0x8580]  }
0x1de: {  	v0 =	vadd.f32 v1, v0;
	v1 =	vmul.f32 v2, v2;
	v2 =	vsub.f32 v9, v4;
	v4 =	vld [tilespmem:s15+$0x1C0]  }
0x1df: {  	v9 =	vld [tilespmem:s16+$0x8590]  }
0x1e0: {  	v0 =	vadd.f32 v1, v0;
	v1 =	vmul.f32 v2, v2;
	v2 =	vsub.f32 v6, v5;
	v5 =	vld [tilespmem:s15+$0x1D0]  }
0x1e1: {  	v6 =	vld [tilespmem:s16+$0x85A0]  }
0x1e2: {  	v0 =	vadd.f32 v1, v0;
	v1 =	vmul.f32 v2, v2;
	v2 =	vsub.f32 v7, v3;
	v3 =	vld [tilespmem:s15+$0x1E0]  }
0x1e3: {  	v7 =	vld [tilespmem:s16+$0x85B0]  }
0x1e4: {  	v0 =	vadd.f32 v1, v0;
	v1 =	vmul.f32 v2, v2;
	v2 =	vsub.f32 v8, v4;
	v4 =	vld [tilespmem:s15+$0x1F0]  }
0x1e5: {  	v8 =	vld [tilespmem:s16+$0x8600]  }
0x1e6: {  	v0 =	vadd.f32 v1, v0;
	v1 =	vmul.f32 v2, v2;
	v2 =	vsub.f32 v9, v5;
	v5 =	vld [tilespmem:s15+$0x200]  }
0x1e7: {  	v9 =	vld [tilespmem:s16+$0x8610]  }
0x1e8: {  	v0 =	vadd.f32 v1, v0;
	v1 =	vmul.f32 v2, v2;
	v2 =	vsub.f32 v6, v3;
	v3 =	vld [tilespmem:s15+$0x210]  }
0x1e9: {  	v6 =	vld [tilespmem:s16+$0x8620]  }
0x1ea: {  	v0 =	vadd.f32 v1, v0;
	v1 =	vmul.f32 v2, v2;
	v2 =	vsub.f32 v7, v4;
	v4 =	vld [tilespmem:s15+$0x220]  }
0x1eb: {  	v7 =	vld [tilespmem:s16+$0x8630]  }
0x1ec: {  	v0 =	vadd.f32 v1, v0;
	v1 =	vmul.f32 v2, v2;
	v2 =	vsub.f32 v8, v5;
	v5 =	vld [tilespmem:s15+$0x230]  }
0x1ed: {  	v8 =	vld [tilespmem:s16+$0x8680]  }
0x1ee: {  	v0 =	vadd.f32 v1, v0;
	v1 =	vmul.f32 v2, v2;
	v2 =	vsub.f32 v9, v3;
	v3 =	vld [tilespmem:s15+$0x240]  }
0x1ef: {  	v9 =	vld [tilespmem:s16+$0x8690]  }
0x1f0: {  	v0 =	vadd.f32 v1, v0;
	v1 =	vmul.f32 v2, v2;
	v2 =	vsub.f32 v6, v4;
	v4 =	vld [tilespmem:s15+$0x250]  }
0x1f1: {  	v6 =	vld [tilespmem:s16+$0x86A0]  }
0x1f2: {  	v0 =	vadd.f32 v1, v0;
	v1 =	vmul.f32 v2, v2;
	v2 =	vsub.f32 v7, v5;
	v5 =	vld [tilespmem:s15+$0x260]  }
0x1f3: {  	v7 =	vld [tilespmem:s16+$0x86B0]  }
0x1f4: {  	v0 =	vadd.f32 v1, v0;
	v1 =	vmul.f32 v2, v2;
	v2 =	vsub.f32 v8, v3;
	v3 =	vld [tilespmem:s15+$0x270]  }
0x1f5: {  	v8 =	vld [tilespmem:s16+$0x8700]  }
0x1f6: {  	v0 =	vadd.f32 v1, v0;
	v1 =	vmul.f32 v2, v2;
	v2 =	vsub.f32 v9, v4;
	v4 =	vld [tilespmem:s15+$0x280]  }
0x1f7: {  	v9 =	vld [tilespmem:s16+$0x8710]  }
0x1f8: {  	v0 =	vadd.f32 v1, v0;
	v1 =	vmul.f32 v2, v2;
	v2 =	vsub.f32 v6, v5;
	v5 =	vld [tilespmem:s15+$0x290]  }
0x1f9: {  	v6 =	vld [tilespmem:s16+$0x8720]  }
0x1fa: {  	v0 =	vadd.f32 v1, v0;
	v1 =	vmul.f32 v2, v2;
	v2 =	vsub.f32 v7, v3;
	v3 =	vld [tilespmem:s15+$0x2A0]  }
0x1fb: {  	v7 =	vld [tilespmem:s16+$0x8730]  }
0x1fc: {  	v0 =	vadd.f32 v1, v0;
	v1 =	vmul.f32 v2, v2;
	v2 =	vsub.f32 v8, v4;
	v4 =	vld [tilespmem:s15+$0x2B0]  }
0x1fd: {  	v8 =	vld [tilespmem:s16+$0x8780]  }
0x1fe: {  	v0 =	vadd.f32 v1, v0;
	v1 =	vmul.f32 v2, v2;
	v2 =	vsub.f32 v9, v5;
	v5 =	vld [tilespmem:s15+$0x2C0]  }
0x1ff: {  	v9 =	vld [tilespmem:s16+$0x8790]  }
0x200: {  	v0 =	vadd.f32 v1, v0;
	v1 =	vmul.f32 v2, v2;
	v2 =	vsub.f32 v6, v3;
	v3 =	vld [tilespmem:s15+$0x2D0]  }
0x201: {  	v6 =	vld [tilespmem:s16+$0x87A0]  }
0x202: {  	v0 =	vadd.f32 v1, v0;
	v1 =	vmul.f32 v2, v2;
	v2 =	vsub.f32 v7, v4;
	v4 =	vld [tilespmem:s15+$0x2E0]  }
0x203: {  	v7 =	vld [tilespmem:s16+$0x87B0]  }
0x204: {  	v0 =	vadd.f32 v1, v0;
	v1 =	vmul.f32 v2, v2;
	v2 =	vsub.f32 v8, v5;
	v5 =	vld [tilespmem:s15+$0x2F0]  }
0x205: {  	v8 =	vld [tilespmem:s16+$0x8800]  }
0x206: {  	v0 =	vadd.f32 v1, v0;
	v1 =	vmul.f32 v2, v2;
	v2 =	vsub.f32 v9, v3;
	v3 =	vld [tilespmem:s15+$0x300]  }
0x207: {  	v9 =	vld [tilespmem:s16+$0x8810]  }
0x208: {  	v0 =	vadd.f32 v1, v0;
	v1 =	vmul.f32 v2, v2;
	v2 =	vsub.f32 v6, v4;
	v4 =	vld [tilespmem:s15+$0x310]  }
0x209: {  	v6 =	vld [tilespmem:s16+$0x8820]  }
0x20a: {  	v0 =	vadd.f32 v1, v0;
	v1 =	vmul.f32 v2, v2;
	v2 =	vsub.f32 v7, v5;
	v5 =	vld [tilespmem:s15+$0x320]  }
0x20b: {  	v7 =	vld [tilespmem:s16+$0x8830]  }
0x20c: {  	v0 =	vadd.f32 v1, v0;
	v1 =	vmul.f32 v2, v2;
	v2 =	vsub.f32 v8, v3;
	v3 =	vld [tilespmem:s15+$0x330]  }
0x20d: {  	v8 =	vld [tilespmem:s16+$0x8880]  }
0x20e: {  	v0 =	vadd.f32 v1, v0;
	v1 =	vmul.f32 v2, v2;
	v2 =	vsub.f32 v9, v4;
	v4 =	vld [tilespmem:s15+$0x340]  }
0x20f: {  	v9 =	vld [tilespmem:s16+$0x8890]  }
0x210: {  	v0 =	vadd.f32 v1, v0;
	v1 =	vmul.f32 v2, v2;
	v2 =	vsub.f32 v6, v5;
	v5 =	vld [tilespmem:s15+$0x350]  }
0x211: {  	v6 =	vld [tilespmem:s16+$0x88A0]  }
0x212: {  	v0 =	vadd.f32 v1, v0;
	v1 =	vmul.f32 v2, v2;
	v2 =	vsub.f32 v7, v3;
	v3 =	vld [tilespmem:s15+$0x360]  }
0x213: {  	v7 =	vld [tilespmem:s16+$0x88B0]  }
0x214: {  	v0 =	vadd.f32 v1, v0;
	v1 =	vmul.f32 v2, v2;
	v2 =	vsub.f32 v8, v4;
	v4 =	vld [tilespmem:s15+$0x370]  }
0x215: {  	v8 =	vld [tilespmem:s16+$0x8900]  }
0x216: {  	v0 =	vadd.f32 v1, v0;
	v1 =	vmul.f32 v2, v2;
	v2 =	vsub.f32 v9, v5;
	v5 =	vld [tilespmem:s15+$0x380]  }
0x217: {  	v9 =	vld [tilespmem:s16+$0x8910]  }
0x218: {  	v0 =	vadd.f32 v1, v0;
	v1 =	vmul.f32 v2, v2;
	v2 =	vsub.f32 v6, v3;
	v3 =	vld [tilespmem:s15+$0x390]  }
0x219: {  	v6 =	vld [tilespmem:s16+$0x8920]  }
0x21a: {  	v0 =	vadd.f32 v1, v0;
	v1 =	vmul.f32 v2, v2;
	v2 =	vsub.f32 v7, v4;
	v4 =	vld [tilespmem:s15+$0x3A0]  }
0x21b: {  	v7 =	vld [tilespmem:s16+$0x8930]  }
0x21c: {  	v0 =	vadd.f32 v1, v0;
	v1 =	vmul.f32 v2, v2;
	v2 =	vsub.f32 v8, v5;
	v5 =	vld [tilespmem:s15+$0x3B0]  }
0x21d: {  	v8 =	vld [tilespmem:s16+$0x8980]  }
0x21e: {  	v3 =	vsub.f32 v9, v3;
	v9 =	vld [tilespmem:s15+$0x3C0];
	v1 =	vadd.f32 v1, v0;
	v2 =	vmul.f32 v2, v2  }
0x21f: {  	v0 =	vld [tilespmem:s16+$0x8990]  }
0x220: {  	v3 =	vmul.f32 v3, v3;
	v4 =	vsub.f32 v6, v4;
	v10 =	vadd.f32 v2, v1;
	v1 =	vld [tilespmem:s15+$0x3D0]  }
0x221: {  	v2 =	vld [tilespmem:s16+$0x89A0]  }
0x222: {  	v6 =	vmul.f32 v4, v4;
	v5 =	vsub.f32 v7, v5;
	v7 =	vld [tilespmem:s15+$0x3E0];
	v3 =	vadd.f32 v3, v10  }
0x223: {  	v4 =	vld [tilespmem:s16+$0x89B0]  }
0x224: {  	s17 =	simm.s32 $0x2;
	s16 =	simm.s32 $0x2000;
	v5 =	vmul.f32 v5, v5;
	v3 =	vadd.f32 v6, v3;
	v6 =	vsub.f32 v8, v9;
	v8 =	vld [tilespmem:s15+$0x3F0]  }
.LBB2_6:
0x225: {  	_ =	swait.ge [sflag:s17], $0x200  }
0x226: {  	p0 =	sne.s32 s16, $0x1E000;
	s18 =	smov.u32 s16;
	s16 =	sadd.s32 $0x2000, s16  }
0x227: {  	[sflag:s17] =	ssyncset.done $0x0  }
0x228: {  	[sflag:s17] =	ssyncadd.s32 $0xFFFFFE00;
	v2 =	vsub.f32 v2, v7  }
0x229: {  	_ =	swait.ge [sflag:s17], $0x200  }
0x22a: {  	[sflag:s17] =	ssyncset.done $0x0;
	v2 =	vmul.f32 v2, v2;
	v4 =	vsub.f32 v4, v8  }
0x22b: {  	s18 =	sshra.s32 s18, $0x2;
	[sflag:s17] =	ssyncadd.s32 $0xFFFFFE00  }
0x22c: {  	v3 =	vadd.f32 v5, v3;
	v5 =	vmul.f32 v6, v6;
	v0 =	vsub.f32 v0, v1;
	s15 =	sadd.s32 $0x400, s15;
	v7 =	vld [tilespmem:s18+$0x8200]  }
0x22d: {  	v1 =	vld [tilespmem:s15+$0x0]  }
0x22e: {  	v3 =	vadd.f32 v5, v3;
	v0 =	vmul.f32 v0, v0;
	v6 =	vld [tilespmem:s18+$0x8210]  }
0x22f: {  	v5 =	vld [tilespmem:s15+$0x10]  }
0x230: {  	v0 =	vadd.f32 v0, v3;
	v8 =	vld [tilespmem:s18+$0x8220]  }
0x231: {  	v3 =	vld [tilespmem:s15+$0x20]  }
0x232: {  	v0 =	vadd.f32 v2, v0;
	v2 =	vmul.f32 v4, v4;
	v1 =	vsub.f32 v7, v1;
	v7 =	vld [tilespmem:s18+$0x8230]  }
0x233: {  	v4 =	vld [tilespmem:s15+$0x30]  }
0x234: {  	v0 =	vadd.f32 v2, v0;
	v1 =	vmul.f32 v1, v1;
	v5 =	vsub.f32 v6, v5;
	v6 =	vld [tilespmem:s18+$0x8280]  }
0x235: {  	v2 =	vld [tilespmem:s15+$0x40]  }
0x236: {  	v0 =	vadd.f32 v1, v0;
	v1 =	vmul.f32 v5, v5;
	v3 =	vsub.f32 v8, v3;
	v5 =	vld [tilespmem:s18+$0x8290]  }
0x237: {  	v8 =	vld [tilespmem:s15+$0x50]  }
0x238: {  	v0 =	vadd.f32 v1, v0;
	v1 =	vmul.f32 v3, v3;
	v3 =	vsub.f32 v7, v4;
	v4 =	vld [tilespmem:s18+$0x82A0]  }
0x239: {  	v7 =	vld [tilespmem:s15+$0x60]  }
0x23a: {  	v0 =	vadd.f32 v1, v0;
	v1 =	vmul.f32 v3, v3;
	v2 =	vsub.f32 v6, v2;
	v3 =	vld [tilespmem:s18+$0x82B0]  }
0x23b: {  	v6 =	vld [tilespmem:s15+$0x70]  }
0x23c: {  	v0 =	vadd.f32 v1, v0;
	v1 =	vmul.f32 v2, v2;
	v2 =	vsub.f32 v5, v8;
	v5 =	vld [tilespmem:s18+$0x8300]  }
0x23d: {  	v8 =	vld [tilespmem:s15+$0x80]  }
0x23e: {  	v0 =	vadd.f32 v1, v0;
	v1 =	vmul.f32 v2, v2;
	v2 =	vsub.f32 v4, v7;
	v4 =	vld [tilespmem:s18+$0x8310]  }
0x23f: {  	v7 =	vld [tilespmem:s15+$0x90]  }
0x240: {  	v0 =	vadd.f32 v1, v0;
	v1 =	vmul.f32 v2, v2;
	v2 =	vsub.f32 v3, v6;
	v3 =	vld [tilespmem:s18+$0x8320]  }
0x241: {  	v6 =	vld [tilespmem:s15+$0xA0]  }
0x242: {  	v0 =	vadd.f32 v1, v0;
	v1 =	vmul.f32 v2, v2;
	v2 =	vsub.f32 v5, v8;
	v5 =	vld [tilespmem:s18+$0x8330]  }
0x243: {  	v8 =	vld [tilespmem:s15+$0xB0]  }
0x244: {  	v0 =	vadd.f32 v1, v0;
	v1 =	vmul.f32 v2, v2;
	v2 =	vsub.f32 v4, v7;
	v4 =	vld [tilespmem:s18+$0x8380]  }
0x245: {  	v7 =	vld [tilespmem:s15+$0xC0]  }
0x246: {  	v0 =	vadd.f32 v1, v0;
	v1 =	vmul.f32 v2, v2;
	v2 =	vsub.f32 v3, v6;
	v3 =	vld [tilespmem:s18+$0x8390]  }
0x247: {  	v6 =	vld [tilespmem:s15+$0xD0]  }
0x248: {  	v0 =	vadd.f32 v1, v0;
	v1 =	vmul.f32 v2, v2;
	v2 =	vsub.f32 v5, v8;
	v5 =	vld [tilespmem:s18+$0x83A0]  }
0x249: {  	v8 =	vld [tilespmem:s15+$0xE0]  }
0x24a: {  	v0 =	vadd.f32 v1, v0;
	v1 =	vmul.f32 v2, v2;
	v2 =	vsub.f32 v4, v7;
	v4 =	vld [tilespmem:s18+$0x83B0]  }
0x24b: {  	v7 =	vld [tilespmem:s15+$0xF0]  }
0x24c: {  	v0 =	vadd.f32 v1, v0;
	v1 =	vmul.f32 v2, v2;
	v2 =	vsub.f32 v3, v6;
	v3 =	vld [tilespmem:s18+$0x8400]  }
0x24d: {  	v6 =	vld [tilespmem:s15+$0x100]  }
0x24e: {  	v0 =	vadd.f32 v1, v0;
	v1 =	vmul.f32 v2, v2;
	v2 =	vsub.f32 v5, v8;
	v5 =	vld [tilespmem:s18+$0x8410]  }
0x24f: {  	v8 =	vld [tilespmem:s15+$0x110]  }
0x250: {  	v0 =	vadd.f32 v1, v0;
	v1 =	vmul.f32 v2, v2;
	v2 =	vsub.f32 v4, v7;
	v4 =	vld [tilespmem:s18+$0x8420]  }
0x251: {  	v7 =	vld [tilespmem:s15+$0x120]  }
0x252: {  	v0 =	vadd.f32 v1, v0;
	v1 =	vmul.f32 v2, v2;
	v2 =	vsub.f32 v3, v6;
	v3 =	vld [tilespmem:s18+$0x8430]  }
0x253: {  	v6 =	vld [tilespmem:s15+$0x130]  }
0x254: {  	v0 =	vadd.f32 v1, v0;
	v1 =	vmul.f32 v2, v2;
	v2 =	vsub.f32 v5, v8;
	v5 =	vld [tilespmem:s18+$0x8480]  }
0x255: {  	v8 =	vld [tilespmem:s15+$0x140]  }
0x256: {  	v0 =	vadd.f32 v1, v0;
	v1 =	vmul.f32 v2, v2;
	v2 =	vsub.f32 v4, v7;
	v4 =	vld [tilespmem:s18+$0x8490]  }
0x257: {  	v7 =	vld [tilespmem:s15+$0x150]  }
0x258: {  	v0 =	vadd.f32 v1, v0;
	v1 =	vmul.f32 v2, v2;
	v2 =	vsub.f32 v3, v6;
	v3 =	vld [tilespmem:s18+$0x84A0]  }
0x259: {  	v6 =	vld [tilespmem:s15+$0x160]  }
0x25a: {  	v0 =	vadd.f32 v1, v0;
	v1 =	vmul.f32 v2, v2;
	v2 =	vsub.f32 v5, v8;
	v5 =	vld [tilespmem:s18+$0x84B0]  }
0x25b: {  	v8 =	vld [tilespmem:s15+$0x170]  }
0x25c: {  	v0 =	vadd.f32 v1, v0;
	v1 =	vmul.f32 v2, v2;
	v2 =	vsub.f32 v4, v7;
	v4 =	vld [tilespmem:s18+$0x8500]  }
0x25d: {  	v7 =	vld [tilespmem:s15+$0x180]  }
0x25e: {  	v0 =	vadd.f32 v1, v0;
	v1 =	vmul.f32 v2, v2;
	v2 =	vsub.f32 v3, v6;
	v3 =	vld [tilespmem:s18+$0x8510]  }
0x25f: {  	v6 =	vld [tilespmem:s15+$0x190]  }
0x260: {  	v0 =	vadd.f32 v1, v0;
	v1 =	vmul.f32 v2, v2;
	v2 =	vsub.f32 v5, v8;
	v5 =	vld [tilespmem:s18+$0x8520]  }
0x261: {  	v8 =	vld [tilespmem:s15+$0x1A0]  }
0x262: {  	v0 =	vadd.f32 v1, v0;
	v1 =	vmul.f32 v2, v2;
	v2 =	vsub.f32 v4, v7;
	v4 =	vld [tilespmem:s18+$0x8530]  }
0x263: {  	v7 =	vld [tilespmem:s15+$0x1B0]  }
0x264: {  	v0 =	vadd.f32 v1, v0;
	v1 =	vmul.f32 v2, v2;
	v2 =	vsub.f32 v3, v6;
	v3 =	vld [tilespmem:s18+$0x8580]  }
0x265: {  	v6 =	vld [tilespmem:s15+$0x1C0]  }
0x266: {  	v0 =	vadd.f32 v1, v0;
	v1 =	vmul.f32 v2, v2;
	v2 =	vsub.f32 v5, v8;
	v5 =	vld [tilespmem:s18+$0x8590]  }
0x267: {  	v8 =	vld [tilespmem:s15+$0x1D0]  }
0x268: {  	v0 =	vadd.f32 v1, v0;
	v1 =	vmul.f32 v2, v2;
	v2 =	vsub.f32 v4, v7;
	v4 =	vld [tilespmem:s18+$0x85A0]  }
0x269: {  	v7 =	vld [tilespmem:s15+$0x1E0]  }
0x26a: {  	v0 =	vadd.f32 v1, v0;
	v1 =	vmul.f32 v2, v2;
	v2 =	vsub.f32 v3, v6;
	v3 =	vld [tilespmem:s18+$0x85B0]  }
0x26b: {  	v6 =	vld [tilespmem:s15+$0x1F0]  }
0x26c: {  	v0 =	vadd.f32 v1, v0;
	v1 =	vmul.f32 v2, v2;
	v2 =	vsub.f32 v5, v8;
	v5 =	vld [tilespmem:s18+$0x8600]  }
0x26d: {  	v8 =	vld [tilespmem:s15+$0x200]  }
0x26e: {  	v0 =	vadd.f32 v1, v0;
	v1 =	vmul.f32 v2, v2;
	v2 =	vsub.f32 v4, v7;
	v4 =	vld [tilespmem:s18+$0x8610]  }
0x26f: {  	v7 =	vld [tilespmem:s15+$0x210]  }
0x270: {  	v0 =	vadd.f32 v1, v0;
	v1 =	vmul.f32 v2, v2;
	v2 =	vsub.f32 v3, v6;
	v3 =	vld [tilespmem:s18+$0x8620]  }
0x271: {  	v6 =	vld [tilespmem:s15+$0x220]  }
0x272: {  	v0 =	vadd.f32 v1, v0;
	v1 =	vmul.f32 v2, v2;
	v2 =	vsub.f32 v5, v8;
	v5 =	vld [tilespmem:s18+$0x8630]  }
0x273: {  	v8 =	vld [tilespmem:s15+$0x230]  }
0x274: {  	v0 =	vadd.f32 v1, v0;
	v1 =	vmul.f32 v2, v2;
	v2 =	vsub.f32 v4, v7;
	v4 =	vld [tilespmem:s18+$0x8680]  }
0x275: {  	v7 =	vld [tilespmem:s15+$0x240]  }
0x276: {  	v0 =	vadd.f32 v1, v0;
	v1 =	vmul.f32 v2, v2;
	v2 =	vsub.f32 v3, v6;
	v3 =	vld [tilespmem:s18+$0x8690]  }
0x277: {  	v6 =	vld [tilespmem:s15+$0x250]  }
0x278: {  	v0 =	vadd.f32 v1, v0;
	v1 =	vmul.f32 v2, v2;
	v2 =	vsub.f32 v5, v8;
	v5 =	vld [tilespmem:s18+$0x86A0]  }
0x279: {  	v8 =	vld [tilespmem:s15+$0x260]  }
0x27a: {  	v0 =	vadd.f32 v1, v0;
	v1 =	vmul.f32 v2, v2;
	v2 =	vsub.f32 v4, v7;
	v4 =	vld [tilespmem:s18+$0x86B0]  }
0x27b: {  	v7 =	vld [tilespmem:s15+$0x270]  }
0x27c: {  	v0 =	vadd.f32 v1, v0;
	v1 =	vmul.f32 v2, v2;
	v2 =	vsub.f32 v3, v6;
	v3 =	vld [tilespmem:s18+$0x8700]  }
0x27d: {  	v6 =	vld [tilespmem:s15+$0x280]  }
0x27e: {  	v0 =	vadd.f32 v1, v0;
	v1 =	vmul.f32 v2, v2;
	v2 =	vsub.f32 v5, v8;
	v5 =	vld [tilespmem:s18+$0x8710]  }
0x27f: {  	v8 =	vld [tilespmem:s15+$0x290]  }
0x280: {  	v0 =	vadd.f32 v1, v0;
	v1 =	vmul.f32 v2, v2;
	v2 =	vsub.f32 v4, v7;
	v4 =	vld [tilespmem:s18+$0x8720]  }
0x281: {  	v7 =	vld [tilespmem:s15+$0x2A0]  }
0x282: {  	v0 =	vadd.f32 v1, v0;
	v1 =	vmul.f32 v2, v2;
	v2 =	vsub.f32 v3, v6;
	v3 =	vld [tilespmem:s18+$0x8730]  }
0x283: {  	v6 =	vld [tilespmem:s15+$0x2B0]  }
0x284: {  	v0 =	vadd.f32 v1, v0;
	v1 =	vmul.f32 v2, v2;
	v2 =	vsub.f32 v5, v8;
	v5 =	vld [tilespmem:s18+$0x8780]  }
0x285: {  	v8 =	vld [tilespmem:s15+$0x2C0]  }
0x286: {  	v0 =	vadd.f32 v1, v0;
	v1 =	vmul.f32 v2, v2;
	v2 =	vsub.f32 v4, v7;
	v4 =	vld [tilespmem:s18+$0x8790]  }
0x287: {  	v7 =	vld [tilespmem:s15+$0x2D0]  }
0x288: {  	v0 =	vadd.f32 v1, v0;
	v1 =	vmul.f32 v2, v2;
	v2 =	vsub.f32 v3, v6;
	v3 =	vld [tilespmem:s18+$0x87A0]  }
0x289: {  	v6 =	vld [tilespmem:s15+$0x2E0]  }
0x28a: {  	v0 =	vadd.f32 v1, v0;
	v1 =	vmul.f32 v2, v2;
	v2 =	vsub.f32 v5, v8;
	v5 =	vld [tilespmem:s18+$0x87B0]  }
0x28b: {  	v8 =	vld [tilespmem:s15+$0x2F0]  }
0x28c: {  	v0 =	vadd.f32 v1, v0;
	v1 =	vmul.f32 v2, v2;
	v2 =	vsub.f32 v4, v7;
	v4 =	vld [tilespmem:s18+$0x8800]  }
0x28d: {  	v7 =	vld [tilespmem:s15+$0x300]  }
0x28e: {  	v0 =	vadd.f32 v1, v0;
	v1 =	vmul.f32 v2, v2;
	v2 =	vsub.f32 v3, v6;
	v3 =	vld [tilespmem:s18+$0x8810]  }
0x28f: {  	v6 =	vld [tilespmem:s15+$0x310]  }
0x290: {  	v0 =	vadd.f32 v1, v0;
	v1 =	vmul.f32 v2, v2;
	v2 =	vsub.f32 v5, v8;
	v5 =	vld [tilespmem:s18+$0x8820]  }
0x291: {  	v8 =	vld [tilespmem:s15+$0x320]  }
0x292: {  	v0 =	vadd.f32 v1, v0;
	v1 =	vmul.f32 v2, v2;
	v2 =	vsub.f32 v4, v7;
	v4 =	vld [tilespmem:s18+$0x8830]  }
0x293: {  	v7 =	vld [tilespmem:s15+$0x330]  }
0x294: {  	v0 =	vadd.f32 v1, v0;
	v1 =	vmul.f32 v2, v2;
	v2 =	vsub.f32 v3, v6;
	v3 =	vld [tilespmem:s18+$0x8880]  }
0x295: {  	v6 =	vld [tilespmem:s15+$0x340]  }
0x296: {  	v0 =	vadd.f32 v1, v0;
	v1 =	vmul.f32 v2, v2;
	v2 =	vsub.f32 v5, v8;
	v5 =	vld [tilespmem:s18+$0x8890]  }
0x297: {  	v8 =	vld [tilespmem:s15+$0x350]  }
0x298: {  	v0 =	vadd.f32 v1, v0;
	v1 =	vmul.f32 v2, v2;
	v2 =	vsub.f32 v4, v7;
	v4 =	vld [tilespmem:s18+$0x88A0]  }
0x299: {  	v7 =	vld [tilespmem:s15+$0x360]  }
0x29a: {  	v0 =	vadd.f32 v1, v0;
	v1 =	vmul.f32 v2, v2;
	v2 =	vsub.f32 v3, v6;
	v3 =	vld [tilespmem:s18+$0x88B0]  }
0x29b: {  	v6 =	vld [tilespmem:s15+$0x370]  }
0x29c: {  	v0 =	vadd.f32 v1, v0;
	v1 =	vmul.f32 v2, v2;
	v2 =	vsub.f32 v5, v8;
	v5 =	vld [tilespmem:s18+$0x8900]  }
0x29d: {  	v8 =	vld [tilespmem:s15+$0x380]  }
0x29e: {  	v0 =	vadd.f32 v1, v0;
	v1 =	vmul.f32 v2, v2;
	v2 =	vsub.f32 v4, v7;
	v4 =	vld [tilespmem:s18+$0x8910]  }
0x29f: {  	v7 =	vld [tilespmem:s15+$0x390]  }
0x2a0: {  	v0 =	vadd.f32 v1, v0;
	v1 =	vmul.f32 v2, v2;
	v2 =	vsub.f32 v3, v6;
	v3 =	vld [tilespmem:s18+$0x8920]  }
0x2a1: {  	v6 =	vld [tilespmem:s15+$0x3A0]  }
0x2a2: {  	v0 =	vadd.f32 v1, v0;
	v1 =	vmul.f32 v2, v2;
	v2 =	vsub.f32 v5, v8;
	v5 =	vld [tilespmem:s18+$0x8930]  }
0x2a3: {  	v8 =	vld [tilespmem:s15+$0x3B0]  }
0x2a4: {  	v0 =	vadd.f32 v1, v0;
	v1 =	vmul.f32 v2, v2;
	v2 =	vsub.f32 v4, v7;
	v4 =	vld [tilespmem:s18+$0x8980]  }
0x2a5: {  	v9 =	vld [tilespmem:s15+$0x3C0]  }
0x2a6: {  	v7 =	vadd.f32 v1, v0;
	v2 =	vmul.f32 v2, v2;
	v3 =	vsub.f32 v3, v6;
	v0 =	vld [tilespmem:s18+$0x8990]  }
.Ltmp2:
0x2a7: {  	v1 =	vld [tilespmem:s15+$0x3D0];
	(pc) =	sbr.rel @p0 .LBB2_6-.Ltmp2, $4  }
0x2a8: {  	v6 =	vadd.f32 v2, v7;
	v3 =	vmul.f32 v3, v3;
	v5 =	vsub.f32 v5, v8;
	v2 =	vld [tilespmem:s18+$0x89A0]  }
0x2a9: {  	v7 =	vld [tilespmem:s15+$0x3E0]  }
0x2aa: {  	v3 =	vadd.f32 v3, v6;
	v5 =	vmul.f32 v5, v5;
	v6 =	vsub.f32 v4, v9;
	v4 =	vld [tilespmem:s18+$0x89B0]  }
0x2ab: {  	s17 =	sadd.s32 $0x1, s17;
	v8 =	vld [tilespmem:s15+$0x3F0]  }
0x2ac: {  	v3 =	vadd.f32 v5, v3;
	v59 =	vmul.f32 v6, v6;
	v0 =	vsub.f32 v0, v1;
	_ =	sdelay $0x1  }
0x2ad: {  	v60 =	vsub.f32 v2, v7;
	v61 =	vadd.f32 v59, v3;
	v0 =	vmul.f32 v0, v0;
	_ =	sdelay $0x1  }
0x2ae: {  	v1 =	vmul.f32 v60, v60;
	v62 =	vsub.f32 v4, v8;
	v0 =	vadd.f32 v0, v61;
	_ =	sdelay $0x1  }
0x2af: {  	v0 =	vadd.f32 v1, v0;
	v63 =	vmul.f32 v62, v62;
	_ =	sdelay $0x1  }
0x2b0: {  	v0 =	vadd.f32 v63, v0;
	_ =	sdelay $0x1  }
0x2b1: {  	s14 =	sadd.s32 $0x1, s14;
	v0 =	vmul.f32 $9.536743160e-07, v0  }
0x2b2: {  	p0 =	sne.s32 s14, s7  }
.Ltmp3:
0x2b3: {  	[tilespmem:$0x18200] =	vst v0;
	(pc) =	sbr.rel @p0 .LBB2_1-.Ltmp3, $4  }
0x2b4: {  	[hbm4b:s6+s2] =	stream.linear.scatter [tilespmem:s13], [sflag:$0x12], $0x80, $0x38;
	[tilespmem:$0x18280] =	vst v63  }
0x2b5: {  	_ =	swait.ge [sflag:s8], $0x80  }
0x2b6: {  	[sflag:s8] =	ssyncset.done $0x0  }
0x2b7: {  	[sflag:s8] =	ssyncadd.s32 $0xFFFFFF80  }
0x2b8: {  	_ =	sfence.sel $0x180000  }
0x2b9: {  	[bflag:$0x0] =	sbarrier.arrive $0xFFFF  }
0x2ba: {  	p0 =	sne.s32 s1, $0x0;
	_ =	strace $0x90000047  }
0x2bb: {  	s0 =	sadd.s32 @!p0 $0x100000, s0;
	[bflag:$0x2] =	sbarrier.arrive $0xFFFF  }
0x2bc: {  	[sflag:s0] =	ssyncadd.tile.s32 @!p0 $0x1;
	_ =	shalt  }
.Lfunc_end2:
_tile_overlayer_lowered:
.L_overlay_start_2:
0x2bd: {  	(tag) =	ssettag $0x2  }
0x2be: {  	s0 =	rddreg [dreg:$0x0];
	s2 =	stileid.u32  }
0x2bf: {  	s1 =	rddreg [dreg:$0x1];
	p0 =	sne.s32 s2, $0x0  }
0x2c0: {  	s3 =	rddreg [dreg:$0x2];
	[bflag:$0x3] =	sbarrier.arrive $0xFFFF;
	s2 =	simm.s32 @!p0 $0x1C12  }
0x2c1: {  	[timem:s3], [sflag:s2] =	dma.local @!p0 [hbm:s0], s1  }
0x2c2: {  	s0 =	simm.s32 @!p0 $0x12  }
0x2c3: {  	_ =	swait.ge @!p0 [sflag:s0], s1  }
0x2c4: {  	s1 =	ssub.s32 @!p0 $0x0, s1;
	[sflag:s0] =	ssyncset.done @!p0 $0x0  }
0x2c5: {  	[sflag:s0] =	ssyncadd.s32 @!p0 s1  }
0x2c6: {  	[bflag:$0x3] =	sbarrier.arrive $0xFFFF  }
0x2c7: {  	_ =	shalt  }

</sc_bundles>
